<compile_context>
chip_gen: v7x
topology: tpu7x:2x2x1
jax: 0.10.2.dev20260603
libtpu: 0.0.44.dev20260713+nightly
codegen_flags: <defaults>
</compile_context>

<pallas_src>
import functools

import jax
import jax.numpy as jnp
from jax import lax
from jax.experimental import pallas as pl
from jax.experimental.pallas import tpu as pltpu
from jax.experimental.pallas import tpu_sc as plsc

N_USERS = 1000000
N_ITEMS = 100000
D = 64
BATCH = 16384

_info = plsc.get_sparse_core_info()
_NC, _NS, _L = _info.num_cores, _info.num_subcores, _info.num_lanes
_NW = _NC * _NS
_BPW = BATCH // _NW
_CH = 128
_NCH = _BPW // _CH


def _tt_kernel(uid_hbm, iid_hbm, ut_hbm, it_hbm, out_hbm,
               uids_v, iids_v, urows0, urows1, irows0, irows1,
               out_v, usem0, usem1, isem0, isem1):
    wid = lax.axis_index("s") * _NC + lax.axis_index("c")
    base = wid * _BPW
    pltpu.sync_copy(uid_hbm.at[pl.ds(base, _BPW)], uids_v)
    pltpu.sync_copy(iid_hbm.at[pl.ds(base, _BPW)], iids_v)

    ubufs, ibufs = (urows0, urows1), (irows0, irows1)
    usems, isems = (usem0, usem1), (isem0, isem1)
    row_iota = lax.iota(jnp.int32, _L)

    def enqueue(c, s):
        ubuf, ibuf, usem, isem = ubufs[s], ibufs[s], usems[s], isems[s]

        def body(g, carry):
            uvec = uids_v[pl.ds(c * _CH + g * _L, _L)]
            ivec = iids_v[pl.ds(c * _CH + g * _L, _L)]
            for j in range(_L):
                pltpu.make_async_copy(
                    ut_hbm.at[pl.ds(uvec[j], 1), :],
                    ubuf.at[pl.ds(g * _L + j, 1), :], usem).start()
                pltpu.make_async_copy(
                    it_hbm.at[pl.ds(ivec[j], 1), :],
                    ibuf.at[pl.ds(g * _L + j, 1), :], isem).start()
            return carry

        lax.fori_loop(0, _CH // _L, body, 0)

    def wait(s):
        pltpu.make_async_copy(ut_hbm.at[pl.ds(0, _CH), :], ubufs[s],
                              usems[s]).wait()
        pltpu.make_async_copy(it_hbm.at[pl.ds(0, _CH), :], ibufs[s],
                              isems[s]).wait()

    def compute(c, s):
        ubuf, ibuf = ubufs[s], ibufs[s]

        def group_body(g, carry):
            rows = g * _L + row_iota

            def d_body(d, acc):
                col = jnp.full((_L,), d, jnp.int32)
                u = plsc.load_gather(ubuf, [rows, col])
                v = plsc.load_gather(ibuf, [rows, col])
                return acc + u * v

            acc = lax.fori_loop(0, D, d_body, jnp.zeros((_L,), jnp.float32),
                                unroll=8)
            out_v[pl.ds(c * _CH + g * _L, _L)] = acc
            return carry

        lax.fori_loop(0, _CH // _L, group_body, 0)

    enqueue(0, 0)
    for c in range(_NCH):
        s = c % 2
        if c + 1 < _NCH:
            enqueue(c + 1, (c + 1) % 2)
        wait(s)
        compute(c, s)

    pltpu.sync_copy(out_v, out_hbm.at[pl.ds(base, _BPW)])


@jax.jit
def _two_tower(user_ids, item_ids, user_table, item_table):
    mesh = plsc.VectorSubcoreMesh(core_axis_name="c", subcore_axis_name="s")
    f = functools.partial(
        pl.kernel,
        out_type=jax.ShapeDtypeStruct((BATCH,), jnp.float32),
        mesh=mesh,
        scratch_types=[
            pltpu.VMEM((_BPW,), jnp.int32),
            pltpu.VMEM((_BPW,), jnp.int32),
            pltpu.VMEM((_CH, D), jnp.float32),
            pltpu.VMEM((_CH, D), jnp.float32),
            pltpu.VMEM((_CH, D), jnp.float32),
            pltpu.VMEM((_CH, D), jnp.float32),
            pltpu.VMEM((_BPW,), jnp.float32),
            pltpu.SemaphoreType.DMA,
            pltpu.SemaphoreType.DMA,
            pltpu.SemaphoreType.DMA,
            pltpu.SemaphoreType.DMA,
        ],
        compiler_params=pltpu.CompilerParams(needs_layout_passes=False),
    )(_tt_kernel)
    return f(user_ids, item_ids, user_table, item_table)


def kernel(user_ids, item_ids, user_table, item_table):
    return _two_tower(user_ids.astype(jnp.int32), item_ids.astype(jnp.int32),
                      user_table, item_table)

# --- scband reference (transcript-rebuilt; emitter-appended) ---
"""Pipeline reference for scband-two-tower-65455301591747 (READ-ONLY COPY).

The authoritative reference and input builder live on the scoring server;
editing this copy changes nothing except your own understanding.
"""

import jax, jax.numpy as jnp
import numpy as np

N_USERS = 1000000
N_ITEMS = 100000
D = 64
BATCH = 16384

def setup_inputs(seed: int = 0) -> dict:
    key = jax.random.key(seed)
    k1, k2, k3, k4 = jax.random.split(key, 4)
    user_ids = jax.random.randint(k1, (BATCH,), 0, N_USERS, dtype=jnp.int64) if jax.config.jax_enable_x64 else jax.random.randint(k1, (BATCH,), 0, N_USERS, dtype=jnp.int32)
    item_ids = jax.random.randint(k2, (BATCH,), 0, N_ITEMS, dtype=jnp.int32)
    user_table = jax.random.normal(k3, (N_USERS, D), dtype=jnp.float32) * 0.02
    item_table = jax.random.normal(k4, (N_ITEMS, D), dtype=jnp.float32) * 0.02
    return {"user_ids": user_ids, "item_ids": item_ids, "user_table": user_table, "item_table": item_table}

def reference(user_ids, item_ids, user_table, item_table):
    # TwoTower forward: embed users and items, score = dot(u, v)
    u = jnp.take(user_table, user_ids, axis=0)  # [B, D]
    v = jnp.take(item_table, item_ids, axis=0)  # [B, D]
    scores = jnp.sum(u * v, axis=-1)            # [B]
    return scores

if __name__ == "__main__":
    import jax
    _d = setup_inputs()
    print(jax.jit(kernel)(*tuple(_d.values())))

</pallas_src>

<mosaic_0001>
#map = affine_map<(d0, d1) -> (0)>
#map1 = affine_map<(d0, d1) -> (0, 0)>
module attributes {stable_mosaic.version = 14 : i64} {
  func.func @_tt_kernel(%arg0: i32, %arg1: i32, %arg2: memref<16384xi32, #tpu.memory_space<hbm>>, %arg3: memref<16384xi32, #tpu.memory_space<hbm>>, %arg4: memref<1000000x64xf32, #tpu.memory_space<hbm>>, %arg5: memref<100000x64xf32, #tpu.memory_space<hbm>>, %arg6: memref<16384xf32, #tpu.memory_space<hbm>>, %arg7: memref<512xi32, #tpu.memory_space<vmem>>, %arg8: memref<512xi32, #tpu.memory_space<vmem>>, %arg9: memref<128x64xf32, #tpu.memory_space<vmem>>, %arg10: memref<128x64xf32, #tpu.memory_space<vmem>>, %arg11: memref<128x64xf32, #tpu.memory_space<vmem>>, %arg12: memref<128x64xf32, #tpu.memory_space<vmem>>, %arg13: memref<512xf32, #tpu.memory_space<vmem>>, %arg14: memref<!tpu.dma_semaphore, #tpu.memory_space<semaphore_mem>>, %arg15: memref<!tpu.dma_semaphore, #tpu.memory_space<semaphore_mem>>, %arg16: memref<!tpu.dma_semaphore, #tpu.memory_space<semaphore_mem>>, %arg17: memref<!tpu.dma_semaphore, #tpu.memory_space<semaphore_mem>>) attributes {dimension_semantics = [#tpu.dimension_semantics<core_parallel>, #tpu.dimension_semantics<subcore_parallel>], iteration_bounds = array<i64: 2, 16>, scalar_prefetch = 0 : i64, scratch_operands = 11 : i64, tpu.core_type = #tpu.core_type<sc_vector_subcore>, window_params = [{transform_indices = #map}, {transform_indices = #map}, {transform_indices = #map1}, {transform_indices = #map1}, {transform_indices = #map}]} {
    %mul3A = arith.constant 2 : i32
    %mul3A_0 = arith.muli %arg1, %mul3A : i32
    %add3A = arith.addi %mul3A_0, %arg0 : i32
    %mul3A_1 = arith.constant 512 : i32
    %mul3A_2 = arith.muli %add3A, %mul3A_1 : i32
    "tpu.region"() ({
      %run_scoped3A = tpu.sem_alloc : memref<!tpu.dma_semaphore, #tpu.memory_space<semaphore_mem>>
      %dma_start3A = tpu.memref_slice %arg2[%mul3A_2] : memref<16384xi32, #tpu.memory_space<hbm>> -> memref<512xi32, #tpu.memory_space<hbm>>
      %dma_start3A_97 = tpu.memref_slice %arg2[%mul3A_2] : memref<16384xi32, #tpu.memory_space<hbm>> -> memref<512xi32, #tpu.memory_space<hbm>>
      tpu.enqueue_dma source(%dma_start3A_97 : memref<512xi32, #tpu.memory_space<hbm>>) target(%arg7 : memref<512xi32, #tpu.memory_space<vmem>>) target_semaphore(%run_scoped3A : memref<!tpu.dma_semaphore, #tpu.memory_space<semaphore_mem>>)
      %dma_wait3A_98 = tpu.memref_slice %arg2[%mul3A_2] : memref<16384xi32, #tpu.memory_space<hbm>> -> memref<512xi32, #tpu.memory_space<hbm>>
      %dma_wait3A_99 = tpu.memref_slice %arg2[%mul3A_2] : memref<16384xi32, #tpu.memory_space<hbm>> -> memref<512xi32, #tpu.memory_space<hbm>>
      tpu.wait_dma2 semaphore(%run_scoped3A : memref<!tpu.dma_semaphore, #tpu.memory_space<semaphore_mem>>) src(%dma_wait3A_99 : memref<512xi32, #tpu.memory_space<hbm>>) dst(%arg7 : memref<512xi32, #tpu.memory_space<vmem>>)
      tpu.yield
    }) : () -> ()
    "tpu.region"() ({
      %run_scoped3A = tpu.sem_alloc : memref<!tpu.dma_semaphore, #tpu.memory_space<semaphore_mem>>
      %dma_start3A = tpu.memref_slice %arg3[%mul3A_2] : memref<16384xi32, #tpu.memory_space<hbm>> -> memref<512xi32, #tpu.memory_space<hbm>>
      %dma_start3A_97 = tpu.memref_slice %arg3[%mul3A_2] : memref<16384xi32, #tpu.memory_space<hbm>> -> memref<512xi32, #tpu.memory_space<hbm>>
      tpu.enqueue_dma source(%dma_start3A_97 : memref<512xi32, #tpu.memory_space<hbm>>) target(%arg8 : memref<512xi32, #tpu.memory_space<vmem>>) target_semaphore(%run_scoped3A : memref<!tpu.dma_semaphore, #tpu.memory_space<semaphore_mem>>)
      %dma_wait3A_98 = tpu.memref_slice %arg3[%mul3A_2] : memref<16384xi32, #tpu.memory_space<hbm>> -> memref<512xi32, #tpu.memory_space<hbm>>
      %dma_wait3A_99 = tpu.memref_slice %arg3[%mul3A_2] : memref<16384xi32, #tpu.memory_space<hbm>> -> memref<512xi32, #tpu.memory_space<hbm>>
      tpu.wait_dma2 semaphore(%run_scoped3A : memref<!tpu.dma_semaphore, #tpu.memory_space<semaphore_mem>>) src(%dma_wait3A_99 : memref<512xi32, #tpu.memory_space<hbm>>) dst(%arg8 : memref<512xi32, #tpu.memory_space<vmem>>)
      tpu.yield
    }) : () -> ()
    %iota3A = tpu.iota {dimensions = array<i32: 0>} : vector<16xi32>
    %scan3A = arith.constant 0 : i32
    %scan3A_3 = arith.constant 0 : i32
    %scan3A_4 = arith.constant 8 : i32
    %scan3A_5 = arith.addi %scan3A_3, %scan3A_4 : i32
    %scan3A_6 = arith.constant 1 : i32
    scf.for %scan3A_97 = %scan3A_3 to %scan3A_5 step %scan3A_6  : i32 {
      %mul3A_98 = arith.constant 16 : i32
      %mul3A_99 = arith.muli %scan3A_97, %mul3A_98 : i32
      %add3A_100 = arith.constant 0 : i32
      %add3A_101 = arith.addi %add3A_100, %mul3A_99 : i32
      %get3A = arith.index_cast %add3A_101 : i32 to index
      %get3A_102 = tpu.vector_load %arg7[%get3A] {strides = array<i32>} : memref<512xi32, #tpu.memory_space<vmem>>, vector<16xi32>,
      %mul3A_103 = arith.constant 16 : i32
      %mul3A_104 = arith.muli %scan3A_97, %mul3A_103 : i32
      %add3A_105 = arith.constant 0 : i32
      %add3A_106 = arith.addi %add3A_105, %mul3A_104 : i32
      %get3A_107 = arith.index_cast %add3A_106 : i32 to index
      %get3A_108 = tpu.vector_load %arg8[%get3A_107] {strides = array<i32>} : memref<512xi32, #tpu.memory_space<vmem>>, vector<16xi32>,
      %slice3A = vector.extract_strided_slice %get3A_102 {offsets = [0], sizes = [1], strides = [1]} : vector<16xi32> to vector<1xi32>
      %squeeze3A = vector.extract %slice3A[0] : i32 from vector<1xi32>
      %mul3A_109 = arith.constant 16 : i32
      %mul3A_110 = arith.muli %scan3A_97, %mul3A_109 : i32
      %add3A_111 = arith.constant 0 : i32
      %add3A_112 = arith.addi %mul3A_110, %add3A_111 : i32
      %dma_start3A = arith.constant 0 : i32
      %dma_start3A_113 = tpu.memref_slice %arg9[%add3A_112, %dma_start3A] : memref<128x64xf32, #tpu.memory_space<vmem>> -> memref<1x64xf32, #tpu.memory_space<vmem>>
      %dma_start3A_114 = arith.constant 0 : i32
      %dma_start3A_115 = tpu.memref_slice %arg4[%squeeze3A, %dma_start3A_114] : memref<1000000x64xf32, #tpu.memory_space<hbm>> -> memref<1x64xf32, #tpu.memory_space<hbm>>
      %dma_start3A_116 = arith.constant 0 : i32
      %dma_start3A_117 = tpu.memref_slice %arg9[%add3A_112, %dma_start3A_116] : memref<128x64xf32, #tpu.memory_space<vmem>> -> memref<1x64xf32, #tpu.memory_space<vmem>>
      %dma_start3A_118 = arith.constant 0 : i32
      %dma_start3A_119 = tpu.memref_slice %arg4[%squeeze3A, %dma_start3A_118] : memref<1000000x64xf32, #tpu.memory_space<hbm>> -> memref<1x64xf32, #tpu.memory_space<hbm>>
      tpu.enqueue_dma source(%dma_start3A_119 : memref<1x64xf32, #tpu.memory_space<hbm>>) target(%dma_start3A_117 : memref<1x64xf32, #tpu.memory_space<vmem>>) target_semaphore(%arg14 : memref<!tpu.dma_semaphore, #tpu.memory_space<semaphore_mem>>)
      %slice3A_120 = vector.extract_strided_slice %get3A_108 {offsets = [0], sizes = [1], strides = [1]} : vector<16xi32> to vector<1xi32>
      %squeeze3A_121 = vector.extract %slice3A_120[0] : i32 from vector<1xi32>
      %mul3A_122 = arith.constant 16 : i32
      %mul3A_123 = arith.muli %scan3A_97, %mul3A_122 : i32
      %add3A_124 = arith.constant 0 : i32
      %add3A_125 = arith.addi %mul3A_123, %add3A_124 : i32
      %dma_start3A_126 = arith.constant 0 : i32
      %dma_start3A_127 = tpu.memref_slice %arg11[%add3A_125, %dma_start3A_126] : memref<128x64xf32, #tpu.memory_space<vmem>> -> memref<1x64xf32, #tpu.memory_space<vmem>>
      %dma_start3A_128 = arith.constant 0 : i32
      %dma_start3A_129 = tpu.memref_slice %arg5[%squeeze3A_121, %dma_start3A_128] : memref<100000x64xf32, #tpu.memory_space<hbm>> -> memref<1x64xf32, #tpu.memory_space<hbm>>
      %dma_start3A_130 = arith.constant 0 : i32
      %dma_start3A_131 = tpu.memref_slice %arg11[%add3A_125, %dma_start3A_130] : memref<128x64xf32, #tpu.memory_space<vmem>> -> memref<1x64xf32, #tpu.memory_space<vmem>>
      %dma_start3A_132 = arith.constant 0 : i32
      %dma_start3A_133 = tpu.memref_slice %arg5[%squeeze3A_121, %dma_start3A_132] : memref<100000x64xf32, #tpu.memory_space<hbm>> -> memref<1x64xf32, #tpu.memory_space<hbm>>
      tpu.enqueue_dma source(%dma_start3A_133 : memref<1x64xf32, #tpu.memory_space<hbm>>) target(%dma_start3A_131 : memref<1x64xf32, #tpu.memory_space<vmem>>) target_semaphore(%arg16 : memref<!tpu.dma_semaphore, #tpu.memory_space<semaphore_mem>>)
      %slice3A_134 = vector.extract_strided_slice %get3A_102 {offsets = [1], sizes = [1], strides = [1]} : vector<16xi32> to vector<1xi32>
      %squeeze3A_135 = vector.extract %slice3A_134[0] : i32 from vector<1xi32>
      %mul3A_136 = arith.constant 16 : i32
      %mul3A_137 = arith.muli %scan3A_97, %mul3A_136 : i32
      %add3A_138 = arith.constant 1 : i32
      %add3A_139 = arith.addi %mul3A_137, %add3A_138 : i32
      %dma_start3A_140 = arith.constant 0 : i32
      %dma_start3A_141 = tpu.memref_slice %arg9[%add3A_139, %dma_start3A_140] : memref<128x64xf32, #tpu.memory_space<vmem>> -> memref<1x64xf32, #tpu.memory_space<vmem>>
      %dma_start3A_142 = arith.constant 0 : i32
      %dma_start3A_143 = tpu.memref_slice %arg4[%squeeze3A_135, %dma_start3A_142] : memref<1000000x64xf32, #tpu.memory_space<hbm>> -> memref<1x64xf32, #tpu.memory_space<hbm>>
      %dma_start3A_144 = arith.constant 0 : i32
      %dma_start3A_145 = tpu.memref_slice %arg9[%add3A_139, %dma_start3A_144] : memref<128x64xf32, #tpu.memory_space<vmem>> -> memref<1x64xf32, #tpu.memory_space<vmem>>
      %dma_start3A_146 = arith.constant 0 : i32
      %dma_start3A_147 = tpu.memref_slice %arg4[%squeeze3A_135, %dma_start3A_146] : memref<1000000x64xf32, #tpu.memory_space<hbm>> -> memref<1x64xf32, #tpu.memory_space<hbm>>
      tpu.enqueue_dma source(%dma_start3A_147 : memref<1x64xf32, #tpu.memory_space<hbm>>) target(%dma_start3A_145 : memref<1x64xf32, #tpu.memory_space<vmem>>) target_semaphore(%arg14 : memref<!tpu.dma_semaphore, #tpu.memory_space<semaphore_mem>>)
      %slice3A_148 = vector.extract_strided_slice %get3A_108 {offsets = [1], sizes = [1], strides = [1]} : vector<16xi32> to vector<1xi32>
      %squeeze3A_149 = vector.extract %slice3A_148[0] : i32 from vector<1xi32>
      %mul3A_150 = arith.constant 16 : i32
      %mul3A_151 = arith.muli %scan3A_97, %mul3A_150 : i32
      %add3A_152 = arith.constant 1 : i32
      %add3A_153 = arith.addi %mul3A_151, %add3A_152 : i32
      %dma_start3A_154 = arith.constant 0 : i32
      %dma_start3A_155 = tpu.memref_slice %arg11[%add3A_153, %dma_start3A_154] : memref<128x64xf32, #tpu.memory_space<vmem>> -> memref<1x64xf32, #tpu.memory_space<vmem>>
      %dma_start3A_156 = arith.constant 0 : i32
      %dma_start3A_157 = tpu.memref_slice %arg5[%squeeze3A_149, %dma_start3A_156] : memref<100000x64xf32, #tpu.memory_space<hbm>> -> memref<1x64xf32, #tpu.memory_space<hbm>>
      %dma_start3A_158 = arith.constant 0 : i32
      %dma_start3A_159 = tpu.memref_slice %arg11[%add3A_153, %dma_start3A_158] : memref<128x64xf32, #tpu.memory_space<vmem>> -> memref<1x64xf32, #tpu.memory_space<vmem>>
      %dma_start3A_160 = arith.constant 0 : i32
      %dma_start3A_161 = tpu.memref_slice %arg5[%squeeze3A_149, %dma_start3A_160] : memref<100000x64xf32, #tpu.memory_space<hbm>> -> memref<1x64xf32, #tpu.memory_space<hbm>>
      tpu.enqueue_dma source(%dma_start3A_161 : memref<1x64xf32, #tpu.memory_space<hbm>>) target(%dma_start3A_159 : memref<1x64xf32, #tpu.memory_space<vmem>>) target_semaphore(%arg16 : memref<!tpu.dma_semaphore, #tpu.memory_space<semaphore_mem>>)
      %slice3A_162 = vector.extract_strided_slice %get3A_102 {offsets = [2], sizes = [1], strides = [1]} : vector<16xi32> to vector<1xi32>
      %squeeze3A_163 = vector.extract %slice3A_162[0] : i32 from vector<1xi32>
      %mul3A_164 = arith.constant 16 : i32
      %mul3A_165 = arith.muli %scan3A_97, %mul3A_164 : i32
      %add3A_166 = arith.constant 2 : i32
      %add3A_167 = arith.addi %mul3A_165, %add3A_166 : i32
      %dma_start3A_168 = arith.constant 0 : i32
      %dma_start3A_169 = tpu.memref_slice %arg9[%add3A_167, %dma_start3A_168] : memref<128x64xf32, #tpu.memory_space<vmem>> -> memref<1x64xf32, #tpu.memory_space<vmem>>
      %dma_start3A_170 = arith.constant 0 : i32
      %dma_start3A_171 = tpu.memref_slice %arg4[%squeeze3A_163, %dma_start3A_170] : memref<1000000x64xf32, #tpu.memory_space<hbm>> -> memref<1x64xf32, #tpu.memory_space<hbm>>
      %dma_start3A_172 = arith.constant 0 : i32
      %dma_start3A_173 = tpu.memref_slice %arg9[%add3A_167, %dma_start3A_172] : memref<128x64xf32, #tpu.memory_space<vmem>> -> memref<1x64xf32, #tpu.memory_space<vmem>>
      %dma_start3A_174 = arith.constant 0 : i32
      %dma_start3A_175 = tpu.memref_slice %arg4[%squeeze3A_163, %dma_start3A_174] : memref<1000000x64xf32, #tpu.memory_space<hbm>> -> memref<1x64xf32, #tpu.memory_space<hbm>>
      tpu.enqueue_dma source(%dma_start3A_175 : memref<1x64xf32, #tpu.memory_space<hbm>>) target(%dma_start3A_173 : memref<1x64xf32, #tpu.memory_space<vmem>>) target_semaphore(%arg14 : memref<!tpu.dma_semaphore, #tpu.memory_space<semaphore_mem>>)
      %slice3A_176 = vector.extract_strided_slice %get3A_108 {offsets = [2], sizes = [1], strides = [1]} : vector<16xi32> to vector<1xi32>
      %squeeze3A_177 = vector.extract %slice3A_176[0] : i32 from vector<1xi32>
      %mul3A_178 = arith.constant 16 : i32
      %mul3A_179 = arith.muli %scan3A_97, %mul3A_178 : i32
      %add3A_180 = arith.constant 2 : i32
      %add3A_181 = arith.addi %mul3A_179, %add3A_180 : i32
      %dma_start3A_182 = arith.constant 0 : i32
      %dma_start3A_183 = tpu.memref_slice %arg11[%add3A_181, %dma_start3A_182] : memref<128x64xf32, #tpu.memory_space<vmem>> -> memref<1x64xf32, #tpu.memory_space<vmem>>
      %dma_start3A_184 = arith.constant 0 : i32
      %dma_start3A_185 = tpu.memref_slice %arg5[%squeeze3A_177, %dma_start3A_184] : memref<100000x64xf32, #tpu.memory_space<hbm>> -> memref<1x64xf32, #tpu.memory_space<hbm>>
      %dma_start3A_186 = arith.constant 0 : i32
      %dma_start3A_187 = tpu.memref_slice %arg11[%add3A_181, %dma_start3A_186] : memref<128x64xf32, #tpu.memory_space<vmem>> -> memref<1x64xf32, #tpu.memory_space<vmem>>
      %dma_start3A_188 = arith.constant 0 : i32
      %dma_start3A_189 = tpu.memref_slice %arg5[%squeeze3A_177, %dma_start3A_188] : memref<100000x64xf32, #tpu.memory_space<hbm>> -> memref<1x64xf32, #tpu.memory_space<hbm>>
      tpu.enqueue_dma source(%dma_start3A_189 : memref<1x64xf32, #tpu.memory_space<hbm>>) target(%dma_start3A_187 : memref<1x64xf32, #tpu.memory_space<vmem>>) target_semaphore(%arg16 : memref<!tpu.dma_semaphore, #tpu.memory_space<semaphore_mem>>)
      %slice3A_190 = vector.extract_strided_slice %get3A_102 {offsets = [3], sizes = [1], strides = [1]} : vector<16xi32> to vector<1xi32>
      %squeeze3A_191 = vector.extract %slice3A_190[0] : i32 from vector<1xi32>
      %mul3A_192 = arith.constant 16 : i32
      %mul3A_193 = arith.muli %scan3A_97, %mul3A_192 : i32
      %add3A_194 = arith.constant 3 : i32
      %add3A_195 = arith.addi %mul3A_193, %add3A_194 : i32
      %dma_start3A_196 = arith.constant 0 : i32
      %dma_start3A_197 = tpu.memref_slice %arg9[%add3A_195, %dma_start3A_196] : memref<128x64xf32, #tpu.memory_space<vmem>> -> memref<1x64xf32, #tpu.memory_space<vmem>>
      %dma_start3A_198 = arith.constant 0 : i32
      %dma_start3A_199 = tpu.memref_slice %arg4[%squeeze3A_191, %dma_start3A_198] : memref<1000000x64xf32, #tpu.memory_space<hbm>> -> memref<1x64xf32, #tpu.memory_space<hbm>>
      %dma_start3A_200 = arith.constant 0 : i32
      %dma_start3A_201 = tpu.memref_slice %arg9[%add3A_195, %dma_start3A_200] : memref<128x64xf32, #tpu.memory_space<vmem>> -> memref<1x64xf32, #tpu.memory_space<vmem>>
      %dma_start3A_202 = arith.constant 0 : i32
      %dma_start3A_203 = tpu.memref_slice %arg4[%squeeze3A_191, %dma_start3A_202] : memref<1000000x64xf32, #tpu.memory_space<hbm>> -> memref<1x64xf32, #tpu.memory_space<hbm>>
      tpu.enqueue_dma source(%dma_start3A_203 : memref<1x64xf32, #tpu.memory_space<hbm>>) target(%dma_start3A_201 : memref<1x64xf32, #tpu.memory_space<vmem>>) target_semaphore(%arg14 : memref<!tpu.dma_semaphore, #tpu.memory_space<semaphore_mem>>)
      %slice3A_204 = vector.extract_strided_slice %get3A_108 {offsets = [3], sizes = [1], strides = [1]} : vector<16xi32> to vector<1xi32>
      %squeeze3A_205 = vector.extract %slice3A_204[0] : i32 from vector<1xi32>
      %mul3A_206 = arith.constant 16 : i32
      %mul3A_207 = arith.muli %scan3A_97, %mul3A_206 : i32
      %add3A_208 = arith.constant 3 : i32
      %add3A_209 = arith.addi %mul3A_207, %add3A_208 : i32
      %dma_start3A_210 = arith.constant 0 : i32
      %dma_start3A_211 = tpu.memref_slice %arg11[%add3A_209, %dma_start3A_210] : memref<128x64xf32, #tpu.memory_space<vmem>> -> memref<1x64xf32, #tpu.memory_space<vmem>>
      %dma_start3A_212 = arith.constant 0 : i32
      %dma_start3A_213 = tpu.memref_slice %arg5[%squeeze3A_205, %dma_start3A_212] : memref<100000x64xf32, #tpu.memory_space<hbm>> -> memref<1x64xf32, #tpu.memory_space<hbm>>
      %dma_start3A_214 = arith.constant 0 : i32
      %dma_start3A_215 = tpu.memref_slice %arg11[%add3A_209, %dma_start3A_214] : memref<128x64xf32, #tpu.memory_space<vmem>> -> memref<1x64xf32, #tpu.memory_space<vmem>>
      %dma_start3A_216 = arith.constant 0 : i32
      %dma_start3A_217 = tpu.memref_slice %arg5[%squeeze3A_205, %dma_start3A_216] : memref<100000x64xf32, #tpu.memory_space<hbm>> -> memref<1x64xf32, #tpu.memory_space<hbm>>
      tpu.enqueue_dma source(%dma_start3A_217 : memref<1x64xf32, #tpu.memory_space<hbm>>) target(%dma_start3A_215 : memref<1x64xf32, #tpu.memory_space<vmem>>) target_semaphore(%arg16 : memref<!tpu.dma_semaphore, #tpu.memory_space<semaphore_mem>>)
      %slice3A_218 = vector.extract_strided_slice %get3A_102 {offsets = [4], sizes = [1], strides = [1]} : vector<16xi32> to vector<1xi32>
      %squeeze3A_219 = vector.extract %slice3A_218[0] : i32 from vector<1xi32>
      %mul3A_220 = arith.constant 16 : i32
      %mul3A_221 = arith.muli %scan3A_97, %mul3A_220 : i32
      %add3A_222 = arith.constant 4 : i32
      %add3A_223 = arith.addi %mul3A_221, %add3A_222 : i32
      %dma_start3A_224 = arith.constant 0 : i32
      %dma_start3A_225 = tpu.memref_slice %arg9[%add3A_223, %dma_start3A_224] : memref<128x64xf32, #tpu.memory_space<vmem>> -> memref<1x64xf32, #tpu.memory_space<vmem>>
      %dma_start3A_226 = arith.constant 0 : i32
      %dma_start3A_227 = tpu.memref_slice %arg4[%squeeze3A_219, %dma_start3A_226] : memref<1000000x64xf32, #tpu.memory_space<hbm>> -> memref<1x64xf32, #tpu.memory_space<hbm>>
      %dma_start3A_228 = arith.constant 0 : i32
      %dma_start3A_229 = tpu.memref_slice %arg9[%add3A_223, %dma_start3A_228] : memref<128x64xf32, #tpu.memory_space<vmem>> -> memref<1x64xf32, #tpu.memory_space<vmem>>
      %dma_start3A_230 = arith.constant 0 : i32
      %dma_start3A_231 = tpu.memref_slice %arg4[%squeeze3A_219, %dma_start3A_230] : memref<1000000x64xf32, #tpu.memory_space<hbm>> -> memref<1x64xf32, #tpu.memory_space<hbm>>
      tpu.enqueue_dma source(%dma_start3A_231 : memref<1x64xf32, #tpu.memory_space<hbm>>) target(%dma_start3A_229 : memref<1x64xf32, #tpu.memory_space<vmem>>) target_semaphore(%arg14 : memref<!tpu.dma_semaphore, #tpu.memory_space<semaphore_mem>>)
      %slice3A_232 = vector.extract_strided_slice %get3A_108 {offsets = [4], sizes = [1], strides = [1]} : vector<16xi32> to vector<1xi32>
      %squeeze3A_233 = vector.extract %slice3A_232[0] : i32 from vector<1xi32>
      %mul3A_234 = arith.constant 16 : i32
      %mul3A_235 = arith.muli %scan3A_97, %mul3A_234 : i32
      %add3A_236 = arith.constant 4 : i32
      %add3A_237 = arith.addi %mul3A_235, %add3A_236 : i32
      %dma_start3A_238 = arith.constant 0 : i32
      %dma_start3A_239 = tpu.memref_slice %arg11[%add3A_237, %dma_start3A_238] : memref<128x64xf32, #tpu.memory_space<vmem>> -> memref<1x64xf32, #tpu.memory_space<vmem>>
      %dma_start3A_240 = arith.constant 0 : i32
      %dma_start3A_241 = tpu.memref_slice %arg5[%squeeze3A_233, %dma_start3A_240] : memref<100000x64xf32, #tpu.memory_space<hbm>> -> memref<1x64xf32, #tpu.memory_space<hbm>>
      %dma_start3A_242 = arith.constant 0 : i32
      %dma_start3A_243 = tpu.memref_slice %arg11[%add3A_237, %dma_start3A_242] : memref<128x64xf32, #tpu.memory_space<vmem>> -> memref<1x64xf32, #tpu.memory_space<vmem>>
      %dma_start3A_244 = arith.constant 0 : i32
      %dma_start3A_245 = tpu.memref_slice %arg5[%squeeze3A_233, %dma_start3A_244] : memref<100000x64xf32, #tpu.memory_space<hbm>> -> memref<1x64xf32, #tpu.memory_space<hbm>>
      tpu.enqueue_dma source(%dma_start3A_245 : memref<1x64xf32, #tpu.memory_space<hbm>>) target(%dma_start3A_243 : memref<1x64xf32, #tpu.memory_space<vmem>>) target_semaphore(%arg16 : memref<!tpu.dma_semaphore, #tpu.memory_space<semaphore_mem>>)
      %slice3A_246 = vector.extract_strided_slice %get3A_102 {offsets = [5], sizes = [1], strides = [1]} : vector<16xi32> to vector<1xi32>
      %squeeze3A_247 = vector.extract %slice3A_246[0] : i32 from vector<1xi32>
      %mul3A_248 = arith.constant 16 : i32
      %mul3A_249 = arith.muli %scan3A_97, %mul3A_248 : i32
      %add3A_250 = arith.constant 5 : i32
      %add3A_251 = arith.addi %mul3A_249, %add3A_250 : i32
      %dma_start3A_252 = arith.constant 0 : i32
      %dma_start3A_253 = tpu.memref_slice %arg9[%add3A_251, %dma_start3A_252] : memref<128x64xf32, #tpu.memory_space<vmem>> -> memref<1x64xf32, #tpu.memory_space<vmem>>
      %dma_start3A_254 = arith.constant 0 : i32
      %dma_start3A_255 = tpu.memref_slice %arg4[%squeeze3A_247, %dma_start3A_254] : memref<1000000x64xf32, #tpu.memory_space<hbm>> -> memref<1x64xf32, #tpu.memory_space<hbm>>
      %dma_start3A_256 = arith.constant 0 : i32
      %dma_start3A_257 = tpu.memref_slice %arg9[%add3A_251, %dma_start3A_256] : memref<128x64xf32, #tpu.memory_space<vmem>> -> memref<1x64xf32, #tpu.memory_space<vmem>>
      %dma_start3A_258 = arith.constant 0 : i32
      %dma_start3A_259 = tpu.memref_slice %arg4[%squeeze3A_247, %dma_start3A_258] : memref<1000000x64xf32, #tpu.memory_space<hbm>> -> memref<1x64xf32, #tpu.memory_space<hbm>>
      tpu.enqueue_dma source(%dma_start3A_259 : memref<1x64xf32, #tpu.memory_space<hbm>>) target(%dma_start3A_257 : memref<1x64xf32, #tpu.memory_space<vmem>>) target_semaphore(%arg14 : memref<!tpu.dma_semaphore, #tpu.memory_space<semaphore_mem>>)
      %slice3A_260 = vector.extract_strided_slice %get3A_108 {offsets = [5], sizes = [1], strides = [1]} : vector<16xi32> to vector<1xi32>
      %squeeze3A_261 = vector.extract %slice3A_260[0] : i32 from vector<1xi32>
      %mul3A_262 = arith.constant 16 : i32
      %mul3A_263 = arith.muli %scan3A_97, %mul3A_262 : i32
      %add3A_264 = arith.constant 5 : i32
      %add3A_265 = arith.addi %mul3A_263, %add3A_264 : i32
      %dma_start3A_266 = arith.constant 0 : i32
      %dma_start3A_267 = tpu.memref_slice %arg11[%add3A_265, %dma_start3A_266] : memref<128x64xf32, #tpu.memory_space<vmem>> -> memref<1x64xf32, #tpu.memory_space<vmem>>
      %dma_start3A_268 = arith.constant 0 : i32
      %dma_start3A_269 = tpu.memref_slice %arg5[%squeeze3A_261, %dma_start3A_268] : memref<100000x64xf32, #tpu.memory_space<hbm>> -> memref<1x64xf32, #tpu.memory_space<hbm>>
      %dma_start3A_270 = arith.constant 0 : i32
      %dma_start3A_271 = tpu.memref_slice %arg11[%add3A_265, %dma_start3A_270] : memref<128x64xf32, #tpu.memory_space<vmem>> -> memref<1x64xf32, #tpu.memory_space<vmem>>
      %dma_start3A_272 = arith.constant 0 : i32
      %dma_start3A_273 = tpu.memref_slice %arg5[%squeeze3A_261, %dma_start3A_272] : memref<100000x64xf32, #tpu.memory_space<hbm>> -> memref<1x64xf32, #tpu.memory_space<hbm>>
      tpu.enqueue_dma source(%dma_start3A_273 : memref<1x64xf32, #tpu.memory_space<hbm>>) target(%dma_start3A_271 : memref<1x64xf32, #tpu.memory_space<vmem>>) target_semaphore(%arg16 : memref<!tpu.dma_semaphore, #tpu.memory_space<semaphore_mem>>)
      %slice3A_274 = vector.extract_strided_slice %get3A_102 {offsets = [6], sizes = [1], strides = [1]} : vector<16xi32> to vector<1xi32>
      %squeeze3A_275 = vector.extract %slice3A_274[0] : i32 from vector<1xi32>
      %mul3A_276 = arith.constant 16 : i32
      %mul3A_277 = arith.muli %scan3A_97, %mul3A_276 : i32
      %add3A_278 = arith.constant 6 : i32
      %add3A_279 = arith.addi %mul3A_277, %add3A_278 : i32
      %dma_start3A_280 = arith.constant 0 : i32
      %dma_start3A_281 = tpu.memref_slice %arg9[%add3A_279, %dma_start3A_280] : memref<128x64xf32, #tpu.memory_space<vmem>> -> memref<1x64xf32, #tpu.memory_space<vmem>>
      %dma_start3A_282 = arith.constant 0 : i32
      %dma_start3A_283 = tpu.memref_slice %arg4[%squeeze3A_275, %dma_start3A_282] : memref<1000000x64xf32, #tpu.memory_space<hbm>> -> memref<1x64xf32, #tpu.memory_space<hbm>>
      %dma_start3A_284 = arith.constant 0 : i32
      %dma_start3A_285 = tpu.memref_slice %arg9[%add3A_279, %dma_start3A_284] : memref<128x64xf32, #tpu.memory_space<vmem>> -> memref<1x64xf32, #tpu.memory_space<vmem>>
      %dma_start3A_286 = arith.constant 0 : i32
      %dma_start3A_287 = tpu.memref_slice %arg4[%squeeze3A_275, %dma_start3A_286] : memref<1000000x64xf32, #tpu.memory_space<hbm>> -> memref<1x64xf32, #tpu.memory_space<hbm>>
      tpu.enqueue_dma source(%dma_start3A_287 : memref<1x64xf32, #tpu.memory_space<hbm>>) target(%dma_start3A_285 : memref<1x64xf32, #tpu.memory_space<vmem>>) target_semaphore(%arg14 : memref<!tpu.dma_semaphore, #tpu.memory_space<semaphore_mem>>)
      %slice3A_288 = vector.extract_strided_slice %get3A_108 {offsets = [6], sizes = [1], strides = [1]} : vector<16xi32> to vector<1xi32>
      %squeeze3A_289 = vector.extract %slice3A_288[0] : i32 from vector<1xi32>
      %mul3A_290 = arith.constant 16 : i32
      %mul3A_291 = arith.muli %scan3A_97, %mul3A_290 : i32
      %add3A_292 = arith.constant 6 : i32
      %add3A_293 = arith.addi %mul3A_291, %add3A_292 : i32
      %dma_start3A_294 = arith.constant 0 : i32
      %dma_start3A_295 = tpu.memref_slice %arg11[%add3A_293, %dma_start3A_294] : memref<128x64xf32, #tpu.memory_space<vmem>> -> memref<1x64xf32, #tpu.memory_space<vmem>>
      %dma_start3A_296 = arith.constant 0 : i32
      %dma_start3A_297 = tpu.memref_slice %arg5[%squeeze3A_289, %dma_start3A_296] : memref<100000x64xf32, #tpu.memory_space<hbm>> -> memref<1x64xf32, #tpu.memory_space<hbm>>
      %dma_start3A_298 = arith.constant 0 : i32
      %dma_start3A_299 = tpu.memref_slice %arg11[%add3A_293, %dma_start3A_298] : memref<128x64xf32, #tpu.memory_space<vmem>> -> memref<1x64xf32, #tpu.memory_space<vmem>>
      %dma_start3A_300 = arith.constant 0 : i32
      %dma_start3A_301 = tpu.memref_slice %arg5[%squeeze3A_289, %dma_start3A_300] : memref<100000x64xf32, #tpu.memory_space<hbm>> -> memref<1x64xf32, #tpu.memory_space<hbm>>
      tpu.enqueue_dma source(%dma_start3A_301 : memref<1x64xf32, #tpu.memory_space<hbm>>) target(%dma_start3A_299 : memref<1x64xf32, #tpu.memory_space<vmem>>) target_semaphore(%arg16 : memref<!tpu.dma_semaphore, #tpu.memory_space<semaphore_mem>>)
      %slice3A_302 = vector.extract_strided_slice %get3A_102 {offsets = [7], sizes = [1], strides = [1]} : vector<16xi32> to vector<1xi32>
      %squeeze3A_303 = vector.extract %slice3A_302[0] : i32 from vector<1xi32>
      %mul3A_304 = arith.constant 16 : i32
      %mul3A_305 = arith.muli %scan3A_97, %mul3A_304 : i32
      %add3A_306 = arith.constant 7 : i32
      %add3A_307 = arith.addi %mul3A_305, %add3A_306 : i32
      %dma_start3A_308 = arith.constant 0 : i32
      %dma_start3A_309 = tpu.memref_slice %arg9[%add3A_307, %dma_start3A_308] : memref<128x64xf32, #tpu.memory_space<vmem>> -> memref<1x64xf32, #tpu.memory_space<vmem>>
      %dma_start3A_310 = arith.constant 0 : i32
      %dma_start3A_311 = tpu.memref_slice %arg4[%squeeze3A_303, %dma_start3A_310] : memref<1000000x64xf32, #tpu.memory_space<hbm>> -> memref<1x64xf32, #tpu.memory_space<hbm>>
      %dma_start3A_312 = arith.constant 0 : i32
      %dma_start3A_313 = tpu.memref_slice %arg9[%add3A_307, %dma_start3A_312] : memref<128x64xf32, #tpu.memory_space<vmem>> -> memref<1x64xf32, #tpu.memory_space<vmem>>
      %dma_start3A_314 = arith.constant 0 : i32
      %dma_start3A_315 = tpu.memref_slice %arg4[%squeeze3A_303, %dma_start3A_314] : memref<1000000x64xf32, #tpu.memory_space<hbm>> -> memref<1x64xf32, #tpu.memory_space<hbm>>
      tpu.enqueue_dma source(%dma_start3A_315 : memref<1x64xf32, #tpu.memory_space<hbm>>) target(%dma_start3A_313 : memref<1x64xf32, #tpu.memory_space<vmem>>) target_semaphore(%arg14 : memref<!tpu.dma_semaphore, #tpu.memory_space<semaphore_mem>>)
      %slice3A_316 = vector.extract_strided_slice %get3A_108 {offsets = [7], sizes = [1], strides = [1]} : vector<16xi32> to vector<1xi32>
      %squeeze3A_317 = vector.extract %slice3A_316[0] : i32 from vector<1xi32>
      %mul3A_318 = arith.constant 16 : i32
      %mul3A_319 = arith.muli %scan3A_97, %mul3A_318 : i32
      %add3A_320 = arith.constant 7 : i32
      %add3A_321 = arith.addi %mul3A_319, %add3A_320 : i32
      %dma_start3A_322 = arith.constant 0 : i32
      %dma_start3A_323 = tpu.memref_slice %arg11[%add3A_321, %dma_start3A_322] : memref<128x64xf32, #tpu.memory_space<vmem>> -> memref<1x64xf32, #tpu.memory_space<vmem>>
      %dma_start3A_324 = arith.constant 0 : i32
      %dma_start3A_325 = tpu.memref_slice %arg5[%squeeze3A_317, %dma_start3A_324] : memref<100000x64xf32, #tpu.memory_space<hbm>> -> memref<1x64xf32, #tpu.memory_space<hbm>>
      %dma_start3A_326 = arith.constant 0 : i32
      %dma_start3A_327 = tpu.memref_slice %arg11[%add3A_321, %dma_start3A_326] : memref<128x64xf32, #tpu.memory_space<vmem>> -> memref<1x64xf32, #tpu.memory_space<vmem>>
      %dma_start3A_328 = arith.constant 0 : i32
      %dma_start3A_329 = tpu.memref_slice %arg5[%squeeze3A_317, %dma_start3A_328] : memref<100000x64xf32, #tpu.memory_space<hbm>> -> memref<1x64xf32, #tpu.memory_space<hbm>>
      tpu.enqueue_dma source(%dma_start3A_329 : memref<1x64xf32, #tpu.memory_space<hbm>>) target(%dma_start3A_327 : memref<1x64xf32, #tpu.memory_space<vmem>>) target_semaphore(%arg16 : memref<!tpu.dma_semaphore, #tpu.memory_space<semaphore_mem>>)
      %slice3A_330 = vector.extract_strided_slice %get3A_102 {offsets = [8], sizes = [1], strides = [1]} : vector<16xi32> to vector<1xi32>
      %squeeze3A_331 = vector.extract %slice3A_330[0] : i32 from vector<1xi32>
      %mul3A_332 = arith.constant 16 : i32
      %mul3A_333 = arith.muli %scan3A_97, %mul3A_332 : i32
      %add3A_334 = arith.constant 8 : i32
      %add3A_335 = arith.addi %mul3A_333, %add3A_334 : i32
      %dma_start3A_336 = arith.constant 0 : i32
      %dma_start3A_337 = tpu.memref_slice %arg9[%add3A_335, %dma_start3A_336] : memref<128x64xf32, #tpu.memory_space<vmem>> -> memref<1x64xf32, #tpu.memory_space<vmem>>
      %dma_start3A_338 = arith.constant 0 : i32
      %dma_start3A_339 = tpu.memref_slice %arg4[%squeeze3A_331, %dma_start3A_338] : memref<1000000x64xf32, #tpu.memory_space<hbm>> -> memref<1x64xf32, #tpu.memory_space<hbm>>
      %dma_start3A_340 = arith.constant 0 : i32
      %dma_start3A_341 = tpu.memref_slice %arg9[%add3A_335, %dma_start3A_340] : memref<128x64xf32, #tpu.memory_space<vmem>> -> memref<1x64xf32, #tpu.memory_space<vmem>>
      %dma_start3A_342 = arith.constant 0 : i32
      %dma_start3A_343 = tpu.memref_slice %arg4[%squeeze3A_331, %dma_start3A_342] : memref<1000000x64xf32, #tpu.memory_space<hbm>> -> memref<1x64xf32, #tpu.memory_space<hbm>>
      tpu.enqueue_dma source(%dma_start3A_343 : memref<1x64xf32, #tpu.memory_space<hbm>>) target(%dma_start3A_341 : memref<1x64xf32, #tpu.memory_space<vmem>>) target_semaphore(%arg14 : memref<!tpu.dma_semaphore, #tpu.memory_space<semaphore_mem>>)
      %slice3A_344 = vector.extract_strided_slice %get3A_108 {offsets = [8], sizes = [1], strides = [1]} : vector<16xi32> to vector<1xi32>
      %squeeze3A_345 = vector.extract %slice3A_344[0] : i32 from vector<1xi32>
      %mul3A_346 = arith.constant 16 : i32
      %mul3A_347 = arith.muli %scan3A_97, %mul3A_346 : i32
      %add3A_348 = arith.constant 8 : i32
      %add3A_349 = arith.addi %mul3A_347, %add3A_348 : i32
      %dma_start3A_350 = arith.constant 0 : i32
      %dma_start3A_351 = tpu.memref_slice %arg11[%add3A_349, %dma_start3A_350] : memref<128x64xf32, #tpu.memory_space<vmem>> -> memref<1x64xf32, #tpu.memory_space<vmem>>
      %dma_start3A_352 = arith.constant 0 : i32
      %dma_start3A_353 = tpu.memref_slice %arg5[%squeeze3A_345, %dma_start3A_352] : memref<100000x64xf32, #tpu.memory_space<hbm>> -> memref<1x64xf32, #tpu.memory_space<hbm>>
      %dma_start3A_354 = arith.constant 0 : i32
      %dma_start3A_355 = tpu.memref_slice %arg11[%add3A_349, %dma_start3A_354] : memref<128x64xf32, #tpu.memory_space<vmem>> -> memref<1x64xf32, #tpu.memory_space<vmem>>
      %dma_start3A_356 = arith.constant 0 : i32
      %dma_start3A_357 = tpu.memref_slice %arg5[%squeeze3A_345, %dma_start3A_356] : memref<100000x64xf32, #tpu.memory_space<hbm>> -> memref<1x64xf32, #tpu.memory_space<hbm>>
      tpu.enqueue_dma source(%dma_start3A_357 : memref<1x64xf32, #tpu.memory_space<hbm>>) target(%dma_start3A_355 : memref<1x64xf32, #tpu.memory_space<vmem>>) target_semaphore(%arg16 : memref<!tpu.dma_semaphore, #tpu.memory_space<semaphore_mem>>)
      %slice3A_358 = vector.extract_strided_slice %get3A_102 {offsets = [9], sizes = [1], strides = [1]} : vector<16xi32> to vector<1xi32>
      %squeeze3A_359 = vector.extract %slice3A_358[0] : i32 from vector<1xi32>
      %mul3A_360 = arith.constant 16 : i32
      %mul3A_361 = arith.muli %scan3A_97, %mul3A_360 : i32
      %add3A_362 = arith.constant 9 : i32
      %add3A_363 = arith.addi %mul3A_361, %add3A_362 : i32
      %dma_start3A_364 = arith.constant 0 : i32
      %dma_start3A_365 = tpu.memref_slice %arg9[%add3A_363, %dma_start3A_364] : memref<128x64xf32, #tpu.memory_space<vmem>> -> memref<1x64xf32, #tpu.memory_space<vmem>>
      %dma_start3A_366 = arith.constant 0 : i32
      %dma_start3A_367 = tpu.memref_slice %arg4[%squeeze3A_359, %dma_start3A_366] : memref<1000000x64xf32, #tpu.memory_space<hbm>> -> memref<1x64xf32, #tpu.memory_space<hbm>>
      %dma_start3A_368 = arith.constant 0 : i32
      %dma_start3A_369 = tpu.memref_slice %arg9[%add3A_363, %dma_start3A_368] : memref<128x64xf32, #tpu.memory_space<vmem>> -> memref<1x64xf32, #tpu.memory_space<vmem>>
      %dma_start3A_370 = arith.constant 0 : i32
      %dma_start3A_371 = tpu.memref_slice %arg4[%squeeze3A_359, %dma_start3A_370] : memref<1000000x64xf32, #tpu.memory_space<hbm>> -> memref<1x64xf32, #tpu.memory_space<hbm>>
      tpu.enqueue_dma source(%dma_start3A_371 : memref<1x64xf32, #tpu.memory_space<hbm>>) target(%dma_start3A_369 : memref<1x64xf32, #tpu.memory_space<vmem>>) target_semaphore(%arg14 : memref<!tpu.dma_semaphore, #tpu.memory_space<semaphore_mem>>)
      %slice3A_372 = vector.extract_strided_slice %get3A_108 {offsets = [9], sizes = [1], strides = [1]} : vector<16xi32> to vector<1xi32>
      %squeeze3A_373 = vector.extract %slice3A_372[0] : i32 from vector<1xi32>
      %mul3A_374 = arith.constant 16 : i32
      %mul3A_375 = arith.muli %scan3A_97, %mul3A_374 : i32
      %add3A_376 = arith.constant 9 : i32
      %add3A_377 = arith.addi %mul3A_375, %add3A_376 : i32
      %dma_start3A_378 = arith.constant 0 : i32
      %dma_start3A_379 = tpu.memref_slice %arg11[%add3A_377, %dma_start3A_378] : memref<128x64xf32, #tpu.memory_space<vmem>> -> memref<1x64xf32, #tpu.memory_space<vmem>>
      %dma_start3A_380 = arith.constant 0 : i32
      %dma_start3A_381 = tpu.memref_slice %arg5[%squeeze3A_373, %dma_start3A_380] : memref<100000x64xf32, #tpu.memory_space<hbm>> -> memref<1x64xf32, #tpu.memory_space<hbm>>
      %dma_start3A_382 = arith.constant 0 : i32
      %dma_start3A_383 = tpu.memref_slice %arg11[%add3A_377, %dma_start3A_382] : memref<128x64xf32, #tpu.memory_space<vmem>> -> memref<1x64xf32, #tpu.memory_space<vmem>>
      %dma_start3A_384 = arith.constant 0 : i32
      %dma_start3A_385 = tpu.memref_slice %arg5[%squeeze3A_373, %dma_start3A_384] : memref<100000x64xf32, #tpu.memory_space<hbm>> -> memref<1x64xf32, #tpu.memory_space<hbm>>
      tpu.enqueue_dma source(%dma_start3A_385 : memref<1x64xf32, #tpu.memory_space<hbm>>) target(%dma_start3A_383 : memref<1x64xf32, #tpu.memory_space<vmem>>) target_semaphore(%arg16 : memref<!tpu.dma_semaphore, #tpu.memory_space<semaphore_mem>>)
      %slice3A_386 = vector.extract_strided_slice %get3A_102 {offsets = [10], sizes = [1], strides = [1]} : vector<16xi32> to vector<1xi32>
      %squeeze3A_387 = vector.extract %slice3A_386[0] : i32 from vector<1xi32>
      %mul3A_388 = arith.constant 16 : i32
      %mul3A_389 = arith.muli %scan3A_97, %mul3A_388 : i32
      %add3A_390 = arith.constant 10 : i32
      %add3A_391 = arith.addi %mul3A_389, %add3A_390 : i32
      %dma_start3A_392 = arith.constant 0 : i32
      %dma_start3A_393 = tpu.memref_slice %arg9[%add3A_391, %dma_start3A_392] : memref<128x64xf32, #tpu.memory_space<vmem>> -> memref<1x64xf32, #tpu.memory_space<vmem>>
      %dma_start3A_394 = arith.constant 0 : i32
      %dma_start3A_395 = tpu.memref_slice %arg4[%squeeze3A_387, %dma_start3A_394] : memref<1000000x64xf32, #tpu.memory_space<hbm>> -> memref<1x64xf32, #tpu.memory_space<hbm>>
      %dma_start3A_396 = arith.constant 0 : i32
      %dma_start3A_397 = tpu.memref_slice %arg9[%add3A_391, %dma_start3A_396] : memref<128x64xf32, #tpu.memory_space<vmem>> -> memref<1x64xf32, #tpu.memory_space<vmem>>
      %dma_start3A_398 = arith.constant 0 : i32
      %dma_start3A_399 = tpu.memref_slice %arg4[%squeeze3A_387, %dma_start3A_398] : memref<1000000x64xf32, #tpu.memory_space<hbm>> -> memref<1x64xf32, #tpu.memory_space<hbm>>
      tpu.enqueue_dma source(%dma_start3A_399 : memref<1x64xf32, #tpu.memory_space<hbm>>) target(%dma_start3A_397 : memref<1x64xf32, #tpu.memory_space<vmem>>) target_semaphore(%arg14 : memref<!tpu.dma_semaphore, #tpu.memory_space<semaphore_mem>>)
      %slice3A_400 = vector.extract_strided_slice %get3A_108 {offsets = [10], sizes = [1], strides = [1]} : vector<16xi32> to vector<1xi32>
      %squeeze3A_401 = vector.extract %slice3A_400[0] : i32 from vector<1xi32>
      %mul3A_402 = arith.constant 16 : i32
      %mul3A_403 = arith.muli %scan3A_97, %mul3A_402 : i32
      %add3A_404 = arith.constant 10 : i32
      %add3A_405 = arith.addi %mul3A_403, %add3A_404 : i32
      %dma_start3A_406 = arith.constant 0 : i32
      %dma_start3A_407 = tpu.memref_slice %arg11[%add3A_405, %dma_start3A_406] : memref<128x64xf32, #tpu.memory_space<vmem>> -> memref<1x64xf32, #tpu.memory_space<vmem>>
      %dma_start3A_408 = arith.constant 0 : i32
      %dma_start3A_409 = tpu.memref_slice %arg5[%squeeze3A_401, %dma_start3A_408] : memref<100000x64xf32, #tpu.memory_space<hbm>> -> memref<1x64xf32, #tpu.memory_space<hbm>>
      %dma_start3A_410 = arith.constant 0 : i32
      %dma_start3A_411 = tpu.memref_slice %arg11[%add3A_405, %dma_start3A_410] : memref<128x64xf32, #tpu.memory_space<vmem>> -> memref<1x64xf32, #tpu.memory_space<vmem>>
      %dma_start3A_412 = arith.constant 0 : i32
      %dma_start3A_413 = tpu.memref_slice %arg5[%squeeze3A_401, %dma_start3A_412] : memref<100000x64xf32, #tpu.memory_space<hbm>> -> memref<1x64xf32, #tpu.memory_space<hbm>>
      tpu.enqueue_dma source(%dma_start3A_413 : memref<1x64xf32, #tpu.memory_space<hbm>>) target(%dma_start3A_411 : memref<1x64xf32, #tpu.memory_space<vmem>>) target_semaphore(%arg16 : memref<!tpu.dma_semaphore, #tpu.memory_space<semaphore_mem>>)
      %slice3A_414 = vector.extract_strided_slice %get3A_102 {offsets = [11], sizes = [1], strides = [1]} : vector<16xi32> to vector<1xi32>
      %squeeze3A_415 = vector.extract %slice3A_414[0] : i32 from vector<1xi32>
      %mul3A_416 = arith.constant 16 : i32
      %mul3A_417 = arith.muli %scan3A_97, %mul3A_416 : i32
      %add3A_418 = arith.constant 11 : i32
      %add3A_419 = arith.addi %mul3A_417, %add3A_418 : i32
      %dma_start3A_420 = arith.constant 0 : i32
      %dma_start3A_421 = tpu.memref_slice %arg9[%add3A_419, %dma_start3A_420] : memref<128x64xf32, #tpu.memory_space<vmem>> -> memref<1x64xf32, #tpu.memory_space<vmem>>
      %dma_start3A_422 = arith.constant 0 : i32
      %dma_start3A_423 = tpu.memref_slice %arg4[%squeeze3A_415, %dma_start3A_422] : memref<1000000x64xf32, #tpu.memory_space<hbm>> -> memref<1x64xf32, #tpu.memory_space<hbm>>
      %dma_start3A_424 = arith.constant 0 : i32
      %dma_start3A_425 = tpu.memref_slice %arg9[%add3A_419, %dma_start3A_424] : memref<128x64xf32, #tpu.memory_space<vmem>> -> memref<1x64xf32, #tpu.memory_space<vmem>>
      %dma_start3A_426 = arith.constant 0 : i32
      %dma_start3A_427 = tpu.memref_slice %arg4[%squeeze3A_415, %dma_start3A_426] : memref<1000000x64xf32, #tpu.memory_space<hbm>> -> memref<1x64xf32, #tpu.memory_space<hbm>>
      tpu.enqueue_dma source(%dma_start3A_427 : memref<1x64xf32, #tpu.memory_space<hbm>>) target(%dma_start3A_425 : memref<1x64xf32, #tpu.memory_space<vmem>>) target_semaphore(%arg14 : memref<!tpu.dma_semaphore, #tpu.memory_space<semaphore_mem>>)
      %slice3A_428 = vector.extract_strided_slice %get3A_108 {offsets = [11], sizes = [1], strides = [1]} : vector<16xi32> to vector<1xi32>
      %squeeze3A_429 = vector.extract %slice3A_428[0] : i32 from vector<1xi32>
      %mul3A_430 = arith.constant 16 : i32
      %mul3A_431 = arith.muli %scan3A_97, %mul3A_430 : i32
      %add3A_432 = arith.constant 11 : i32
      %add3A_433 = arith.addi %mul3A_431, %add3A_432 : i32
      %dma_start3A_434 = arith.constant 0 : i32
      %dma_start3A_435 = tpu.memref_slice %arg11[%add3A_433, %dma_start3A_434] : memref<128x64xf32, #tpu.memory_space<vmem>> -> memref<1x64xf32, #tpu.memory_space<vmem>>
      %dma_start3A_436 = arith.constant 0 : i32
      %dma_start3A_437 = tpu.memref_slice %arg5[%squeeze3A_429, %dma_start3A_436] : memref<100000x64xf32, #tpu.memory_space<hbm>> -> memref<1x64xf32, #tpu.memory_space<hbm>>
      %dma_start3A_438 = arith.constant 0 : i32
      %dma_start3A_439 = tpu.memref_slice %arg11[%add3A_433, %dma_start3A_438] : memref<128x64xf32, #tpu.memory_space<vmem>> -> memref<1x64xf32, #tpu.memory_space<vmem>>
      %dma_start3A_440 = arith.constant 0 : i32
      %dma_start3A_441 = tpu.memref_slice %arg5[%squeeze3A_429, %dma_start3A_440] : memref<100000x64xf32, #tpu.memory_space<hbm>> -> memref<1x64xf32, #tpu.memory_space<hbm>>
      tpu.enqueue_dma source(%dma_start3A_441 : memref<1x64xf32, #tpu.memory_space<hbm>>) target(%dma_start3A_439 : memref<1x64xf32, #tpu.memory_space<vmem>>) target_semaphore(%arg16 : memref<!tpu.dma_semaphore, #tpu.memory_space<semaphore_mem>>)
      %slice3A_442 = vector.extract_strided_slice %get3A_102 {offsets = [12], sizes = [1], strides = [1]} : vector<16xi32> to vector<1xi32>
      %squeeze3A_443 = vector.extract %slice3A_442[0] : i32 from vector<1xi32>
      %mul3A_444 = arith.constant 16 : i32
      %mul3A_445 = arith.muli %scan3A_97, %mul3A_444 : i32
      %add3A_446 = arith.constant 12 : i32
      %add3A_447 = arith.addi %mul3A_445, %add3A_446 : i32
      %dma_start3A_448 = arith.constant 0 : i32
      %dma_start3A_449 = tpu.memref_slice %arg9[%add3A_447, %dma_start3A_448] : memref<128x64xf32, #tpu.memory_space<vmem>> -> memref<1x64xf32, #tpu.memory_space<vmem>>
      %dma_start3A_450 = arith.constant 0 : i32
      %dma_start3A_451 = tpu.memref_slice %arg4[%squeeze3A_443, %dma_start3A_450] : memref<1000000x64xf32, #tpu.memory_space<hbm>> -> memref<1x64xf32, #tpu.memory_space<hbm>>
      %dma_start3A_452 = arith.constant 0 : i32
      %dma_start3A_453 = tpu.memref_slice %arg9[%add3A_447, %dma_start3A_452] : memref<128x64xf32, #tpu.memory_space<vmem>> -> memref<1x64xf32, #tpu.memory_space<vmem>>
      %dma_start3A_454 = arith.constant 0 : i32
      %dma_start3A_455 = tpu.memref_slice %arg4[%squeeze3A_443, %dma_start3A_454] : memref<1000000x64xf32, #tpu.memory_space<hbm>> -> memref<1x64xf32, #tpu.memory_space<hbm>>
      tpu.enqueue_dma source(%dma_start3A_455 : memref<1x64xf32, #tpu.memory_space<hbm>>) target(%dma_start3A_453 : memref<1x64xf32, #tpu.memory_space<vmem>>) target_semaphore(%arg14 : memref<!tpu.dma_semaphore, #tpu.memory_space<semaphore_mem>>)
      %slice3A_456 = vector.extract_strided_slice %get3A_108 {offsets = [12], sizes = [1], strides = [1]} : vector<16xi32> to vector<1xi32>
      %squeeze3A_457 = vector.extract %slice3A_456[0] : i32 from vector<1xi32>
      %mul3A_458 = arith.constant 16 : i32
      %mul3A_459 = arith.muli %scan3A_97, %mul3A_458 : i32
      %add3A_460 = arith.constant 12 : i32
      %add3A_461 = arith.addi %mul3A_459, %add3A_460 : i32
      %dma_start3A_462 = arith.constant 0 : i32
      %dma_start3A_463 = tpu.memref_slice %arg11[%add3A_461, %dma_start3A_462] : memref<128x64xf32, #tpu.memory_space<vmem>> -> memref<1x64xf32, #tpu.memory_space<vmem>>
      %dma_start3A_464 = arith.constant 0 : i32
      %dma_start3A_465 = tpu.memref_slice %arg5[%squeeze3A_457, %dma_start3A_464] : memref<100000x64xf32, #tpu.memory_space<hbm>> -> memref<1x64xf32, #tpu.memory_space<hbm>>
      %dma_start3A_466 = arith.constant 0 : i32
      %dma_start3A_467 = tpu.memref_slice %arg11[%add3A_461, %dma_start3A_466] : memref<128x64xf32, #tpu.memory_space<vmem>> -> memref<1x64xf32, #tpu.memory_space<vmem>>
      %dma_start3A_468 = arith.constant 0 : i32
      %dma_start3A_469 = tpu.memref_slice %arg5[%squeeze3A_457, %dma_start3A_468] : memref<100000x64xf32, #tpu.memory_space<hbm>> -> memref<1x64xf32, #tpu.memory_space<hbm>>
      tpu.enqueue_dma source(%dma_start3A_469 : memref<1x64xf32, #tpu.memory_space<hbm>>) target(%dma_start3A_467 : memref<1x64xf32, #tpu.memory_space<vmem>>) target_semaphore(%arg16 : memref<!tpu.dma_semaphore, #tpu.memory_space<semaphore_mem>>)
      %slice3A_470 = vector.extract_strided_slice %get3A_102 {offsets = [13], sizes = [1], strides = [1]} : vector<16xi32> to vector<1xi32>
      %squeeze3A_471 = vector.extract %slice3A_470[0] : i32 from vector<1xi32>
      %mul3A_472 = arith.constant 16 : i32
      %mul3A_473 = arith.muli %scan3A_97, %mul3A_472 : i32
      %add3A_474 = arith.constant 13 : i32
      %add3A_475 = arith.addi %mul3A_473, %add3A_474 : i32
      %dma_start3A_476 = arith.constant 0 : i32
      %dma_start3A_477 = tpu.memref_slice %arg9[%add3A_475, %dma_start3A_476] : memref<128x64xf32, #tpu.memory_space<vmem>> -> memref<1x64xf32, #tpu.memory_space<vmem>>
      %dma_start3A_478 = arith.constant 0 : i32
      %dma_start3A_479 = tpu.memref_slice %arg4[%squeeze3A_471, %dma_start3A_478] : memref<1000000x64xf32, #tpu.memory_space<hbm>> -> memref<1x64xf32, #tpu.memory_space<hbm>>
      %dma_start3A_480 = arith.constant 0 : i32
      %dma_start3A_481 = tpu.memref_slice %arg9[%add3A_475, %dma_start3A_480] : memref<128x64xf32, #tpu.memory_space<vmem>> -> memref<1x64xf32, #tpu.memory_space<vmem>>
      %dma_start3A_482 = arith.constant 0 : i32
      %dma_start3A_483 = tpu.memref_slice %arg4[%squeeze3A_471, %dma_start3A_482] : memref<1000000x64xf32, #tpu.memory_space<hbm>> -> memref<1x64xf32, #tpu.memory_space<hbm>>
      tpu.enqueue_dma source(%dma_start3A_483 : memref<1x64xf32, #tpu.memory_space<hbm>>) target(%dma_start3A_481 : memref<1x64xf32, #tpu.memory_space<vmem>>) target_semaphore(%arg14 : memref<!tpu.dma_semaphore, #tpu.memory_space<semaphore_mem>>)
      %slice3A_484 = vector.extract_strided_slice %get3A_108 {offsets = [13], sizes = [1], strides = [1]} : vector<16xi32> to vector<1xi32>
      %squeeze3A_485 = vector.extract %slice3A_484[0] : i32 from vector<1xi32>
      %mul3A_486 = arith.constant 16 : i32
      %mul3A_487 = arith.muli %scan3A_97, %mul3A_486 : i32
      %add3A_488 = arith.constant 13 : i32
      %add3A_489 = arith.addi %mul3A_487, %add3A_488 : i32
      %dma_start3A_490 = arith.constant 0 : i32
      %dma_start3A_491 = tpu.memref_slice %arg11[%add3A_489, %dma_start3A_490] : memref<128x64xf32, #tpu.memory_space<vmem>> -> memref<1x64xf32, #tpu.memory_space<vmem>>
      %dma_start3A_492 = arith.constant 0 : i32
      %dma_start3A_493 = tpu.memref_slice %arg5[%squeeze3A_485, %dma_start3A_492] : memref<100000x64xf32, #tpu.memory_space<hbm>> -> memref<1x64xf32, #tpu.memory_space<hbm>>
      %dma_start3A_494 = arith.constant 0 : i32
      %dma_start3A_495 = tpu.memref_slice %arg11[%add3A_489, %dma_start3A_494] : memref<128x64xf32, #tpu.memory_space<vmem>> -> memref<1x64xf32, #tpu.memory_space<vmem>>
      %dma_start3A_496 = arith.constant 0 : i32
      %dma_start3A_497 = tpu.memref_slice %arg5[%squeeze3A_485, %dma_start3A_496] : memref<100000x64xf32, #tpu.memory_space<hbm>> -> memref<1x64xf32, #tpu.memory_space<hbm>>
      tpu.enqueue_dma source(%dma_start3A_497 : memref<1x64xf32, #tpu.memory_space<hbm>>) target(%dma_start3A_495 : memref<1x64xf32, #tpu.memory_space<vmem>>) target_semaphore(%arg16 : memref<!tpu.dma_semaphore, #tpu.memory_space<semaphore_mem>>)
      %slice3A_498 = vector.extract_strided_slice %get3A_102 {offsets = [14], sizes = [1], strides = [1]} : vector<16xi32> to vector<1xi32>
      %squeeze3A_499 = vector.extract %slice3A_498[0] : i32 from vector<1xi32>
      %mul3A_500 = arith.constant 16 : i32
      %mul3A_501 = arith.muli %scan3A_97, %mul3A_500 : i32
      %add3A_502 = arith.constant 14 : i32
      %add3A_503 = arith.addi %mul3A_501, %add3A_502 : i32
      %dma_start3A_504 = arith.constant 0 : i32
      %dma_start3A_505 = tpu.memref_slice %arg9[%add3A_503, %dma_start3A_504] : memref<128x64xf32, #tpu.memory_space<vmem>> -> memref<1x64xf32, #tpu.memory_space<vmem>>
      %dma_start3A_506 = arith.constant 0 : i32
      %dma_start3A_507 = tpu.memref_slice %arg4[%squeeze3A_499, %dma_start3A_506] : memref<1000000x64xf32, #tpu.memory_space<hbm>> -> memref<1x64xf32, #tpu.memory_space<hbm>>
      %dma_start3A_508 = arith.constant 0 : i32
      %dma_start3A_509 = tpu.memref_slice %arg9[%add3A_503, %dma_start3A_508] : memref<128x64xf32, #tpu.memory_space<vmem>> -> memref<1x64xf32, #tpu.memory_space<vmem>>
      %dma_start3A_510 = arith.constant 0 : i32
      %dma_start3A_511 = tpu.memref_slice %arg4[%squeeze3A_499, %dma_start3A_510] : memref<1000000x64xf32, #tpu.memory_space<hbm>> -> memref<1x64xf32, #tpu.memory_space<hbm>>
      tpu.enqueue_dma source(%dma_start3A_511 : memref<1x64xf32, #tpu.memory_space<hbm>>) target(%dma_start3A_509 : memref<1x64xf32, #tpu.memory_space<vmem>>) target_semaphore(%arg14 : memref<!tpu.dma_semaphore, #tpu.memory_space<semaphore_mem>>)
      %slice3A_512 = vector.extract_strided_slice %get3A_108 {offsets = [14], sizes = [1], strides = [1]} : vector<16xi32> to vector<1xi32>
      %squeeze3A_513 = vector.extract %slice3A_512[0] : i32 from vector<1xi32>
      %mul3A_514 = arith.constant 16 : i32
      %mul3A_515 = arith.muli %scan3A_97, %mul3A_514 : i32
      %add3A_516 = arith.constant 14 : i32
      %add3A_517 = arith.addi %mul3A_515, %add3A_516 : i32
      %dma_start3A_518 = arith.constant 0 : i32
      %dma_start3A_519 = tpu.memref_slice %arg11[%add3A_517, %dma_start3A_518] : memref<128x64xf32, #tpu.memory_space<vmem>> -> memref<1x64xf32, #tpu.memory_space<vmem>>
      %dma_start3A_520 = arith.constant 0 : i32
      %dma_start3A_521 = tpu.memref_slice %arg5[%squeeze3A_513, %dma_start3A_520] : memref<100000x64xf32, #tpu.memory_space<hbm>> -> memref<1x64xf32, #tpu.memory_space<hbm>>
      %dma_start3A_522 = arith.constant 0 : i32
      %dma_start3A_523 = tpu.memref_slice %arg11[%add3A_517, %dma_start3A_522] : memref<128x64xf32, #tpu.memory_space<vmem>> -> memref<1x64xf32, #tpu.memory_space<vmem>>
      %dma_start3A_524 = arith.constant 0 : i32
      %dma_start3A_525 = tpu.memref_slice %arg5[%squeeze3A_513, %dma_start3A_524] : memref<100000x64xf32, #tpu.memory_space<hbm>> -> memref<1x64xf32, #tpu.memory_space<hbm>>
      tpu.enqueue_dma source(%dma_start3A_525 : memref<1x64xf32, #tpu.memory_space<hbm>>) target(%dma_start3A_523 : memref<1x64xf32, #tpu.memory_space<vmem>>) target_semaphore(%arg16 : memref<!tpu.dma_semaphore, #tpu.memory_space<semaphore_mem>>)
      %slice3A_526 = vector.extract_strided_slice %get3A_102 {offsets = [15], sizes = [1], strides = [1]} : vector<16xi32> to vector<1xi32>
      %squeeze3A_527 = vector.extract %slice3A_526[0] : i32 from vector<1xi32>
      %mul3A_528 = arith.constant 16 : i32
      %mul3A_529 = arith.muli %scan3A_97, %mul3A_528 : i32
      %add3A_530 = arith.constant 15 : i32
      %add3A_531 = arith.addi %mul3A_529, %add3A_530 : i32
      %dma_start3A_532 = arith.constant 0 : i32
      %dma_start3A_533 = tpu.memref_slice %arg9[%add3A_531, %dma_start3A_532] : memref<128x64xf32, #tpu.memory_space<vmem>> -> memref<1x64xf32, #tpu.memory_space<vmem>>
      %dma_start3A_534 = arith.constant 0 : i32
      %dma_start3A_535 = tpu.memref_slice %arg4[%squeeze3A_527, %dma_start3A_534] : memref<1000000x64xf32, #tpu.memory_space<hbm>> -> memref<1x64xf32, #tpu.memory_space<hbm>>
      %dma_start3A_536 = arith.constant 0 : i32
      %dma_start3A_537 = tpu.memref_slice %arg9[%add3A_531, %dma_start3A_536] : memref<128x64xf32, #tpu.memory_space<vmem>> -> memref<1x64xf32, #tpu.memory_space<vmem>>
      %dma_start3A_538 = arith.constant 0 : i32
      %dma_start3A_539 = tpu.memref_slice %arg4[%squeeze3A_527, %dma_start3A_538] : memref<1000000x64xf32, #tpu.memory_space<hbm>> -> memref<1x64xf32, #tpu.memory_space<hbm>>
      tpu.enqueue_dma source(%dma_start3A_539 : memref<1x64xf32, #tpu.memory_space<hbm>>) target(%dma_start3A_537 : memref<1x64xf32, #tpu.memory_space<vmem>>) target_semaphore(%arg14 : memref<!tpu.dma_semaphore, #tpu.memory_space<semaphore_mem>>)
      %slice3A_540 = vector.extract_strided_slice %get3A_108 {offsets = [15], sizes = [1], strides = [1]} : vector<16xi32> to vector<1xi32>
      %squeeze3A_541 = vector.extract %slice3A_540[0] : i32 from vector<1xi32>
      %mul3A_542 = arith.constant 16 : i32
      %mul3A_543 = arith.muli %scan3A_97, %mul3A_542 : i32
      %add3A_544 = arith.constant 15 : i32
      %add3A_545 = arith.addi %mul3A_543, %add3A_544 : i32
      %dma_start3A_546 = arith.constant 0 : i32
      %dma_start3A_547 = tpu.memref_slice %arg11[%add3A_545, %dma_start3A_546] : memref<128x64xf32, #tpu.memory_space<vmem>> -> memref<1x64xf32, #tpu.memory_space<vmem>>
      %dma_start3A_548 = arith.constant 0 : i32
      %dma_start3A_549 = tpu.memref_slice %arg5[%squeeze3A_541, %dma_start3A_548] : memref<100000x64xf32, #tpu.memory_space<hbm>> -> memref<1x64xf32, #tpu.memory_space<hbm>>
      %dma_start3A_550 = arith.constant 0 : i32
      %dma_start3A_551 = tpu.memref_slice %arg11[%add3A_545, %dma_start3A_550] : memref<128x64xf32, #tpu.memory_space<vmem>> -> memref<1x64xf32, #tpu.memory_space<vmem>>
      %dma_start3A_552 = arith.constant 0 : i32
      %dma_start3A_553 = tpu.memref_slice %arg5[%squeeze3A_541, %dma_start3A_552] : memref<100000x64xf32, #tpu.memory_space<hbm>> -> memref<1x64xf32, #tpu.memory_space<hbm>>
      tpu.enqueue_dma source(%dma_start3A_553 : memref<1x64xf32, #tpu.memory_space<hbm>>) target(%dma_start3A_551 : memref<1x64xf32, #tpu.memory_space<vmem>>) target_semaphore(%arg16 : memref<!tpu.dma_semaphore, #tpu.memory_space<semaphore_mem>>)
    }
    %scan3A_7 = arith.constant 8 : i32
    %scan3A_8 = arith.constant 0 : i32
    %scan3A_9 = arith.constant 0 : i32
    %scan3A_10 = arith.constant 8 : i32
    %scan3A_11 = arith.addi %scan3A_9, %scan3A_10 : i32
    %scan3A_12 = arith.constant 1 : i32
    scf.for %scan3A_97 = %scan3A_9 to %scan3A_11 step %scan3A_12  : i32 {
      %mul3A_98 = arith.constant 16 : i32
      %mul3A_99 = arith.muli %scan3A_97, %mul3A_98 : i32
      %add3A_100 = arith.constant 128 : i32
      %add3A_101 = arith.addi %add3A_100, %mul3A_99 : i32
      %get3A = arith.index_cast %add3A_101 : i32 to index
      %get3A_102 = tpu.vector_load %arg7[%get3A] {strides = array<i32>} : memref<512xi32, #tpu.memory_space<vmem>>, vector<16xi32>,
      %mul3A_103 = arith.constant 16 : i32
      %mul3A_104 = arith.muli %scan3A_97, %mul3A_103 : i32
      %add3A_105 = arith.constant 128 : i32
      %add3A_106 = arith.addi %add3A_105, %mul3A_104 : i32
      %get3A_107 = arith.index_cast %add3A_106 : i32 to index
      %get3A_108 = tpu.vector_load %arg8[%get3A_107] {strides = array<i32>} : memref<512xi32, #tpu.memory_space<vmem>>, vector<16xi32>,
      %slice3A = vector.extract_strided_slice %get3A_102 {offsets = [0], sizes = [1], strides = [1]} : vector<16xi32> to vector<1xi32>
      %squeeze3A = vector.extract %slice3A[0] : i32 from vector<1xi32>
      %mul3A_109 = arith.constant 16 : i32
      %mul3A_110 = arith.muli %scan3A_97, %mul3A_109 : i32
      %add3A_111 = arith.constant 0 : i32
      %add3A_112 = arith.addi %mul3A_110, %add3A_111 : i32
      %dma_start3A = arith.constant 0 : i32
      %dma_start3A_113 = tpu.memref_slice %arg10[%add3A_112, %dma_start3A] : memref<128x64xf32, #tpu.memory_space<vmem>> -> memref<1x64xf32, #tpu.memory_space<vmem>>
      %dma_start3A_114 = arith.constant 0 : i32
      %dma_start3A_115 = tpu.memref_slice %arg4[%squeeze3A, %dma_start3A_114] : memref<1000000x64xf32, #tpu.memory_space<hbm>> -> memref<1x64xf32, #tpu.memory_space<hbm>>
      %dma_start3A_116 = arith.constant 0 : i32
      %dma_start3A_117 = tpu.memref_slice %arg10[%add3A_112, %dma_start3A_116] : memref<128x64xf32, #tpu.memory_space<vmem>> -> memref<1x64xf32, #tpu.memory_space<vmem>>
      %dma_start3A_118 = arith.constant 0 : i32
      %dma_start3A_119 = tpu.memref_slice %arg4[%squeeze3A, %dma_start3A_118] : memref<1000000x64xf32, #tpu.memory_space<hbm>> -> memref<1x64xf32, #tpu.memory_space<hbm>>
      tpu.enqueue_dma source(%dma_start3A_119 : memref<1x64xf32, #tpu.memory_space<hbm>>) target(%dma_start3A_117 : memref<1x64xf32, #tpu.memory_space<vmem>>) target_semaphore(%arg15 : memref<!tpu.dma_semaphore, #tpu.memory_space<semaphore_mem>>)
      %slice3A_120 = vector.extract_strided_slice %get3A_108 {offsets = [0], sizes = [1], strides = [1]} : vector<16xi32> to vector<1xi32>
      %squeeze3A_121 = vector.extract %slice3A_120[0] : i32 from vector<1xi32>
      %mul3A_122 = arith.constant 16 : i32
      %mul3A_123 = arith.muli %scan3A_97, %mul3A_122 : i32
      %add3A_124 = arith.constant 0 : i32
      %add3A_125 = arith.addi %mul3A_123, %add3A_124 : i32
      %dma_start3A_126 = arith.constant 0 : i32
      %dma_start3A_127 = tpu.memref_slice %arg12[%add3A_125, %dma_start3A_126] : memref<128x64xf32, #tpu.memory_space<vmem>> -> memref<1x64xf32, #tpu.memory_space<vmem>>
      %dma_start3A_128 = arith.constant 0 : i32
      %dma_start3A_129 = tpu.memref_slice %arg5[%squeeze3A_121, %dma_start3A_128] : memref<100000x64xf32, #tpu.memory_space<hbm>> -> memref<1x64xf32, #tpu.memory_space<hbm>>
      %dma_start3A_130 = arith.constant 0 : i32
      %dma_start3A_131 = tpu.memref_slice %arg12[%add3A_125, %dma_start3A_130] : memref<128x64xf32, #tpu.memory_space<vmem>> -> memref<1x64xf32, #tpu.memory_space<vmem>>
      %dma_start3A_132 = arith.constant 0 : i32
      %dma_start3A_133 = tpu.memref_slice %arg5[%squeeze3A_121, %dma_start3A_132] : memref<100000x64xf32, #tpu.memory_space<hbm>> -> memref<1x64xf32, #tpu.memory_space<hbm>>
      tpu.enqueue_dma source(%dma_start3A_133 : memref<1x64xf32, #tpu.memory_space<hbm>>) target(%dma_start3A_131 : memref<1x64xf32, #tpu.memory_space<vmem>>) target_semaphore(%arg17 : memref<!tpu.dma_semaphore, #tpu.memory_space<semaphore_mem>>)
      %slice3A_134 = vector.extract_strided_slice %get3A_102 {offsets = [1], sizes = [1], strides = [1]} : vector<16xi32> to vector<1xi32>
      %squeeze3A_135 = vector.extract %slice3A_134[0] : i32 from vector<1xi32>
      %mul3A_136 = arith.constant 16 : i32
      %mul3A_137 = arith.muli %scan3A_97, %mul3A_136 : i32
      %add3A_138 = arith.constant 1 : i32
      %add3A_139 = arith.addi %mul3A_137, %add3A_138 : i32
      %dma_start3A_140 = arith.constant 0 : i32
      %dma_start3A_141 = tpu.memref_slice %arg10[%add3A_139, %dma_start3A_140] : memref<128x64xf32, #tpu.memory_space<vmem>> -> memref<1x64xf32, #tpu.memory_space<vmem>>
      %dma_start3A_142 = arith.constant 0 : i32
      %dma_start3A_143 = tpu.memref_slice %arg4[%squeeze3A_135, %dma_start3A_142] : memref<1000000x64xf32, #tpu.memory_space<hbm>> -> memref<1x64xf32, #tpu.memory_space<hbm>>
      %dma_start3A_144 = arith.constant 0 : i32
      %dma_start3A_145 = tpu.memref_slice %arg10[%add3A_139, %dma_start3A_144] : memref<128x64xf32, #tpu.memory_space<vmem>> -> memref<1x64xf32, #tpu.memory_space<vmem>>
      %dma_start3A_146 = arith.constant 0 : i32
      %dma_start3A_147 = tpu.memref_slice %arg4[%squeeze3A_135, %dma_start3A_146] : memref<1000000x64xf32, #tpu.memory_space<hbm>> -> memref<1x64xf32, #tpu.memory_space<hbm>>
      tpu.enqueue_dma source(%dma_start3A_147 : memref<1x64xf32, #tpu.memory_space<hbm>>) target(%dma_start3A_145 : memref<1x64xf32, #tpu.memory_space<vmem>>) target_semaphore(%arg15 : memref<!tpu.dma_semaphore, #tpu.memory_space<semaphore_mem>>)
      %slice3A_148 = vector.extract_strided_slice %get3A_108 {offsets = [1], sizes = [1], strides = [1]} : vector<16xi32> to vector<1xi32>
      %squeeze3A_149 = vector.extract %slice3A_148[0] : i32 from vector<1xi32>
      %mul3A_150 = arith.constant 16 : i32
      %mul3A_151 = arith.muli %scan3A_97, %mul3A_150 : i32
      %add3A_152 = arith.constant 1 : i32
      %add3A_153 = arith.addi %mul3A_151, %add3A_152 : i32
      %dma_start3A_154 = arith.constant 0 : i32
      %dma_start3A_155 = tpu.memref_slice %arg12[%add3A_153, %dma_start3A_154] : memref<128x64xf32, #tpu.memory_space<vmem>> -> memref<1x64xf32, #tpu.memory_space<vmem>>
      %dma_start3A_156 = arith.constant 0 : i32
      %dma_start3A_157 = tpu.memref_slice %arg5[%squeeze3A_149, %dma_start3A_156] : memref<100000x64xf32, #tpu.memory_space<hbm>> -> memref<1x64xf32, #tpu.memory_space<hbm>>
      %dma_start3A_158 = arith.constant 0 : i32
      %dma_start3A_159 = tpu.memref_slice %arg12[%add3A_153, %dma_start3A_158] : memref<128x64xf32, #tpu.memory_space<vmem>> -> memref<1x64xf32, #tpu.memory_space<vmem>>
      %dma_start3A_160 = arith.constant 0 : i32
      %dma_start3A_161 = tpu.memref_slice %arg5[%squeeze3A_149, %dma_start3A_160] : memref<100000x64xf32, #tpu.memory_space<hbm>> -> memref<1x64xf32, #tpu.memory_space<hbm>>
      tpu.enqueue_dma source(%dma_start3A_161 : memref<1x64xf32, #tpu.memory_space<hbm>>) target(%dma_start3A_159 : memref<1x64xf32, #tpu.memory_space<vmem>>) target_semaphore(%arg17 : memref<!tpu.dma_semaphore, #tpu.memory_space<semaphore_mem>>)
      %slice3A_162 = vector.extract_strided_slice %get3A_102 {offsets = [2], sizes = [1], strides = [1]} : vector<16xi32> to vector<1xi32>
      %squeeze3A_163 = vector.extract %slice3A_162[0] : i32 from vector<1xi32>
      %mul3A_164 = arith.constant 16 : i32
      %mul3A_165 = arith.muli %scan3A_97, %mul3A_164 : i32
      %add3A_166 = arith.constant 2 : i32
      %add3A_167 = arith.addi %mul3A_165, %add3A_166 : i32
      %dma_start3A_168 = arith.constant 0 : i32
      %dma_start3A_169 = tpu.memref_slice %arg10[%add3A_167, %dma_start3A_168] : memref<128x64xf32, #tpu.memory_space<vmem>> -> memref<1x64xf32, #tpu.memory_space<vmem>>
      %dma_start3A_170 = arith.constant 0 : i32
      %dma_start3A_171 = tpu.memref_slice %arg4[%squeeze3A_163, %dma_start3A_170] : memref<1000000x64xf32, #tpu.memory_space<hbm>> -> memref<1x64xf32, #tpu.memory_space<hbm>>
      %dma_start3A_172 = arith.constant 0 : i32
      %dma_start3A_173 = tpu.memref_slice %arg10[%add3A_167, %dma_start3A_172] : memref<128x64xf32, #tpu.memory_space<vmem>> -> memref<1x64xf32, #tpu.memory_space<vmem>>
      %dma_start3A_174 = arith.constant 0 : i32
      %dma_start3A_175 = tpu.memref_slice %arg4[%squeeze3A_163, %dma_start3A_174] : memref<1000000x64xf32, #tpu.memory_space<hbm>> -> memref<1x64xf32, #tpu.memory_space<hbm>>
      tpu.enqueue_dma source(%dma_start3A_175 : memref<1x64xf32, #tpu.memory_space<hbm>>) target(%dma_start3A_173 : memref<1x64xf32, #tpu.memory_space<vmem>>) target_semaphore(%arg15 : memref<!tpu.dma_semaphore, #tpu.memory_space<semaphore_mem>>)
      %slice3A_176 = vector.extract_strided_slice %get3A_108 {offsets = [2], sizes = [1], strides = [1]} : vector<16xi32> to vector<1xi32>
      %squeeze3A_177 = vector.extract %slice3A_176[0] : i32 from vector<1xi32>
      %mul3A_178 = arith.constant 16 : i32
      %mul3A_179 = arith.muli %scan3A_97, %mul3A_178 : i32
      %add3A_180 = arith.constant 2 : i32
      %add3A_181 = arith.addi %mul3A_179, %add3A_180 : i32
      %dma_start3A_182 = arith.constant 0 : i32
      %dma_start3A_183 = tpu.memref_slice %arg12[%add3A_181, %dma_start3A_182] : memref<128x64xf32, #tpu.memory_space<vmem>> -> memref<1x64xf32, #tpu.memory_space<vmem>>
      %dma_start3A_184 = arith.constant 0 : i32
      %dma_start3A_185 = tpu.memref_slice %arg5[%squeeze3A_177, %dma_start3A_184] : memref<100000x64xf32, #tpu.memory_space<hbm>> -> memref<1x64xf32, #tpu.memory_space<hbm>>
      %dma_start3A_186 = arith.constant 0 : i32
      %dma_start3A_187 = tpu.memref_slice %arg12[%add3A_181, %dma_start3A_186] : memref<128x64xf32, #tpu.memory_space<vmem>> -> memref<1x64xf32, #tpu.memory_space<vmem>>
      %dma_start3A_188 = arith.constant 0 : i32
      %dma_start3A_189 = tpu.memref_slice %arg5[%squeeze3A_177, %dma_start3A_188] : memref<100000x64xf32, #tpu.memory_space<hbm>> -> memref<1x64xf32, #tpu.memory_space<hbm>>
      tpu.enqueue_dma source(%dma_start3A_189 : memref<1x64xf32, #tpu.memory_space<hbm>>) target(%dma_start3A_187 : memref<1x64xf32, #tpu.memory_space<vmem>>) target_semaphore(%arg17 : memref<!tpu.dma_semaphore, #tpu.memory_space<semaphore_mem>>)
      %slice3A_190 = vector.extract_strided_slice %get3A_102 {offsets = [3], sizes = [1], strides = [1]} : vector<16xi32> to vector<1xi32>
      %squeeze3A_191 = vector.extract %slice3A_190[0] : i32 from vector<1xi32>
      %mul3A_192 = arith.constant 16 : i32
      %mul3A_193 = arith.muli %scan3A_97, %mul3A_192 : i32
      %add3A_194 = arith.constant 3 : i32
      %add3A_195 = arith.addi %mul3A_193, %add3A_194 : i32
      %dma_start3A_196 = arith.constant 0 : i32
      %dma_start3A_197 = tpu.memref_slice %arg10[%add3A_195, %dma_start3A_196] : memref<128x64xf32, #tpu.memory_space<vmem>> -> memref<1x64xf32, #tpu.memory_space<vmem>>
      %dma_start3A_198 = arith.constant 0 : i32
      %dma_start3A_199 = tpu.memref_slice %arg4[%squeeze3A_191, %dma_start3A_198] : memref<1000000x64xf32, #tpu.memory_space<hbm>> -> memref<1x64xf32, #tpu.memory_space<hbm>>
      %dma_start3A_200 = arith.constant 0 : i32
      %dma_start3A_201 = tpu.memref_slice %arg10[%add3A_195, %dma_start3A_200] : memref<128x64xf32, #tpu.memory_space<vmem>> -> memref<1x64xf32, #tpu.memory_space<vmem>>
      %dma_start3A_202 = arith.constant 0 : i32
      %dma_start3A_203 = tpu.memref_slice %arg4[%squeeze3A_191, %dma_start3A_202] : memref<1000000x64xf32, #tpu.memory_space<hbm>> -> memref<1x64xf32, #tpu.memory_space<hbm>>
      tpu.enqueue_dma source(%dma_start3A_203 : memref<1x64xf32, #tpu.memory_space<hbm>>) target(%dma_start3A_201 : memref<1x64xf32, #tpu.memory_space<vmem>>) target_semaphore(%arg15 : memref<!tpu.dma_semaphore, #tpu.memory_space<semaphore_mem>>)
      %slice3A_204 = vector.extract_strided_slice %get3A_108 {offsets = [3], sizes = [1], strides = [1]} : vector<16xi32> to vector<1xi32>
      %squeeze3A_205 = vector.extract %slice3A_204[0] : i32 from vector<1xi32>
      %mul3A_206 = arith.constant 16 : i32
      %mul3A_207 = arith.muli %scan3A_97, %mul3A_206 : i32
      %add3A_208 = arith.constant 3 : i32
      %add3A_209 = arith.addi %mul3A_207, %add3A_208 : i32
      %dma_start3A_210 = arith.constant 0 : i32
      %dma_start3A_211 = tpu.memref_slice %arg12[%add3A_209, %dma_start3A_210] : memref<128x64xf32, #tpu.memory_space<vmem>> -> memref<1x64xf32, #tpu.memory_space<vmem>>
      %dma_start3A_212 = arith.constant 0 : i32
      %dma_start3A_213 = tpu.memref_slice %arg5[%squeeze3A_205, %dma_start3A_212] : memref<100000x64xf32, #tpu.memory_space<hbm>> -> memref<1x64xf32, #tpu.memory_space<hbm>>
      %dma_start3A_214 = arith.constant 0 : i32
      %dma_start3A_215 = tpu.memref_slice %arg12[%add3A_209, %dma_start3A_214] : memref<128x64xf32, #tpu.memory_space<vmem>> -> memref<1x64xf32, #tpu.memory_space<vmem>>
      %dma_start3A_216 = arith.constant 0 : i32
      %dma_start3A_217 = tpu.memref_slice %arg5[%squeeze3A_205, %dma_start3A_216] : memref<100000x64xf32, #tpu.memory_space<hbm>> -> memref<1x64xf32, #tpu.memory_space<hbm>>
      tpu.enqueue_dma source(%dma_start3A_217 : memref<1x64xf32, #tpu.memory_space<hbm>>) target(%dma_start3A_215 : memref<1x64xf32, #tpu.memory_space<vmem>>) target_semaphore(%arg17 : memref<!tpu.dma_semaphore, #tpu.memory_space<semaphore_mem>>)
      %slice3A_218 = vector.extract_strided_slice %get3A_102 {offsets = [4], sizes = [1], strides = [1]} : vector<16xi32> to vector<1xi32>
      %squeeze3A_219 = vector.extract %slice3A_218[0] : i32 from vector<1xi32>
      %mul3A_220 = arith.constant 16 : i32
      %mul3A_221 = arith.muli %scan3A_97, %mul3A_220 : i32
      %add3A_222 = arith.constant 4 : i32
      %add3A_223 = arith.addi %mul3A_221, %add3A_222 : i32
      %dma_start3A_224 = arith.constant 0 : i32
      %dma_start3A_225 = tpu.memref_slice %arg10[%add3A_223, %dma_start3A_224] : memref<128x64xf32, #tpu.memory_space<vmem>> -> memref<1x64xf32, #tpu.memory_space<vmem>>
      %dma_start3A_226 = arith.constant 0 : i32
      %dma_start3A_227 = tpu.memref_slice %arg4[%squeeze3A_219, %dma_start3A_226] : memref<1000000x64xf32, #tpu.memory_space<hbm>> -> memref<1x64xf32, #tpu.memory_space<hbm>>
      %dma_start3A_228 = arith.constant 0 : i32
      %dma_start3A_229 = tpu.memref_slice %arg10[%add3A_223, %dma_start3A_228] : memref<128x64xf32, #tpu.memory_space<vmem>> -> memref<1x64xf32, #tpu.memory_space<vmem>>
      %dma_start3A_230 = arith.constant 0 : i32
      %dma_start3A_231 = tpu.memref_slice %arg4[%squeeze3A_219, %dma_start3A_230] : memref<1000000x64xf32, #tpu.memory_space<hbm>> -> memref<1x64xf32, #tpu.memory_space<hbm>>
      tpu.enqueue_dma source(%dma_start3A_231 : memref<1x64xf32, #tpu.memory_space<hbm>>) target(%dma_start3A_229 : memref<1x64xf32, #tpu.memory_space<vmem>>) target_semaphore(%arg15 : memref<!tpu.dma_semaphore, #tpu.memory_space<semaphore_mem>>)
      %slice3A_232 = vector.extract_strided_slice %get3A_108 {offsets = [4], sizes = [1], strides = [1]} : vector<16xi32> to vector<1xi32>
      %squeeze3A_233 = vector.extract %slice3A_232[0] : i32 from vector<1xi32>
      %mul3A_234 = arith.constant 16 : i32
      %mul3A_235 = arith.muli %scan3A_97, %mul3A_234 : i32
      %add3A_236 = arith.constant 4 : i32
      %add3A_237 = arith.addi %mul3A_235, %add3A_236 : i32
      %dma_start3A_238 = arith.constant 0 : i32
      %dma_start3A_239 = tpu.memref_slice %arg12[%add3A_237, %dma_start3A_238] : memref<128x64xf32, #tpu.memory_space<vmem>> -> memref<1x64xf32, #tpu.memory_space<vmem>>
      %dma_start3A_240 = arith.constant 0 : i32
      %dma_start3A_241 = tpu.memref_slice %arg5[%squeeze3A_233, %dma_start3A_240] : memref<100000x64xf32, #tpu.memory_space<hbm>> -> memref<1x64xf32, #tpu.memory_space<hbm>>
      %dma_start3A_242 = arith.constant 0 : i32
      %dma_start3A_243 = tpu.memref_slice %arg12[%add3A_237, %dma_start3A_242] : memref<128x64xf32, #tpu.memory_space<vmem>> -> memref<1x64xf32, #tpu.memory_space<vmem>>
      %dma_start3A_244 = arith.constant 0 : i32
      %dma_start3A_245 = tpu.memref_slice %arg5[%squeeze3A_233, %dma_start3A_244] : memref<100000x64xf32, #tpu.memory_space<hbm>> -> memref<1x64xf32, #tpu.memory_space<hbm>>
      tpu.enqueue_dma source(%dma_start3A_245 : memref<1x64xf32, #tpu.memory_space<hbm>>) target(%dma_start3A_243 : memref<1x64xf32, #tpu.memory_space<vmem>>) target_semaphore(%arg17 : memref<!tpu.dma_semaphore, #tpu.memory_space<semaphore_mem>>)
      %slice3A_246 = vector.extract_strided_slice %get3A_102 {offsets = [5], sizes = [1], strides = [1]} : vector<16xi32> to vector<1xi32>
      %squeeze3A_247 = vector.extract %slice3A_246[0] : i32 from vector<1xi32>
      %mul3A_248 = arith.constant 16 : i32
      %mul3A_249 = arith.muli %scan3A_97, %mul3A_248 : i32
      %add3A_250 = arith.constant 5 : i32
      %add3A_251 = arith.addi %mul3A_249, %add3A_250 : i32
      %dma_start3A_252 = arith.constant 0 : i32
      %dma_start3A_253 = tpu.memref_slice %arg10[%add3A_251, %dma_start3A_252] : memref<128x64xf32, #tpu.memory_space<vmem>> -> memref<1x64xf32, #tpu.memory_space<vmem>>
      %dma_start3A_254 = arith.constant 0 : i32
      %dma_start3A_255 = tpu.memref_slice %arg4[%squeeze3A_247, %dma_start3A_254] : memref<1000000x64xf32, #tpu.memory_space<hbm>> -> memref<1x64xf32, #tpu.memory_space<hbm>>
      %dma_start3A_256 = arith.constant 0 : i32
      %dma_start3A_257 = tpu.memref_slice %arg10[%add3A_251, %dma_start3A_256] : memref<128x64xf32, #tpu.memory_space<vmem>> -> memref<1x64xf32, #tpu.memory_space<vmem>>
      %dma_start3A_258 = arith.constant 0 : i32
      %dma_start3A_259 = tpu.memref_slice %arg4[%squeeze3A_247, %dma_start3A_258] : memref<1000000x64xf32, #tpu.memory_space<hbm>> -> memref<1x64xf32, #tpu.memory_space<hbm>>
      tpu.enqueue_dma source(%dma_start3A_259 : memref<1x64xf32, #tpu.memory_space<hbm>>) target(%dma_start3A_257 : memref<1x64xf32, #tpu.memory_space<vmem>>) target_semaphore(%arg15 : memref<!tpu.dma_semaphore, #tpu.memory_space<semaphore_mem>>)
      %slice3A_260 = vector.extract_strided_slice %get3A_108 {offsets = [5], sizes = [1], strides = [1]} : vector<16xi32> to vector<1xi32>
      %squeeze3A_261 = vector.extract %slice3A_260[0] : i32 from vector<1xi32>
      %mul3A_262 = arith.constant 16 : i32
      %mul3A_263 = arith.muli %scan3A_97, %mul3A_262 : i32
      %add3A_264 = arith.constant 5 : i32
      %add3A_265 = arith.addi %mul3A_263, %add3A_264 : i32
      %dma_start3A_266 = arith.constant 0 : i32
      %dma_start3A_267 = tpu.memref_slice %arg12[%add3A_265, %dma_start3A_266] : memref<128x64xf32, #tpu.memory_space<vmem>> -> memref<1x64xf32, #tpu.memory_space<vmem>>
      %dma_start3A_268 = arith.constant 0 : i32
      %dma_start3A_269 = tpu.memref_slice %arg5[%squeeze3A_261, %dma_start3A_268] : memref<100000x64xf32, #tpu.memory_space<hbm>> -> memref<1x64xf32, #tpu.memory_space<hbm>>
      %dma_start3A_270 = arith.constant 0 : i32
      %dma_start3A_271 = tpu.memref_slice %arg12[%add3A_265, %dma_start3A_270] : memref<128x64xf32, #tpu.memory_space<vmem>> -> memref<1x64xf32, #tpu.memory_space<vmem>>
      %dma_start3A_272 = arith.constant 0 : i32
      %dma_start3A_273 = tpu.memref_slice %arg5[%squeeze3A_261, %dma_start3A_272] : memref<100000x64xf32, #tpu.memory_space<hbm>> -> memref<1x64xf32, #tpu.memory_space<hbm>>
      tpu.enqueue_dma source(%dma_start3A_273 : memref<1x64xf32, #tpu.memory_space<hbm>>) target(%dma_start3A_271 : memref<1x64xf32, #tpu.memory_space<vmem>>) target_semaphore(%arg17 : memref<!tpu.dma_semaphore, #tpu.memory_space<semaphore_mem>>)
      %slice3A_274 = vector.extract_strided_slice %get3A_102 {offsets = [6], sizes = [1], strides = [1]} : vector<16xi32> to vector<1xi32>
      %squeeze3A_275 = vector.extract %slice3A_274[0] : i32 from vector<1xi32>
      %mul3A_276 = arith.constant 16 : i32
      %mul3A_277 = arith.muli %scan3A_97, %mul3A_276 : i32
      %add3A_278 = arith.constant 6 : i32
      %add3A_279 = arith.addi %mul3A_277, %add3A_278 : i32
      %dma_start3A_280 = arith.constant 0 : i32
      %dma_start3A_281 = tpu.memref_slice %arg10[%add3A_279, %dma_start3A_280] : memref<128x64xf32, #tpu.memory_space<vmem>> -> memref<1x64xf32, #tpu.memory_space<vmem>>
      %dma_start3A_282 = arith.constant 0 : i32
      %dma_start3A_283 = tpu.memref_slice %arg4[%squeeze3A_275, %dma_start3A_282] : memref<1000000x64xf32, #tpu.memory_space<hbm>> -> memref<1x64xf32, #tpu.memory_space<hbm>>
      %dma_start3A_284 = arith.constant 0 : i32
      %dma_start3A_285 = tpu.memref_slice %arg10[%add3A_279, %dma_start3A_284] : memref<128x64xf32, #tpu.memory_space<vmem>> -> memref<1x64xf32, #tpu.memory_space<vmem>>
      %dma_start3A_286 = arith.constant 0 : i32
      %dma_start3A_287 = tpu.memref_slice %arg4[%squeeze3A_275, %dma_start3A_286] : memref<1000000x64xf32, #tpu.memory_space<hbm>> -> memref<1x64xf32, #tpu.memory_space<hbm>>
      tpu.enqueue_dma source(%dma_start3A_287 : memref<1x64xf32, #tpu.memory_space<hbm>>) target(%dma_start3A_285 : memref<1x64xf32, #tpu.memory_space<vmem>>) target_semaphore(%arg15 : memref<!tpu.dma_semaphore, #tpu.memory_space<semaphore_mem>>)
      %slice3A_288 = vector.extract_strided_slice %get3A_108 {offsets = [6], sizes = [1], strides = [1]} : vector<16xi32> to vector<1xi32>
      %squeeze3A_289 = vector.extract %slice3A_288[0] : i32 from vector<1xi32>
      %mul3A_290 = arith.constant 16 : i32
      %mul3A_291 = arith.muli %scan3A_97, %mul3A_290 : i32
      %add3A_292 = arith.constant 6 : i32
      %add3A_293 = arith.addi %mul3A_291, %add3A_292 : i32
      %dma_start3A_294 = arith.constant 0 : i32
      %dma_start3A_295 = tpu.memref_slice %arg12[%add3A_293, %dma_start3A_294] : memref<128x64xf32, #tpu.memory_space<vmem>> -> memref<1x64xf32, #tpu.memory_space<vmem>>
      %dma_start3A_296 = arith.constant 0 : i32
      %dma_start3A_297 = tpu.memref_slice %arg5[%squeeze3A_289, %dma_start3A_296] : memref<100000x64xf32, #tpu.memory_space<hbm>> -> memref<1x64xf32, #tpu.memory_space<hbm>>
      %dma_start3A_298 = arith.constant 0 : i32
      %dma_start3A_299 = tpu.memref_slice %arg12[%add3A_293, %dma_start3A_298] : memref<128x64xf32, #tpu.memory_space<vmem>> -> memref<1x64xf32, #tpu.memory_space<vmem>>
      %dma_start3A_300 = arith.constant 0 : i32
      %dma_start3A_301 = tpu.memref_slice %arg5[%squeeze3A_289, %dma_start3A_300] : memref<100000x64xf32, #tpu.memory_space<hbm>> -> memref<1x64xf32, #tpu.memory_space<hbm>>
      tpu.enqueue_dma source(%dma_start3A_301 : memref<1x64xf32, #tpu.memory_space<hbm>>) target(%dma_start3A_299 : memref<1x64xf32, #tpu.memory_space<vmem>>) target_semaphore(%arg17 : memref<!tpu.dma_semaphore, #tpu.memory_space<semaphore_mem>>)
      %slice3A_302 = vector.extract_strided_slice %get3A_102 {offsets = [7], sizes = [1], strides = [1]} : vector<16xi32> to vector<1xi32>
      %squeeze3A_303 = vector.extract %slice3A_302[0] : i32 from vector<1xi32>
      %mul3A_304 = arith.constant 16 : i32
      %mul3A_305 = arith.muli %scan3A_97, %mul3A_304 : i32
      %add3A_306 = arith.constant 7 : i32
      %add3A_307 = arith.addi %mul3A_305, %add3A_306 : i32
      %dma_start3A_308 = arith.constant 0 : i32
      %dma_start3A_309 = tpu.memref_slice %arg10[%add3A_307, %dma_start3A_308] : memref<128x64xf32, #tpu.memory_space<vmem>> -> memref<1x64xf32, #tpu.memory_space<vmem>>
      %dma_start3A_310 = arith.constant 0 : i32
      %dma_start3A_311 = tpu.memref_slice %arg4[%squeeze3A_303, %dma_start3A_310] : memref<1000000x64xf32, #tpu.memory_space<hbm>> -> memref<1x64xf32, #tpu.memory_space<hbm>>
      %dma_start3A_312 = arith.constant 0 : i32
      %dma_start3A_313 = tpu.memref_slice %arg10[%add3A_307, %dma_start3A_312] : memref<128x64xf32, #tpu.memory_space<vmem>> -> memref<1x64xf32, #tpu.memory_space<vmem>>
      %dma_start3A_314 = arith.constant 0 : i32
      %dma_start3A_315 = tpu.memref_slice %arg4[%squeeze3A_303, %dma_start3A_314] : memref<1000000x64xf32, #tpu.memory_space<hbm>> -> memref<1x64xf32, #tpu.memory_space<hbm>>
      tpu.enqueue_dma source(%dma_start3A_315 : memref<1x64xf32, #tpu.memory_space<hbm>>) target(%dma_start3A_313 : memref<1x64xf32, #tpu.memory_space<vmem>>) target_semaphore(%arg15 : memref<!tpu.dma_semaphore, #tpu.memory_space<semaphore_mem>>)
      %slice3A_316 = vector.extract_strided_slice %get3A_108 {offsets = [7], sizes = [1], strides = [1]} : vector<16xi32> to vector<1xi32>
      %squeeze3A_317 = vector.extract %slice3A_316[0] : i32 from vector<1xi32>
      %mul3A_318 = arith.constant 16 : i32
      %mul3A_319 = arith.muli %scan3A_97, %mul3A_318 : i32
      %add3A_320 = arith.constant 7 : i32
      %add3A_321 = arith.addi %mul3A_319, %add3A_320 : i32
      %dma_start3A_322 = arith.constant 0 : i32
      %dma_start3A_323 = tpu.memref_slice %arg12[%add3A_321, %dma_start3A_322] : memref<128x64xf32, #tpu.memory_space<vmem>> -> memref<1x64xf32, #tpu.memory_space<vmem>>
      %dma_start3A_324 = arith.constant 0 : i32
      %dma_start3A_325 = tpu.memref_slice %arg5[%squeeze3A_317, %dma_start3A_324] : memref<100000x64xf32, #tpu.memory_space<hbm>> -> memref<1x64xf32, #tpu.memory_space<hbm>>
      %dma_start3A_326 = arith.constant 0 : i32
      %dma_start3A_327 = tpu.memref_slice %arg12[%add3A_321, %dma_start3A_326] : memref<128x64xf32, #tpu.memory_space<vmem>> -> memref<1x64xf32, #tpu.memory_space<vmem>>
      %dma_start3A_328 = arith.constant 0 : i32
      %dma_start3A_329 = tpu.memref_slice %arg5[%squeeze3A_317, %dma_start3A_328] : memref<100000x64xf32, #tpu.memory_space<hbm>> -> memref<1x64xf32, #tpu.memory_space<hbm>>
      tpu.enqueue_dma source(%dma_start3A_329 : memref<1x64xf32, #tpu.memory_space<hbm>>) target(%dma_start3A_327 : memref<1x64xf32, #tpu.memory_space<vmem>>) target_semaphore(%arg17 : memref<!tpu.dma_semaphore, #tpu.memory_space<semaphore_mem>>)
      %slice3A_330 = vector.extract_strided_slice %get3A_102 {offsets = [8], sizes = [1], strides = [1]} : vector<16xi32> to vector<1xi32>
      %squeeze3A_331 = vector.extract %slice3A_330[0] : i32 from vector<1xi32>
      %mul3A_332 = arith.constant 16 : i32
      %mul3A_333 = arith.muli %scan3A_97, %mul3A_332 : i32
      %add3A_334 = arith.constant 8 : i32
      %add3A_335 = arith.addi %mul3A_333, %add3A_334 : i32
      %dma_start3A_336 = arith.constant 0 : i32
      %dma_start3A_337 = tpu.memref_slice %arg10[%add3A_335, %dma_start3A_336] : memref<128x64xf32, #tpu.memory_space<vmem>> -> memref<1x64xf32, #tpu.memory_space<vmem>>
      %dma_start3A_338 = arith.constant 0 : i32
      %dma_start3A_339 = tpu.memref_slice %arg4[%squeeze3A_331, %dma_start3A_338] : memref<1000000x64xf32, #tpu.memory_space<hbm>> -> memref<1x64xf32, #tpu.memory_space<hbm>>
      %dma_start3A_340 = arith.constant 0 : i32
      %dma_start3A_341 = tpu.memref_slice %arg10[%add3A_335, %dma_start3A_340] : memref<128x64xf32, #tpu.memory_space<vmem>> -> memref<1x64xf32, #tpu.memory_space<vmem>>
      %dma_start3A_342 = arith.constant 0 : i32
      %dma_start3A_343 = tpu.memref_slice %arg4[%squeeze3A_331, %dma_start3A_342] : memref<1000000x64xf32, #tpu.memory_space<hbm>> -> memref<1x64xf32, #tpu.memory_space<hbm>>
      tpu.enqueue_dma source(%dma_start3A_343 : memref<1x64xf32, #tpu.memory_space<hbm>>) target(%dma_start3A_341 : memref<1x64xf32, #tpu.memory_space<vmem>>) target_semaphore(%arg15 : memref<!tpu.dma_semaphore, #tpu.memory_space<semaphore_mem>>)
      %slice3A_344 = vector.extract_strided_slice %get3A_108 {offsets = [8], sizes = [1], strides = [1]} : vector<16xi32> to vector<1xi32>
      %squeeze3A_345 = vector.extract %slice3A_344[0] : i32 from vector<1xi32>
      %mul3A_346 = arith.constant 16 : i32
      %mul3A_347 = arith.muli %scan3A_97, %mul3A_346 : i32
      %add3A_348 = arith.constant 8 : i32
      %add3A_349 = arith.addi %mul3A_347, %add3A_348 : i32
      %dma_start3A_350 = arith.constant 0 : i32
      %dma_start3A_351 = tpu.memref_slice %arg12[%add3A_349, %dma_start3A_350] : memref<128x64xf32, #tpu.memory_space<vmem>> -> memref<1x64xf32, #tpu.memory_space<vmem>>
      %dma_start3A_352 = arith.constant 0 : i32
      %dma_start3A_353 = tpu.memref_slice %arg5[%squeeze3A_345, %dma_start3A_352] : memref<100000x64xf32, #tpu.memory_space<hbm>> -> memref<1x64xf32, #tpu.memory_space<hbm>>
      %dma_start3A_354 = arith.constant 0 : i32
      %dma_start3A_355 = tpu.memref_slice %arg12[%add3A_349, %dma_start3A_354] : memref<128x64xf32, #tpu.memory_space<vmem>> -> memref<1x64xf32, #tpu.memory_space<vmem>>
      %dma_start3A_356 = arith.constant 0 : i32
      %dma_start3A_357 = tpu.memref_slice %arg5[%squeeze3A_345, %dma_start3A_356] : memref<100000x64xf32, #tpu.memory_space<hbm>> -> memref<1x64xf32, #tpu.memory_space<hbm>>
      tpu.enqueue_dma source(%dma_start3A_357 : memref<1x64xf32, #tpu.memory_space<hbm>>) target(%dma_start3A_355 : memref<1x64xf32, #tpu.memory_space<vmem>>) target_semaphore(%arg17 : memref<!tpu.dma_semaphore, #tpu.memory_space<semaphore_mem>>)
      %slice3A_358 = vector.extract_strided_slice %get3A_102 {offsets = [9], sizes = [1], strides = [1]} : vector<16xi32> to vector<1xi32>
      %squeeze3A_359 = vector.extract %slice3A_358[0] : i32 from vector<1xi32>
      %mul3A_360 = arith.constant 16 : i32
      %mul3A_361 = arith.muli %scan3A_97, %mul3A_360 : i32
      %add3A_362 = arith.constant 9 : i32
      %add3A_363 = arith.addi %mul3A_361, %add3A_362 : i32
      %dma_start3A_364 = arith.constant 0 : i32
      %dma_start3A_365 = tpu.memref_slice %arg10[%add3A_363, %dma_start3A_364] : memref<128x64xf32, #tpu.memory_space<vmem>> -> memref<1x64xf32, #tpu.memory_space<vmem>>
      %dma_start3A_366 = arith.constant 0 : i32
      %dma_start3A_367 = tpu.memref_slice %arg4[%squeeze3A_359, %dma_start3A_366] : memref<1000000x64xf32, #tpu.memory_space<hbm>> -> memref<1x64xf32, #tpu.memory_space<hbm>>
      %dma_start3A_368 = arith.constant 0 : i32
      %dma_start3A_369 = tpu.memref_slice %arg10[%add3A_363, %dma_start3A_368] : memref<128x64xf32, #tpu.memory_space<vmem>> -> memref<1x64xf32, #tpu.memory_space<vmem>>
      %dma_start3A_370 = arith.constant 0 : i32
      %dma_start3A_371 = tpu.memref_slice %arg4[%squeeze3A_359, %dma_start3A_370] : memref<1000000x64xf32, #tpu.memory_space<hbm>> -> memref<1x64xf32, #tpu.memory_space<hbm>>
      tpu.enqueue_dma source(%dma_start3A_371 : memref<1x64xf32, #tpu.memory_space<hbm>>) target(%dma_start3A_369 : memref<1x64xf32, #tpu.memory_space<vmem>>) target_semaphore(%arg15 : memref<!tpu.dma_semaphore, #tpu.memory_space<semaphore_mem>>)
      %slice3A_372 = vector.extract_strided_slice %get3A_108 {offsets = [9], sizes = [1], strides = [1]} : vector<16xi32> to vector<1xi32>
      %squeeze3A_373 = vector.extract %slice3A_372[0] : i32 from vector<1xi32>
      %mul3A_374 = arith.constant 16 : i32
      %mul3A_375 = arith.muli %scan3A_97, %mul3A_374 : i32
      %add3A_376 = arith.constant 9 : i32
      %add3A_377 = arith.addi %mul3A_375, %add3A_376 : i32
      %dma_start3A_378 = arith.constant 0 : i32
      %dma_start3A_379 = tpu.memref_slice %arg12[%add3A_377, %dma_start3A_378] : memref<128x64xf32, #tpu.memory_space<vmem>> -> memref<1x64xf32, #tpu.memory_space<vmem>>
      %dma_start3A_380 = arith.constant 0 : i32
      %dma_start3A_381 = tpu.memref_slice %arg5[%squeeze3A_373, %dma_start3A_380] : memref<100000x64xf32, #tpu.memory_space<hbm>> -> memref<1x64xf32, #tpu.memory_space<hbm>>
      %dma_start3A_382 = arith.constant 0 : i32
      %dma_start3A_383 = tpu.memref_slice %arg12[%add3A_377, %dma_start3A_382] : memref<128x64xf32, #tpu.memory_space<vmem>> -> memref<1x64xf32, #tpu.memory_space<vmem>>
      %dma_start3A_384 = arith.constant 0 : i32
      %dma_start3A_385 = tpu.memref_slice %arg5[%squeeze3A_373, %dma_start3A_384] : memref<100000x64xf32, #tpu.memory_space<hbm>> -> memref<1x64xf32, #tpu.memory_space<hbm>>
      tpu.enqueue_dma source(%dma_start3A_385 : memref<1x64xf32, #tpu.memory_space<hbm>>) target(%dma_start3A_383 : memref<1x64xf32, #tpu.memory_space<vmem>>) target_semaphore(%arg17 : memref<!tpu.dma_semaphore, #tpu.memory_space<semaphore_mem>>)
      %slice3A_386 = vector.extract_strided_slice %get3A_102 {offsets = [10], sizes = [1], strides = [1]} : vector<16xi32> to vector<1xi32>
      %squeeze3A_387 = vector.extract %slice3A_386[0] : i32 from vector<1xi32>
      %mul3A_388 = arith.constant 16 : i32
      %mul3A_389 = arith.muli %scan3A_97, %mul3A_388 : i32
      %add3A_390 = arith.constant 10 : i32
      %add3A_391 = arith.addi %mul3A_389, %add3A_390 : i32
      %dma_start3A_392 = arith.constant 0 : i32
      %dma_start3A_393 = tpu.memref_slice %arg10[%add3A_391, %dma_start3A_392] : memref<128x64xf32, #tpu.memory_space<vmem>> -> memref<1x64xf32, #tpu.memory_space<vmem>>
      %dma_start3A_394 = arith.constant 0 : i32
      %dma_start3A_395 = tpu.memref_slice %arg4[%squeeze3A_387, %dma_start3A_394] : memref<1000000x64xf32, #tpu.memory_space<hbm>> -> memref<1x64xf32, #tpu.memory_space<hbm>>
      %dma_start3A_396 = arith.constant 0 : i32
      %dma_start3A_397 = tpu.memref_slice %arg10[%add3A_391, %dma_start3A_396] : memref<128x64xf32, #tpu.memory_space<vmem>> -> memref<1x64xf32, #tpu.memory_space<vmem>>
      %dma_start3A_398 = arith.constant 0 : i32
      %dma_start3A_399 = tpu.memref_slice %arg4[%squeeze3A_387, %dma_start3A_398] : memref<1000000x64xf32, #tpu.memory_space<hbm>> -> memref<1x64xf32, #tpu.memory_space<hbm>>
      tpu.enqueue_dma source(%dma_start3A_399 : memref<1x64xf32, #tpu.memory_space<hbm>>) target(%dma_start3A_397 : memref<1x64xf32, #tpu.memory_space<vmem>>) target_semaphore(%arg15 : memref<!tpu.dma_semaphore, #tpu.memory_space<semaphore_mem>>)
      %slice3A_400 = vector.extract_strided_slice %get3A_108 {offsets = [10], sizes = [1], strides = [1]} : vector<16xi32> to vector<1xi32>
      %squeeze3A_401 = vector.extract %slice3A_400[0] : i32 from vector<1xi32>
      %mul3A_402 = arith.constant 16 : i32
      %mul3A_403 = arith.muli %scan3A_97, %mul3A_402 : i32
      %add3A_404 = arith.constant 10 : i32
      %add3A_405 = arith.addi %mul3A_403, %add3A_404 : i32
      %dma_start3A_406 = arith.constant 0 : i32
      %dma_start3A_407 = tpu.memref_slice %arg12[%add3A_405, %dma_start3A_406] : memref<128x64xf32, #tpu.memory_space<vmem>> -> memref<1x64xf32, #tpu.memory_space<vmem>>
      %dma_start3A_408 = arith.constant 0 : i32
      %dma_start3A_409 = tpu.memref_slice %arg5[%squeeze3A_401, %dma_start3A_408] : memref<100000x64xf32, #tpu.memory_space<hbm>> -> memref<1x64xf32, #tpu.memory_space<hbm>>
      %dma_start3A_410 = arith.constant 0 : i32
      %dma_start3A_411 = tpu.memref_slice %arg12[%add3A_405, %dma_start3A_410] : memref<128x64xf32, #tpu.memory_space<vmem>> -> memref<1x64xf32, #tpu.memory_space<vmem>>
      %dma_start3A_412 = arith.constant 0 : i32
      %dma_start3A_413 = tpu.memref_slice %arg5[%squeeze3A_401, %dma_start3A_412] : memref<100000x64xf32, #tpu.memory_space<hbm>> -> memref<1x64xf32, #tpu.memory_space<hbm>>
      tpu.enqueue_dma source(%dma_start3A_413 : memref<1x64xf32, #tpu.memory_space<hbm>>) target(%dma_start3A_411 : memref<1x64xf32, #tpu.memory_space<vmem>>) target_semaphore(%arg17 : memref<!tpu.dma_semaphore, #tpu.memory_space<semaphore_mem>>)
      %slice3A_414 = vector.extract_strided_slice %get3A_102 {offsets = [11], sizes = [1], strides = [1]} : vector<16xi32> to vector<1xi32>
      %squeeze3A_415 = vector.extract %slice3A_414[0] : i32 from vector<1xi32>
      %mul3A_416 = arith.constant 16 : i32
      %mul3A_417 = arith.muli %scan3A_97, %mul3A_416 : i32
      %add3A_418 = arith.constant 11 : i32
      %add3A_419 = arith.addi %mul3A_417, %add3A_418 : i32
      %dma_start3A_420 = arith.constant 0 : i32
      %dma_start3A_421 = tpu.memref_slice %arg10[%add3A_419, %dma_start3A_420] : memref<128x64xf32, #tpu.memory_space<vmem>> -> memref<1x64xf32, #tpu.memory_space<vmem>>
      %dma_start3A_422 = arith.constant 0 : i32
      %dma_start3A_423 = tpu.memref_slice %arg4[%squeeze3A_415, %dma_start3A_422] : memref<1000000x64xf32, #tpu.memory_space<hbm>> -> memref<1x64xf32, #tpu.memory_space<hbm>>
      %dma_start3A_424 = arith.constant 0 : i32
      %dma_start3A_425 = tpu.memref_slice %arg10[%add3A_419, %dma_start3A_424] : memref<128x64xf32, #tpu.memory_space<vmem>> -> memref<1x64xf32, #tpu.memory_space<vmem>>
      %dma_start3A_426 = arith.constant 0 : i32
      %dma_start3A_427 = tpu.memref_slice %arg4[%squeeze3A_415, %dma_start3A_426] : memref<1000000x64xf32, #tpu.memory_space<hbm>> -> memref<1x64xf32, #tpu.memory_space<hbm>>
      tpu.enqueue_dma source(%dma_start3A_427 : memref<1x64xf32, #tpu.memory_space<hbm>>) target(%dma_start3A_425 : memref<1x64xf32, #tpu.memory_space<vmem>>) target_semaphore(%arg15 : memref<!tpu.dma_semaphore, #tpu.memory_space<semaphore_mem>>)
      %slice3A_428 = vector.extract_strided_slice %get3A_108 {offsets = [11], sizes = [1], strides = [1]} : vector<16xi32> to vector<1xi32>
      %squeeze3A_429 = vector.extract %slice3A_428[0] : i32 from vector<1xi32>
      %mul3A_430 = arith.constant 16 : i32
      %mul3A_431 = arith.muli %scan3A_97, %mul3A_430 : i32
      %add3A_432 = arith.constant 11 : i32
      %add3A_433 = arith.addi %mul3A_431, %add3A_432 : i32
      %dma_start3A_434 = arith.constant 0 : i32
      %dma_start3A_435 = tpu.memref_slice %arg12[%add3A_433, %dma_start3A_434] : memref<128x64xf32, #tpu.memory_space<vmem>> -> memref<1x64xf32, #tpu.memory_space<vmem>>
      %dma_start3A_436 = arith.constant 0 : i32
      %dma_start3A_437 = tpu.memref_slice %arg5[%squeeze3A_429, %dma_start3A_436] : memref<100000x64xf32, #tpu.memory_space<hbm>> -> memref<1x64xf32, #tpu.memory_space<hbm>>
      %dma_start3A_438 = arith.constant 0 : i32
      %dma_start3A_439 = tpu.memref_slice %arg12[%add3A_433, %dma_start3A_438] : memref<128x64xf32, #tpu.memory_space<vmem>> -> memref<1x64xf32, #tpu.memory_space<vmem>>
      %dma_start3A_440 = arith.constant 0 : i32
      %dma_start3A_441 = tpu.memref_slice %arg5[%squeeze3A_429, %dma_start3A_440] : memref<100000x64xf32, #tpu.memory_space<hbm>> -> memref<1x64xf32, #tpu.memory_space<hbm>>
      tpu.enqueue_dma source(%dma_start3A_441 : memref<1x64xf32, #tpu.memory_space<hbm>>) target(%dma_start3A_439 : memref<1x64xf32, #tpu.memory_space<vmem>>) target_semaphore(%arg17 : memref<!tpu.dma_semaphore, #tpu.memory_space<semaphore_mem>>)
      %slice3A_442 = vector.extract_strided_slice %get3A_102 {offsets = [12], sizes = [1], strides = [1]} : vector<16xi32> to vector<1xi32>
      %squeeze3A_443 = vector.extract %slice3A_442[0] : i32 from vector<1xi32>
      %mul3A_444 = arith.constant 16 : i32
      %mul3A_445 = arith.muli %scan3A_97, %mul3A_444 : i32
      %add3A_446 = arith.constant 12 : i32
      %add3A_447 = arith.addi %mul3A_445, %add3A_446 : i32
      %dma_start3A_448 = arith.constant 0 : i32
      %dma_start3A_449 = tpu.memref_slice %arg10[%add3A_447, %dma_start3A_448] : memref<128x64xf32, #tpu.memory_space<vmem>> -> memref<1x64xf32, #tpu.memory_space<vmem>>
      %dma_start3A_450 = arith.constant 0 : i32
      %dma_start3A_451 = tpu.memref_slice %arg4[%squeeze3A_443, %dma_start3A_450] : memref<1000000x64xf32, #tpu.memory_space<hbm>> -> memref<1x64xf32, #tpu.memory_space<hbm>>
      %dma_start3A_452 = arith.constant 0 : i32
      %dma_start3A_453 = tpu.memref_slice %arg10[%add3A_447, %dma_start3A_452] : memref<128x64xf32, #tpu.memory_space<vmem>> -> memref<1x64xf32, #tpu.memory_space<vmem>>
      %dma_start3A_454 = arith.constant 0 : i32
      %dma_start3A_455 = tpu.memref_slice %arg4[%squeeze3A_443, %dma_start3A_454] : memref<1000000x64xf32, #tpu.memory_space<hbm>> -> memref<1x64xf32, #tpu.memory_space<hbm>>
      tpu.enqueue_dma source(%dma_start3A_455 : memref<1x64xf32, #tpu.memory_space<hbm>>) target(%dma_start3A_453 : memref<1x64xf32, #tpu.memory_space<vmem>>) target_semaphore(%arg15 : memref<!tpu.dma_semaphore, #tpu.memory_space<semaphore_mem>>)
      %slice3A_456 = vector.extract_strided_slice %get3A_108 {offsets = [12], sizes = [1], strides = [1]} : vector<16xi32> to vector<1xi32>
      %squeeze3A_457 = vector.extract %slice3A_456[0] : i32 from vector<1xi32>
      %mul3A_458 = arith.constant 16 : i32
      %mul3A_459 = arith.muli %scan3A_97, %mul3A_458 : i32
      %add3A_460 = arith.constant 12 : i32
      %add3A_461 = arith.addi %mul3A_459, %add3A_460 : i32
      %dma_start3A_462 = arith.constant 0 : i32
      %dma_start3A_463 = tpu.memref_slice %arg12[%add3A_461, %dma_start3A_462] : memref<128x64xf32, #tpu.memory_space<vmem>> -> memref<1x64xf32, #tpu.memory_space<vmem>>
      %dma_start3A_464 = arith.constant 0 : i32
      %dma_start3A_465 = tpu.memref_slice %arg5[%squeeze3A_457, %dma_start3A_464] : memref<100000x64xf32, #tpu.memory_space<hbm>> -> memref<1x64xf32, #tpu.memory_space<hbm>>
      %dma_start3A_466 = arith.constant 0 : i32
      %dma_start3A_467 = tpu.memref_slice %arg12[%add3A_461, %dma_start3A_466] : memref<128x64xf32, #tpu.memory_space<vmem>> -> memref<1x64xf32, #tpu.memory_space<vmem>>
      %dma_start3A_468 = arith.constant 0 : i32
      %dma_start3A_469 = tpu.memref_slice %arg5[%squeeze3A_457, %dma_start3A_468] : memref<100000x64xf32, #tpu.memory_space<hbm>> -> memref<1x64xf32, #tpu.memory_space<hbm>>
      tpu.enqueue_dma source(%dma_start3A_469 : memref<1x64xf32, #tpu.memory_space<hbm>>) target(%dma_start3A_467 : memref<1x64xf32, #tpu.memory_space<vmem>>) target_semaphore(%arg17 : memref<!tpu.dma_semaphore, #tpu.memory_space<semaphore_mem>>)
      %slice3A_470 = vector.extract_strided_slice %get3A_102 {offsets = [13], sizes = [1], strides = [1]} : vector<16xi32> to vector<1xi32>
      %squeeze3A_471 = vector.extract %slice3A_470[0] : i32 from vector<1xi32>
      %mul3A_472 = arith.constant 16 : i32
      %mul3A_473 = arith.muli %scan3A_97, %mul3A_472 : i32
      %add3A_474 = arith.constant 13 : i32
      %add3A_475 = arith.addi %mul3A_473, %add3A_474 : i32
      %dma_start3A_476 = arith.constant 0 : i32
      %dma_start3A_477 = tpu.memref_slice %arg10[%add3A_475, %dma_start3A_476] : memref<128x64xf32, #tpu.memory_space<vmem>> -> memref<1x64xf32, #tpu.memory_space<vmem>>
      %dma_start3A_478 = arith.constant 0 : i32
      %dma_start3A_479 = tpu.memref_slice %arg4[%squeeze3A_471, %dma_start3A_478] : memref<1000000x64xf32, #tpu.memory_space<hbm>> -> memref<1x64xf32, #tpu.memory_space<hbm>>
      %dma_start3A_480 = arith.constant 0 : i32
      %dma_start3A_481 = tpu.memref_slice %arg10[%add3A_475, %dma_start3A_480] : memref<128x64xf32, #tpu.memory_space<vmem>> -> memref<1x64xf32, #tpu.memory_space<vmem>>
      %dma_start3A_482 = arith.constant 0 : i32
      %dma_start3A_483 = tpu.memref_slice %arg4[%squeeze3A_471, %dma_start3A_482] : memref<1000000x64xf32, #tpu.memory_space<hbm>> -> memref<1x64xf32, #tpu.memory_space<hbm>>
      tpu.enqueue_dma source(%dma_start3A_483 : memref<1x64xf32, #tpu.memory_space<hbm>>) target(%dma_start3A_481 : memref<1x64xf32, #tpu.memory_space<vmem>>) target_semaphore(%arg15 : memref<!tpu.dma_semaphore, #tpu.memory_space<semaphore_mem>>)
      %slice3A_484 = vector.extract_strided_slice %get3A_108 {offsets = [13], sizes = [1], strides = [1]} : vector<16xi32> to vector<1xi32>
      %squeeze3A_485 = vector.extract %slice3A_484[0] : i32 from vector<1xi32>
      %mul3A_486 = arith.constant 16 : i32
      %mul3A_487 = arith.muli %scan3A_97, %mul3A_486 : i32
      %add3A_488 = arith.constant 13 : i32
      %add3A_489 = arith.addi %mul3A_487, %add3A_488 : i32
      %dma_start3A_490 = arith.constant 0 : i32
      %dma_start3A_491 = tpu.memref_slice %arg12[%add3A_489, %dma_start3A_490] : memref<128x64xf32, #tpu.memory_space<vmem>> -> memref<1x64xf32, #tpu.memory_space<vmem>>
      %dma_start3A_492 = arith.constant 0 : i32
      %dma_start3A_493 = tpu.memref_slice %arg5[%squeeze3A_485, %dma_start3A_492] : memref<100000x64xf32, #tpu.memory_space<hbm>> -> memref<1x64xf32, #tpu.memory_space<hbm>>
      %dma_start3A_494 = arith.constant 0 : i32
      %dma_start3A_495 = tpu.memref_slice %arg12[%add3A_489, %dma_start3A_494] : memref<128x64xf32, #tpu.memory_space<vmem>> -> memref<1x64xf32, #tpu.memory_space<vmem>>
      %dma_start3A_496 = arith.constant 0 : i32
      %dma_start3A_497 = tpu.memref_slice %arg5[%squeeze3A_485, %dma_start3A_496] : memref<100000x64xf32, #tpu.memory_space<hbm>> -> memref<1x64xf32, #tpu.memory_space<hbm>>
      tpu.enqueue_dma source(%dma_start3A_497 : memref<1x64xf32, #tpu.memory_space<hbm>>) target(%dma_start3A_495 : memref<1x64xf32, #tpu.memory_space<vmem>>) target_semaphore(%arg17 : memref<!tpu.dma_semaphore, #tpu.memory_space<semaphore_mem>>)
      %slice3A_498 = vector.extract_strided_slice %get3A_102 {offsets = [14], sizes = [1], strides = [1]} : vector<16xi32> to vector<1xi32>
      %squeeze3A_499 = vector.extract %slice3A_498[0] : i32 from vector<1xi32>
      %mul3A_500 = arith.constant 16 : i32
      %mul3A_501 = arith.muli %scan3A_97, %mul3A_500 : i32
      %add3A_502 = arith.constant 14 : i32
      %add3A_503 = arith.addi %mul3A_501, %add3A_502 : i32
      %dma_start3A_504 = arith.constant 0 : i32
      %dma_start3A_505 = tpu.memref_slice %arg10[%add3A_503, %dma_start3A_504] : memref<128x64xf32, #tpu.memory_space<vmem>> -> memref<1x64xf32, #tpu.memory_space<vmem>>
      %dma_start3A_506 = arith.constant 0 : i32
      %dma_start3A_507 = tpu.memref_slice %arg4[%squeeze3A_499, %dma_start3A_506] : memref<1000000x64xf32, #tpu.memory_space<hbm>> -> memref<1x64xf32, #tpu.memory_space<hbm>>
      %dma_start3A_508 = arith.constant 0 : i32
      %dma_start3A_509 = tpu.memref_slice %arg10[%add3A_503, %dma_start3A_508] : memref<128x64xf32, #tpu.memory_space<vmem>> -> memref<1x64xf32, #tpu.memory_space<vmem>>
      %dma_start3A_510 = arith.constant 0 : i32
      %dma_start3A_511 = tpu.memref_slice %arg4[%squeeze3A_499, %dma_start3A_510] : memref<1000000x64xf32, #tpu.memory_space<hbm>> -> memref<1x64xf32, #tpu.memory_space<hbm>>
      tpu.enqueue_dma source(%dma_start3A_511 : memref<1x64xf32, #tpu.memory_space<hbm>>) target(%dma_start3A_509 : memref<1x64xf32, #tpu.memory_space<vmem>>) target_semaphore(%arg15 : memref<!tpu.dma_semaphore, #tpu.memory_space<semaphore_mem>>)
      %slice3A_512 = vector.extract_strided_slice %get3A_108 {offsets = [14], sizes = [1], strides = [1]} : vector<16xi32> to vector<1xi32>
      %squeeze3A_513 = vector.extract %slice3A_512[0] : i32 from vector<1xi32>
      %mul3A_514 = arith.constant 16 : i32
      %mul3A_515 = arith.muli %scan3A_97, %mul3A_514 : i32
      %add3A_516 = arith.constant 14 : i32
      %add3A_517 = arith.addi %mul3A_515, %add3A_516 : i32
      %dma_start3A_518 = arith.constant 0 : i32
      %dma_start3A_519 = tpu.memref_slice %arg12[%add3A_517, %dma_start3A_518] : memref<128x64xf32, #tpu.memory_space<vmem>> -> memref<1x64xf32, #tpu.memory_space<vmem>>
      %dma_start3A_520 = arith.constant 0 : i32
      %dma_start3A_521 = tpu.memref_slice %arg5[%squeeze3A_513, %dma_start3A_520] : memref<100000x64xf32, #tpu.memory_space<hbm>> -> memref<1x64xf32, #tpu.memory_space<hbm>>
      %dma_start3A_522 = arith.constant 0 : i32
      %dma_start3A_523 = tpu.memref_slice %arg12[%add3A_517, %dma_start3A_522] : memref<128x64xf32, #tpu.memory_space<vmem>> -> memref<1x64xf32, #tpu.memory_space<vmem>>
      %dma_start3A_524 = arith.constant 0 : i32
      %dma_start3A_525 = tpu.memref_slice %arg5[%squeeze3A_513, %dma_start3A_524] : memref<100000x64xf32, #tpu.memory_space<hbm>> -> memref<1x64xf32, #tpu.memory_space<hbm>>
      tpu.enqueue_dma source(%dma_start3A_525 : memref<1x64xf32, #tpu.memory_space<hbm>>) target(%dma_start3A_523 : memref<1x64xf32, #tpu.memory_space<vmem>>) target_semaphore(%arg17 : memref<!tpu.dma_semaphore, #tpu.memory_space<semaphore_mem>>)
      %slice3A_526 = vector.extract_strided_slice %get3A_102 {offsets = [15], sizes = [1], strides = [1]} : vector<16xi32> to vector<1xi32>
      %squeeze3A_527 = vector.extract %slice3A_526[0] : i32 from vector<1xi32>
      %mul3A_528 = arith.constant 16 : i32
      %mul3A_529 = arith.muli %scan3A_97, %mul3A_528 : i32
      %add3A_530 = arith.constant 15 : i32
      %add3A_531 = arith.addi %mul3A_529, %add3A_530 : i32
      %dma_start3A_532 = arith.constant 0 : i32
      %dma_start3A_533 = tpu.memref_slice %arg10[%add3A_531, %dma_start3A_532] : memref<128x64xf32, #tpu.memory_space<vmem>> -> memref<1x64xf32, #tpu.memory_space<vmem>>
      %dma_start3A_534 = arith.constant 0 : i32
      %dma_start3A_535 = tpu.memref_slice %arg4[%squeeze3A_527, %dma_start3A_534] : memref<1000000x64xf32, #tpu.memory_space<hbm>> -> memref<1x64xf32, #tpu.memory_space<hbm>>
      %dma_start3A_536 = arith.constant 0 : i32
      %dma_start3A_537 = tpu.memref_slice %arg10[%add3A_531, %dma_start3A_536] : memref<128x64xf32, #tpu.memory_space<vmem>> -> memref<1x64xf32, #tpu.memory_space<vmem>>
      %dma_start3A_538 = arith.constant 0 : i32
      %dma_start3A_539 = tpu.memref_slice %arg4[%squeeze3A_527, %dma_start3A_538] : memref<1000000x64xf32, #tpu.memory_space<hbm>> -> memref<1x64xf32, #tpu.memory_space<hbm>>
      tpu.enqueue_dma source(%dma_start3A_539 : memref<1x64xf32, #tpu.memory_space<hbm>>) target(%dma_start3A_537 : memref<1x64xf32, #tpu.memory_space<vmem>>) target_semaphore(%arg15 : memref<!tpu.dma_semaphore, #tpu.memory_space<semaphore_mem>>)
      %slice3A_540 = vector.extract_strided_slice %get3A_108 {offsets = [15], sizes = [1], strides = [1]} : vector<16xi32> to vector<1xi32>
      %squeeze3A_541 = vector.extract %slice3A_540[0] : i32 from vector<1xi32>
      %mul3A_542 = arith.constant 16 : i32
      %mul3A_543 = arith.muli %scan3A_97, %mul3A_542 : i32
      %add3A_544 = arith.constant 15 : i32
      %add3A_545 = arith.addi %mul3A_543, %add3A_544 : i32
      %dma_start3A_546 = arith.constant 0 : i32
      %dma_start3A_547 = tpu.memref_slice %arg12[%add3A_545, %dma_start3A_546] : memref<128x64xf32, #tpu.memory_space<vmem>> -> memref<1x64xf32, #tpu.memory_space<vmem>>
      %dma_start3A_548 = arith.constant 0 : i32
      %dma_start3A_549 = tpu.memref_slice %arg5[%squeeze3A_541, %dma_start3A_548] : memref<100000x64xf32, #tpu.memory_space<hbm>> -> memref<1x64xf32, #tpu.memory_space<hbm>>
      %dma_start3A_550 = arith.constant 0 : i32
      %dma_start3A_551 = tpu.memref_slice %arg12[%add3A_545, %dma_start3A_550] : memref<128x64xf32, #tpu.memory_space<vmem>> -> memref<1x64xf32, #tpu.memory_space<vmem>>
      %dma_start3A_552 = arith.constant 0 : i32
      %dma_start3A_553 = tpu.memref_slice %arg5[%squeeze3A_541, %dma_start3A_552] : memref<100000x64xf32, #tpu.memory_space<hbm>> -> memref<1x64xf32, #tpu.memory_space<hbm>>
      tpu.enqueue_dma source(%dma_start3A_553 : memref<1x64xf32, #tpu.memory_space<hbm>>) target(%dma_start3A_551 : memref<1x64xf32, #tpu.memory_space<vmem>>) target_semaphore(%arg17 : memref<!tpu.dma_semaphore, #tpu.memory_space<semaphore_mem>>)
    }
    %scan3A_13 = arith.constant 8 : i32
    %dma_wait3A = arith.constant 0 : i32
    %dma_wait3A_14 = arith.constant 0 : i32
    %dma_wait3A_15 = tpu.memref_slice %arg4[%dma_wait3A, %dma_wait3A_14] : memref<1000000x64xf32, #tpu.memory_space<hbm>> -> memref<128x64xf32, #tpu.memory_space<hbm>>
    %dma_wait3A_16 = arith.constant 0 : i32
    %dma_wait3A_17 = arith.constant 0 : i32
    %dma_wait3A_18 = tpu.memref_slice %arg4[%dma_wait3A_16, %dma_wait3A_17] : memref<1000000x64xf32, #tpu.memory_space<hbm>> -> memref<128x64xf32, #tpu.memory_space<hbm>>
    tpu.wait_dma2 semaphore(%arg14 : memref<!tpu.dma_semaphore, #tpu.memory_space<semaphore_mem>>) src(%dma_wait3A_18 : memref<128x64xf32, #tpu.memory_space<hbm>>) dst(%arg9 : memref<128x64xf32, #tpu.memory_space<vmem>>)
    %dma_wait3A_19 = arith.constant 0 : i32
    %dma_wait3A_20 = arith.constant 0 : i32
    %dma_wait3A_21 = tpu.memref_slice %arg5[%dma_wait3A_19, %dma_wait3A_20] : memref<100000x64xf32, #tpu.memory_space<hbm>> -> memref<128x64xf32, #tpu.memory_space<hbm>>
    %dma_wait3A_22 = arith.constant 0 : i32
    %dma_wait3A_23 = arith.constant 0 : i32
    %dma_wait3A_24 = tpu.memref_slice %arg5[%dma_wait3A_22, %dma_wait3A_23] : memref<100000x64xf32, #tpu.memory_space<hbm>> -> memref<128x64xf32, #tpu.memory_space<hbm>>
    tpu.wait_dma2 semaphore(%arg16 : memref<!tpu.dma_semaphore, #tpu.memory_space<semaphore_mem>>) src(%dma_wait3A_24 : memref<128x64xf32, #tpu.memory_space<hbm>>) dst(%arg11 : memref<128x64xf32, #tpu.memory_space<vmem>>)
    %scan3A_25 = arith.constant 0 : i32
    %scan3A_26 = arith.constant 0 : i32
    %scan3A_27 = arith.constant 8 : i32
    %scan3A_28 = arith.addi %scan3A_26, %scan3A_27 : i32
    %scan3A_29 = arith.constant 1 : i32
    scf.for %scan3A_97 = %scan3A_26 to %scan3A_28 step %scan3A_29  : i32 {
      %mul3A_98 = arith.constant 16 : i32
      %mul3A_99 = arith.muli %scan3A_97, %mul3A_98 : i32
      %add3A_100 = vector.broadcast %mul3A_99 : i32 to vector<16xi32>
      %add3A_101 = arith.addi %add3A_100, %iota3A : vector<16xi32>
      %broadcast_in_dim3A = arith.constant 0.000000e+00 : f32
      %broadcast_in_dim3A_102 = vector.broadcast %broadcast_in_dim3A : f32 to vector<16xf32>
      %scan3A_103 = arith.constant 0 : i32
      %scan3A_104 = arith.constant 64 : i32
      %scan3A_105 = arith.addi %scan3A_103, %scan3A_104 : i32
      %scan3A_106 = arith.constant 8 : i32
      %scan3A_107 = scf.for %scan3A_114 = %scan3A_103 to %scan3A_105 step %scan3A_106 iter_args(%scan3A_115 = %broadcast_in_dim3A_102) -> (vector<16xf32>)  : i32 {
        %broadcast_in_dim3A_116 = vector.broadcast %scan3A_114 : i32 to vector<16xi32>
        %gather3A = tpu.vector_load_idx %arg9[%add3A_101, %broadcast_in_dim3A_116] : memref<128x64xf32, #tpu.memory_space<vmem>>[vector<16xi32>, vector<16xi32>], vector<16xf32>,
        %gather3A_117 = tpu.vector_load_idx %arg11[%add3A_101, %broadcast_in_dim3A_116] : memref<128x64xf32, #tpu.memory_space<vmem>>[vector<16xi32>, vector<16xi32>], vector<16xf32>,
        %mul3A_118 = arith.mulf %gather3A, %gather3A_117 : vector<16xf32>
        %add3A_119 = arith.addf %scan3A_115, %mul3A_118 : vector<16xf32>
        %scan3A_120 = arith.constant 1 : i32
        %scan3A_121 = arith.addi %scan3A_114, %scan3A_120 : i32
        %broadcast_in_dim3A_122 = vector.broadcast %scan3A_121 : i32 to vector<16xi32>
        %gather3A_123 = tpu.vector_load_idx %arg9[%add3A_101, %broadcast_in_dim3A_122] : memref<128x64xf32, #tpu.memory_space<vmem>>[vector<16xi32>, vector<16xi32>], vector<16xf32>,
        %gather3A_124 = tpu.vector_load_idx %arg11[%add3A_101, %broadcast_in_dim3A_122] : memref<128x64xf32, #tpu.memory_space<vmem>>[vector<16xi32>, vector<16xi32>], vector<16xf32>,
        %mul3A_125 = arith.mulf %gather3A_123, %gather3A_124 : vector<16xf32>
        %add3A_126 = arith.addf %add3A_119, %mul3A_125 : vector<16xf32>
        %scan3A_127 = arith.constant 2 : i32
        %scan3A_128 = arith.addi %scan3A_114, %scan3A_127 : i32
        %broadcast_in_dim3A_129 = vector.broadcast %scan3A_128 : i32 to vector<16xi32>
        %gather3A_130 = tpu.vector_load_idx %arg9[%add3A_101, %broadcast_in_dim3A_129] : memref<128x64xf32, #tpu.memory_space<vmem>>[vector<16xi32>, vector<16xi32>], vector<16xf32>,
        %gather3A_131 = tpu.vector_load_idx %arg11[%add3A_101, %broadcast_in_dim3A_129] : memref<128x64xf32, #tpu.memory_space<vmem>>[vector<16xi32>, vector<16xi32>], vector<16xf32>,
        %mul3A_132 = arith.mulf %gather3A_130, %gather3A_131 : vector<16xf32>
        %add3A_133 = arith.addf %add3A_126, %mul3A_132 : vector<16xf32>
        %scan3A_134 = arith.constant 3 : i32
        %scan3A_135 = arith.addi %scan3A_114, %scan3A_134 : i32
        %broadcast_in_dim3A_136 = vector.broadcast %scan3A_135 : i32 to vector<16xi32>
        %gather3A_137 = tpu.vector_load_idx %arg9[%add3A_101, %broadcast_in_dim3A_136] : memref<128x64xf32, #tpu.memory_space<vmem>>[vector<16xi32>, vector<16xi32>], vector<16xf32>,
        %gather3A_138 = tpu.vector_load_idx %arg11[%add3A_101, %broadcast_in_dim3A_136] : memref<128x64xf32, #tpu.memory_space<vmem>>[vector<16xi32>, vector<16xi32>], vector<16xf32>,
        %mul3A_139 = arith.mulf %gather3A_137, %gather3A_138 : vector<16xf32>
        %add3A_140 = arith.addf %add3A_133, %mul3A_139 : vector<16xf32>
        %scan3A_141 = arith.constant 4 : i32
        %scan3A_142 = arith.addi %scan3A_114, %scan3A_141 : i32
        %broadcast_in_dim3A_143 = vector.broadcast %scan3A_142 : i32 to vector<16xi32>
        %gather3A_144 = tpu.vector_load_idx %arg9[%add3A_101, %broadcast_in_dim3A_143] : memref<128x64xf32, #tpu.memory_space<vmem>>[vector<16xi32>, vector<16xi32>], vector<16xf32>,
        %gather3A_145 = tpu.vector_load_idx %arg11[%add3A_101, %broadcast_in_dim3A_143] : memref<128x64xf32, #tpu.memory_space<vmem>>[vector<16xi32>, vector<16xi32>], vector<16xf32>,
        %mul3A_146 = arith.mulf %gather3A_144, %gather3A_145 : vector<16xf32>
        %add3A_147 = arith.addf %add3A_140, %mul3A_146 : vector<16xf32>
        %scan3A_148 = arith.constant 5 : i32
        %scan3A_149 = arith.addi %scan3A_114, %scan3A_148 : i32
        %broadcast_in_dim3A_150 = vector.broadcast %scan3A_149 : i32 to vector<16xi32>
        %gather3A_151 = tpu.vector_load_idx %arg9[%add3A_101, %broadcast_in_dim3A_150] : memref<128x64xf32, #tpu.memory_space<vmem>>[vector<16xi32>, vector<16xi32>], vector<16xf32>,
        %gather3A_152 = tpu.vector_load_idx %arg11[%add3A_101, %broadcast_in_dim3A_150] : memref<128x64xf32, #tpu.memory_space<vmem>>[vector<16xi32>, vector<16xi32>], vector<16xf32>,
        %mul3A_153 = arith.mulf %gather3A_151, %gather3A_152 : vector<16xf32>
        %add3A_154 = arith.addf %add3A_147, %mul3A_153 : vector<16xf32>
        %scan3A_155 = arith.constant 6 : i32
        %scan3A_156 = arith.addi %scan3A_114, %scan3A_155 : i32
        %broadcast_in_dim3A_157 = vector.broadcast %scan3A_156 : i32 to vector<16xi32>
        %gather3A_158 = tpu.vector_load_idx %arg9[%add3A_101, %broadcast_in_dim3A_157] : memref<128x64xf32, #tpu.memory_space<vmem>>[vector<16xi32>, vector<16xi32>], vector<16xf32>,
        %gather3A_159 = tpu.vector_load_idx %arg11[%add3A_101, %broadcast_in_dim3A_157] : memref<128x64xf32, #tpu.memory_space<vmem>>[vector<16xi32>, vector<16xi32>], vector<16xf32>,
        %mul3A_160 = arith.mulf %gather3A_158, %gather3A_159 : vector<16xf32>
        %add3A_161 = arith.addf %add3A_154, %mul3A_160 : vector<16xf32>
        %scan3A_162 = arith.constant 7 : i32
        %scan3A_163 = arith.addi %scan3A_114, %scan3A_162 : i32
        %broadcast_in_dim3A_164 = vector.broadcast %scan3A_163 : i32 to vector<16xi32>
        %gather3A_165 = tpu.vector_load_idx %arg9[%add3A_101, %broadcast_in_dim3A_164] : memref<128x64xf32, #tpu.memory_space<vmem>>[vector<16xi32>, vector<16xi32>], vector<16xf32>,
        %gather3A_166 = tpu.vector_load_idx %arg11[%add3A_101, %broadcast_in_dim3A_164] : memref<128x64xf32, #tpu.memory_space<vmem>>[vector<16xi32>, vector<16xi32>], vector<16xf32>,
        %mul3A_167 = arith.mulf %gather3A_165, %gather3A_166 : vector<16xf32>
        %add3A_168 = arith.addf %add3A_161, %mul3A_167 : vector<16xf32>
        scf.yield %add3A_168 : vector<16xf32>
      }
      %scan3A_108 = arith.constant 64 : i32
      %mul3A_109 = arith.constant 16 : i32
      %mul3A_110 = arith.muli %scan3A_97, %mul3A_109 : i32
      %add3A_111 = arith.constant 0 : i32
      %add3A_112 = arith.addi %add3A_111, %mul3A_110 : i32
      %swap3A = arith.index_cast %add3A_112 : i32 to index
      %swap3A_113 = tpu.vector_load %arg13[%swap3A] {strides = array<i32>} : memref<512xf32, #tpu.memory_space<vmem>>, vector<16xf32>,
      tpu.vector_store %arg13[%swap3A], %scan3A_107 {strides = array<i32>} : memref<512xf32, #tpu.memory_space<vmem>>, vector<16xf32>,
    }
    %scan3A_30 = arith.constant 8 : i32
    %scan3A_31 = arith.constant 0 : i32
    %scan3A_32 = arith.constant 0 : i32
    %scan3A_33 = arith.constant 8 : i32
    %scan3A_34 = arith.addi %scan3A_32, %scan3A_33 : i32
    %scan3A_35 = arith.constant 1 : i32
    scf.for %scan3A_97 = %scan3A_32 to %scan3A_34 step %scan3A_35  : i32 {
      %mul3A_98 = arith.constant 16 : i32
      %mul3A_99 = arith.muli %scan3A_97, %mul3A_98 : i32
      %add3A_100 = arith.constant 256 : i32
      %add3A_101 = arith.addi %add3A_100, %mul3A_99 : i32
      %get3A = arith.index_cast %add3A_101 : i32 to index
      %get3A_102 = tpu.vector_load %arg7[%get3A] {strides = array<i32>} : memref<512xi32, #tpu.memory_space<vmem>>, vector<16xi32>,
      %mul3A_103 = arith.constant 16 : i32
      %mul3A_104 = arith.muli %scan3A_97, %mul3A_103 : i32
      %add3A_105 = arith.constant 256 : i32
      %add3A_106 = arith.addi %add3A_105, %mul3A_104 : i32
      %get3A_107 = arith.index_cast %add3A_106 : i32 to index
      %get3A_108 = tpu.vector_load %arg8[%get3A_107] {strides = array<i32>} : memref<512xi32, #tpu.memory_space<vmem>>, vector<16xi32>,
      %slice3A = vector.extract_strided_slice %get3A_102 {offsets = [0], sizes = [1], strides = [1]} : vector<16xi32> to vector<1xi32>
      %squeeze3A = vector.extract %slice3A[0] : i32 from vector<1xi32>
      %mul3A_109 = arith.constant 16 : i32
      %mul3A_110 = arith.muli %scan3A_97, %mul3A_109 : i32
      %add3A_111 = arith.constant 0 : i32
      %add3A_112 = arith.addi %mul3A_110, %add3A_111 : i32
      %dma_start3A = arith.constant 0 : i32
      %dma_start3A_113 = tpu.memref_slice %arg9[%add3A_112, %dma_start3A] : memref<128x64xf32, #tpu.memory_space<vmem>> -> memref<1x64xf32, #tpu.memory_space<vmem>>
      %dma_start3A_114 = arith.constant 0 : i32
      %dma_start3A_115 = tpu.memref_slice %arg4[%squeeze3A, %dma_start3A_114] : memref<1000000x64xf32, #tpu.memory_space<hbm>> -> memref<1x64xf32, #tpu.memory_space<hbm>>
      %dma_start3A_116 = arith.constant 0 : i32
      %dma_start3A_117 = tpu.memref_slice %arg9[%add3A_112, %dma_start3A_116] : memref<128x64xf32, #tpu.memory_space<vmem>> -> memref<1x64xf32, #tpu.memory_space<vmem>>
      %dma_start3A_118 = arith.constant 0 : i32
      %dma_start3A_119 = tpu.memref_slice %arg4[%squeeze3A, %dma_start3A_118] : memref<1000000x64xf32, #tpu.memory_space<hbm>> -> memref<1x64xf32, #tpu.memory_space<hbm>>
      tpu.enqueue_dma source(%dma_start3A_119 : memref<1x64xf32, #tpu.memory_space<hbm>>) target(%dma_start3A_117 : memref<1x64xf32, #tpu.memory_space<vmem>>) target_semaphore(%arg14 : memref<!tpu.dma_semaphore, #tpu.memory_space<semaphore_mem>>)
      %slice3A_120 = vector.extract_strided_slice %get3A_108 {offsets = [0], sizes = [1], strides = [1]} : vector<16xi32> to vector<1xi32>
      %squeeze3A_121 = vector.extract %slice3A_120[0] : i32 from vector<1xi32>
      %mul3A_122 = arith.constant 16 : i32
      %mul3A_123 = arith.muli %scan3A_97, %mul3A_122 : i32
      %add3A_124 = arith.constant 0 : i32
      %add3A_125 = arith.addi %mul3A_123, %add3A_124 : i32
      %dma_start3A_126 = arith.constant 0 : i32
      %dma_start3A_127 = tpu.memref_slice %arg11[%add3A_125, %dma_start3A_126] : memref<128x64xf32, #tpu.memory_space<vmem>> -> memref<1x64xf32, #tpu.memory_space<vmem>>
      %dma_start3A_128 = arith.constant 0 : i32
      %dma_start3A_129 = tpu.memref_slice %arg5[%squeeze3A_121, %dma_start3A_128] : memref<100000x64xf32, #tpu.memory_space<hbm>> -> memref<1x64xf32, #tpu.memory_space<hbm>>
      %dma_start3A_130 = arith.constant 0 : i32
      %dma_start3A_131 = tpu.memref_slice %arg11[%add3A_125, %dma_start3A_130] : memref<128x64xf32, #tpu.memory_space<vmem>> -> memref<1x64xf32, #tpu.memory_space<vmem>>
      %dma_start3A_132 = arith.constant 0 : i32
      %dma_start3A_133 = tpu.memref_slice %arg5[%squeeze3A_121, %dma_start3A_132] : memref<100000x64xf32, #tpu.memory_space<hbm>> -> memref<1x64xf32, #tpu.memory_space<hbm>>
      tpu.enqueue_dma source(%dma_start3A_133 : memref<1x64xf32, #tpu.memory_space<hbm>>) target(%dma_start3A_131 : memref<1x64xf32, #tpu.memory_space<vmem>>) target_semaphore(%arg16 : memref<!tpu.dma_semaphore, #tpu.memory_space<semaphore_mem>>)
      %slice3A_134 = vector.extract_strided_slice %get3A_102 {offsets = [1], sizes = [1], strides = [1]} : vector<16xi32> to vector<1xi32>
      %squeeze3A_135 = vector.extract %slice3A_134[0] : i32 from vector<1xi32>
      %mul3A_136 = arith.constant 16 : i32
      %mul3A_137 = arith.muli %scan3A_97, %mul3A_136 : i32
      %add3A_138 = arith.constant 1 : i32
      %add3A_139 = arith.addi %mul3A_137, %add3A_138 : i32
      %dma_start3A_140 = arith.constant 0 : i32
      %dma_start3A_141 = tpu.memref_slice %arg9[%add3A_139, %dma_start3A_140] : memref<128x64xf32, #tpu.memory_space<vmem>> -> memref<1x64xf32, #tpu.memory_space<vmem>>
      %dma_start3A_142 = arith.constant 0 : i32
      %dma_start3A_143 = tpu.memref_slice %arg4[%squeeze3A_135, %dma_start3A_142] : memref<1000000x64xf32, #tpu.memory_space<hbm>> -> memref<1x64xf32, #tpu.memory_space<hbm>>
      %dma_start3A_144 = arith.constant 0 : i32
      %dma_start3A_145 = tpu.memref_slice %arg9[%add3A_139, %dma_start3A_144] : memref<128x64xf32, #tpu.memory_space<vmem>> -> memref<1x64xf32, #tpu.memory_space<vmem>>
      %dma_start3A_146 = arith.constant 0 : i32
      %dma_start3A_147 = tpu.memref_slice %arg4[%squeeze3A_135, %dma_start3A_146] : memref<1000000x64xf32, #tpu.memory_space<hbm>> -> memref<1x64xf32, #tpu.memory_space<hbm>>
      tpu.enqueue_dma source(%dma_start3A_147 : memref<1x64xf32, #tpu.memory_space<hbm>>) target(%dma_start3A_145 : memref<1x64xf32, #tpu.memory_space<vmem>>) target_semaphore(%arg14 : memref<!tpu.dma_semaphore, #tpu.memory_space<semaphore_mem>>)
      %slice3A_148 = vector.extract_strided_slice %get3A_108 {offsets = [1], sizes = [1], strides = [1]} : vector<16xi32> to vector<1xi32>
      %squeeze3A_149 = vector.extract %slice3A_148[0] : i32 from vector<1xi32>
      %mul3A_150 = arith.constant 16 : i32
      %mul3A_151 = arith.muli %scan3A_97, %mul3A_150 : i32
      %add3A_152 = arith.constant 1 : i32
      %add3A_153 = arith.addi %mul3A_151, %add3A_152 : i32
      %dma_start3A_154 = arith.constant 0 : i32
      %dma_start3A_155 = tpu.memref_slice %arg11[%add3A_153, %dma_start3A_154] : memref<128x64xf32, #tpu.memory_space<vmem>> -> memref<1x64xf32, #tpu.memory_space<vmem>>
      %dma_start3A_156 = arith.constant 0 : i32
      %dma_start3A_157 = tpu.memref_slice %arg5[%squeeze3A_149, %dma_start3A_156] : memref<100000x64xf32, #tpu.memory_space<hbm>> -> memref<1x64xf32, #tpu.memory_space<hbm>>
      %dma_start3A_158 = arith.constant 0 : i32
      %dma_start3A_159 = tpu.memref_slice %arg11[%add3A_153, %dma_start3A_158] : memref<128x64xf32, #tpu.memory_space<vmem>> -> memref<1x64xf32, #tpu.memory_space<vmem>>
      %dma_start3A_160 = arith.constant 0 : i32
      %dma_start3A_161 = tpu.memref_slice %arg5[%squeeze3A_149, %dma_start3A_160] : memref<100000x64xf32, #tpu.memory_space<hbm>> -> memref<1x64xf32, #tpu.memory_space<hbm>>
      tpu.enqueue_dma source(%dma_start3A_161 : memref<1x64xf32, #tpu.memory_space<hbm>>) target(%dma_start3A_159 : memref<1x64xf32, #tpu.memory_space<vmem>>) target_semaphore(%arg16 : memref<!tpu.dma_semaphore, #tpu.memory_space<semaphore_mem>>)
      %slice3A_162 = vector.extract_strided_slice %get3A_102 {offsets = [2], sizes = [1], strides = [1]} : vector<16xi32> to vector<1xi32>
      %squeeze3A_163 = vector.extract %slice3A_162[0] : i32 from vector<1xi32>
      %mul3A_164 = arith.constant 16 : i32
      %mul3A_165 = arith.muli %scan3A_97, %mul3A_164 : i32
      %add3A_166 = arith.constant 2 : i32
      %add3A_167 = arith.addi %mul3A_165, %add3A_166 : i32
      %dma_start3A_168 = arith.constant 0 : i32
      %dma_start3A_169 = tpu.memref_slice %arg9[%add3A_167, %dma_start3A_168] : memref<128x64xf32, #tpu.memory_space<vmem>> -> memref<1x64xf32, #tpu.memory_space<vmem>>
      %dma_start3A_170 = arith.constant 0 : i32
      %dma_start3A_171 = tpu.memref_slice %arg4[%squeeze3A_163, %dma_start3A_170] : memref<1000000x64xf32, #tpu.memory_space<hbm>> -> memref<1x64xf32, #tpu.memory_space<hbm>>
      %dma_start3A_172 = arith.constant 0 : i32
      %dma_start3A_173 = tpu.memref_slice %arg9[%add3A_167, %dma_start3A_172] : memref<128x64xf32, #tpu.memory_space<vmem>> -> memref<1x64xf32, #tpu.memory_space<vmem>>
      %dma_start3A_174 = arith.constant 0 : i32
      %dma_start3A_175 = tpu.memref_slice %arg4[%squeeze3A_163, %dma_start3A_174] : memref<1000000x64xf32, #tpu.memory_space<hbm>> -> memref<1x64xf32, #tpu.memory_space<hbm>>
      tpu.enqueue_dma source(%dma_start3A_175 : memref<1x64xf32, #tpu.memory_space<hbm>>) target(%dma_start3A_173 : memref<1x64xf32, #tpu.memory_space<vmem>>) target_semaphore(%arg14 : memref<!tpu.dma_semaphore, #tpu.memory_space<semaphore_mem>>)
      %slice3A_176 = vector.extract_strided_slice %get3A_108 {offsets = [2], sizes = [1], strides = [1]} : vector<16xi32> to vector<1xi32>
      %squeeze3A_177 = vector.extract %slice3A_176[0] : i32 from vector<1xi32>
      %mul3A_178 = arith.constant 16 : i32
      %mul3A_179 = arith.muli %scan3A_97, %mul3A_178 : i32
      %add3A_180 = arith.constant 2 : i32
      %add3A_181 = arith.addi %mul3A_179, %add3A_180 : i32
      %dma_start3A_182 = arith.constant 0 : i32
      %dma_start3A_183 = tpu.memref_slice %arg11[%add3A_181, %dma_start3A_182] : memref<128x64xf32, #tpu.memory_space<vmem>> -> memref<1x64xf32, #tpu.memory_space<vmem>>
      %dma_start3A_184 = arith.constant 0 : i32
      %dma_start3A_185 = tpu.memref_slice %arg5[%squeeze3A_177, %dma_start3A_184] : memref<100000x64xf32, #tpu.memory_space<hbm>> -> memref<1x64xf32, #tpu.memory_space<hbm>>
      %dma_start3A_186 = arith.constant 0 : i32
      %dma_start3A_187 = tpu.memref_slice %arg11[%add3A_181, %dma_start3A_186] : memref<128x64xf32, #tpu.memory_space<vmem>> -> memref<1x64xf32, #tpu.memory_space<vmem>>
      %dma_start3A_188 = arith.constant 0 : i32
      %dma_start3A_189 = tpu.memref_slice %arg5[%squeeze3A_177, %dma_start3A_188] : memref<100000x64xf32, #tpu.memory_space<hbm>> -> memref<1x64xf32, #tpu.memory_space<hbm>>
      tpu.enqueue_dma source(%dma_start3A_189 : memref<1x64xf32, #tpu.memory_space<hbm>>) target(%dma_start3A_187 : memref<1x64xf32, #tpu.memory_space<vmem>>) target_semaphore(%arg16 : memref<!tpu.dma_semaphore, #tpu.memory_space<semaphore_mem>>)
      %slice3A_190 = vector.extract_strided_slice %get3A_102 {offsets = [3], sizes = [1], strides = [1]} : vector<16xi32> to vector<1xi32>
      %squeeze3A_191 = vector.extract %slice3A_190[0] : i32 from vector<1xi32>
      %mul3A_192 = arith.constant 16 : i32
      %mul3A_193 = arith.muli %scan3A_97, %mul3A_192 : i32
      %add3A_194 = arith.constant 3 : i32
      %add3A_195 = arith.addi %mul3A_193, %add3A_194 : i32
      %dma_start3A_196 = arith.constant 0 : i32
      %dma_start3A_197 = tpu.memref_slice %arg9[%add3A_195, %dma_start3A_196] : memref<128x64xf32, #tpu.memory_space<vmem>> -> memref<1x64xf32, #tpu.memory_space<vmem>>
      %dma_start3A_198 = arith.constant 0 : i32
      %dma_start3A_199 = tpu.memref_slice %arg4[%squeeze3A_191, %dma_start3A_198] : memref<1000000x64xf32, #tpu.memory_space<hbm>> -> memref<1x64xf32, #tpu.memory_space<hbm>>
      %dma_start3A_200 = arith.constant 0 : i32
      %dma_start3A_201 = tpu.memref_slice %arg9[%add3A_195, %dma_start3A_200] : memref<128x64xf32, #tpu.memory_space<vmem>> -> memref<1x64xf32, #tpu.memory_space<vmem>>
      %dma_start3A_202 = arith.constant 0 : i32
      %dma_start3A_203 = tpu.memref_slice %arg4[%squeeze3A_191, %dma_start3A_202] : memref<1000000x64xf32, #tpu.memory_space<hbm>> -> memref<1x64xf32, #tpu.memory_space<hbm>>
      tpu.enqueue_dma source(%dma_start3A_203 : memref<1x64xf32, #tpu.memory_space<hbm>>) target(%dma_start3A_201 : memref<1x64xf32, #tpu.memory_space<vmem>>) target_semaphore(%arg14 : memref<!tpu.dma_semaphore, #tpu.memory_space<semaphore_mem>>)
      %slice3A_204 = vector.extract_strided_slice %get3A_108 {offsets = [3], sizes = [1], strides = [1]} : vector<16xi32> to vector<1xi32>
      %squeeze3A_205 = vector.extract %slice3A_204[0] : i32 from vector<1xi32>
      %mul3A_206 = arith.constant 16 : i32
      %mul3A_207 = arith.muli %scan3A_97, %mul3A_206 : i32
      %add3A_208 = arith.constant 3 : i32
      %add3A_209 = arith.addi %mul3A_207, %add3A_208 : i32
      %dma_start3A_210 = arith.constant 0 : i32
      %dma_start3A_211 = tpu.memref_slice %arg11[%add3A_209, %dma_start3A_210] : memref<128x64xf32, #tpu.memory_space<vmem>> -> memref<1x64xf32, #tpu.memory_space<vmem>>
      %dma_start3A_212 = arith.constant 0 : i32
      %dma_start3A_213 = tpu.memref_slice %arg5[%squeeze3A_205, %dma_start3A_212] : memref<100000x64xf32, #tpu.memory_space<hbm>> -> memref<1x64xf32, #tpu.memory_space<hbm>>
      %dma_start3A_214 = arith.constant 0 : i32
      %dma_start3A_215 = tpu.memref_slice %arg11[%add3A_209, %dma_start3A_214] : memref<128x64xf32, #tpu.memory_space<vmem>> -> memref<1x64xf32, #tpu.memory_space<vmem>>
      %dma_start3A_216 = arith.constant 0 : i32
      %dma_start3A_217 = tpu.memref_slice %arg5[%squeeze3A_205, %dma_start3A_216] : memref<100000x64xf32, #tpu.memory_space<hbm>> -> memref<1x64xf32, #tpu.memory_space<hbm>>
      tpu.enqueue_dma source(%dma_start3A_217 : memref<1x64xf32, #tpu.memory_space<hbm>>) target(%dma_start3A_215 : memref<1x64xf32, #tpu.memory_space<vmem>>) target_semaphore(%arg16 : memref<!tpu.dma_semaphore, #tpu.memory_space<semaphore_mem>>)
      %slice3A_218 = vector.extract_strided_slice %get3A_102 {offsets = [4], sizes = [1], strides = [1]} : vector<16xi32> to vector<1xi32>
      %squeeze3A_219 = vector.extract %slice3A_218[0] : i32 from vector<1xi32>
      %mul3A_220 = arith.constant 16 : i32
      %mul3A_221 = arith.muli %scan3A_97, %mul3A_220 : i32
      %add3A_222 = arith.constant 4 : i32
      %add3A_223 = arith.addi %mul3A_221, %add3A_222 : i32
      %dma_start3A_224 = arith.constant 0 : i32
      %dma_start3A_225 = tpu.memref_slice %arg9[%add3A_223, %dma_start3A_224] : memref<128x64xf32, #tpu.memory_space<vmem>> -> memref<1x64xf32, #tpu.memory_space<vmem>>
      %dma_start3A_226 = arith.constant 0 : i32
      %dma_start3A_227 = tpu.memref_slice %arg4[%squeeze3A_219, %dma_start3A_226] : memref<1000000x64xf32, #tpu.memory_space<hbm>> -> memref<1x64xf32, #tpu.memory_space<hbm>>
      %dma_start3A_228 = arith.constant 0 : i32
      %dma_start3A_229 = tpu.memref_slice %arg9[%add3A_223, %dma_start3A_228] : memref<128x64xf32, #tpu.memory_space<vmem>> -> memref<1x64xf32, #tpu.memory_space<vmem>>
      %dma_start3A_230 = arith.constant 0 : i32
      %dma_start3A_231 = tpu.memref_slice %arg4[%squeeze3A_219, %dma_start3A_230] : memref<1000000x64xf32, #tpu.memory_space<hbm>> -> memref<1x64xf32, #tpu.memory_space<hbm>>
      tpu.enqueue_dma source(%dma_start3A_231 : memref<1x64xf32, #tpu.memory_space<hbm>>) target(%dma_start3A_229 : memref<1x64xf32, #tpu.memory_space<vmem>>) target_semaphore(%arg14 : memref<!tpu.dma_semaphore, #tpu.memory_space<semaphore_mem>>)
      %slice3A_232 = vector.extract_strided_slice %get3A_108 {offsets = [4], sizes = [1], strides = [1]} : vector<16xi32> to vector<1xi32>
      %squeeze3A_233 = vector.extract %slice3A_232[0] : i32 from vector<1xi32>
      %mul3A_234 = arith.constant 16 : i32
      %mul3A_235 = arith.muli %scan3A_97, %mul3A_234 : i32
      %add3A_236 = arith.constant 4 : i32
      %add3A_237 = arith.addi %mul3A_235, %add3A_236 : i32
      %dma_start3A_238 = arith.constant 0 : i32
      %dma_start3A_239 = tpu.memref_slice %arg11[%add3A_237, %dma_start3A_238] : memref<128x64xf32, #tpu.memory_space<vmem>> -> memref<1x64xf32, #tpu.memory_space<vmem>>
      %dma_start3A_240 = arith.constant 0 : i32
      %dma_start3A_241 = tpu.memref_slice %arg5[%squeeze3A_233, %dma_start3A_240] : memref<100000x64xf32, #tpu.memory_space<hbm>> -> memref<1x64xf32, #tpu.memory_space<hbm>>
      %dma_start3A_242 = arith.constant 0 : i32
      %dma_start3A_243 = tpu.memref_slice %arg11[%add3A_237, %dma_start3A_242] : memref<128x64xf32, #tpu.memory_space<vmem>> -> memref<1x64xf32, #tpu.memory_space<vmem>>
      %dma_start3A_244 = arith.constant 0 : i32
      %dma_start3A_245 = tpu.memref_slice %arg5[%squeeze3A_233, %dma_start3A_244] : memref<100000x64xf32, #tpu.memory_space<hbm>> -> memref<1x64xf32, #tpu.memory_space<hbm>>
      tpu.enqueue_dma source(%dma_start3A_245 : memref<1x64xf32, #tpu.memory_space<hbm>>) target(%dma_start3A_243 : memref<1x64xf32, #tpu.memory_space<vmem>>) target_semaphore(%arg16 : memref<!tpu.dma_semaphore, #tpu.memory_space<semaphore_mem>>)
      %slice3A_246 = vector.extract_strided_slice %get3A_102 {offsets = [5], sizes = [1], strides = [1]} : vector<16xi32> to vector<1xi32>
      %squeeze3A_247 = vector.extract %slice3A_246[0] : i32 from vector<1xi32>
      %mul3A_248 = arith.constant 16 : i32
      %mul3A_249 = arith.muli %scan3A_97, %mul3A_248 : i32
      %add3A_250 = arith.constant 5 : i32
      %add3A_251 = arith.addi %mul3A_249, %add3A_250 : i32
      %dma_start3A_252 = arith.constant 0 : i32
      %dma_start3A_253 = tpu.memref_slice %arg9[%add3A_251, %dma_start3A_252] : memref<128x64xf32, #tpu.memory_space<vmem>> -> memref<1x64xf32, #tpu.memory_space<vmem>>
      %dma_start3A_254 = arith.constant 0 : i32
      %dma_start3A_255 = tpu.memref_slice %arg4[%squeeze3A_247, %dma_start3A_254] : memref<1000000x64xf32, #tpu.memory_space<hbm>> -> memref<1x64xf32, #tpu.memory_space<hbm>>
      %dma_start3A_256 = arith.constant 0 : i32
      %dma_start3A_257 = tpu.memref_slice %arg9[%add3A_251, %dma_start3A_256] : memref<128x64xf32, #tpu.memory_space<vmem>> -> memref<1x64xf32, #tpu.memory_space<vmem>>
      %dma_start3A_258 = arith.constant 0 : i32
      %dma_start3A_259 = tpu.memref_slice %arg4[%squeeze3A_247, %dma_start3A_258] : memref<1000000x64xf32, #tpu.memory_space<hbm>> -> memref<1x64xf32, #tpu.memory_space<hbm>>
      tpu.enqueue_dma source(%dma_start3A_259 : memref<1x64xf32, #tpu.memory_space<hbm>>) target(%dma_start3A_257 : memref<1x64xf32, #tpu.memory_space<vmem>>) target_semaphore(%arg14 : memref<!tpu.dma_semaphore, #tpu.memory_space<semaphore_mem>>)
      %slice3A_260 = vector.extract_strided_slice %get3A_108 {offsets = [5], sizes = [1], strides = [1]} : vector<16xi32> to vector<1xi32>
      %squeeze3A_261 = vector.extract %slice3A_260[0] : i32 from vector<1xi32>
      %mul3A_262 = arith.constant 16 : i32
      %mul3A_263 = arith.muli %scan3A_97, %mul3A_262 : i32
      %add3A_264 = arith.constant 5 : i32
      %add3A_265 = arith.addi %mul3A_263, %add3A_264 : i32
      %dma_start3A_266 = arith.constant 0 : i32
      %dma_start3A_267 = tpu.memref_slice %arg11[%add3A_265, %dma_start3A_266] : memref<128x64xf32, #tpu.memory_space<vmem>> -> memref<1x64xf32, #tpu.memory_space<vmem>>
      %dma_start3A_268 = arith.constant 0 : i32
      %dma_start3A_269 = tpu.memref_slice %arg5[%squeeze3A_261, %dma_start3A_268] : memref<100000x64xf32, #tpu.memory_space<hbm>> -> memref<1x64xf32, #tpu.memory_space<hbm>>
      %dma_start3A_270 = arith.constant 0 : i32
      %dma_start3A_271 = tpu.memref_slice %arg11[%add3A_265, %dma_start3A_270] : memref<128x64xf32, #tpu.memory_space<vmem>> -> memref<1x64xf32, #tpu.memory_space<vmem>>
      %dma_start3A_272 = arith.constant 0 : i32
      %dma_start3A_273 = tpu.memref_slice %arg5[%squeeze3A_261, %dma_start3A_272] : memref<100000x64xf32, #tpu.memory_space<hbm>> -> memref<1x64xf32, #tpu.memory_space<hbm>>
      tpu.enqueue_dma source(%dma_start3A_273 : memref<1x64xf32, #tpu.memory_space<hbm>>) target(%dma_start3A_271 : memref<1x64xf32, #tpu.memory_space<vmem>>) target_semaphore(%arg16 : memref<!tpu.dma_semaphore, #tpu.memory_space<semaphore_mem>>)
      %slice3A_274 = vector.extract_strided_slice %get3A_102 {offsets = [6], sizes = [1], strides = [1]} : vector<16xi32> to vector<1xi32>
      %squeeze3A_275 = vector.extract %slice3A_274[0] : i32 from vector<1xi32>
      %mul3A_276 = arith.constant 16 : i32
      %mul3A_277 = arith.muli %scan3A_97, %mul3A_276 : i32
      %add3A_278 = arith.constant 6 : i32
      %add3A_279 = arith.addi %mul3A_277, %add3A_278 : i32
      %dma_start3A_280 = arith.constant 0 : i32
      %dma_start3A_281 = tpu.memref_slice %arg9[%add3A_279, %dma_start3A_280] : memref<128x64xf32, #tpu.memory_space<vmem>> -> memref<1x64xf32, #tpu.memory_space<vmem>>
      %dma_start3A_282 = arith.constant 0 : i32
      %dma_start3A_283 = tpu.memref_slice %arg4[%squeeze3A_275, %dma_start3A_282] : memref<1000000x64xf32, #tpu.memory_space<hbm>> -> memref<1x64xf32, #tpu.memory_space<hbm>>
      %dma_start3A_284 = arith.constant 0 : i32
      %dma_start3A_285 = tpu.memref_slice %arg9[%add3A_279, %dma_start3A_284] : memref<128x64xf32, #tpu.memory_space<vmem>> -> memref<1x64xf32, #tpu.memory_space<vmem>>
      %dma_start3A_286 = arith.constant 0 : i32
      %dma_start3A_287 = tpu.memref_slice %arg4[%squeeze3A_275, %dma_start3A_286] : memref<1000000x64xf32, #tpu.memory_space<hbm>> -> memref<1x64xf32, #tpu.memory_space<hbm>>
      tpu.enqueue_dma source(%dma_start3A_287 : memref<1x64xf32, #tpu.memory_space<hbm>>) target(%dma_start3A_285 : memref<1x64xf32, #tpu.memory_space<vmem>>) target_semaphore(%arg14 : memref<!tpu.dma_semaphore, #tpu.memory_space<semaphore_mem>>)
      %slice3A_288 = vector.extract_strided_slice %get3A_108 {offsets = [6], sizes = [1], strides = [1]} : vector<16xi32> to vector<1xi32>
      %squeeze3A_289 = vector.extract %slice3A_288[0] : i32 from vector<1xi32>
      %mul3A_290 = arith.constant 16 : i32
      %mul3A_291 = arith.muli %scan3A_97, %mul3A_290 : i32
      %add3A_292 = arith.constant 6 : i32
      %add3A_293 = arith.addi %mul3A_291, %add3A_292 : i32
      %dma_start3A_294 = arith.constant 0 : i32
      %dma_start3A_295 = tpu.memref_slice %arg11[%add3A_293, %dma_start3A_294] : memref<128x64xf32, #tpu.memory_space<vmem>> -> memref<1x64xf32, #tpu.memory_space<vmem>>
      %dma_start3A_296 = arith.constant 0 : i32
      %dma_start3A_297 = tpu.memref_slice %arg5[%squeeze3A_289, %dma_start3A_296] : memref<100000x64xf32, #tpu.memory_space<hbm>> -> memref<1x64xf32, #tpu.memory_space<hbm>>
      %dma_start3A_298 = arith.constant 0 : i32
      %dma_start3A_299 = tpu.memref_slice %arg11[%add3A_293, %dma_start3A_298] : memref<128x64xf32, #tpu.memory_space<vmem>> -> memref<1x64xf32, #tpu.memory_space<vmem>>
      %dma_start3A_300 = arith.constant 0 : i32
      %dma_start3A_301 = tpu.memref_slice %arg5[%squeeze3A_289, %dma_start3A_300] : memref<100000x64xf32, #tpu.memory_space<hbm>> -> memref<1x64xf32, #tpu.memory_space<hbm>>
      tpu.enqueue_dma source(%dma_start3A_301 : memref<1x64xf32, #tpu.memory_space<hbm>>) target(%dma_start3A_299 : memref<1x64xf32, #tpu.memory_space<vmem>>) target_semaphore(%arg16 : memref<!tpu.dma_semaphore, #tpu.memory_space<semaphore_mem>>)
      %slice3A_302 = vector.extract_strided_slice %get3A_102 {offsets = [7], sizes = [1], strides = [1]} : vector<16xi32> to vector<1xi32>
      %squeeze3A_303 = vector.extract %slice3A_302[0] : i32 from vector<1xi32>
      %mul3A_304 = arith.constant 16 : i32
      %mul3A_305 = arith.muli %scan3A_97, %mul3A_304 : i32
      %add3A_306 = arith.constant 7 : i32
      %add3A_307 = arith.addi %mul3A_305, %add3A_306 : i32
      %dma_start3A_308 = arith.constant 0 : i32
      %dma_start3A_309 = tpu.memref_slice %arg9[%add3A_307, %dma_start3A_308] : memref<128x64xf32, #tpu.memory_space<vmem>> -> memref<1x64xf32, #tpu.memory_space<vmem>>
      %dma_start3A_310 = arith.constant 0 : i32
      %dma_start3A_311 = tpu.memref_slice %arg4[%squeeze3A_303, %dma_start3A_310] : memref<1000000x64xf32, #tpu.memory_space<hbm>> -> memref<1x64xf32, #tpu.memory_space<hbm>>
      %dma_start3A_312 = arith.constant 0 : i32
      %dma_start3A_313 = tpu.memref_slice %arg9[%add3A_307, %dma_start3A_312] : memref<128x64xf32, #tpu.memory_space<vmem>> -> memref<1x64xf32, #tpu.memory_space<vmem>>
      %dma_start3A_314 = arith.constant 0 : i32
      %dma_start3A_315 = tpu.memref_slice %arg4[%squeeze3A_303, %dma_start3A_314] : memref<1000000x64xf32, #tpu.memory_space<hbm>> -> memref<1x64xf32, #tpu.memory_space<hbm>>
      tpu.enqueue_dma source(%dma_start3A_315 : memref<1x64xf32, #tpu.memory_space<hbm>>) target(%dma_start3A_313 : memref<1x64xf32, #tpu.memory_space<vmem>>) target_semaphore(%arg14 : memref<!tpu.dma_semaphore, #tpu.memory_space<semaphore_mem>>)
      %slice3A_316 = vector.extract_strided_slice %get3A_108 {offsets = [7], sizes = [1], strides = [1]} : vector<16xi32> to vector<1xi32>
      %squeeze3A_317 = vector.extract %slice3A_316[0] : i32 from vector<1xi32>
      %mul3A_318 = arith.constant 16 : i32
      %mul3A_319 = arith.muli %scan3A_97, %mul3A_318 : i32
      %add3A_320 = arith.constant 7 : i32
      %add3A_321 = arith.addi %mul3A_319, %add3A_320 : i32
      %dma_start3A_322 = arith.constant 0 : i32
      %dma_start3A_323 = tpu.memref_slice %arg11[%add3A_321, %dma_start3A_322] : memref<128x64xf32, #tpu.memory_space<vmem>> -> memref<1x64xf32, #tpu.memory_space<vmem>>
      %dma_start3A_324 = arith.constant 0 : i32
      %dma_start3A_325 = tpu.memref_slice %arg5[%squeeze3A_317, %dma_start3A_324] : memref<100000x64xf32, #tpu.memory_space<hbm>> -> memref<1x64xf32, #tpu.memory_space<hbm>>
      %dma_start3A_326 = arith.constant 0 : i32
      %dma_start3A_327 = tpu.memref_slice %arg11[%add3A_321, %dma_start3A_326] : memref<128x64xf32, #tpu.memory_space<vmem>> -> memref<1x64xf32, #tpu.memory_space<vmem>>
      %dma_start3A_328 = arith.constant 0 : i32
      %dma_start3A_329 = tpu.memref_slice %arg5[%squeeze3A_317, %dma_start3A_328] : memref<100000x64xf32, #tpu.memory_space<hbm>> -> memref<1x64xf32, #tpu.memory_space<hbm>>
      tpu.enqueue_dma source(%dma_start3A_329 : memref<1x64xf32, #tpu.memory_space<hbm>>) target(%dma_start3A_327 : memref<1x64xf32, #tpu.memory_space<vmem>>) target_semaphore(%arg16 : memref<!tpu.dma_semaphore, #tpu.memory_space<semaphore_mem>>)
      %slice3A_330 = vector.extract_strided_slice %get3A_102 {offsets = [8], sizes = [1], strides = [1]} : vector<16xi32> to vector<1xi32>
      %squeeze3A_331 = vector.extract %slice3A_330[0] : i32 from vector<1xi32>
      %mul3A_332 = arith.constant 16 : i32
      %mul3A_333 = arith.muli %scan3A_97, %mul3A_332 : i32
      %add3A_334 = arith.constant 8 : i32
      %add3A_335 = arith.addi %mul3A_333, %add3A_334 : i32
      %dma_start3A_336 = arith.constant 0 : i32
      %dma_start3A_337 = tpu.memref_slice %arg9[%add3A_335, %dma_start3A_336] : memref<128x64xf32, #tpu.memory_space<vmem>> -> memref<1x64xf32, #tpu.memory_space<vmem>>
      %dma_start3A_338 = arith.constant 0 : i32
      %dma_start3A_339 = tpu.memref_slice %arg4[%squeeze3A_331, %dma_start3A_338] : memref<1000000x64xf32, #tpu.memory_space<hbm>> -> memref<1x64xf32, #tpu.memory_space<hbm>>
      %dma_start3A_340 = arith.constant 0 : i32
      %dma_start3A_341 = tpu.memref_slice %arg9[%add3A_335, %dma_start3A_340] : memref<128x64xf32, #tpu.memory_space<vmem>> -> memref<1x64xf32, #tpu.memory_space<vmem>>
      %dma_start3A_342 = arith.constant 0 : i32
      %dma_start3A_343 = tpu.memref_slice %arg4[%squeeze3A_331, %dma_start3A_342] : memref<1000000x64xf32, #tpu.memory_space<hbm>> -> memref<1x64xf32, #tpu.memory_space<hbm>>
      tpu.enqueue_dma source(%dma_start3A_343 : memref<1x64xf32, #tpu.memory_space<hbm>>) target(%dma_start3A_341 : memref<1x64xf32, #tpu.memory_space<vmem>>) target_semaphore(%arg14 : memref<!tpu.dma_semaphore, #tpu.memory_space<semaphore_mem>>)
      %slice3A_344 = vector.extract_strided_slice %get3A_108 {offsets = [8], sizes = [1], strides = [1]} : vector<16xi32> to vector<1xi32>
      %squeeze3A_345 = vector.extract %slice3A_344[0] : i32 from vector<1xi32>
      %mul3A_346 = arith.constant 16 : i32
      %mul3A_347 = arith.muli %scan3A_97, %mul3A_346 : i32
      %add3A_348 = arith.constant 8 : i32
      %add3A_349 = arith.addi %mul3A_347, %add3A_348 : i32
      %dma_start3A_350 = arith.constant 0 : i32
      %dma_start3A_351 = tpu.memref_slice %arg11[%add3A_349, %dma_start3A_350] : memref<128x64xf32, #tpu.memory_space<vmem>> -> memref<1x64xf32, #tpu.memory_space<vmem>>
      %dma_start3A_352 = arith.constant 0 : i32
      %dma_start3A_353 = tpu.memref_slice %arg5[%squeeze3A_345, %dma_start3A_352] : memref<100000x64xf32, #tpu.memory_space<hbm>> -> memref<1x64xf32, #tpu.memory_space<hbm>>
      %dma_start3A_354 = arith.constant 0 : i32
      %dma_start3A_355 = tpu.memref_slice %arg11[%add3A_349, %dma_start3A_354] : memref<128x64xf32, #tpu.memory_space<vmem>> -> memref<1x64xf32, #tpu.memory_space<vmem>>
      %dma_start3A_356 = arith.constant 0 : i32
      %dma_start3A_357 = tpu.memref_slice %arg5[%squeeze3A_345, %dma_start3A_356] : memref<100000x64xf32, #tpu.memory_space<hbm>> -> memref<1x64xf32, #tpu.memory_space<hbm>>
      tpu.enqueue_dma source(%dma_start3A_357 : memref<1x64xf32, #tpu.memory_space<hbm>>) target(%dma_start3A_355 : memref<1x64xf32, #tpu.memory_space<vmem>>) target_semaphore(%arg16 : memref<!tpu.dma_semaphore, #tpu.memory_space<semaphore_mem>>)
      %slice3A_358 = vector.extract_strided_slice %get3A_102 {offsets = [9], sizes = [1], strides = [1]} : vector<16xi32> to vector<1xi32>
      %squeeze3A_359 = vector.extract %slice3A_358[0] : i32 from vector<1xi32>
      %mul3A_360 = arith.constant 16 : i32
      %mul3A_361 = arith.muli %scan3A_97, %mul3A_360 : i32
      %add3A_362 = arith.constant 9 : i32
      %add3A_363 = arith.addi %mul3A_361, %add3A_362 : i32
      %dma_start3A_364 = arith.constant 0 : i32
      %dma_start3A_365 = tpu.memref_slice %arg9[%add3A_363, %dma_start3A_364] : memref<128x64xf32, #tpu.memory_space<vmem>> -> memref<1x64xf32, #tpu.memory_space<vmem>>
      %dma_start3A_366 = arith.constant 0 : i32
      %dma_start3A_367 = tpu.memref_slice %arg4[%squeeze3A_359, %dma_start3A_366] : memref<1000000x64xf32, #tpu.memory_space<hbm>> -> memref<1x64xf32, #tpu.memory_space<hbm>>
      %dma_start3A_368 = arith.constant 0 : i32
      %dma_start3A_369 = tpu.memref_slice %arg9[%add3A_363, %dma_start3A_368] : memref<128x64xf32, #tpu.memory_space<vmem>> -> memref<1x64xf32, #tpu.memory_space<vmem>>
      %dma_start3A_370 = arith.constant 0 : i32
      %dma_start3A_371 = tpu.memref_slice %arg4[%squeeze3A_359, %dma_start3A_370] : memref<1000000x64xf32, #tpu.memory_space<hbm>> -> memref<1x64xf32, #tpu.memory_space<hbm>>
      tpu.enqueue_dma source(%dma_start3A_371 : memref<1x64xf32, #tpu.memory_space<hbm>>) target(%dma_start3A_369 : memref<1x64xf32, #tpu.memory_space<vmem>>) target_semaphore(%arg14 : memref<!tpu.dma_semaphore, #tpu.memory_space<semaphore_mem>>)
      %slice3A_372 = vector.extract_strided_slice %get3A_108 {offsets = [9], sizes = [1], strides = [1]} : vector<16xi32> to vector<1xi32>
      %squeeze3A_373 = vector.extract %slice3A_372[0] : i32 from vector<1xi32>
      %mul3A_374 = arith.constant 16 : i32
      %mul3A_375 = arith.muli %scan3A_97, %mul3A_374 : i32
      %add3A_376 = arith.constant 9 : i32
      %add3A_377 = arith.addi %mul3A_375, %add3A_376 : i32
      %dma_start3A_378 = arith.constant 0 : i32
      %dma_start3A_379 = tpu.memref_slice %arg11[%add3A_377, %dma_start3A_378] : memref<128x64xf32, #tpu.memory_space<vmem>> -> memref<1x64xf32, #tpu.memory_space<vmem>>
      %dma_start3A_380 = arith.constant 0 : i32
      %dma_start3A_381 = tpu.memref_slice %arg5[%squeeze3A_373, %dma_start3A_380] : memref<100000x64xf32, #tpu.memory_space<hbm>> -> memref<1x64xf32, #tpu.memory_space<hbm>>
      %dma_start3A_382 = arith.constant 0 : i32
      %dma_start3A_383 = tpu.memref_slice %arg11[%add3A_377, %dma_start3A_382] : memref<128x64xf32, #tpu.memory_space<vmem>> -> memref<1x64xf32, #tpu.memory_space<vmem>>
      %dma_start3A_384 = arith.constant 0 : i32
      %dma_start3A_385 = tpu.memref_slice %arg5[%squeeze3A_373, %dma_start3A_384] : memref<100000x64xf32, #tpu.memory_space<hbm>> -> memref<1x64xf32, #tpu.memory_space<hbm>>
      tpu.enqueue_dma source(%dma_start3A_385 : memref<1x64xf32, #tpu.memory_space<hbm>>) target(%dma_start3A_383 : memref<1x64xf32, #tpu.memory_space<vmem>>) target_semaphore(%arg16 : memref<!tpu.dma_semaphore, #tpu.memory_space<semaphore_mem>>)
      %slice3A_386 = vector.extract_strided_slice %get3A_102 {offsets = [10], sizes = [1], strides = [1]} : vector<16xi32> to vector<1xi32>
      %squeeze3A_387 = vector.extract %slice3A_386[0] : i32 from vector<1xi32>
      %mul3A_388 = arith.constant 16 : i32
      %mul3A_389 = arith.muli %scan3A_97, %mul3A_388 : i32
      %add3A_390 = arith.constant 10 : i32
      %add3A_391 = arith.addi %mul3A_389, %add3A_390 : i32
      %dma_start3A_392 = arith.constant 0 : i32
      %dma_start3A_393 = tpu.memref_slice %arg9[%add3A_391, %dma_start3A_392] : memref<128x64xf32, #tpu.memory_space<vmem>> -> memref<1x64xf32, #tpu.memory_space<vmem>>
      %dma_start3A_394 = arith.constant 0 : i32
      %dma_start3A_395 = tpu.memref_slice %arg4[%squeeze3A_387, %dma_start3A_394] : memref<1000000x64xf32, #tpu.memory_space<hbm>> -> memref<1x64xf32, #tpu.memory_space<hbm>>
      %dma_start3A_396 = arith.constant 0 : i32
      %dma_start3A_397 = tpu.memref_slice %arg9[%add3A_391, %dma_start3A_396] : memref<128x64xf32, #tpu.memory_space<vmem>> -> memref<1x64xf32, #tpu.memory_space<vmem>>
      %dma_start3A_398 = arith.constant 0 : i32
      %dma_start3A_399 = tpu.memref_slice %arg4[%squeeze3A_387, %dma_start3A_398] : memref<1000000x64xf32, #tpu.memory_space<hbm>> -> memref<1x64xf32, #tpu.memory_space<hbm>>
      tpu.enqueue_dma source(%dma_start3A_399 : memref<1x64xf32, #tpu.memory_space<hbm>>) target(%dma_start3A_397 : memref<1x64xf32, #tpu.memory_space<vmem>>) target_semaphore(%arg14 : memref<!tpu.dma_semaphore, #tpu.memory_space<semaphore_mem>>)
      %slice3A_400 = vector.extract_strided_slice %get3A_108 {offsets = [10], sizes = [1], strides = [1]} : vector<16xi32> to vector<1xi32>
      %squeeze3A_401 = vector.extract %slice3A_400[0] : i32 from vector<1xi32>
      %mul3A_402 = arith.constant 16 : i32
      %mul3A_403 = arith.muli %scan3A_97, %mul3A_402 : i32
      %add3A_404 = arith.constant 10 : i32
      %add3A_405 = arith.addi %mul3A_403, %add3A_404 : i32
      %dma_start3A_406 = arith.constant 0 : i32
      %dma_start3A_407 = tpu.memref_slice %arg11[%add3A_405, %dma_start3A_406] : memref<128x64xf32, #tpu.memory_space<vmem>> -> memref<1x64xf32, #tpu.memory_space<vmem>>
      %dma_start3A_408 = arith.constant 0 : i32
      %dma_start3A_409 = tpu.memref_slice %arg5[%squeeze3A_401, %dma_start3A_408] : memref<100000x64xf32, #tpu.memory_space<hbm>> -> memref<1x64xf32, #tpu.memory_space<hbm>>
      %dma_start3A_410 = arith.constant 0 : i32
      %dma_start3A_411 = tpu.memref_slice %arg11[%add3A_405, %dma_start3A_410] : memref<128x64xf32, #tpu.memory_space<vmem>> -> memref<1x64xf32, #tpu.memory_space<vmem>>
      %dma_start3A_412 = arith.constant 0 : i32
      %dma_start3A_413 = tpu.memref_slice %arg5[%squeeze3A_401, %dma_start3A_412] : memref<100000x64xf32, #tpu.memory_space<hbm>> -> memref<1x64xf32, #tpu.memory_space<hbm>>
      tpu.enqueue_dma source(%dma_start3A_413 : memref<1x64xf32, #tpu.memory_space<hbm>>) target(%dma_start3A_411 : memref<1x64xf32, #tpu.memory_space<vmem>>) target_semaphore(%arg16 : memref<!tpu.dma_semaphore, #tpu.memory_space<semaphore_mem>>)
      %slice3A_414 = vector.extract_strided_slice %get3A_102 {offsets = [11], sizes = [1], strides = [1]} : vector<16xi32> to vector<1xi32>
      %squeeze3A_415 = vector.extract %slice3A_414[0] : i32 from vector<1xi32>
      %mul3A_416 = arith.constant 16 : i32
      %mul3A_417 = arith.muli %scan3A_97, %mul3A_416 : i32
      %add3A_418 = arith.constant 11 : i32
      %add3A_419 = arith.addi %mul3A_417, %add3A_418 : i32
      %dma_start3A_420 = arith.constant 0 : i32
      %dma_start3A_421 = tpu.memref_slice %arg9[%add3A_419, %dma_start3A_420] : memref<128x64xf32, #tpu.memory_space<vmem>> -> memref<1x64xf32, #tpu.memory_space<vmem>>
      %dma_start3A_422 = arith.constant 0 : i32
      %dma_start3A_423 = tpu.memref_slice %arg4[%squeeze3A_415, %dma_start3A_422] : memref<1000000x64xf32, #tpu.memory_space<hbm>> -> memref<1x64xf32, #tpu.memory_space<hbm>>
      %dma_start3A_424 = arith.constant 0 : i32
      %dma_start3A_425 = tpu.memref_slice %arg9[%add3A_419, %dma_start3A_424] : memref<128x64xf32, #tpu.memory_space<vmem>> -> memref<1x64xf32, #tpu.memory_space<vmem>>
      %dma_start3A_426 = arith.constant 0 : i32
      %dma_start3A_427 = tpu.memref_slice %arg4[%squeeze3A_415, %dma_start3A_426] : memref<1000000x64xf32, #tpu.memory_space<hbm>> -> memref<1x64xf32, #tpu.memory_space<hbm>>
      tpu.enqueue_dma source(%dma_start3A_427 : memref<1x64xf32, #tpu.memory_space<hbm>>) target(%dma_start3A_425 : memref<1x64xf32, #tpu.memory_space<vmem>>) target_semaphore(%arg14 : memref<!tpu.dma_semaphore, #tpu.memory_space<semaphore_mem>>)
      %slice3A_428 = vector.extract_strided_slice %get3A_108 {offsets = [11], sizes = [1], strides = [1]} : vector<16xi32> to vector<1xi32>
      %squeeze3A_429 = vector.extract %slice3A_428[0] : i32 from vector<1xi32>
      %mul3A_430 = arith.constant 16 : i32
      %mul3A_431 = arith.muli %scan3A_97, %mul3A_430 : i32
      %add3A_432 = arith.constant 11 : i32
      %add3A_433 = arith.addi %mul3A_431, %add3A_432 : i32
      %dma_start3A_434 = arith.constant 0 : i32
      %dma_start3A_435 = tpu.memref_slice %arg11[%add3A_433, %dma_start3A_434] : memref<128x64xf32, #tpu.memory_space<vmem>> -> memref<1x64xf32, #tpu.memory_space<vmem>>
      %dma_start3A_436 = arith.constant 0 : i32
      %dma_start3A_437 = tpu.memref_slice %arg5[%squeeze3A_429, %dma_start3A_436] : memref<100000x64xf32, #tpu.memory_space<hbm>> -> memref<1x64xf32, #tpu.memory_space<hbm>>
      %dma_start3A_438 = arith.constant 0 : i32
      %dma_start3A_439 = tpu.memref_slice %arg11[%add3A_433, %dma_start3A_438] : memref<128x64xf32, #tpu.memory_space<vmem>> -> memref<1x64xf32, #tpu.memory_space<vmem>>
      %dma_start3A_440 = arith.constant 0 : i32
      %dma_start3A_441 = tpu.memref_slice %arg5[%squeeze3A_429, %dma_start3A_440] : memref<100000x64xf32, #tpu.memory_space<hbm>> -> memref<1x64xf32, #tpu.memory_space<hbm>>
      tpu.enqueue_dma source(%dma_start3A_441 : memref<1x64xf32, #tpu.memory_space<hbm>>) target(%dma_start3A_439 : memref<1x64xf32, #tpu.memory_space<vmem>>) target_semaphore(%arg16 : memref<!tpu.dma_semaphore, #tpu.memory_space<semaphore_mem>>)
      %slice3A_442 = vector.extract_strided_slice %get3A_102 {offsets = [12], sizes = [1], strides = [1]} : vector<16xi32> to vector<1xi32>
      %squeeze3A_443 = vector.extract %slice3A_442[0] : i32 from vector<1xi32>
      %mul3A_444 = arith.constant 16 : i32
      %mul3A_445 = arith.muli %scan3A_97, %mul3A_444 : i32
      %add3A_446 = arith.constant 12 : i32
      %add3A_447 = arith.addi %mul3A_445, %add3A_446 : i32
      %dma_start3A_448 = arith.constant 0 : i32
      %dma_start3A_449 = tpu.memref_slice %arg9[%add3A_447, %dma_start3A_448] : memref<128x64xf32, #tpu.memory_space<vmem>> -> memref<1x64xf32, #tpu.memory_space<vmem>>
      %dma_start3A_450 = arith.constant 0 : i32
      %dma_start3A_451 = tpu.memref_slice %arg4[%squeeze3A_443, %dma_start3A_450] : memref<1000000x64xf32, #tpu.memory_space<hbm>> -> memref<1x64xf32, #tpu.memory_space<hbm>>
      %dma_start3A_452 = arith.constant 0 : i32
      %dma_start3A_453 = tpu.memref_slice %arg9[%add3A_447, %dma_start3A_452] : memref<128x64xf32, #tpu.memory_space<vmem>> -> memref<1x64xf32, #tpu.memory_space<vmem>>
      %dma_start3A_454 = arith.constant 0 : i32
      %dma_start3A_455 = tpu.memref_slice %arg4[%squeeze3A_443, %dma_start3A_454] : memref<1000000x64xf32, #tpu.memory_space<hbm>> -> memref<1x64xf32, #tpu.memory_space<hbm>>
      tpu.enqueue_dma source(%dma_start3A_455 : memref<1x64xf32, #tpu.memory_space<hbm>>) target(%dma_start3A_453 : memref<1x64xf32, #tpu.memory_space<vmem>>) target_semaphore(%arg14 : memref<!tpu.dma_semaphore, #tpu.memory_space<semaphore_mem>>)
      %slice3A_456 = vector.extract_strided_slice %get3A_108 {offsets = [12], sizes = [1], strides = [1]} : vector<16xi32> to vector<1xi32>
      %squeeze3A_457 = vector.extract %slice3A_456[0] : i32 from vector<1xi32>
      %mul3A_458 = arith.constant 16 : i32
      %mul3A_459 = arith.muli %scan3A_97, %mul3A_458 : i32
      %add3A_460 = arith.constant 12 : i32
      %add3A_461 = arith.addi %mul3A_459, %add3A_460 : i32
      %dma_start3A_462 = arith.constant 0 : i32
      %dma_start3A_463 = tpu.memref_slice %arg11[%add3A_461, %dma_start3A_462] : memref<128x64xf32, #tpu.memory_space<vmem>> -> memref<1x64xf32, #tpu.memory_space<vmem>>
      %dma_start3A_464 = arith.constant 0 : i32
      %dma_start3A_465 = tpu.memref_slice %arg5[%squeeze3A_457, %dma_start3A_464] : memref<100000x64xf32, #tpu.memory_space<hbm>> -> memref<1x64xf32, #tpu.memory_space<hbm>>
      %dma_start3A_466 = arith.constant 0 : i32
      %dma_start3A_467 = tpu.memref_slice %arg11[%add3A_461, %dma_start3A_466] : memref<128x64xf32, #tpu.memory_space<vmem>> -> memref<1x64xf32, #tpu.memory_space<vmem>>
      %dma_start3A_468 = arith.constant 0 : i32
      %dma_start3A_469 = tpu.memref_slice %arg5[%squeeze3A_457, %dma_start3A_468] : memref<100000x64xf32, #tpu.memory_space<hbm>> -> memref<1x64xf32, #tpu.memory_space<hbm>>
      tpu.enqueue_dma source(%dma_start3A_469 : memref<1x64xf32, #tpu.memory_space<hbm>>) target(%dma_start3A_467 : memref<1x64xf32, #tpu.memory_space<vmem>>) target_semaphore(%arg16 : memref<!tpu.dma_semaphore, #tpu.memory_space<semaphore_mem>>)
      %slice3A_470 = vector.extract_strided_slice %get3A_102 {offsets = [13], sizes = [1], strides = [1]} : vector<16xi32> to vector<1xi32>
      %squeeze3A_471 = vector.extract %slice3A_470[0] : i32 from vector<1xi32>
      %mul3A_472 = arith.constant 16 : i32
      %mul3A_473 = arith.muli %scan3A_97, %mul3A_472 : i32
      %add3A_474 = arith.constant 13 : i32
      %add3A_475 = arith.addi %mul3A_473, %add3A_474 : i32
      %dma_start3A_476 = arith.constant 0 : i32
      %dma_start3A_477 = tpu.memref_slice %arg9[%add3A_475, %dma_start3A_476] : memref<128x64xf32, #tpu.memory_space<vmem>> -> memref<1x64xf32, #tpu.memory_space<vmem>>
      %dma_start3A_478 = arith.constant 0 : i32
      %dma_start3A_479 = tpu.memref_slice %arg4[%squeeze3A_471, %dma_start3A_478] : memref<1000000x64xf32, #tpu.memory_space<hbm>> -> memref<1x64xf32, #tpu.memory_space<hbm>>
      %dma_start3A_480 = arith.constant 0 : i32
      %dma_start3A_481 = tpu.memref_slice %arg9[%add3A_475, %dma_start3A_480] : memref<128x64xf32, #tpu.memory_space<vmem>> -> memref<1x64xf32, #tpu.memory_space<vmem>>
      %dma_start3A_482 = arith.constant 0 : i32
      %dma_start3A_483 = tpu.memref_slice %arg4[%squeeze3A_471, %dma_start3A_482] : memref<1000000x64xf32, #tpu.memory_space<hbm>> -> memref<1x64xf32, #tpu.memory_space<hbm>>
      tpu.enqueue_dma source(%dma_start3A_483 : memref<1x64xf32, #tpu.memory_space<hbm>>) target(%dma_start3A_481 : memref<1x64xf32, #tpu.memory_space<vmem>>) target_semaphore(%arg14 : memref<!tpu.dma_semaphore, #tpu.memory_space<semaphore_mem>>)
      %slice3A_484 = vector.extract_strided_slice %get3A_108 {offsets = [13], sizes = [1], strides = [1]} : vector<16xi32> to vector<1xi32>
      %squeeze3A_485 = vector.extract %slice3A_484[0] : i32 from vector<1xi32>
      %mul3A_486 = arith.constant 16 : i32
      %mul3A_487 = arith.muli %scan3A_97, %mul3A_486 : i32
      %add3A_488 = arith.constant 13 : i32
      %add3A_489 = arith.addi %mul3A_487, %add3A_488 : i32
      %dma_start3A_490 = arith.constant 0 : i32
      %dma_start3A_491 = tpu.memref_slice %arg11[%add3A_489, %dma_start3A_490] : memref<128x64xf32, #tpu.memory_space<vmem>> -> memref<1x64xf32, #tpu.memory_space<vmem>>
      %dma_start3A_492 = arith.constant 0 : i32
      %dma_start3A_493 = tpu.memref_slice %arg5[%squeeze3A_485, %dma_start3A_492] : memref<100000x64xf32, #tpu.memory_space<hbm>> -> memref<1x64xf32, #tpu.memory_space<hbm>>
      %dma_start3A_494 = arith.constant 0 : i32
      %dma_start3A_495 = tpu.memref_slice %arg11[%add3A_489, %dma_start3A_494] : memref<128x64xf32, #tpu.memory_space<vmem>> -> memref<1x64xf32, #tpu.memory_space<vmem>>
      %dma_start3A_496 = arith.constant 0 : i32
      %dma_start3A_497 = tpu.memref_slice %arg5[%squeeze3A_485, %dma_start3A_496] : memref<100000x64xf32, #tpu.memory_space<hbm>> -> memref<1x64xf32, #tpu.memory_space<hbm>>
      tpu.enqueue_dma source(%dma_start3A_497 : memref<1x64xf32, #tpu.memory_space<hbm>>) target(%dma_start3A_495 : memref<1x64xf32, #tpu.memory_space<vmem>>) target_semaphore(%arg16 : memref<!tpu.dma_semaphore, #tpu.memory_space<semaphore_mem>>)
      %slice3A_498 = vector.extract_strided_slice %get3A_102 {offsets = [14], sizes = [1], strides = [1]} : vector<16xi32> to vector<1xi32>
      %squeeze3A_499 = vector.extract %slice3A_498[0] : i32 from vector<1xi32>
      %mul3A_500 = arith.constant 16 : i32
      %mul3A_501 = arith.muli %scan3A_97, %mul3A_500 : i32
      %add3A_502 = arith.constant 14 : i32
      %add3A_503 = arith.addi %mul3A_501, %add3A_502 : i32
      %dma_start3A_504 = arith.constant 0 : i32
      %dma_start3A_505 = tpu.memref_slice %arg9[%add3A_503, %dma_start3A_504] : memref<128x64xf32, #tpu.memory_space<vmem>> -> memref<1x64xf32, #tpu.memory_space<vmem>>
      %dma_start3A_506 = arith.constant 0 : i32
      %dma_start3A_507 = tpu.memref_slice %arg4[%squeeze3A_499, %dma_start3A_506] : memref<1000000x64xf32, #tpu.memory_space<hbm>> -> memref<1x64xf32, #tpu.memory_space<hbm>>
      %dma_start3A_508 = arith.constant 0 : i32
      %dma_start3A_509 = tpu.memref_slice %arg9[%add3A_503, %dma_start3A_508] : memref<128x64xf32, #tpu.memory_space<vmem>> -> memref<1x64xf32, #tpu.memory_space<vmem>>
      %dma_start3A_510 = arith.constant 0 : i32
      %dma_start3A_511 = tpu.memref_slice %arg4[%squeeze3A_499, %dma_start3A_510] : memref<1000000x64xf32, #tpu.memory_space<hbm>> -> memref<1x64xf32, #tpu.memory_space<hbm>>
      tpu.enqueue_dma source(%dma_start3A_511 : memref<1x64xf32, #tpu.memory_space<hbm>>) target(%dma_start3A_509 : memref<1x64xf32, #tpu.memory_space<vmem>>) target_semaphore(%arg14 : memref<!tpu.dma_semaphore, #tpu.memory_space<semaphore_mem>>)
      %slice3A_512 = vector.extract_strided_slice %get3A_108 {offsets = [14], sizes = [1], strides = [1]} : vector<16xi32> to vector<1xi32>
      %squeeze3A_513 = vector.extract %slice3A_512[0] : i32 from vector<1xi32>
      %mul3A_514 = arith.constant 16 : i32
      %mul3A_515 = arith.muli %scan3A_97, %mul3A_514 : i32
      %add3A_516 = arith.constant 14 : i32
      %add3A_517 = arith.addi %mul3A_515, %add3A_516 : i32
      %dma_start3A_518 = arith.constant 0 : i32
      %dma_start3A_519 = tpu.memref_slice %arg11[%add3A_517, %dma_start3A_518] : memref<128x64xf32, #tpu.memory_space<vmem>> -> memref<1x64xf32, #tpu.memory_space<vmem>>
      %dma_start3A_520 = arith.constant 0 : i32
      %dma_start3A_521 = tpu.memref_slice %arg5[%squeeze3A_513, %dma_start3A_520] : memref<100000x64xf32, #tpu.memory_space<hbm>> -> memref<1x64xf32, #tpu.memory_space<hbm>>
      %dma_start3A_522 = arith.constant 0 : i32
      %dma_start3A_523 = tpu.memref_slice %arg11[%add3A_517, %dma_start3A_522] : memref<128x64xf32, #tpu.memory_space<vmem>> -> memref<1x64xf32, #tpu.memory_space<vmem>>
      %dma_start3A_524 = arith.constant 0 : i32
      %dma_start3A_525 = tpu.memref_slice %arg5[%squeeze3A_513, %dma_start3A_524] : memref<100000x64xf32, #tpu.memory_space<hbm>> -> memref<1x64xf32, #tpu.memory_space<hbm>>
      tpu.enqueue_dma source(%dma_start3A_525 : memref<1x64xf32, #tpu.memory_space<hbm>>) target(%dma_start3A_523 : memref<1x64xf32, #tpu.memory_space<vmem>>) target_semaphore(%arg16 : memref<!tpu.dma_semaphore, #tpu.memory_space<semaphore_mem>>)
      %slice3A_526 = vector.extract_strided_slice %get3A_102 {offsets = [15], sizes = [1], strides = [1]} : vector<16xi32> to vector<1xi32>
      %squeeze3A_527 = vector.extract %slice3A_526[0] : i32 from vector<1xi32>
      %mul3A_528 = arith.constant 16 : i32
      %mul3A_529 = arith.muli %scan3A_97, %mul3A_528 : i32
      %add3A_530 = arith.constant 15 : i32
      %add3A_531 = arith.addi %mul3A_529, %add3A_530 : i32
      %dma_start3A_532 = arith.constant 0 : i32
      %dma_start3A_533 = tpu.memref_slice %arg9[%add3A_531, %dma_start3A_532] : memref<128x64xf32, #tpu.memory_space<vmem>> -> memref<1x64xf32, #tpu.memory_space<vmem>>
      %dma_start3A_534 = arith.constant 0 : i32
      %dma_start3A_535 = tpu.memref_slice %arg4[%squeeze3A_527, %dma_start3A_534] : memref<1000000x64xf32, #tpu.memory_space<hbm>> -> memref<1x64xf32, #tpu.memory_space<hbm>>
      %dma_start3A_536 = arith.constant 0 : i32
      %dma_start3A_537 = tpu.memref_slice %arg9[%add3A_531, %dma_start3A_536] : memref<128x64xf32, #tpu.memory_space<vmem>> -> memref<1x64xf32, #tpu.memory_space<vmem>>
      %dma_start3A_538 = arith.constant 0 : i32
      %dma_start3A_539 = tpu.memref_slice %arg4[%squeeze3A_527, %dma_start3A_538] : memref<1000000x64xf32, #tpu.memory_space<hbm>> -> memref<1x64xf32, #tpu.memory_space<hbm>>
      tpu.enqueue_dma source(%dma_start3A_539 : memref<1x64xf32, #tpu.memory_space<hbm>>) target(%dma_start3A_537 : memref<1x64xf32, #tpu.memory_space<vmem>>) target_semaphore(%arg14 : memref<!tpu.dma_semaphore, #tpu.memory_space<semaphore_mem>>)
      %slice3A_540 = vector.extract_strided_slice %get3A_108 {offsets = [15], sizes = [1], strides = [1]} : vector<16xi32> to vector<1xi32>
      %squeeze3A_541 = vector.extract %slice3A_540[0] : i32 from vector<1xi32>
      %mul3A_542 = arith.constant 16 : i32
      %mul3A_543 = arith.muli %scan3A_97, %mul3A_542 : i32
      %add3A_544 = arith.constant 15 : i32
      %add3A_545 = arith.addi %mul3A_543, %add3A_544 : i32
      %dma_start3A_546 = arith.constant 0 : i32
      %dma_start3A_547 = tpu.memref_slice %arg11[%add3A_545, %dma_start3A_546] : memref<128x64xf32, #tpu.memory_space<vmem>> -> memref<1x64xf32, #tpu.memory_space<vmem>>
      %dma_start3A_548 = arith.constant 0 : i32
      %dma_start3A_549 = tpu.memref_slice %arg5[%squeeze3A_541, %dma_start3A_548] : memref<100000x64xf32, #tpu.memory_space<hbm>> -> memref<1x64xf32, #tpu.memory_space<hbm>>
      %dma_start3A_550 = arith.constant 0 : i32
      %dma_start3A_551 = tpu.memref_slice %arg11[%add3A_545, %dma_start3A_550] : memref<128x64xf32, #tpu.memory_space<vmem>> -> memref<1x64xf32, #tpu.memory_space<vmem>>
      %dma_start3A_552 = arith.constant 0 : i32
      %dma_start3A_553 = tpu.memref_slice %arg5[%squeeze3A_541, %dma_start3A_552] : memref<100000x64xf32, #tpu.memory_space<hbm>> -> memref<1x64xf32, #tpu.memory_space<hbm>>
      tpu.enqueue_dma source(%dma_start3A_553 : memref<1x64xf32, #tpu.memory_space<hbm>>) target(%dma_start3A_551 : memref<1x64xf32, #tpu.memory_space<vmem>>) target_semaphore(%arg16 : memref<!tpu.dma_semaphore, #tpu.memory_space<semaphore_mem>>)
    }
    %scan3A_36 = arith.constant 8 : i32
    %dma_wait3A_37 = arith.constant 0 : i32
    %dma_wait3A_38 = arith.constant 0 : i32
    %dma_wait3A_39 = tpu.memref_slice %arg4[%dma_wait3A_37, %dma_wait3A_38] : memref<1000000x64xf32, #tpu.memory_space<hbm>> -> memref<128x64xf32, #tpu.memory_space<hbm>>
    %dma_wait3A_40 = arith.constant 0 : i32
    %dma_wait3A_41 = arith.constant 0 : i32
    %dma_wait3A_42 = tpu.memref_slice %arg4[%dma_wait3A_40, %dma_wait3A_41] : memref<1000000x64xf32, #tpu.memory_space<hbm>> -> memref<128x64xf32, #tpu.memory_space<hbm>>
    tpu.wait_dma2 semaphore(%arg15 : memref<!tpu.dma_semaphore, #tpu.memory_space<semaphore_mem>>) src(%dma_wait3A_42 : memref<128x64xf32, #tpu.memory_space<hbm>>) dst(%arg10 : memref<128x64xf32, #tpu.memory_space<vmem>>)
    %dma_wait3A_43 = arith.constant 0 : i32
    %dma_wait3A_44 = arith.constant 0 : i32
    %dma_wait3A_45 = tpu.memref_slice %arg5[%dma_wait3A_43, %dma_wait3A_44] : memref<100000x64xf32, #tpu.memory_space<hbm>> -> memref<128x64xf32, #tpu.memory_space<hbm>>
    %dma_wait3A_46 = arith.constant 0 : i32
    %dma_wait3A_47 = arith.constant 0 : i32
    %dma_wait3A_48 = tpu.memref_slice %arg5[%dma_wait3A_46, %dma_wait3A_47] : memref<100000x64xf32, #tpu.memory_space<hbm>> -> memref<128x64xf32, #tpu.memory_space<hbm>>
    tpu.wait_dma2 semaphore(%arg17 : memref<!tpu.dma_semaphore, #tpu.memory_space<semaphore_mem>>) src(%dma_wait3A_48 : memref<128x64xf32, #tpu.memory_space<hbm>>) dst(%arg12 : memref<128x64xf32, #tpu.memory_space<vmem>>)
    %scan3A_49 = arith.constant 0 : i32
    %scan3A_50 = arith.constant 0 : i32
    %scan3A_51 = arith.constant 8 : i32
    %scan3A_52 = arith.addi %scan3A_50, %scan3A_51 : i32
    %scan3A_53 = arith.constant 1 : i32
    scf.for %scan3A_97 = %scan3A_50 to %scan3A_52 step %scan3A_53  : i32 {
      %mul3A_98 = arith.constant 16 : i32
      %mul3A_99 = arith.muli %scan3A_97, %mul3A_98 : i32
      %add3A_100 = vector.broadcast %mul3A_99 : i32 to vector<16xi32>
      %add3A_101 = arith.addi %add3A_100, %iota3A : vector<16xi32>
      %broadcast_in_dim3A = arith.constant 0.000000e+00 : f32
      %broadcast_in_dim3A_102 = vector.broadcast %broadcast_in_dim3A : f32 to vector<16xf32>
      %scan3A_103 = arith.constant 0 : i32
      %scan3A_104 = arith.constant 64 : i32
      %scan3A_105 = arith.addi %scan3A_103, %scan3A_104 : i32
      %scan3A_106 = arith.constant 8 : i32
      %scan3A_107 = scf.for %scan3A_114 = %scan3A_103 to %scan3A_105 step %scan3A_106 iter_args(%scan3A_115 = %broadcast_in_dim3A_102) -> (vector<16xf32>)  : i32 {
        %broadcast_in_dim3A_116 = vector.broadcast %scan3A_114 : i32 to vector<16xi32>
        %gather3A = tpu.vector_load_idx %arg10[%add3A_101, %broadcast_in_dim3A_116] : memref<128x64xf32, #tpu.memory_space<vmem>>[vector<16xi32>, vector<16xi32>], vector<16xf32>,
        %gather3A_117 = tpu.vector_load_idx %arg12[%add3A_101, %broadcast_in_dim3A_116] : memref<128x64xf32, #tpu.memory_space<vmem>>[vector<16xi32>, vector<16xi32>], vector<16xf32>,
        %mul3A_118 = arith.mulf %gather3A, %gather3A_117 : vector<16xf32>
        %add3A_119 = arith.addf %scan3A_115, %mul3A_118 : vector<16xf32>
        %scan3A_120 = arith.constant 1 : i32
        %scan3A_121 = arith.addi %scan3A_114, %scan3A_120 : i32
        %broadcast_in_dim3A_122 = vector.broadcast %scan3A_121 : i32 to vector<16xi32>
        %gather3A_123 = tpu.vector_load_idx %arg10[%add3A_101, %broadcast_in_dim3A_122] : memref<128x64xf32, #tpu.memory_space<vmem>>[vector<16xi32>, vector<16xi32>], vector<16xf32>,
        %gather3A_124 = tpu.vector_load_idx %arg12[%add3A_101, %broadcast_in_dim3A_122] : memref<128x64xf32, #tpu.memory_space<vmem>>[vector<16xi32>, vector<16xi32>], vector<16xf32>,
        %mul3A_125 = arith.mulf %gather3A_123, %gather3A_124 : vector<16xf32>
        %add3A_126 = arith.addf %add3A_119, %mul3A_125 : vector<16xf32>
        %scan3A_127 = arith.constant 2 : i32
        %scan3A_128 = arith.addi %scan3A_114, %scan3A_127 : i32
        %broadcast_in_dim3A_129 = vector.broadcast %scan3A_128 : i32 to vector<16xi32>
        %gather3A_130 = tpu.vector_load_idx %arg10[%add3A_101, %broadcast_in_dim3A_129] : memref<128x64xf32, #tpu.memory_space<vmem>>[vector<16xi32>, vector<16xi32>], vector<16xf32>,
        %gather3A_131 = tpu.vector_load_idx %arg12[%add3A_101, %broadcast_in_dim3A_129] : memref<128x64xf32, #tpu.memory_space<vmem>>[vector<16xi32>, vector<16xi32>], vector<16xf32>,
        %mul3A_132 = arith.mulf %gather3A_130, %gather3A_131 : vector<16xf32>
        %add3A_133 = arith.addf %add3A_126, %mul3A_132 : vector<16xf32>
        %scan3A_134 = arith.constant 3 : i32
        %scan3A_135 = arith.addi %scan3A_114, %scan3A_134 : i32
        %broadcast_in_dim3A_136 = vector.broadcast %scan3A_135 : i32 to vector<16xi32>
        %gather3A_137 = tpu.vector_load_idx %arg10[%add3A_101, %broadcast_in_dim3A_136] : memref<128x64xf32, #tpu.memory_space<vmem>>[vector<16xi32>, vector<16xi32>], vector<16xf32>,
        %gather3A_138 = tpu.vector_load_idx %arg12[%add3A_101, %broadcast_in_dim3A_136] : memref<128x64xf32, #tpu.memory_space<vmem>>[vector<16xi32>, vector<16xi32>], vector<16xf32>,
        %mul3A_139 = arith.mulf %gather3A_137, %gather3A_138 : vector<16xf32>
        %add3A_140 = arith.addf %add3A_133, %mul3A_139 : vector<16xf32>
        %scan3A_141 = arith.constant 4 : i32
        %scan3A_142 = arith.addi %scan3A_114, %scan3A_141 : i32
        %broadcast_in_dim3A_143 = vector.broadcast %scan3A_142 : i32 to vector<16xi32>
        %gather3A_144 = tpu.vector_load_idx %arg10[%add3A_101, %broadcast_in_dim3A_143] : memref<128x64xf32, #tpu.memory_space<vmem>>[vector<16xi32>, vector<16xi32>], vector<16xf32>,
        %gather3A_145 = tpu.vector_load_idx %arg12[%add3A_101, %broadcast_in_dim3A_143] : memref<128x64xf32, #tpu.memory_space<vmem>>[vector<16xi32>, vector<16xi32>], vector<16xf32>,
        %mul3A_146 = arith.mulf %gather3A_144, %gather3A_145 : vector<16xf32>
        %add3A_147 = arith.addf %add3A_140, %mul3A_146 : vector<16xf32>
        %scan3A_148 = arith.constant 5 : i32
        %scan3A_149 = arith.addi %scan3A_114, %scan3A_148 : i32
        %broadcast_in_dim3A_150 = vector.broadcast %scan3A_149 : i32 to vector<16xi32>
        %gather3A_151 = tpu.vector_load_idx %arg10[%add3A_101, %broadcast_in_dim3A_150] : memref<128x64xf32, #tpu.memory_space<vmem>>[vector<16xi32>, vector<16xi32>], vector<16xf32>,
        %gather3A_152 = tpu.vector_load_idx %arg12[%add3A_101, %broadcast_in_dim3A_150] : memref<128x64xf32, #tpu.memory_space<vmem>>[vector<16xi32>, vector<16xi32>], vector<16xf32>,
        %mul3A_153 = arith.mulf %gather3A_151, %gather3A_152 : vector<16xf32>
        %add3A_154 = arith.addf %add3A_147, %mul3A_153 : vector<16xf32>
        %scan3A_155 = arith.constant 6 : i32
        %scan3A_156 = arith.addi %scan3A_114, %scan3A_155 : i32
        %broadcast_in_dim3A_157 = vector.broadcast %scan3A_156 : i32 to vector<16xi32>
        %gather3A_158 = tpu.vector_load_idx %arg10[%add3A_101, %broadcast_in_dim3A_157] : memref<128x64xf32, #tpu.memory_space<vmem>>[vector<16xi32>, vector<16xi32>], vector<16xf32>,
        %gather3A_159 = tpu.vector_load_idx %arg12[%add3A_101, %broadcast_in_dim3A_157] : memref<128x64xf32, #tpu.memory_space<vmem>>[vector<16xi32>, vector<16xi32>], vector<16xf32>,
        %mul3A_160 = arith.mulf %gather3A_158, %gather3A_159 : vector<16xf32>
        %add3A_161 = arith.addf %add3A_154, %mul3A_160 : vector<16xf32>
        %scan3A_162 = arith.constant 7 : i32
        %scan3A_163 = arith.addi %scan3A_114, %scan3A_162 : i32
        %broadcast_in_dim3A_164 = vector.broadcast %scan3A_163 : i32 to vector<16xi32>
        %gather3A_165 = tpu.vector_load_idx %arg10[%add3A_101, %broadcast_in_dim3A_164] : memref<128x64xf32, #tpu.memory_space<vmem>>[vector<16xi32>, vector<16xi32>], vector<16xf32>,
        %gather3A_166 = tpu.vector_load_idx %arg12[%add3A_101, %broadcast_in_dim3A_164] : memref<128x64xf32, #tpu.memory_space<vmem>>[vector<16xi32>, vector<16xi32>], vector<16xf32>,
        %mul3A_167 = arith.mulf %gather3A_165, %gather3A_166 : vector<16xf32>
        %add3A_168 = arith.addf %add3A_161, %mul3A_167 : vector<16xf32>
        scf.yield %add3A_168 : vector<16xf32>
      }
      %scan3A_108 = arith.constant 64 : i32
      %mul3A_109 = arith.constant 16 : i32
      %mul3A_110 = arith.muli %scan3A_97, %mul3A_109 : i32
      %add3A_111 = arith.constant 128 : i32
      %add3A_112 = arith.addi %add3A_111, %mul3A_110 : i32
      %swap3A = arith.index_cast %add3A_112 : i32 to index
      %swap3A_113 = tpu.vector_load %arg13[%swap3A] {strides = array<i32>} : memref<512xf32, #tpu.memory_space<vmem>>, vector<16xf32>,
      tpu.vector_store %arg13[%swap3A], %scan3A_107 {strides = array<i32>} : memref<512xf32, #tpu.memory_space<vmem>>, vector<16xf32>,
    }
    %scan3A_54 = arith.constant 8 : i32
    %scan3A_55 = arith.constant 0 : i32
    %scan3A_56 = arith.constant 0 : i32
    %scan3A_57 = arith.constant 8 : i32
    %scan3A_58 = arith.addi %scan3A_56, %scan3A_57 : i32
    %scan3A_59 = arith.constant 1 : i32
    scf.for %scan3A_97 = %scan3A_56 to %scan3A_58 step %scan3A_59  : i32 {
      %mul3A_98 = arith.constant 16 : i32
      %mul3A_99 = arith.muli %scan3A_97, %mul3A_98 : i32
      %add3A_100 = arith.constant 384 : i32
      %add3A_101 = arith.addi %add3A_100, %mul3A_99 : i32
      %get3A = arith.index_cast %add3A_101 : i32 to index
      %get3A_102 = tpu.vector_load %arg7[%get3A] {strides = array<i32>} : memref<512xi32, #tpu.memory_space<vmem>>, vector<16xi32>,
      %mul3A_103 = arith.constant 16 : i32
      %mul3A_104 = arith.muli %scan3A_97, %mul3A_103 : i32
      %add3A_105 = arith.constant 384 : i32
      %add3A_106 = arith.addi %add3A_105, %mul3A_104 : i32
      %get3A_107 = arith.index_cast %add3A_106 : i32 to index
      %get3A_108 = tpu.vector_load %arg8[%get3A_107] {strides = array<i32>} : memref<512xi32, #tpu.memory_space<vmem>>, vector<16xi32>,
      %slice3A = vector.extract_strided_slice %get3A_102 {offsets = [0], sizes = [1], strides = [1]} : vector<16xi32> to vector<1xi32>
      %squeeze3A = vector.extract %slice3A[0] : i32 from vector<1xi32>
      %mul3A_109 = arith.constant 16 : i32
      %mul3A_110 = arith.muli %scan3A_97, %mul3A_109 : i32
      %add3A_111 = arith.constant 0 : i32
      %add3A_112 = arith.addi %mul3A_110, %add3A_111 : i32
      %dma_start3A = arith.constant 0 : i32
      %dma_start3A_113 = tpu.memref_slice %arg10[%add3A_112, %dma_start3A] : memref<128x64xf32, #tpu.memory_space<vmem>> -> memref<1x64xf32, #tpu.memory_space<vmem>>
      %dma_start3A_114 = arith.constant 0 : i32
      %dma_start3A_115 = tpu.memref_slice %arg4[%squeeze3A, %dma_start3A_114] : memref<1000000x64xf32, #tpu.memory_space<hbm>> -> memref<1x64xf32, #tpu.memory_space<hbm>>
      %dma_start3A_116 = arith.constant 0 : i32
      %dma_start3A_117 = tpu.memref_slice %arg10[%add3A_112, %dma_start3A_116] : memref<128x64xf32, #tpu.memory_space<vmem>> -> memref<1x64xf32, #tpu.memory_space<vmem>>
      %dma_start3A_118 = arith.constant 0 : i32
      %dma_start3A_119 = tpu.memref_slice %arg4[%squeeze3A, %dma_start3A_118] : memref<1000000x64xf32, #tpu.memory_space<hbm>> -> memref<1x64xf32, #tpu.memory_space<hbm>>
      tpu.enqueue_dma source(%dma_start3A_119 : memref<1x64xf32, #tpu.memory_space<hbm>>) target(%dma_start3A_117 : memref<1x64xf32, #tpu.memory_space<vmem>>) target_semaphore(%arg15 : memref<!tpu.dma_semaphore, #tpu.memory_space<semaphore_mem>>)
      %slice3A_120 = vector.extract_strided_slice %get3A_108 {offsets = [0], sizes = [1], strides = [1]} : vector<16xi32> to vector<1xi32>
      %squeeze3A_121 = vector.extract %slice3A_120[0] : i32 from vector<1xi32>
      %mul3A_122 = arith.constant 16 : i32
      %mul3A_123 = arith.muli %scan3A_97, %mul3A_122 : i32
      %add3A_124 = arith.constant 0 : i32
      %add3A_125 = arith.addi %mul3A_123, %add3A_124 : i32
      %dma_start3A_126 = arith.constant 0 : i32
      %dma_start3A_127 = tpu.memref_slice %arg12[%add3A_125, %dma_start3A_126] : memref<128x64xf32, #tpu.memory_space<vmem>> -> memref<1x64xf32, #tpu.memory_space<vmem>>
      %dma_start3A_128 = arith.constant 0 : i32
      %dma_start3A_129 = tpu.memref_slice %arg5[%squeeze3A_121, %dma_start3A_128] : memref<100000x64xf32, #tpu.memory_space<hbm>> -> memref<1x64xf32, #tpu.memory_space<hbm>>
      %dma_start3A_130 = arith.constant 0 : i32
      %dma_start3A_131 = tpu.memref_slice %arg12[%add3A_125, %dma_start3A_130] : memref<128x64xf32, #tpu.memory_space<vmem>> -> memref<1x64xf32, #tpu.memory_space<vmem>>
      %dma_start3A_132 = arith.constant 0 : i32
      %dma_start3A_133 = tpu.memref_slice %arg5[%squeeze3A_121, %dma_start3A_132] : memref<100000x64xf32, #tpu.memory_space<hbm>> -> memref<1x64xf32, #tpu.memory_space<hbm>>
      tpu.enqueue_dma source(%dma_start3A_133 : memref<1x64xf32, #tpu.memory_space<hbm>>) target(%dma_start3A_131 : memref<1x64xf32, #tpu.memory_space<vmem>>) target_semaphore(%arg17 : memref<!tpu.dma_semaphore, #tpu.memory_space<semaphore_mem>>)
      %slice3A_134 = vector.extract_strided_slice %get3A_102 {offsets = [1], sizes = [1], strides = [1]} : vector<16xi32> to vector<1xi32>
      %squeeze3A_135 = vector.extract %slice3A_134[0] : i32 from vector<1xi32>
      %mul3A_136 = arith.constant 16 : i32
      %mul3A_137 = arith.muli %scan3A_97, %mul3A_136 : i32
      %add3A_138 = arith.constant 1 : i32
      %add3A_139 = arith.addi %mul3A_137, %add3A_138 : i32
      %dma_start3A_140 = arith.constant 0 : i32
      %dma_start3A_141 = tpu.memref_slice %arg10[%add3A_139, %dma_start3A_140] : memref<128x64xf32, #tpu.memory_space<vmem>> -> memref<1x64xf32, #tpu.memory_space<vmem>>
      %dma_start3A_142 = arith.constant 0 : i32
      %dma_start3A_143 = tpu.memref_slice %arg4[%squeeze3A_135, %dma_start3A_142] : memref<1000000x64xf32, #tpu.memory_space<hbm>> -> memref<1x64xf32, #tpu.memory_space<hbm>>
      %dma_start3A_144 = arith.constant 0 : i32
      %dma_start3A_145 = tpu.memref_slice %arg10[%add3A_139, %dma_start3A_144] : memref<128x64xf32, #tpu.memory_space<vmem>> -> memref<1x64xf32, #tpu.memory_space<vmem>>
      %dma_start3A_146 = arith.constant 0 : i32
      %dma_start3A_147 = tpu.memref_slice %arg4[%squeeze3A_135, %dma_start3A_146] : memref<1000000x64xf32, #tpu.memory_space<hbm>> -> memref<1x64xf32, #tpu.memory_space<hbm>>
      tpu.enqueue_dma source(%dma_start3A_147 : memref<1x64xf32, #tpu.memory_space<hbm>>) target(%dma_start3A_145 : memref<1x64xf32, #tpu.memory_space<vmem>>) target_semaphore(%arg15 : memref<!tpu.dma_semaphore, #tpu.memory_space<semaphore_mem>>)
      %slice3A_148 = vector.extract_strided_slice %get3A_108 {offsets = [1], sizes = [1], strides = [1]} : vector<16xi32> to vector<1xi32>
      %squeeze3A_149 = vector.extract %slice3A_148[0] : i32 from vector<1xi32>
      %mul3A_150 = arith.constant 16 : i32
      %mul3A_151 = arith.muli %scan3A_97, %mul3A_150 : i32
      %add3A_152 = arith.constant 1 : i32
      %add3A_153 = arith.addi %mul3A_151, %add3A_152 : i32
      %dma_start3A_154 = arith.constant 0 : i32
      %dma_start3A_155 = tpu.memref_slice %arg12[%add3A_153, %dma_start3A_154] : memref<128x64xf32, #tpu.memory_space<vmem>> -> memref<1x64xf32, #tpu.memory_space<vmem>>
      %dma_start3A_156 = arith.constant 0 : i32
      %dma_start3A_157 = tpu.memref_slice %arg5[%squeeze3A_149, %dma_start3A_156] : memref<100000x64xf32, #tpu.memory_space<hbm>> -> memref<1x64xf32, #tpu.memory_space<hbm>>
      %dma_start3A_158 = arith.constant 0 : i32
      %dma_start3A_159 = tpu.memref_slice %arg12[%add3A_153, %dma_start3A_158] : memref<128x64xf32, #tpu.memory_space<vmem>> -> memref<1x64xf32, #tpu.memory_space<vmem>>
      %dma_start3A_160 = arith.constant 0 : i32
      %dma_start3A_161 = tpu.memref_slice %arg5[%squeeze3A_149, %dma_start3A_160] : memref<100000x64xf32, #tpu.memory_space<hbm>> -> memref<1x64xf32, #tpu.memory_space<hbm>>
      tpu.enqueue_dma source(%dma_start3A_161 : memref<1x64xf32, #tpu.memory_space<hbm>>) target(%dma_start3A_159 : memref<1x64xf32, #tpu.memory_space<vmem>>) target_semaphore(%arg17 : memref<!tpu.dma_semaphore, #tpu.memory_space<semaphore_mem>>)
      %slice3A_162 = vector.extract_strided_slice %get3A_102 {offsets = [2], sizes = [1], strides = [1]} : vector<16xi32> to vector<1xi32>
      %squeeze3A_163 = vector.extract %slice3A_162[0] : i32 from vector<1xi32>
      %mul3A_164 = arith.constant 16 : i32
      %mul3A_165 = arith.muli %scan3A_97, %mul3A_164 : i32
      %add3A_166 = arith.constant 2 : i32
      %add3A_167 = arith.addi %mul3A_165, %add3A_166 : i32
      %dma_start3A_168 = arith.constant 0 : i32
      %dma_start3A_169 = tpu.memref_slice %arg10[%add3A_167, %dma_start3A_168] : memref<128x64xf32, #tpu.memory_space<vmem>> -> memref<1x64xf32, #tpu.memory_space<vmem>>
      %dma_start3A_170 = arith.constant 0 : i32
      %dma_start3A_171 = tpu.memref_slice %arg4[%squeeze3A_163, %dma_start3A_170] : memref<1000000x64xf32, #tpu.memory_space<hbm>> -> memref<1x64xf32, #tpu.memory_space<hbm>>
      %dma_start3A_172 = arith.constant 0 : i32
      %dma_start3A_173 = tpu.memref_slice %arg10[%add3A_167, %dma_start3A_172] : memref<128x64xf32, #tpu.memory_space<vmem>> -> memref<1x64xf32, #tpu.memory_space<vmem>>
      %dma_start3A_174 = arith.constant 0 : i32
      %dma_start3A_175 = tpu.memref_slice %arg4[%squeeze3A_163, %dma_start3A_174] : memref<1000000x64xf32, #tpu.memory_space<hbm>> -> memref<1x64xf32, #tpu.memory_space<hbm>>
      tpu.enqueue_dma source(%dma_start3A_175 : memref<1x64xf32, #tpu.memory_space<hbm>>) target(%dma_start3A_173 : memref<1x64xf32, #tpu.memory_space<vmem>>) target_semaphore(%arg15 : memref<!tpu.dma_semaphore, #tpu.memory_space<semaphore_mem>>)
      %slice3A_176 = vector.extract_strided_slice %get3A_108 {offsets = [2], sizes = [1], strides = [1]} : vector<16xi32> to vector<1xi32>
      %squeeze3A_177 = vector.extract %slice3A_176[0] : i32 from vector<1xi32>
      %mul3A_178 = arith.constant 16 : i32
      %mul3A_179 = arith.muli %scan3A_97, %mul3A_178 : i32
      %add3A_180 = arith.constant 2 : i32
      %add3A_181 = arith.addi %mul3A_179, %add3A_180 : i32
      %dma_start3A_182 = arith.constant 0 : i32
      %dma_start3A_183 = tpu.memref_slice %arg12[%add3A_181, %dma_start3A_182] : memref<128x64xf32, #tpu.memory_space<vmem>> -> memref<1x64xf32, #tpu.memory_space<vmem>>
      %dma_start3A_184 = arith.constant 0 : i32
      %dma_start3A_185 = tpu.memref_slice %arg5[%squeeze3A_177, %dma_start3A_184] : memref<100000x64xf32, #tpu.memory_space<hbm>> -> memref<1x64xf32, #tpu.memory_space<hbm>>
      %dma_start3A_186 = arith.constant 0 : i32
      %dma_start3A_187 = tpu.memref_slice %arg12[%add3A_181, %dma_start3A_186] : memref<128x64xf32, #tpu.memory_space<vmem>> -> memref<1x64xf32, #tpu.memory_space<vmem>>
      %dma_start3A_188 = arith.constant 0 : i32
      %dma_start3A_189 = tpu.memref_slice %arg5[%squeeze3A_177, %dma_start3A_188] : memref<100000x64xf32, #tpu.memory_space<hbm>> -> memref<1x64xf32, #tpu.memory_space<hbm>>
      tpu.enqueue_dma source(%dma_start3A_189 : memref<1x64xf32, #tpu.memory_space<hbm>>) target(%dma_start3A_187 : memref<1x64xf32, #tpu.memory_space<vmem>>) target_semaphore(%arg17 : memref<!tpu.dma_semaphore, #tpu.memory_space<semaphore_mem>>)
      %slice3A_190 = vector.extract_strided_slice %get3A_102 {offsets = [3], sizes = [1], strides = [1]} : vector<16xi32> to vector<1xi32>
      %squeeze3A_191 = vector.extract %slice3A_190[0] : i32 from vector<1xi32>
      %mul3A_192 = arith.constant 16 : i32
      %mul3A_193 = arith.muli %scan3A_97, %mul3A_192 : i32
      %add3A_194 = arith.constant 3 : i32
      %add3A_195 = arith.addi %mul3A_193, %add3A_194 : i32
      %dma_start3A_196 = arith.constant 0 : i32
      %dma_start3A_197 = tpu.memref_slice %arg10[%add3A_195, %dma_start3A_196] : memref<128x64xf32, #tpu.memory_space<vmem>> -> memref<1x64xf32, #tpu.memory_space<vmem>>
      %dma_start3A_198 = arith.constant 0 : i32
      %dma_start3A_199 = tpu.memref_slice %arg4[%squeeze3A_191, %dma_start3A_198] : memref<1000000x64xf32, #tpu.memory_space<hbm>> -> memref<1x64xf32, #tpu.memory_space<hbm>>
      %dma_start3A_200 = arith.constant 0 : i32
      %dma_start3A_201 = tpu.memref_slice %arg10[%add3A_195, %dma_start3A_200] : memref<128x64xf32, #tpu.memory_space<vmem>> -> memref<1x64xf32, #tpu.memory_space<vmem>>
      %dma_start3A_202 = arith.constant 0 : i32
      %dma_start3A_203 = tpu.memref_slice %arg4[%squeeze3A_191, %dma_start3A_202] : memref<1000000x64xf32, #tpu.memory_space<hbm>> -> memref<1x64xf32, #tpu.memory_space<hbm>>
      tpu.enqueue_dma source(%dma_start3A_203 : memref<1x64xf32, #tpu.memory_space<hbm>>) target(%dma_start3A_201 : memref<1x64xf32, #tpu.memory_space<vmem>>) target_semaphore(%arg15 : memref<!tpu.dma_semaphore, #tpu.memory_space<semaphore_mem>>)
      %slice3A_204 = vector.extract_strided_slice %get3A_108 {offsets = [3], sizes = [1], strides = [1]} : vector<16xi32> to vector<1xi32>
      %squeeze3A_205 = vector.extract %slice3A_204[0] : i32 from vector<1xi32>
      %mul3A_206 = arith.constant 16 : i32
      %mul3A_207 = arith.muli %scan3A_97, %mul3A_206 : i32
      %add3A_208 = arith.constant 3 : i32
      %add3A_209 = arith.addi %mul3A_207, %add3A_208 : i32
      %dma_start3A_210 = arith.constant 0 : i32
      %dma_start3A_211 = tpu.memref_slice %arg12[%add3A_209, %dma_start3A_210] : memref<128x64xf32, #tpu.memory_space<vmem>> -> memref<1x64xf32, #tpu.memory_space<vmem>>
      %dma_start3A_212 = arith.constant 0 : i32
      %dma_start3A_213 = tpu.memref_slice %arg5[%squeeze3A_205, %dma_start3A_212] : memref<100000x64xf32, #tpu.memory_space<hbm>> -> memref<1x64xf32, #tpu.memory_space<hbm>>
      %dma_start3A_214 = arith.constant 0 : i32
      %dma_start3A_215 = tpu.memref_slice %arg12[%add3A_209, %dma_start3A_214] : memref<128x64xf32, #tpu.memory_space<vmem>> -> memref<1x64xf32, #tpu.memory_space<vmem>>
      %dma_start3A_216 = arith.constant 0 : i32
      %dma_start3A_217 = tpu.memref_slice %arg5[%squeeze3A_205, %dma_start3A_216] : memref<100000x64xf32, #tpu.memory_space<hbm>> -> memref<1x64xf32, #tpu.memory_space<hbm>>
      tpu.enqueue_dma source(%dma_start3A_217 : memref<1x64xf32, #tpu.memory_space<hbm>>) target(%dma_start3A_215 : memref<1x64xf32, #tpu.memory_space<vmem>>) target_semaphore(%arg17 : memref<!tpu.dma_semaphore, #tpu.memory_space<semaphore_mem>>)
      %slice3A_218 = vector.extract_strided_slice %get3A_102 {offsets = [4], sizes = [1], strides = [1]} : vector<16xi32> to vector<1xi32>
      %squeeze3A_219 = vector.extract %slice3A_218[0] : i32 from vector<1xi32>
      %mul3A_220 = arith.constant 16 : i32
      %mul3A_221 = arith.muli %scan3A_97, %mul3A_220 : i32
      %add3A_222 = arith.constant 4 : i32
      %add3A_223 = arith.addi %mul3A_221, %add3A_222 : i32
      %dma_start3A_224 = arith.constant 0 : i32
      %dma_start3A_225 = tpu.memref_slice %arg10[%add3A_223, %dma_start3A_224] : memref<128x64xf32, #tpu.memory_space<vmem>> -> memref<1x64xf32, #tpu.memory_space<vmem>>
      %dma_start3A_226 = arith.constant 0 : i32
      %dma_start3A_227 = tpu.memref_slice %arg4[%squeeze3A_219, %dma_start3A_226] : memref<1000000x64xf32, #tpu.memory_space<hbm>> -> memref<1x64xf32, #tpu.memory_space<hbm>>
      %dma_start3A_228 = arith.constant 0 : i32
      %dma_start3A_229 = tpu.memref_slice %arg10[%add3A_223, %dma_start3A_228] : memref<128x64xf32, #tpu.memory_space<vmem>> -> memref<1x64xf32, #tpu.memory_space<vmem>>
      %dma_start3A_230 = arith.constant 0 : i32
      %dma_start3A_231 = tpu.memref_slice %arg4[%squeeze3A_219, %dma_start3A_230] : memref<1000000x64xf32, #tpu.memory_space<hbm>> -> memref<1x64xf32, #tpu.memory_space<hbm>>
      tpu.enqueue_dma source(%dma_start3A_231 : memref<1x64xf32, #tpu.memory_space<hbm>>) target(%dma_start3A_229 : memref<1x64xf32, #tpu.memory_space<vmem>>) target_semaphore(%arg15 : memref<!tpu.dma_semaphore, #tpu.memory_space<semaphore_mem>>)
      %slice3A_232 = vector.extract_strided_slice %get3A_108 {offsets = [4], sizes = [1], strides = [1]} : vector<16xi32> to vector<1xi32>
      %squeeze3A_233 = vector.extract %slice3A_232[0] : i32 from vector<1xi32>
      %mul3A_234 = arith.constant 16 : i32
      %mul3A_235 = arith.muli %scan3A_97, %mul3A_234 : i32
      %add3A_236 = arith.constant 4 : i32
      %add3A_237 = arith.addi %mul3A_235, %add3A_236 : i32
      %dma_start3A_238 = arith.constant 0 : i32
      %dma_start3A_239 = tpu.memref_slice %arg12[%add3A_237, %dma_start3A_238] : memref<128x64xf32, #tpu.memory_space<vmem>> -> memref<1x64xf32, #tpu.memory_space<vmem>>
      %dma_start3A_240 = arith.constant 0 : i32
      %dma_start3A_241 = tpu.memref_slice %arg5[%squeeze3A_233, %dma_start3A_240] : memref<100000x64xf32, #tpu.memory_space<hbm>> -> memref<1x64xf32, #tpu.memory_space<hbm>>
      %dma_start3A_242 = arith.constant 0 : i32
      %dma_start3A_243 = tpu.memref_slice %arg12[%add3A_237, %dma_start3A_242] : memref<128x64xf32, #tpu.memory_space<vmem>> -> memref<1x64xf32, #tpu.memory_space<vmem>>
      %dma_start3A_244 = arith.constant 0 : i32
      %dma_start3A_245 = tpu.memref_slice %arg5[%squeeze3A_233, %dma_start3A_244] : memref<100000x64xf32, #tpu.memory_space<hbm>> -> memref<1x64xf32, #tpu.memory_space<hbm>>
      tpu.enqueue_dma source(%dma_start3A_245 : memref<1x64xf32, #tpu.memory_space<hbm>>) target(%dma_start3A_243 : memref<1x64xf32, #tpu.memory_space<vmem>>) target_semaphore(%arg17 : memref<!tpu.dma_semaphore, #tpu.memory_space<semaphore_mem>>)
      %slice3A_246 = vector.extract_strided_slice %get3A_102 {offsets = [5], sizes = [1], strides = [1]} : vector<16xi32> to vector<1xi32>
      %squeeze3A_247 = vector.extract %slice3A_246[0] : i32 from vector<1xi32>
      %mul3A_248 = arith.constant 16 : i32
      %mul3A_249 = arith.muli %scan3A_97, %mul3A_248 : i32
      %add3A_250 = arith.constant 5 : i32
      %add3A_251 = arith.addi %mul3A_249, %add3A_250 : i32
      %dma_start3A_252 = arith.constant 0 : i32
      %dma_start3A_253 = tpu.memref_slice %arg10[%add3A_251, %dma_start3A_252] : memref<128x64xf32, #tpu.memory_space<vmem>> -> memref<1x64xf32, #tpu.memory_space<vmem>>
      %dma_start3A_254 = arith.constant 0 : i32
      %dma_start3A_255 = tpu.memref_slice %arg4[%squeeze3A_247, %dma_start3A_254] : memref<1000000x64xf32, #tpu.memory_space<hbm>> -> memref<1x64xf32, #tpu.memory_space<hbm>>
      %dma_start3A_256 = arith.constant 0 : i32
      %dma_start3A_257 = tpu.memref_slice %arg10[%add3A_251, %dma_start3A_256] : memref<128x64xf32, #tpu.memory_space<vmem>> -> memref<1x64xf32, #tpu.memory_space<vmem>>
      %dma_start3A_258 = arith.constant 0 : i32
      %dma_start3A_259 = tpu.memref_slice %arg4[%squeeze3A_247, %dma_start3A_258] : memref<1000000x64xf32, #tpu.memory_space<hbm>> -> memref<1x64xf32, #tpu.memory_space<hbm>>
      tpu.enqueue_dma source(%dma_start3A_259 : memref<1x64xf32, #tpu.memory_space<hbm>>) target(%dma_start3A_257 : memref<1x64xf32, #tpu.memory_space<vmem>>) target_semaphore(%arg15 : memref<!tpu.dma_semaphore, #tpu.memory_space<semaphore_mem>>)
      %slice3A_260 = vector.extract_strided_slice %get3A_108 {offsets = [5], sizes = [1], strides = [1]} : vector<16xi32> to vector<1xi32>
      %squeeze3A_261 = vector.extract %slice3A_260[0] : i32 from vector<1xi32>
      %mul3A_262 = arith.constant 16 : i32
      %mul3A_263 = arith.muli %scan3A_97, %mul3A_262 : i32
      %add3A_264 = arith.constant 5 : i32
      %add3A_265 = arith.addi %mul3A_263, %add3A_264 : i32
      %dma_start3A_266 = arith.constant 0 : i32
      %dma_start3A_267 = tpu.memref_slice %arg12[%add3A_265, %dma_start3A_266] : memref<128x64xf32, #tpu.memory_space<vmem>> -> memref<1x64xf32, #tpu.memory_space<vmem>>
      %dma_start3A_268 = arith.constant 0 : i32
      %dma_start3A_269 = tpu.memref_slice %arg5[%squeeze3A_261, %dma_start3A_268] : memref<100000x64xf32, #tpu.memory_space<hbm>> -> memref<1x64xf32, #tpu.memory_space<hbm>>
      %dma_start3A_270 = arith.constant 0 : i32
      %dma_start3A_271 = tpu.memref_slice %arg12[%add3A_265, %dma_start3A_270] : memref<128x64xf32, #tpu.memory_space<vmem>> -> memref<1x64xf32, #tpu.memory_space<vmem>>
      %dma_start3A_272 = arith.constant 0 : i32
      %dma_start3A_273 = tpu.memref_slice %arg5[%squeeze3A_261, %dma_start3A_272] : memref<100000x64xf32, #tpu.memory_space<hbm>> -> memref<1x64xf32, #tpu.memory_space<hbm>>
      tpu.enqueue_dma source(%dma_start3A_273 : memref<1x64xf32, #tpu.memory_space<hbm>>) target(%dma_start3A_271 : memref<1x64xf32, #tpu.memory_space<vmem>>) target_semaphore(%arg17 : memref<!tpu.dma_semaphore, #tpu.memory_space<semaphore_mem>>)
      %slice3A_274 = vector.extract_strided_slice %get3A_102 {offsets = [6], sizes = [1], strides = [1]} : vector<16xi32> to vector<1xi32>
      %squeeze3A_275 = vector.extract %slice3A_274[0] : i32 from vector<1xi32>
      %mul3A_276 = arith.constant 16 : i32
      %mul3A_277 = arith.muli %scan3A_97, %mul3A_276 : i32
      %add3A_278 = arith.constant 6 : i32
      %add3A_279 = arith.addi %mul3A_277, %add3A_278 : i32
      %dma_start3A_280 = arith.constant 0 : i32
      %dma_start3A_281 = tpu.memref_slice %arg10[%add3A_279, %dma_start3A_280] : memref<128x64xf32, #tpu.memory_space<vmem>> -> memref<1x64xf32, #tpu.memory_space<vmem>>
      %dma_start3A_282 = arith.constant 0 : i32
      %dma_start3A_283 = tpu.memref_slice %arg4[%squeeze3A_275, %dma_start3A_282] : memref<1000000x64xf32, #tpu.memory_space<hbm>> -> memref<1x64xf32, #tpu.memory_space<hbm>>
      %dma_start3A_284 = arith.constant 0 : i32
      %dma_start3A_285 = tpu.memref_slice %arg10[%add3A_279, %dma_start3A_284] : memref<128x64xf32, #tpu.memory_space<vmem>> -> memref<1x64xf32, #tpu.memory_space<vmem>>
      %dma_start3A_286 = arith.constant 0 : i32
      %dma_start3A_287 = tpu.memref_slice %arg4[%squeeze3A_275, %dma_start3A_286] : memref<1000000x64xf32, #tpu.memory_space<hbm>> -> memref<1x64xf32, #tpu.memory_space<hbm>>
      tpu.enqueue_dma source(%dma_start3A_287 : memref<1x64xf32, #tpu.memory_space<hbm>>) target(%dma_start3A_285 : memref<1x64xf32, #tpu.memory_space<vmem>>) target_semaphore(%arg15 : memref<!tpu.dma_semaphore, #tpu.memory_space<semaphore_mem>>)
      %slice3A_288 = vector.extract_strided_slice %get3A_108 {offsets = [6], sizes = [1], strides = [1]} : vector<16xi32> to vector<1xi32>
      %squeeze3A_289 = vector.extract %slice3A_288[0] : i32 from vector<1xi32>
      %mul3A_290 = arith.constant 16 : i32
      %mul3A_291 = arith.muli %scan3A_97, %mul3A_290 : i32
      %add3A_292 = arith.constant 6 : i32
      %add3A_293 = arith.addi %mul3A_291, %add3A_292 : i32
      %dma_start3A_294 = arith.constant 0 : i32
      %dma_start3A_295 = tpu.memref_slice %arg12[%add3A_293, %dma_start3A_294] : memref<128x64xf32, #tpu.memory_space<vmem>> -> memref<1x64xf32, #tpu.memory_space<vmem>>
      %dma_start3A_296 = arith.constant 0 : i32
      %dma_start3A_297 = tpu.memref_slice %arg5[%squeeze3A_289, %dma_start3A_296] : memref<100000x64xf32, #tpu.memory_space<hbm>> -> memref<1x64xf32, #tpu.memory_space<hbm>>
      %dma_start3A_298 = arith.constant 0 : i32
      %dma_start3A_299 = tpu.memref_slice %arg12[%add3A_293, %dma_start3A_298] : memref<128x64xf32, #tpu.memory_space<vmem>> -> memref<1x64xf32, #tpu.memory_space<vmem>>
      %dma_start3A_300 = arith.constant 0 : i32
      %dma_start3A_301 = tpu.memref_slice %arg5[%squeeze3A_289, %dma_start3A_300] : memref<100000x64xf32, #tpu.memory_space<hbm>> -> memref<1x64xf32, #tpu.memory_space<hbm>>
      tpu.enqueue_dma source(%dma_start3A_301 : memref<1x64xf32, #tpu.memory_space<hbm>>) target(%dma_start3A_299 : memref<1x64xf32, #tpu.memory_space<vmem>>) target_semaphore(%arg17 : memref<!tpu.dma_semaphore, #tpu.memory_space<semaphore_mem>>)
      %slice3A_302 = vector.extract_strided_slice %get3A_102 {offsets = [7], sizes = [1], strides = [1]} : vector<16xi32> to vector<1xi32>
      %squeeze3A_303 = vector.extract %slice3A_302[0] : i32 from vector<1xi32>
      %mul3A_304 = arith.constant 16 : i32
      %mul3A_305 = arith.muli %scan3A_97, %mul3A_304 : i32
      %add3A_306 = arith.constant 7 : i32
      %add3A_307 = arith.addi %mul3A_305, %add3A_306 : i32
      %dma_start3A_308 = arith.constant 0 : i32
      %dma_start3A_309 = tpu.memref_slice %arg10[%add3A_307, %dma_start3A_308] : memref<128x64xf32, #tpu.memory_space<vmem>> -> memref<1x64xf32, #tpu.memory_space<vmem>>
      %dma_start3A_310 = arith.constant 0 : i32
      %dma_start3A_311 = tpu.memref_slice %arg4[%squeeze3A_303, %dma_start3A_310] : memref<1000000x64xf32, #tpu.memory_space<hbm>> -> memref<1x64xf32, #tpu.memory_space<hbm>>
      %dma_start3A_312 = arith.constant 0 : i32
      %dma_start3A_313 = tpu.memref_slice %arg10[%add3A_307, %dma_start3A_312] : memref<128x64xf32, #tpu.memory_space<vmem>> -> memref<1x64xf32, #tpu.memory_space<vmem>>
      %dma_start3A_314 = arith.constant 0 : i32
      %dma_start3A_315 = tpu.memref_slice %arg4[%squeeze3A_303, %dma_start3A_314] : memref<1000000x64xf32, #tpu.memory_space<hbm>> -> memref<1x64xf32, #tpu.memory_space<hbm>>
      tpu.enqueue_dma source(%dma_start3A_315 : memref<1x64xf32, #tpu.memory_space<hbm>>) target(%dma_start3A_313 : memref<1x64xf32, #tpu.memory_space<vmem>>) target_semaphore(%arg15 : memref<!tpu.dma_semaphore, #tpu.memory_space<semaphore_mem>>)
      %slice3A_316 = vector.extract_strided_slice %get3A_108 {offsets = [7], sizes = [1], strides = [1]} : vector<16xi32> to vector<1xi32>
      %squeeze3A_317 = vector.extract %slice3A_316[0] : i32 from vector<1xi32>
      %mul3A_318 = arith.constant 16 : i32
      %mul3A_319 = arith.muli %scan3A_97, %mul3A_318 : i32
      %add3A_320 = arith.constant 7 : i32
      %add3A_321 = arith.addi %mul3A_319, %add3A_320 : i32
      %dma_start3A_322 = arith.constant 0 : i32
      %dma_start3A_323 = tpu.memref_slice %arg12[%add3A_321, %dma_start3A_322] : memref<128x64xf32, #tpu.memory_space<vmem>> -> memref<1x64xf32, #tpu.memory_space<vmem>>
      %dma_start3A_324 = arith.constant 0 : i32
      %dma_start3A_325 = tpu.memref_slice %arg5[%squeeze3A_317, %dma_start3A_324] : memref<100000x64xf32, #tpu.memory_space<hbm>> -> memref<1x64xf32, #tpu.memory_space<hbm>>
      %dma_start3A_326 = arith.constant 0 : i32
      %dma_start3A_327 = tpu.memref_slice %arg12[%add3A_321, %dma_start3A_326] : memref<128x64xf32, #tpu.memory_space<vmem>> -> memref<1x64xf32, #tpu.memory_space<vmem>>
      %dma_start3A_328 = arith.constant 0 : i32
      %dma_start3A_329 = tpu.memref_slice %arg5[%squeeze3A_317, %dma_start3A_328] : memref<100000x64xf32, #tpu.memory_space<hbm>> -> memref<1x64xf32, #tpu.memory_space<hbm>>
      tpu.enqueue_dma source(%dma_start3A_329 : memref<1x64xf32, #tpu.memory_space<hbm>>) target(%dma_start3A_327 : memref<1x64xf32, #tpu.memory_space<vmem>>) target_semaphore(%arg17 : memref<!tpu.dma_semaphore, #tpu.memory_space<semaphore_mem>>)
      %slice3A_330 = vector.extract_strided_slice %get3A_102 {offsets = [8], sizes = [1], strides = [1]} : vector<16xi32> to vector<1xi32>
      %squeeze3A_331 = vector.extract %slice3A_330[0] : i32 from vector<1xi32>
      %mul3A_332 = arith.constant 16 : i32
      %mul3A_333 = arith.muli %scan3A_97, %mul3A_332 : i32
      %add3A_334 = arith.constant 8 : i32
      %add3A_335 = arith.addi %mul3A_333, %add3A_334 : i32
      %dma_start3A_336 = arith.constant 0 : i32
      %dma_start3A_337 = tpu.memref_slice %arg10[%add3A_335, %dma_start3A_336] : memref<128x64xf32, #tpu.memory_space<vmem>> -> memref<1x64xf32, #tpu.memory_space<vmem>>
      %dma_start3A_338 = arith.constant 0 : i32
      %dma_start3A_339 = tpu.memref_slice %arg4[%squeeze3A_331, %dma_start3A_338] : memref<1000000x64xf32, #tpu.memory_space<hbm>> -> memref<1x64xf32, #tpu.memory_space<hbm>>
      %dma_start3A_340 = arith.constant 0 : i32
      %dma_start3A_341 = tpu.memref_slice %arg10[%add3A_335, %dma_start3A_340] : memref<128x64xf32, #tpu.memory_space<vmem>> -> memref<1x64xf32, #tpu.memory_space<vmem>>
      %dma_start3A_342 = arith.constant 0 : i32
      %dma_start3A_343 = tpu.memref_slice %arg4[%squeeze3A_331, %dma_start3A_342] : memref<1000000x64xf32, #tpu.memory_space<hbm>> -> memref<1x64xf32, #tpu.memory_space<hbm>>
      tpu.enqueue_dma source(%dma_start3A_343 : memref<1x64xf32, #tpu.memory_space<hbm>>) target(%dma_start3A_341 : memref<1x64xf32, #tpu.memory_space<vmem>>) target_semaphore(%arg15 : memref<!tpu.dma_semaphore, #tpu.memory_space<semaphore_mem>>)
      %slice3A_344 = vector.extract_strided_slice %get3A_108 {offsets = [8], sizes = [1], strides = [1]} : vector<16xi32> to vector<1xi32>
      %squeeze3A_345 = vector.extract %slice3A_344[0] : i32 from vector<1xi32>
      %mul3A_346 = arith.constant 16 : i32
      %mul3A_347 = arith.muli %scan3A_97, %mul3A_346 : i32
      %add3A_348 = arith.constant 8 : i32
      %add3A_349 = arith.addi %mul3A_347, %add3A_348 : i32
      %dma_start3A_350 = arith.constant 0 : i32
      %dma_start3A_351 = tpu.memref_slice %arg12[%add3A_349, %dma_start3A_350] : memref<128x64xf32, #tpu.memory_space<vmem>> -> memref<1x64xf32, #tpu.memory_space<vmem>>
      %dma_start3A_352 = arith.constant 0 : i32
      %dma_start3A_353 = tpu.memref_slice %arg5[%squeeze3A_345, %dma_start3A_352] : memref<100000x64xf32, #tpu.memory_space<hbm>> -> memref<1x64xf32, #tpu.memory_space<hbm>>
      %dma_start3A_354 = arith.constant 0 : i32
      %dma_start3A_355 = tpu.memref_slice %arg12[%add3A_349, %dma_start3A_354] : memref<128x64xf32, #tpu.memory_space<vmem>> -> memref<1x64xf32, #tpu.memory_space<vmem>>
      %dma_start3A_356 = arith.constant 0 : i32
      %dma_start3A_357 = tpu.memref_slice %arg5[%squeeze3A_345, %dma_start3A_356] : memref<100000x64xf32, #tpu.memory_space<hbm>> -> memref<1x64xf32, #tpu.memory_space<hbm>>
      tpu.enqueue_dma source(%dma_start3A_357 : memref<1x64xf32, #tpu.memory_space<hbm>>) target(%dma_start3A_355 : memref<1x64xf32, #tpu.memory_space<vmem>>) target_semaphore(%arg17 : memref<!tpu.dma_semaphore, #tpu.memory_space<semaphore_mem>>)
      %slice3A_358 = vector.extract_strided_slice %get3A_102 {offsets = [9], sizes = [1], strides = [1]} : vector<16xi32> to vector<1xi32>
      %squeeze3A_359 = vector.extract %slice3A_358[0] : i32 from vector<1xi32>
      %mul3A_360 = arith.constant 16 : i32
      %mul3A_361 = arith.muli %scan3A_97, %mul3A_360 : i32
      %add3A_362 = arith.constant 9 : i32
      %add3A_363 = arith.addi %mul3A_361, %add3A_362 : i32
      %dma_start3A_364 = arith.constant 0 : i32
      %dma_start3A_365 = tpu.memref_slice %arg10[%add3A_363, %dma_start3A_364] : memref<128x64xf32, #tpu.memory_space<vmem>> -> memref<1x64xf32, #tpu.memory_space<vmem>>
      %dma_start3A_366 = arith.constant 0 : i32
      %dma_start3A_367 = tpu.memref_slice %arg4[%squeeze3A_359, %dma_start3A_366] : memref<1000000x64xf32, #tpu.memory_space<hbm>> -> memref<1x64xf32, #tpu.memory_space<hbm>>
      %dma_start3A_368 = arith.constant 0 : i32
      %dma_start3A_369 = tpu.memref_slice %arg10[%add3A_363, %dma_start3A_368] : memref<128x64xf32, #tpu.memory_space<vmem>> -> memref<1x64xf32, #tpu.memory_space<vmem>>
      %dma_start3A_370 = arith.constant 0 : i32
      %dma_start3A_371 = tpu.memref_slice %arg4[%squeeze3A_359, %dma_start3A_370] : memref<1000000x64xf32, #tpu.memory_space<hbm>> -> memref<1x64xf32, #tpu.memory_space<hbm>>
      tpu.enqueue_dma source(%dma_start3A_371 : memref<1x64xf32, #tpu.memory_space<hbm>>) target(%dma_start3A_369 : memref<1x64xf32, #tpu.memory_space<vmem>>) target_semaphore(%arg15 : memref<!tpu.dma_semaphore, #tpu.memory_space<semaphore_mem>>)
      %slice3A_372 = vector.extract_strided_slice %get3A_108 {offsets = [9], sizes = [1], strides = [1]} : vector<16xi32> to vector<1xi32>
      %squeeze3A_373 = vector.extract %slice3A_372[0] : i32 from vector<1xi32>
      %mul3A_374 = arith.constant 16 : i32
      %mul3A_375 = arith.muli %scan3A_97, %mul3A_374 : i32
      %add3A_376 = arith.constant 9 : i32
      %add3A_377 = arith.addi %mul3A_375, %add3A_376 : i32
      %dma_start3A_378 = arith.constant 0 : i32
      %dma_start3A_379 = tpu.memref_slice %arg12[%add3A_377, %dma_start3A_378] : memref<128x64xf32, #tpu.memory_space<vmem>> -> memref<1x64xf32, #tpu.memory_space<vmem>>
      %dma_start3A_380 = arith.constant 0 : i32
      %dma_start3A_381 = tpu.memref_slice %arg5[%squeeze3A_373, %dma_start3A_380] : memref<100000x64xf32, #tpu.memory_space<hbm>> -> memref<1x64xf32, #tpu.memory_space<hbm>>
      %dma_start3A_382 = arith.constant 0 : i32
      %dma_start3A_383 = tpu.memref_slice %arg12[%add3A_377, %dma_start3A_382] : memref<128x64xf32, #tpu.memory_space<vmem>> -> memref<1x64xf32, #tpu.memory_space<vmem>>
      %dma_start3A_384 = arith.constant 0 : i32
      %dma_start3A_385 = tpu.memref_slice %arg5[%squeeze3A_373, %dma_start3A_384] : memref<100000x64xf32, #tpu.memory_space<hbm>> -> memref<1x64xf32, #tpu.memory_space<hbm>>
      tpu.enqueue_dma source(%dma_start3A_385 : memref<1x64xf32, #tpu.memory_space<hbm>>) target(%dma_start3A_383 : memref<1x64xf32, #tpu.memory_space<vmem>>) target_semaphore(%arg17 : memref<!tpu.dma_semaphore, #tpu.memory_space<semaphore_mem>>)
      %slice3A_386 = vector.extract_strided_slice %get3A_102 {offsets = [10], sizes = [1], strides = [1]} : vector<16xi32> to vector<1xi32>
      %squeeze3A_387 = vector.extract %slice3A_386[0] : i32 from vector<1xi32>
      %mul3A_388 = arith.constant 16 : i32
      %mul3A_389 = arith.muli %scan3A_97, %mul3A_388 : i32
      %add3A_390 = arith.constant 10 : i32
      %add3A_391 = arith.addi %mul3A_389, %add3A_390 : i32
      %dma_start3A_392 = arith.constant 0 : i32
      %dma_start3A_393 = tpu.memref_slice %arg10[%add3A_391, %dma_start3A_392] : memref<128x64xf32, #tpu.memory_space<vmem>> -> memref<1x64xf32, #tpu.memory_space<vmem>>
      %dma_start3A_394 = arith.constant 0 : i32
      %dma_start3A_395 = tpu.memref_slice %arg4[%squeeze3A_387, %dma_start3A_394] : memref<1000000x64xf32, #tpu.memory_space<hbm>> -> memref<1x64xf32, #tpu.memory_space<hbm>>
      %dma_start3A_396 = arith.constant 0 : i32
      %dma_start3A_397 = tpu.memref_slice %arg10[%add3A_391, %dma_start3A_396] : memref<128x64xf32, #tpu.memory_space<vmem>> -> memref<1x64xf32, #tpu.memory_space<vmem>>
      %dma_start3A_398 = arith.constant 0 : i32
      %dma_start3A_399 = tpu.memref_slice %arg4[%squeeze3A_387, %dma_start3A_398] : memref<1000000x64xf32, #tpu.memory_space<hbm>> -> memref<1x64xf32, #tpu.memory_space<hbm>>
      tpu.enqueue_dma source(%dma_start3A_399 : memref<1x64xf32, #tpu.memory_space<hbm>>) target(%dma_start3A_397 : memref<1x64xf32, #tpu.memory_space<vmem>>) target_semaphore(%arg15 : memref<!tpu.dma_semaphore, #tpu.memory_space<semaphore_mem>>)
      %slice3A_400 = vector.extract_strided_slice %get3A_108 {offsets = [10], sizes = [1], strides = [1]} : vector<16xi32> to vector<1xi32>
      %squeeze3A_401 = vector.extract %slice3A_400[0] : i32 from vector<1xi32>
      %mul3A_402 = arith.constant 16 : i32
      %mul3A_403 = arith.muli %scan3A_97, %mul3A_402 : i32
      %add3A_404 = arith.constant 10 : i32
      %add3A_405 = arith.addi %mul3A_403, %add3A_404 : i32
      %dma_start3A_406 = arith.constant 0 : i32
      %dma_start3A_407 = tpu.memref_slice %arg12[%add3A_405, %dma_start3A_406] : memref<128x64xf32, #tpu.memory_space<vmem>> -> memref<1x64xf32, #tpu.memory_space<vmem>>
      %dma_start3A_408 = arith.constant 0 : i32
      %dma_start3A_409 = tpu.memref_slice %arg5[%squeeze3A_401, %dma_start3A_408] : memref<100000x64xf32, #tpu.memory_space<hbm>> -> memref<1x64xf32, #tpu.memory_space<hbm>>
      %dma_start3A_410 = arith.constant 0 : i32
      %dma_start3A_411 = tpu.memref_slice %arg12[%add3A_405, %dma_start3A_410] : memref<128x64xf32, #tpu.memory_space<vmem>> -> memref<1x64xf32, #tpu.memory_space<vmem>>
      %dma_start3A_412 = arith.constant 0 : i32
      %dma_start3A_413 = tpu.memref_slice %arg5[%squeeze3A_401, %dma_start3A_412] : memref<100000x64xf32, #tpu.memory_space<hbm>> -> memref<1x64xf32, #tpu.memory_space<hbm>>
      tpu.enqueue_dma source(%dma_start3A_413 : memref<1x64xf32, #tpu.memory_space<hbm>>) target(%dma_start3A_411 : memref<1x64xf32, #tpu.memory_space<vmem>>) target_semaphore(%arg17 : memref<!tpu.dma_semaphore, #tpu.memory_space<semaphore_mem>>)
      %slice3A_414 = vector.extract_strided_slice %get3A_102 {offsets = [11], sizes = [1], strides = [1]} : vector<16xi32> to vector<1xi32>
      %squeeze3A_415 = vector.extract %slice3A_414[0] : i32 from vector<1xi32>
      %mul3A_416 = arith.constant 16 : i32
      %mul3A_417 = arith.muli %scan3A_97, %mul3A_416 : i32
      %add3A_418 = arith.constant 11 : i32
      %add3A_419 = arith.addi %mul3A_417, %add3A_418 : i32
      %dma_start3A_420 = arith.constant 0 : i32
      %dma_start3A_421 = tpu.memref_slice %arg10[%add3A_419, %dma_start3A_420] : memref<128x64xf32, #tpu.memory_space<vmem>> -> memref<1x64xf32, #tpu.memory_space<vmem>>
      %dma_start3A_422 = arith.constant 0 : i32
      %dma_start3A_423 = tpu.memref_slice %arg4[%squeeze3A_415, %dma_start3A_422] : memref<1000000x64xf32, #tpu.memory_space<hbm>> -> memref<1x64xf32, #tpu.memory_space<hbm>>
      %dma_start3A_424 = arith.constant 0 : i32
      %dma_start3A_425 = tpu.memref_slice %arg10[%add3A_419, %dma_start3A_424] : memref<128x64xf32, #tpu.memory_space<vmem>> -> memref<1x64xf32, #tpu.memory_space<vmem>>
      %dma_start3A_426 = arith.constant 0 : i32
      %dma_start3A_427 = tpu.memref_slice %arg4[%squeeze3A_415, %dma_start3A_426] : memref<1000000x64xf32, #tpu.memory_space<hbm>> -> memref<1x64xf32, #tpu.memory_space<hbm>>
      tpu.enqueue_dma source(%dma_start3A_427 : memref<1x64xf32, #tpu.memory_space<hbm>>) target(%dma_start3A_425 : memref<1x64xf32, #tpu.memory_space<vmem>>) target_semaphore(%arg15 : memref<!tpu.dma_semaphore, #tpu.memory_space<semaphore_mem>>)
      %slice3A_428 = vector.extract_strided_slice %get3A_108 {offsets = [11], sizes = [1], strides = [1]} : vector<16xi32> to vector<1xi32>
      %squeeze3A_429 = vector.extract %slice3A_428[0] : i32 from vector<1xi32>
      %mul3A_430 = arith.constant 16 : i32
      %mul3A_431 = arith.muli %scan3A_97, %mul3A_430 : i32
      %add3A_432 = arith.constant 11 : i32
      %add3A_433 = arith.addi %mul3A_431, %add3A_432 : i32
      %dma_start3A_434 = arith.constant 0 : i32
      %dma_start3A_435 = tpu.memref_slice %arg12[%add3A_433, %dma_start3A_434] : memref<128x64xf32, #tpu.memory_space<vmem>> -> memref<1x64xf32, #tpu.memory_space<vmem>>
      %dma_start3A_436 = arith.constant 0 : i32
      %dma_start3A_437 = tpu.memref_slice %arg5[%squeeze3A_429, %dma_start3A_436] : memref<100000x64xf32, #tpu.memory_space<hbm>> -> memref<1x64xf32, #tpu.memory_space<hbm>>
      %dma_start3A_438 = arith.constant 0 : i32
      %dma_start3A_439 = tpu.memref_slice %arg12[%add3A_433, %dma_start3A_438] : memref<128x64xf32, #tpu.memory_space<vmem>> -> memref<1x64xf32, #tpu.memory_space<vmem>>
      %dma_start3A_440 = arith.constant 0 : i32
      %dma_start3A_441 = tpu.memref_slice %arg5[%squeeze3A_429, %dma_start3A_440] : memref<100000x64xf32, #tpu.memory_space<hbm>> -> memref<1x64xf32, #tpu.memory_space<hbm>>
      tpu.enqueue_dma source(%dma_start3A_441 : memref<1x64xf32, #tpu.memory_space<hbm>>) target(%dma_start3A_439 : memref<1x64xf32, #tpu.memory_space<vmem>>) target_semaphore(%arg17 : memref<!tpu.dma_semaphore, #tpu.memory_space<semaphore_mem>>)
      %slice3A_442 = vector.extract_strided_slice %get3A_102 {offsets = [12], sizes = [1], strides = [1]} : vector<16xi32> to vector<1xi32>
      %squeeze3A_443 = vector.extract %slice3A_442[0] : i32 from vector<1xi32>
      %mul3A_444 = arith.constant 16 : i32
      %mul3A_445 = arith.muli %scan3A_97, %mul3A_444 : i32
      %add3A_446 = arith.constant 12 : i32
      %add3A_447 = arith.addi %mul3A_445, %add3A_446 : i32
      %dma_start3A_448 = arith.constant 0 : i32
      %dma_start3A_449 = tpu.memref_slice %arg10[%add3A_447, %dma_start3A_448] : memref<128x64xf32, #tpu.memory_space<vmem>> -> memref<1x64xf32, #tpu.memory_space<vmem>>
      %dma_start3A_450 = arith.constant 0 : i32
      %dma_start3A_451 = tpu.memref_slice %arg4[%squeeze3A_443, %dma_start3A_450] : memref<1000000x64xf32, #tpu.memory_space<hbm>> -> memref<1x64xf32, #tpu.memory_space<hbm>>
      %dma_start3A_452 = arith.constant 0 : i32
      %dma_start3A_453 = tpu.memref_slice %arg10[%add3A_447, %dma_start3A_452] : memref<128x64xf32, #tpu.memory_space<vmem>> -> memref<1x64xf32, #tpu.memory_space<vmem>>
      %dma_start3A_454 = arith.constant 0 : i32
      %dma_start3A_455 = tpu.memref_slice %arg4[%squeeze3A_443, %dma_start3A_454] : memref<1000000x64xf32, #tpu.memory_space<hbm>> -> memref<1x64xf32, #tpu.memory_space<hbm>>
      tpu.enqueue_dma source(%dma_start3A_455 : memref<1x64xf32, #tpu.memory_space<hbm>>) target(%dma_start3A_453 : memref<1x64xf32, #tpu.memory_space<vmem>>) target_semaphore(%arg15 : memref<!tpu.dma_semaphore, #tpu.memory_space<semaphore_mem>>)
      %slice3A_456 = vector.extract_strided_slice %get3A_108 {offsets = [12], sizes = [1], strides = [1]} : vector<16xi32> to vector<1xi32>
      %squeeze3A_457 = vector.extract %slice3A_456[0] : i32 from vector<1xi32>
      %mul3A_458 = arith.constant 16 : i32
      %mul3A_459 = arith.muli %scan3A_97, %mul3A_458 : i32
      %add3A_460 = arith.constant 12 : i32
      %add3A_461 = arith.addi %mul3A_459, %add3A_460 : i32
      %dma_start3A_462 = arith.constant 0 : i32
      %dma_start3A_463 = tpu.memref_slice %arg12[%add3A_461, %dma_start3A_462] : memref<128x64xf32, #tpu.memory_space<vmem>> -> memref<1x64xf32, #tpu.memory_space<vmem>>
      %dma_start3A_464 = arith.constant 0 : i32
      %dma_start3A_465 = tpu.memref_slice %arg5[%squeeze3A_457, %dma_start3A_464] : memref<100000x64xf32, #tpu.memory_space<hbm>> -> memref<1x64xf32, #tpu.memory_space<hbm>>
      %dma_start3A_466 = arith.constant 0 : i32
      %dma_start3A_467 = tpu.memref_slice %arg12[%add3A_461, %dma_start3A_466] : memref<128x64xf32, #tpu.memory_space<vmem>> -> memref<1x64xf32, #tpu.memory_space<vmem>>
      %dma_start3A_468 = arith.constant 0 : i32
      %dma_start3A_469 = tpu.memref_slice %arg5[%squeeze3A_457, %dma_start3A_468] : memref<100000x64xf32, #tpu.memory_space<hbm>> -> memref<1x64xf32, #tpu.memory_space<hbm>>
      tpu.enqueue_dma source(%dma_start3A_469 : memref<1x64xf32, #tpu.memory_space<hbm>>) target(%dma_start3A_467 : memref<1x64xf32, #tpu.memory_space<vmem>>) target_semaphore(%arg17 : memref<!tpu.dma_semaphore, #tpu.memory_space<semaphore_mem>>)
      %slice3A_470 = vector.extract_strided_slice %get3A_102 {offsets = [13], sizes = [1], strides = [1]} : vector<16xi32> to vector<1xi32>
      %squeeze3A_471 = vector.extract %slice3A_470[0] : i32 from vector<1xi32>
      %mul3A_472 = arith.constant 16 : i32
      %mul3A_473 = arith.muli %scan3A_97, %mul3A_472 : i32
      %add3A_474 = arith.constant 13 : i32
      %add3A_475 = arith.addi %mul3A_473, %add3A_474 : i32
      %dma_start3A_476 = arith.constant 0 : i32
      %dma_start3A_477 = tpu.memref_slice %arg10[%add3A_475, %dma_start3A_476] : memref<128x64xf32, #tpu.memory_space<vmem>> -> memref<1x64xf32, #tpu.memory_space<vmem>>
      %dma_start3A_478 = arith.constant 0 : i32
      %dma_start3A_479 = tpu.memref_slice %arg4[%squeeze3A_471, %dma_start3A_478] : memref<1000000x64xf32, #tpu.memory_space<hbm>> -> memref<1x64xf32, #tpu.memory_space<hbm>>
      %dma_start3A_480 = arith.constant 0 : i32
      %dma_start3A_481 = tpu.memref_slice %arg10[%add3A_475, %dma_start3A_480] : memref<128x64xf32, #tpu.memory_space<vmem>> -> memref<1x64xf32, #tpu.memory_space<vmem>>
      %dma_start3A_482 = arith.constant 0 : i32
      %dma_start3A_483 = tpu.memref_slice %arg4[%squeeze3A_471, %dma_start3A_482] : memref<1000000x64xf32, #tpu.memory_space<hbm>> -> memref<1x64xf32, #tpu.memory_space<hbm>>
      tpu.enqueue_dma source(%dma_start3A_483 : memref<1x64xf32, #tpu.memory_space<hbm>>) target(%dma_start3A_481 : memref<1x64xf32, #tpu.memory_space<vmem>>) target_semaphore(%arg15 : memref<!tpu.dma_semaphore, #tpu.memory_space<semaphore_mem>>)
      %slice3A_484 = vector.extract_strided_slice %get3A_108 {offsets = [13], sizes = [1], strides = [1]} : vector<16xi32> to vector<1xi32>
      %squeeze3A_485 = vector.extract %slice3A_484[0] : i32 from vector<1xi32>
      %mul3A_486 = arith.constant 16 : i32
      %mul3A_487 = arith.muli %scan3A_97, %mul3A_486 : i32
      %add3A_488 = arith.constant 13 : i32
      %add3A_489 = arith.addi %mul3A_487, %add3A_488 : i32
      %dma_start3A_490 = arith.constant 0 : i32
      %dma_start3A_491 = tpu.memref_slice %arg12[%add3A_489, %dma_start3A_490] : memref<128x64xf32, #tpu.memory_space<vmem>> -> memref<1x64xf32, #tpu.memory_space<vmem>>
      %dma_start3A_492 = arith.constant 0 : i32
      %dma_start3A_493 = tpu.memref_slice %arg5[%squeeze3A_485, %dma_start3A_492] : memref<100000x64xf32, #tpu.memory_space<hbm>> -> memref<1x64xf32, #tpu.memory_space<hbm>>
      %dma_start3A_494 = arith.constant 0 : i32
      %dma_start3A_495 = tpu.memref_slice %arg12[%add3A_489, %dma_start3A_494] : memref<128x64xf32, #tpu.memory_space<vmem>> -> memref<1x64xf32, #tpu.memory_space<vmem>>
      %dma_start3A_496 = arith.constant 0 : i32
      %dma_start3A_497 = tpu.memref_slice %arg5[%squeeze3A_485, %dma_start3A_496] : memref<100000x64xf32, #tpu.memory_space<hbm>> -> memref<1x64xf32, #tpu.memory_space<hbm>>
      tpu.enqueue_dma source(%dma_start3A_497 : memref<1x64xf32, #tpu.memory_space<hbm>>) target(%dma_start3A_495 : memref<1x64xf32, #tpu.memory_space<vmem>>) target_semaphore(%arg17 : memref<!tpu.dma_semaphore, #tpu.memory_space<semaphore_mem>>)
      %slice3A_498 = vector.extract_strided_slice %get3A_102 {offsets = [14], sizes = [1], strides = [1]} : vector<16xi32> to vector<1xi32>
      %squeeze3A_499 = vector.extract %slice3A_498[0] : i32 from vector<1xi32>
      %mul3A_500 = arith.constant 16 : i32
      %mul3A_501 = arith.muli %scan3A_97, %mul3A_500 : i32
      %add3A_502 = arith.constant 14 : i32
      %add3A_503 = arith.addi %mul3A_501, %add3A_502 : i32
      %dma_start3A_504 = arith.constant 0 : i32
      %dma_start3A_505 = tpu.memref_slice %arg10[%add3A_503, %dma_start3A_504] : memref<128x64xf32, #tpu.memory_space<vmem>> -> memref<1x64xf32, #tpu.memory_space<vmem>>
      %dma_start3A_506 = arith.constant 0 : i32
      %dma_start3A_507 = tpu.memref_slice %arg4[%squeeze3A_499, %dma_start3A_506] : memref<1000000x64xf32, #tpu.memory_space<hbm>> -> memref<1x64xf32, #tpu.memory_space<hbm>>
      %dma_start3A_508 = arith.constant 0 : i32
      %dma_start3A_509 = tpu.memref_slice %arg10[%add3A_503, %dma_start3A_508] : memref<128x64xf32, #tpu.memory_space<vmem>> -> memref<1x64xf32, #tpu.memory_space<vmem>>
      %dma_start3A_510 = arith.constant 0 : i32
      %dma_start3A_511 = tpu.memref_slice %arg4[%squeeze3A_499, %dma_start3A_510] : memref<1000000x64xf32, #tpu.memory_space<hbm>> -> memref<1x64xf32, #tpu.memory_space<hbm>>
      tpu.enqueue_dma source(%dma_start3A_511 : memref<1x64xf32, #tpu.memory_space<hbm>>) target(%dma_start3A_509 : memref<1x64xf32, #tpu.memory_space<vmem>>) target_semaphore(%arg15 : memref<!tpu.dma_semaphore, #tpu.memory_space<semaphore_mem>>)
      %slice3A_512 = vector.extract_strided_slice %get3A_108 {offsets = [14], sizes = [1], strides = [1]} : vector<16xi32> to vector<1xi32>
      %squeeze3A_513 = vector.extract %slice3A_512[0] : i32 from vector<1xi32>
      %mul3A_514 = arith.constant 16 : i32
      %mul3A_515 = arith.muli %scan3A_97, %mul3A_514 : i32
      %add3A_516 = arith.constant 14 : i32
      %add3A_517 = arith.addi %mul3A_515, %add3A_516 : i32
      %dma_start3A_518 = arith.constant 0 : i32
      %dma_start3A_519 = tpu.memref_slice %arg12[%add3A_517, %dma_start3A_518] : memref<128x64xf32, #tpu.memory_space<vmem>> -> memref<1x64xf32, #tpu.memory_space<vmem>>
      %dma_start3A_520 = arith.constant 0 : i32
      %dma_start3A_521 = tpu.memref_slice %arg5[%squeeze3A_513, %dma_start3A_520] : memref<100000x64xf32, #tpu.memory_space<hbm>> -> memref<1x64xf32, #tpu.memory_space<hbm>>
      %dma_start3A_522 = arith.constant 0 : i32
      %dma_start3A_523 = tpu.memref_slice %arg12[%add3A_517, %dma_start3A_522] : memref<128x64xf32, #tpu.memory_space<vmem>> -> memref<1x64xf32, #tpu.memory_space<vmem>>
      %dma_start3A_524 = arith.constant 0 : i32
      %dma_start3A_525 = tpu.memref_slice %arg5[%squeeze3A_513, %dma_start3A_524] : memref<100000x64xf32, #tpu.memory_space<hbm>> -> memref<1x64xf32, #tpu.memory_space<hbm>>
      tpu.enqueue_dma source(%dma_start3A_525 : memref<1x64xf32, #tpu.memory_space<hbm>>) target(%dma_start3A_523 : memref<1x64xf32, #tpu.memory_space<vmem>>) target_semaphore(%arg17 : memref<!tpu.dma_semaphore, #tpu.memory_space<semaphore_mem>>)
      %slice3A_526 = vector.extract_strided_slice %get3A_102 {offsets = [15], sizes = [1], strides = [1]} : vector<16xi32> to vector<1xi32>
      %squeeze3A_527 = vector.extract %slice3A_526[0] : i32 from vector<1xi32>
      %mul3A_528 = arith.constant 16 : i32
      %mul3A_529 = arith.muli %scan3A_97, %mul3A_528 : i32
      %add3A_530 = arith.constant 15 : i32
      %add3A_531 = arith.addi %mul3A_529, %add3A_530 : i32
      %dma_start3A_532 = arith.constant 0 : i32
      %dma_start3A_533 = tpu.memref_slice %arg10[%add3A_531, %dma_start3A_532] : memref<128x64xf32, #tpu.memory_space<vmem>> -> memref<1x64xf32, #tpu.memory_space<vmem>>
      %dma_start3A_534 = arith.constant 0 : i32
      %dma_start3A_535 = tpu.memref_slice %arg4[%squeeze3A_527, %dma_start3A_534] : memref<1000000x64xf32, #tpu.memory_space<hbm>> -> memref<1x64xf32, #tpu.memory_space<hbm>>
      %dma_start3A_536 = arith.constant 0 : i32
      %dma_start3A_537 = tpu.memref_slice %arg10[%add3A_531, %dma_start3A_536] : memref<128x64xf32, #tpu.memory_space<vmem>> -> memref<1x64xf32, #tpu.memory_space<vmem>>
      %dma_start3A_538 = arith.constant 0 : i32
      %dma_start3A_539 = tpu.memref_slice %arg4[%squeeze3A_527, %dma_start3A_538] : memref<1000000x64xf32, #tpu.memory_space<hbm>> -> memref<1x64xf32, #tpu.memory_space<hbm>>
      tpu.enqueue_dma source(%dma_start3A_539 : memref<1x64xf32, #tpu.memory_space<hbm>>) target(%dma_start3A_537 : memref<1x64xf32, #tpu.memory_space<vmem>>) target_semaphore(%arg15 : memref<!tpu.dma_semaphore, #tpu.memory_space<semaphore_mem>>)
      %slice3A_540 = vector.extract_strided_slice %get3A_108 {offsets = [15], sizes = [1], strides = [1]} : vector<16xi32> to vector<1xi32>
      %squeeze3A_541 = vector.extract %slice3A_540[0] : i32 from vector<1xi32>
      %mul3A_542 = arith.constant 16 : i32
      %mul3A_543 = arith.muli %scan3A_97, %mul3A_542 : i32
      %add3A_544 = arith.constant 15 : i32
      %add3A_545 = arith.addi %mul3A_543, %add3A_544 : i32
      %dma_start3A_546 = arith.constant 0 : i32
      %dma_start3A_547 = tpu.memref_slice %arg12[%add3A_545, %dma_start3A_546] : memref<128x64xf32, #tpu.memory_space<vmem>> -> memref<1x64xf32, #tpu.memory_space<vmem>>
      %dma_start3A_548 = arith.constant 0 : i32
      %dma_start3A_549 = tpu.memref_slice %arg5[%squeeze3A_541, %dma_start3A_548] : memref<100000x64xf32, #tpu.memory_space<hbm>> -> memref<1x64xf32, #tpu.memory_space<hbm>>
      %dma_start3A_550 = arith.constant 0 : i32
      %dma_start3A_551 = tpu.memref_slice %arg12[%add3A_545, %dma_start3A_550] : memref<128x64xf32, #tpu.memory_space<vmem>> -> memref<1x64xf32, #tpu.memory_space<vmem>>
      %dma_start3A_552 = arith.constant 0 : i32
      %dma_start3A_553 = tpu.memref_slice %arg5[%squeeze3A_541, %dma_start3A_552] : memref<100000x64xf32, #tpu.memory_space<hbm>> -> memref<1x64xf32, #tpu.memory_space<hbm>>
      tpu.enqueue_dma source(%dma_start3A_553 : memref<1x64xf32, #tpu.memory_space<hbm>>) target(%dma_start3A_551 : memref<1x64xf32, #tpu.memory_space<vmem>>) target_semaphore(%arg17 : memref<!tpu.dma_semaphore, #tpu.memory_space<semaphore_mem>>)
    }
    %scan3A_60 = arith.constant 8 : i32
    %dma_wait3A_61 = arith.constant 0 : i32
    %dma_wait3A_62 = arith.constant 0 : i32
    %dma_wait3A_63 = tpu.memref_slice %arg4[%dma_wait3A_61, %dma_wait3A_62] : memref<1000000x64xf32, #tpu.memory_space<hbm>> -> memref<128x64xf32, #tpu.memory_space<hbm>>
    %dma_wait3A_64 = arith.constant 0 : i32
    %dma_wait3A_65 = arith.constant 0 : i32
    %dma_wait3A_66 = tpu.memref_slice %arg4[%dma_wait3A_64, %dma_wait3A_65] : memref<1000000x64xf32, #tpu.memory_space<hbm>> -> memref<128x64xf32, #tpu.memory_space<hbm>>
    tpu.wait_dma2 semaphore(%arg14 : memref<!tpu.dma_semaphore, #tpu.memory_space<semaphore_mem>>) src(%dma_wait3A_66 : memref<128x64xf32, #tpu.memory_space<hbm>>) dst(%arg9 : memref<128x64xf32, #tpu.memory_space<vmem>>)
    %dma_wait3A_67 = arith.constant 0 : i32
    %dma_wait3A_68 = arith.constant 0 : i32
    %dma_wait3A_69 = tpu.memref_slice %arg5[%dma_wait3A_67, %dma_wait3A_68] : memref<100000x64xf32, #tpu.memory_space<hbm>> -> memref<128x64xf32, #tpu.memory_space<hbm>>
    %dma_wait3A_70 = arith.constant 0 : i32
    %dma_wait3A_71 = arith.constant 0 : i32
    %dma_wait3A_72 = tpu.memref_slice %arg5[%dma_wait3A_70, %dma_wait3A_71] : memref<100000x64xf32, #tpu.memory_space<hbm>> -> memref<128x64xf32, #tpu.memory_space<hbm>>
    tpu.wait_dma2 semaphore(%arg16 : memref<!tpu.dma_semaphore, #tpu.memory_space<semaphore_mem>>) src(%dma_wait3A_72 : memref<128x64xf32, #tpu.memory_space<hbm>>) dst(%arg11 : memref<128x64xf32, #tpu.memory_space<vmem>>)
    %scan3A_73 = arith.constant 0 : i32
    %scan3A_74 = arith.constant 0 : i32
    %scan3A_75 = arith.constant 8 : i32
    %scan3A_76 = arith.addi %scan3A_74, %scan3A_75 : i32
    %scan3A_77 = arith.constant 1 : i32
    scf.for %scan3A_97 = %scan3A_74 to %scan3A_76 step %scan3A_77  : i32 {
      %mul3A_98 = arith.constant 16 : i32
      %mul3A_99 = arith.muli %scan3A_97, %mul3A_98 : i32
      %add3A_100 = vector.broadcast %mul3A_99 : i32 to vector<16xi32>
      %add3A_101 = arith.addi %add3A_100, %iota3A : vector<16xi32>
      %broadcast_in_dim3A = arith.constant 0.000000e+00 : f32
      %broadcast_in_dim3A_102 = vector.broadcast %broadcast_in_dim3A : f32 to vector<16xf32>
      %scan3A_103 = arith.constant 0 : i32
      %scan3A_104 = arith.constant 64 : i32
      %scan3A_105 = arith.addi %scan3A_103, %scan3A_104 : i32
      %scan3A_106 = arith.constant 8 : i32
      %scan3A_107 = scf.for %scan3A_114 = %scan3A_103 to %scan3A_105 step %scan3A_106 iter_args(%scan3A_115 = %broadcast_in_dim3A_102) -> (vector<16xf32>)  : i32 {
        %broadcast_in_dim3A_116 = vector.broadcast %scan3A_114 : i32 to vector<16xi32>
        %gather3A = tpu.vector_load_idx %arg9[%add3A_101, %broadcast_in_dim3A_116] : memref<128x64xf32, #tpu.memory_space<vmem>>[vector<16xi32>, vector<16xi32>], vector<16xf32>,
        %gather3A_117 = tpu.vector_load_idx %arg11[%add3A_101, %broadcast_in_dim3A_116] : memref<128x64xf32, #tpu.memory_space<vmem>>[vector<16xi32>, vector<16xi32>], vector<16xf32>,
        %mul3A_118 = arith.mulf %gather3A, %gather3A_117 : vector<16xf32>
        %add3A_119 = arith.addf %scan3A_115, %mul3A_118 : vector<16xf32>
        %scan3A_120 = arith.constant 1 : i32
        %scan3A_121 = arith.addi %scan3A_114, %scan3A_120 : i32
        %broadcast_in_dim3A_122 = vector.broadcast %scan3A_121 : i32 to vector<16xi32>
        %gather3A_123 = tpu.vector_load_idx %arg9[%add3A_101, %broadcast_in_dim3A_122] : memref<128x64xf32, #tpu.memory_space<vmem>>[vector<16xi32>, vector<16xi32>], vector<16xf32>,
        %gather3A_124 = tpu.vector_load_idx %arg11[%add3A_101, %broadcast_in_dim3A_122] : memref<128x64xf32, #tpu.memory_space<vmem>>[vector<16xi32>, vector<16xi32>], vector<16xf32>,
        %mul3A_125 = arith.mulf %gather3A_123, %gather3A_124 : vector<16xf32>
        %add3A_126 = arith.addf %add3A_119, %mul3A_125 : vector<16xf32>
        %scan3A_127 = arith.constant 2 : i32
        %scan3A_128 = arith.addi %scan3A_114, %scan3A_127 : i32
        %broadcast_in_dim3A_129 = vector.broadcast %scan3A_128 : i32 to vector<16xi32>
        %gather3A_130 = tpu.vector_load_idx %arg9[%add3A_101, %broadcast_in_dim3A_129] : memref<128x64xf32, #tpu.memory_space<vmem>>[vector<16xi32>, vector<16xi32>], vector<16xf32>,
        %gather3A_131 = tpu.vector_load_idx %arg11[%add3A_101, %broadcast_in_dim3A_129] : memref<128x64xf32, #tpu.memory_space<vmem>>[vector<16xi32>, vector<16xi32>], vector<16xf32>,
        %mul3A_132 = arith.mulf %gather3A_130, %gather3A_131 : vector<16xf32>
        %add3A_133 = arith.addf %add3A_126, %mul3A_132 : vector<16xf32>
        %scan3A_134 = arith.constant 3 : i32
        %scan3A_135 = arith.addi %scan3A_114, %scan3A_134 : i32
        %broadcast_in_dim3A_136 = vector.broadcast %scan3A_135 : i32 to vector<16xi32>
        %gather3A_137 = tpu.vector_load_idx %arg9[%add3A_101, %broadcast_in_dim3A_136] : memref<128x64xf32, #tpu.memory_space<vmem>>[vector<16xi32>, vector<16xi32>], vector<16xf32>,
        %gather3A_138 = tpu.vector_load_idx %arg11[%add3A_101, %broadcast_in_dim3A_136] : memref<128x64xf32, #tpu.memory_space<vmem>>[vector<16xi32>, vector<16xi32>], vector<16xf32>,
        %mul3A_139 = arith.mulf %gather3A_137, %gather3A_138 : vector<16xf32>
        %add3A_140 = arith.addf %add3A_133, %mul3A_139 : vector<16xf32>
        %scan3A_141 = arith.constant 4 : i32
        %scan3A_142 = arith.addi %scan3A_114, %scan3A_141 : i32
        %broadcast_in_dim3A_143 = vector.broadcast %scan3A_142 : i32 to vector<16xi32>
        %gather3A_144 = tpu.vector_load_idx %arg9[%add3A_101, %broadcast_in_dim3A_143] : memref<128x64xf32, #tpu.memory_space<vmem>>[vector<16xi32>, vector<16xi32>], vector<16xf32>,
        %gather3A_145 = tpu.vector_load_idx %arg11[%add3A_101, %broadcast_in_dim3A_143] : memref<128x64xf32, #tpu.memory_space<vmem>>[vector<16xi32>, vector<16xi32>], vector<16xf32>,
        %mul3A_146 = arith.mulf %gather3A_144, %gather3A_145 : vector<16xf32>
        %add3A_147 = arith.addf %add3A_140, %mul3A_146 : vector<16xf32>
        %scan3A_148 = arith.constant 5 : i32
        %scan3A_149 = arith.addi %scan3A_114, %scan3A_148 : i32
        %broadcast_in_dim3A_150 = vector.broadcast %scan3A_149 : i32 to vector<16xi32>
        %gather3A_151 = tpu.vector_load_idx %arg9[%add3A_101, %broadcast_in_dim3A_150] : memref<128x64xf32, #tpu.memory_space<vmem>>[vector<16xi32>, vector<16xi32>], vector<16xf32>,
        %gather3A_152 = tpu.vector_load_idx %arg11[%add3A_101, %broadcast_in_dim3A_150] : memref<128x64xf32, #tpu.memory_space<vmem>>[vector<16xi32>, vector<16xi32>], vector<16xf32>,
        %mul3A_153 = arith.mulf %gather3A_151, %gather3A_152 : vector<16xf32>
        %add3A_154 = arith.addf %add3A_147, %mul3A_153 : vector<16xf32>
        %scan3A_155 = arith.constant 6 : i32
        %scan3A_156 = arith.addi %scan3A_114, %scan3A_155 : i32
        %broadcast_in_dim3A_157 = vector.broadcast %scan3A_156 : i32 to vector<16xi32>
        %gather3A_158 = tpu.vector_load_idx %arg9[%add3A_101, %broadcast_in_dim3A_157] : memref<128x64xf32, #tpu.memory_space<vmem>>[vector<16xi32>, vector<16xi32>], vector<16xf32>,
        %gather3A_159 = tpu.vector_load_idx %arg11[%add3A_101, %broadcast_in_dim3A_157] : memref<128x64xf32, #tpu.memory_space<vmem>>[vector<16xi32>, vector<16xi32>], vector<16xf32>,
        %mul3A_160 = arith.mulf %gather3A_158, %gather3A_159 : vector<16xf32>
        %add3A_161 = arith.addf %add3A_154, %mul3A_160 : vector<16xf32>
        %scan3A_162 = arith.constant 7 : i32
        %scan3A_163 = arith.addi %scan3A_114, %scan3A_162 : i32
        %broadcast_in_dim3A_164 = vector.broadcast %scan3A_163 : i32 to vector<16xi32>
        %gather3A_165 = tpu.vector_load_idx %arg9[%add3A_101, %broadcast_in_dim3A_164] : memref<128x64xf32, #tpu.memory_space<vmem>>[vector<16xi32>, vector<16xi32>], vector<16xf32>,
        %gather3A_166 = tpu.vector_load_idx %arg11[%add3A_101, %broadcast_in_dim3A_164] : memref<128x64xf32, #tpu.memory_space<vmem>>[vector<16xi32>, vector<16xi32>], vector<16xf32>,
        %mul3A_167 = arith.mulf %gather3A_165, %gather3A_166 : vector<16xf32>
        %add3A_168 = arith.addf %add3A_161, %mul3A_167 : vector<16xf32>
        scf.yield %add3A_168 : vector<16xf32>
      }
      %scan3A_108 = arith.constant 64 : i32
      %mul3A_109 = arith.constant 16 : i32
      %mul3A_110 = arith.muli %scan3A_97, %mul3A_109 : i32
      %add3A_111 = arith.constant 256 : i32
      %add3A_112 = arith.addi %add3A_111, %mul3A_110 : i32
      %swap3A = arith.index_cast %add3A_112 : i32 to index
      %swap3A_113 = tpu.vector_load %arg13[%swap3A] {strides = array<i32>} : memref<512xf32, #tpu.memory_space<vmem>>, vector<16xf32>,
      tpu.vector_store %arg13[%swap3A], %scan3A_107 {strides = array<i32>} : memref<512xf32, #tpu.memory_space<vmem>>, vector<16xf32>,
    }
    %scan3A_78 = arith.constant 8 : i32
    %dma_wait3A_79 = arith.constant 0 : i32
    %dma_wait3A_80 = arith.constant 0 : i32
    %dma_wait3A_81 = tpu.memref_slice %arg4[%dma_wait3A_79, %dma_wait3A_80] : memref<1000000x64xf32, #tpu.memory_space<hbm>> -> memref<128x64xf32, #tpu.memory_space<hbm>>
    %dma_wait3A_82 = arith.constant 0 : i32
    %dma_wait3A_83 = arith.constant 0 : i32
    %dma_wait3A_84 = tpu.memref_slice %arg4[%dma_wait3A_82, %dma_wait3A_83] : memref<1000000x64xf32, #tpu.memory_space<hbm>> -> memref<128x64xf32, #tpu.memory_space<hbm>>
    tpu.wait_dma2 semaphore(%arg15 : memref<!tpu.dma_semaphore, #tpu.memory_space<semaphore_mem>>) src(%dma_wait3A_84 : memref<128x64xf32, #tpu.memory_space<hbm>>) dst(%arg10 : memref<128x64xf32, #tpu.memory_space<vmem>>)
    %dma_wait3A_85 = arith.constant 0 : i32
    %dma_wait3A_86 = arith.constant 0 : i32
    %dma_wait3A_87 = tpu.memref_slice %arg5[%dma_wait3A_85, %dma_wait3A_86] : memref<100000x64xf32, #tpu.memory_space<hbm>> -> memref<128x64xf32, #tpu.memory_space<hbm>>
    %dma_wait3A_88 = arith.constant 0 : i32
    %dma_wait3A_89 = arith.constant 0 : i32
    %dma_wait3A_90 = tpu.memref_slice %arg5[%dma_wait3A_88, %dma_wait3A_89] : memref<100000x64xf32, #tpu.memory_space<hbm>> -> memref<128x64xf32, #tpu.memory_space<hbm>>
    tpu.wait_dma2 semaphore(%arg17 : memref<!tpu.dma_semaphore, #tpu.memory_space<semaphore_mem>>) src(%dma_wait3A_90 : memref<128x64xf32, #tpu.memory_space<hbm>>) dst(%arg12 : memref<128x64xf32, #tpu.memory_space<vmem>>)
    %scan3A_91 = arith.constant 0 : i32
    %scan3A_92 = arith.constant 0 : i32
    %scan3A_93 = arith.constant 8 : i32
    %scan3A_94 = arith.addi %scan3A_92, %scan3A_93 : i32
    %scan3A_95 = arith.constant 1 : i32
    scf.for %scan3A_97 = %scan3A_92 to %scan3A_94 step %scan3A_95  : i32 {
      %mul3A_98 = arith.constant 16 : i32
      %mul3A_99 = arith.muli %scan3A_97, %mul3A_98 : i32
      %add3A_100 = vector.broadcast %mul3A_99 : i32 to vector<16xi32>
      %add3A_101 = arith.addi %add3A_100, %iota3A : vector<16xi32>
      %broadcast_in_dim3A = arith.constant 0.000000e+00 : f32
      %broadcast_in_dim3A_102 = vector.broadcast %broadcast_in_dim3A : f32 to vector<16xf32>
      %scan3A_103 = arith.constant 0 : i32
      %scan3A_104 = arith.constant 64 : i32
      %scan3A_105 = arith.addi %scan3A_103, %scan3A_104 : i32
      %scan3A_106 = arith.constant 8 : i32
      %scan3A_107 = scf.for %scan3A_114 = %scan3A_103 to %scan3A_105 step %scan3A_106 iter_args(%scan3A_115 = %broadcast_in_dim3A_102) -> (vector<16xf32>)  : i32 {
        %broadcast_in_dim3A_116 = vector.broadcast %scan3A_114 : i32 to vector<16xi32>
        %gather3A = tpu.vector_load_idx %arg10[%add3A_101, %broadcast_in_dim3A_116] : memref<128x64xf32, #tpu.memory_space<vmem>>[vector<16xi32>, vector<16xi32>], vector<16xf32>,
        %gather3A_117 = tpu.vector_load_idx %arg12[%add3A_101, %broadcast_in_dim3A_116] : memref<128x64xf32, #tpu.memory_space<vmem>>[vector<16xi32>, vector<16xi32>], vector<16xf32>,
        %mul3A_118 = arith.mulf %gather3A, %gather3A_117 : vector<16xf32>
        %add3A_119 = arith.addf %scan3A_115, %mul3A_118 : vector<16xf32>
        %scan3A_120 = arith.constant 1 : i32
        %scan3A_121 = arith.addi %scan3A_114, %scan3A_120 : i32
        %broadcast_in_dim3A_122 = vector.broadcast %scan3A_121 : i32 to vector<16xi32>
        %gather3A_123 = tpu.vector_load_idx %arg10[%add3A_101, %broadcast_in_dim3A_122] : memref<128x64xf32, #tpu.memory_space<vmem>>[vector<16xi32>, vector<16xi32>], vector<16xf32>,
        %gather3A_124 = tpu.vector_load_idx %arg12[%add3A_101, %broadcast_in_dim3A_122] : memref<128x64xf32, #tpu.memory_space<vmem>>[vector<16xi32>, vector<16xi32>], vector<16xf32>,
        %mul3A_125 = arith.mulf %gather3A_123, %gather3A_124 : vector<16xf32>
        %add3A_126 = arith.addf %add3A_119, %mul3A_125 : vector<16xf32>
        %scan3A_127 = arith.constant 2 : i32
        %scan3A_128 = arith.addi %scan3A_114, %scan3A_127 : i32
        %broadcast_in_dim3A_129 = vector.broadcast %scan3A_128 : i32 to vector<16xi32>
        %gather3A_130 = tpu.vector_load_idx %arg10[%add3A_101, %broadcast_in_dim3A_129] : memref<128x64xf32, #tpu.memory_space<vmem>>[vector<16xi32>, vector<16xi32>], vector<16xf32>,
        %gather3A_131 = tpu.vector_load_idx %arg12[%add3A_101, %broadcast_in_dim3A_129] : memref<128x64xf32, #tpu.memory_space<vmem>>[vector<16xi32>, vector<16xi32>], vector<16xf32>,
        %mul3A_132 = arith.mulf %gather3A_130, %gather3A_131 : vector<16xf32>
        %add3A_133 = arith.addf %add3A_126, %mul3A_132 : vector<16xf32>
        %scan3A_134 = arith.constant 3 : i32
        %scan3A_135 = arith.addi %scan3A_114, %scan3A_134 : i32
        %broadcast_in_dim3A_136 = vector.broadcast %scan3A_135 : i32 to vector<16xi32>
        %gather3A_137 = tpu.vector_load_idx %arg10[%add3A_101, %broadcast_in_dim3A_136] : memref<128x64xf32, #tpu.memory_space<vmem>>[vector<16xi32>, vector<16xi32>], vector<16xf32>,
        %gather3A_138 = tpu.vector_load_idx %arg12[%add3A_101, %broadcast_in_dim3A_136] : memref<128x64xf32, #tpu.memory_space<vmem>>[vector<16xi32>, vector<16xi32>], vector<16xf32>,
        %mul3A_139 = arith.mulf %gather3A_137, %gather3A_138 : vector<16xf32>
        %add3A_140 = arith.addf %add3A_133, %mul3A_139 : vector<16xf32>
        %scan3A_141 = arith.constant 4 : i32
        %scan3A_142 = arith.addi %scan3A_114, %scan3A_141 : i32
        %broadcast_in_dim3A_143 = vector.broadcast %scan3A_142 : i32 to vector<16xi32>
        %gather3A_144 = tpu.vector_load_idx %arg10[%add3A_101, %broadcast_in_dim3A_143] : memref<128x64xf32, #tpu.memory_space<vmem>>[vector<16xi32>, vector<16xi32>], vector<16xf32>,
        %gather3A_145 = tpu.vector_load_idx %arg12[%add3A_101, %broadcast_in_dim3A_143] : memref<128x64xf32, #tpu.memory_space<vmem>>[vector<16xi32>, vector<16xi32>], vector<16xf32>,
        %mul3A_146 = arith.mulf %gather3A_144, %gather3A_145 : vector<16xf32>
        %add3A_147 = arith.addf %add3A_140, %mul3A_146 : vector<16xf32>
        %scan3A_148 = arith.constant 5 : i32
        %scan3A_149 = arith.addi %scan3A_114, %scan3A_148 : i32
        %broadcast_in_dim3A_150 = vector.broadcast %scan3A_149 : i32 to vector<16xi32>
        %gather3A_151 = tpu.vector_load_idx %arg10[%add3A_101, %broadcast_in_dim3A_150] : memref<128x64xf32, #tpu.memory_space<vmem>>[vector<16xi32>, vector<16xi32>], vector<16xf32>,
        %gather3A_152 = tpu.vector_load_idx %arg12[%add3A_101, %broadcast_in_dim3A_150] : memref<128x64xf32, #tpu.memory_space<vmem>>[vector<16xi32>, vector<16xi32>], vector<16xf32>,
        %mul3A_153 = arith.mulf %gather3A_151, %gather3A_152 : vector<16xf32>
        %add3A_154 = arith.addf %add3A_147, %mul3A_153 : vector<16xf32>
        %scan3A_155 = arith.constant 6 : i32
        %scan3A_156 = arith.addi %scan3A_114, %scan3A_155 : i32
        %broadcast_in_dim3A_157 = vector.broadcast %scan3A_156 : i32 to vector<16xi32>
        %gather3A_158 = tpu.vector_load_idx %arg10[%add3A_101, %broadcast_in_dim3A_157] : memref<128x64xf32, #tpu.memory_space<vmem>>[vector<16xi32>, vector<16xi32>], vector<16xf32>,
        %gather3A_159 = tpu.vector_load_idx %arg12[%add3A_101, %broadcast_in_dim3A_157] : memref<128x64xf32, #tpu.memory_space<vmem>>[vector<16xi32>, vector<16xi32>], vector<16xf32>,
        %mul3A_160 = arith.mulf %gather3A_158, %gather3A_159 : vector<16xf32>
        %add3A_161 = arith.addf %add3A_154, %mul3A_160 : vector<16xf32>
        %scan3A_162 = arith.constant 7 : i32
        %scan3A_163 = arith.addi %scan3A_114, %scan3A_162 : i32
        %broadcast_in_dim3A_164 = vector.broadcast %scan3A_163 : i32 to vector<16xi32>
        %gather3A_165 = tpu.vector_load_idx %arg10[%add3A_101, %broadcast_in_dim3A_164] : memref<128x64xf32, #tpu.memory_space<vmem>>[vector<16xi32>, vector<16xi32>], vector<16xf32>,
        %gather3A_166 = tpu.vector_load_idx %arg12[%add3A_101, %broadcast_in_dim3A_164] : memref<128x64xf32, #tpu.memory_space<vmem>>[vector<16xi32>, vector<16xi32>], vector<16xf32>,
        %mul3A_167 = arith.mulf %gather3A_165, %gather3A_166 : vector<16xf32>
        %add3A_168 = arith.addf %add3A_161, %mul3A_167 : vector<16xf32>
        scf.yield %add3A_168 : vector<16xf32>
      }
      %scan3A_108 = arith.constant 64 : i32
      %mul3A_109 = arith.constant 16 : i32
      %mul3A_110 = arith.muli %scan3A_97, %mul3A_109 : i32
      %add3A_111 = arith.constant 384 : i32
      %add3A_112 = arith.addi %add3A_111, %mul3A_110 : i32
      %swap3A = arith.index_cast %add3A_112 : i32 to index
      %swap3A_113 = tpu.vector_load %arg13[%swap3A] {strides = array<i32>} : memref<512xf32, #tpu.memory_space<vmem>>, vector<16xf32>,
      tpu.vector_store %arg13[%swap3A], %scan3A_107 {strides = array<i32>} : memref<512xf32, #tpu.memory_space<vmem>>, vector<16xf32>,
    }
    %scan3A_96 = arith.constant 8 : i32
    "tpu.region"() ({
      %run_scoped3A = tpu.sem_alloc : memref<!tpu.dma_semaphore, #tpu.memory_space<semaphore_mem>>
      %dma_start3A = tpu.memref_slice %arg6[%mul3A_2] : memref<16384xf32, #tpu.memory_space<hbm>> -> memref<512xf32, #tpu.memory_space<hbm>>
      %dma_start3A_97 = tpu.memref_slice %arg6[%mul3A_2] : memref<16384xf32, #tpu.memory_space<hbm>> -> memref<512xf32, #tpu.memory_space<hbm>>
      tpu.enqueue_dma source(%arg13 : memref<512xf32, #tpu.memory_space<vmem>>) target(%dma_start3A_97 : memref<512xf32, #tpu.memory_space<hbm>>) target_semaphore(%run_scoped3A : memref<!tpu.dma_semaphore, #tpu.memory_space<semaphore_mem>>)
      %dma_wait3A_98 = tpu.memref_slice %arg6[%mul3A_2] : memref<16384xf32, #tpu.memory_space<hbm>> -> memref<512xf32, #tpu.memory_space<hbm>>
      %dma_wait3A_99 = tpu.memref_slice %arg6[%mul3A_2] : memref<16384xf32, #tpu.memory_space<hbm>> -> memref<512xf32, #tpu.memory_space<hbm>>
      tpu.wait_dma2 semaphore(%run_scoped3A : memref<!tpu.dma_semaphore, #tpu.memory_space<semaphore_mem>>) src(%arg13 : memref<512xf32, #tpu.memory_space<vmem>>) dst(%dma_wait3A_99 : memref<512xf32, #tpu.memory_space<hbm>>)
      tpu.yield
    }) : () -> ()
    return
  }
}

</mosaic_0001>

<sc_bundles>
// kernel: _two_tower.3.cloned.1.call-start
scs
__scs_entry_jumppad:
0x0: {  	(pc) =	sbr.rel $0x88, $3  }
0x1: {  	(tag) =	ssettag $0x0;
	lr =	simm.s32 $0x1  }
0x2: {  	[smem:$0x3F9D] =	sst lr;
	_ =	strace $0xD0000000  }
0x3: {  	_ = 	snop  }
0x4: {  	_ = 	snop  }
0x5: {  	_ = 	snop  }
0x6: {  	_ = 	snop  }
0x7: {  	_ = 	snop  }
__scs_overlays_trampoline_lowered:
0x8: {  	[smem:$0x3FAC] =	sst s0  }
0x9: {  	[smem:$0x3FAD] =	sst s1  }
0xa: {  	[smem:$0x3FAE] =	sst s2  }
0xb: {  	[smem:$0x3FAF] =	sst s3  }
0xc: {  	[smem:$0x3FB0] =	sst s4  }
0xd: {  	[smem:$0x3FB1] =	sst s5  }
0xe: {  	[smem:$0x3FB2] =	sst s6  }
0xf: {  	[smem:$0x3FB3] =	sst s7  }
0x10: {  	[smem:$0x3FB4] =	sst s8  }
0x11: {  	[smem:$0x3FB5] =	sst s9;
	s0 =	simm.s32 @!p0 $0x0  }
0x12: {  	s1 =	sld [smem:$0x3F9B];
	s0 =	simm.s32 @p0 $0x1  }
0x13: {  	[smem:$0x3FB6] =	sst s0;
	s0 =	simm.s32 @!p1 $0x0  }
0x14: {  	s2 =	sld [smem:$0x3F9A];
	s0 =	simm.s32 @p1 $0x1  }
0x15: {  	[smem:$0x3FB7] =	sst s0;
	s0 =	simm.s32 @!p2 $0x0  }
0x16: {  	s3 =	sld [smem:$0x3FDB];
	s0 =	simm.s32 @p2 $0x1  }
0x17: {  	s4 =	simm.s32 $0x1BF5;
	[smem:$0x3FB9] =	sst s0  }
0x18: {  	s0 =	sld [smem:$0x3F9C];
	_ =	swait.ge [sflag:s4], $0x0  }
0x19: {  	s7 =	sld [smem:$0x3F9D]  }
0x1a: {  	s8 =	sadd.s32 $0xFFFFE003, lr  }
0x1b: {  	s9 =	sadd.s32 $0xFFFFFEF7, lr;
	s5 =	simm.s32 $0xFFFFFFFF;
	p2 =	slt.u32 s8, $0xFFFFF086  }
0x1c: {  	p1 =	slt.u32 s9, $0xF7A;
	s5 =	simm.s32 @!p2 $0x0  }
0x1d: {  	s5 =	simm.s32 @p1 $0x1;
	p0 =	seq.s32 s7, s2  }
0x1e: {  	s7 =	smul.u32 @!p0 $0xF7A, s2;
	p2 =	seq.s32 @!p0 s5, $0x0  }
0x1f: {  	s9 =	smul.u32 $0xF7A, s1;
	s8 =	simm.s32 @!p0 $0x1BF5;
	p2 =	por !p2, p0  }
0x20: {  	[sflag:s8] =	ssyncset.s32 @!p0 $0xFFFFF086;
	s6 =	sadd.s32 @!p0 s3, s7;
	s7 =	simm.s32 @!p0 $0x108  }
0x21: {  	s3 =	sadd.s32 s3, s9;
	s6 =	sadd.s32 @!p0 $0x88, s6;
	s7 =	simm.s32 @p2 $0x1082  }
0x22: {  	[simem:s7], [sflag:s8] =	dma.local @!p0 [hbm:s6], $0xF7A  }
0x23: {  	s9 =	sor.u32 $0xD0000000, s2;
	s6 =	simm.s32 $0x108;
	_ =	swait.ge @!p0 [sflag:s8], $0x0  }
0x24: {  	s3 =	sadd.s32 $0x88, s3;
	s6 =	simm.s32 @!p1 $0x1082;
	[sflag:s4] =	ssyncset.s32 $0xFFFFF086  }
0x25: {  	[simem:s6], [sflag:s4] =	dma.local [hbm:s3], $0xF7A  }
0x26: {  	[smem:$0x3F9D] =	sst s1;
	(tag) =	ssettag s2;
	_ =	strace s9  }
0x27: {  	s1 =	sld [smem:$0x3FAD]  }
0x28: {  	s2 =	sld [smem:$0x3FAE]  }
0x29: {  	s4 =	sld [smem:$0x3FB0]  }
0x2a: {  	p0 =	seq.s32 s5, $0x0;
	s5 =	sld [smem:$0x3FB1]  }
0x2b: {  	s6 =	sld [smem:$0x3FB2]  }
0x2c: {  	s7 =	sld [smem:$0x3FB3]  }
0x2d: {  	s3 =	simm.s32 $0x108;
	s8 =	sld [smem:$0x3FB4]  }
0x2e: {  	s3 =	simm.s32 @!p0 $0x1082;
	s9 =	sld [smem:$0x3FB5]  }
0x2f: {  	lr =	sadd.s32 s0, s3;
	s0 =	sld [smem:$0x3FAC]  }
0x30: {  	s3 =	sld [smem:$0x3FAF]  }
0x31: {  	[smem:$0x3FB8] =	sst s10  }
0x32: {  	s10 =	sld [smem:$0x3FB6];
	_ =	sdelay $0x3  }
0x33: {  	p0 =	seq.s32 s10, $0x1;
	s10 =	sld [smem:$0x3FB8];
	_ =	sdelay $0x3  }
0x34: {  	[smem:$0x3FB8] =	sst s10  }
0x35: {  	s10 =	sld [smem:$0x3FB7];
	_ =	sdelay $0x3  }
0x36: {  	p1 =	seq.s32 s10, $0x1;
	s10 =	sld [smem:$0x3FB8];
	_ =	sdelay $0x3  }
0x37: {  	[smem:$0x3FB8] =	sst s10  }
0x38: {  	s10 =	sld [smem:$0x3FB9]  }
0x39: {  	_ = 	snop;
	(pc) =	sbr.ind lr, $3  }
0x3a: {  	_ = 	snop  }
0x3b: {  	_ = 	snop  }
0x3c: {  	p2 =	seq.s32 s10, $0x1;
	s10 =	sld [smem:$0x3FB8]  }
0x3d: {  	_ =	shalt  }
0x3e: {  	_ =	shalt  }
0x3f: {  	_ =	shalt  }
0x40: {  	_ =	shalt  }
0x41: {  	_ =	shalt  }
0x42: {  	_ =	shalt  }
0x43: {  	_ =	shalt  }
0x44: {  	_ =	shalt  }
0x45: {  	_ =	shalt  }
0x46: {  	_ =	shalt  }
0x47: {  	_ =	shalt  }
0x48: {  	_ =	shalt  }
0x49: {  	_ =	shalt  }
0x4a: {  	_ =	shalt  }
0x4b: {  	_ =	shalt  }
0x4c: {  	_ =	shalt  }
0x4d: {  	_ =	shalt  }
0x4e: {  	_ =	shalt  }
0x4f: {  	_ =	shalt  }
0x50: {  	_ =	shalt  }
0x51: {  	_ =	shalt  }
0x52: {  	_ =	shalt  }
0x53: {  	_ =	shalt  }
0x54: {  	_ =	shalt  }
0x55: {  	_ =	shalt  }
0x56: {  	_ =	shalt  }
0x57: {  	_ =	shalt  }
0x58: {  	_ =	shalt  }
0x59: {  	_ =	shalt  }
0x5a: {  	_ =	shalt  }
0x5b: {  	_ =	shalt  }
0x5c: {  	_ =	shalt  }
0x5d: {  	_ =	shalt  }
0x5e: {  	_ =	shalt  }
0x5f: {  	_ =	shalt  }
0x60: {  	_ =	shalt  }
0x61: {  	_ =	shalt  }
0x62: {  	_ =	shalt  }
0x63: {  	_ =	shalt  }
0x64: {  	_ =	shalt  }
0x65: {  	_ =	shalt  }
0x66: {  	_ =	shalt  }
0x67: {  	_ =	shalt  }
0x68: {  	_ =	shalt  }
0x69: {  	_ =	shalt  }
0x6a: {  	_ =	shalt  }
0x6b: {  	_ =	shalt  }
0x6c: {  	_ =	shalt  }
0x6d: {  	_ =	shalt  }
0x6e: {  	_ =	shalt  }
0x6f: {  	_ =	shalt  }
0x70: {  	_ =	shalt  }
0x71: {  	_ =	shalt  }
0x72: {  	_ =	shalt  }
0x73: {  	_ =	shalt  }
0x74: {  	_ =	shalt  }
0x75: {  	_ =	shalt  }
0x76: {  	_ =	shalt  }
0x77: {  	_ =	shalt  }
0x78: {  	_ =	shalt  }
0x79: {  	_ =	shalt  }
0x7a: {  	_ =	shalt  }
0x7b: {  	_ =	shalt  }
0x7c: {  	_ =	shalt  }
0x7d: {  	_ =	shalt  }
0x7e: {  	_ =	shalt  }
0x7f: {  	_ =	shalt  }
0x80: {  	_ =	shalt  }
0x81: {  	_ =	shalt  }
0x82: {  	_ =	shalt  }
0x83: {  	_ =	shalt  }
0x84: {  	_ =	shalt  }
0x85: {  	_ =	shalt  }
0x86: {  	_ =	shalt  }
0x87: {  	_ =	shalt  }
.Lfunc_end0:
.L_simem_size_0:
called_computation_lowered:
.L_overlay_start_0:
0x88: {  	s2 =	sld [smem:$0x3FD9]  }
0x89: {  	s3 =	sld [smem:$0x3FFE];
	_ =	sdelay $0x1  }
0x8a: {  	s1 =	srdreg.scid  }
0x8b: {  	s0 =	sand.u32 $0x1, s1  }
0x8c: {  	s17 =	sshll.u32 s0, $0xA;
	s2 =	sadd.s32 s3, s2  }
0x8d: {  	s2 =	sadd.s32 s2, s17  }
0x8e: {  	[smem:$0x3FC4] =	sst s2  }
0x8f: {  	_ = 	snop  }
0x90: {  	s2 =	sld [smem:$0x3FC9]  }
0x91: {  	s18 =	sld [smem:$0x3FC8]  }
0x92: {  	s4 =	sld [smem:$0x3FD0];
	(tm) =	ssettm $0x1  }
0x93: {  	s5 =	sld [smem:$0x3FFB];
	_ =	sdelay $0x3  }
0x94: {  	_ =	strace s5  }
0x95: {  	s5 =	sld [smem:$0x3FFC];
	_ =	sdelay $0x3  }
0x96: {  	_ =	strace s5  }
0x97: {  	s5 =	sld [smem:$0x3FFD];
	_ =	sdelay $0x3  }
0x98: {  	_ =	strace s5  }
0x99: {  	_ =	strace $0x8FFFFFFF  }
0x9a: {  	s19 =	sld [smem:$0x3FDB];
	_ =	sdelay $0x1  }
0x9b: {  	s6 =	simm.s32 $_scs_section_size  }
0x9c: {  	s7 =	simm.s32 $_size__tile_overlayer_lowered;
	s8 =	simm.s32 $_tile_overlayer_lowered  }
0x9d: {  	s22 =	simm.s32 $0x1BFF;
	s21 =	sshll.u32 s8, $0x1;
	s5 =	sadd.s32 s6, s19  }
0x9e: {  	s9 =	simm.s32 $0x0;
	s20 =	sshll.u32 s7, $0x1;
	s7 =	sadd.s32 s21, s5  }
0x9f: {  	[timem:s9], [sflag:s22] =	dma.local [hbm:s7], s20  }
0xa0: {  	_ =	swait.ge [sflag:s22], s20  }
0xa1: {  	s6 =	ssub.s32 $0x0, s20;
	[sflag:s22] =	ssyncset.done $0x0  }
0xa2: {  	[sflag:s22] =	ssyncadd.s32 s6;
	_ =	sdelay $0x1  }
0xa3: {  	s23 =	simm.s32 $0x1B8B  }
0xa4: {  	_ =	swait.ge [sflag:s23], $0x1  }
0xa5: {  	[sflag:s23] =	ssyncset.done $0x0  }
0xa6: {  	s25 =	simm.s32 $0x1B8E;
	s24 =	sld [smem:$0x3FFE];
	[sflag:s23] =	ssyncadd.s32 $0xFFFFFFFF  }
0xa7: {  	s26 =	simm.s32 $execute0_lowered;
	[smem:$0x3FD2] =	sst s25  }
0xa8: {  	s7 =	sshll.u32 s26, $0x1;
	_ =	strace $0x80000046;
	[dreg:$0x1] =	wrdreg $0xFFFFFFFF  }
0xa9: {  	s28 =	simm.s32 $_size_execute0_lowered;
	s5 =	sadd.s32 s5, s7;
	[dreg:$0x0] =	wrdreg $0x0  }
0xaa: {  	s7 =	sshll.u32 s28, $0x1;
	[dreg:$0x2] =	wrdreg s5  }
0xab: {  	[dreg:$0x3] =	wrdreg s7  }
0xac: {  	[dreg:$0x4] =	wrdreg $0xC0  }
0xad: {  	_ =	task [dreg:s9], $0x5FFFF  }
0xae: {  	[dreg:$0x1] =	wrdreg $0xFFFFFFFF  }
0xaf: {  	[dreg:$0x0] =	wrdreg $0x60  }
0xb0: {  	[dreg:$0x2] =	wrdreg s2  }
0xb1: {  	[dreg:$0x3] =	wrdreg s18  }
0xb2: {  	[dreg:$0x4] =	wrdreg s24  }
0xb3: {  	[dreg:$0x5] =	wrdreg s4  }
0xb4: {  	[dreg:$0x6] =	wrdreg $0x9  }
0xb5: {  	_ =	task.clear_ibuf [dreg:s9], $0x7FFFF;
	_ =	strace $0x90000046  }
0xb6: {  	s29 =	simm.s32 $0x9;
	_ =	strace $0x80000048  }
0xb7: {  	_ =	swait.ge [sflag:s29], $0x1  }
0xb8: {  	[sflag:s29] =	ssyncadd.s32 $0xFFFFFFFF  }
0xb9: {  	_ =	strace $0x90000048  }
0xba: {  	_ =	sfence  }
0xbb: {  	s30 =	sld [smem:$0x0];
	_ =	sdelay $0x2  }
0xbc: {  	s31 =	sshll.u32 s1, $0xD;
	s1 =	sshrl.u32 s1, $0x2  }
0xbd: {  	s3 =	sand.u32 $0x4000, s31;
	s1 =	sadd.s32 s1, s30  }
0xbe: {  	s0 =	sor.u32 s3, s0;
	s1 =	sshll.u32 s1, $0x11  }
0xbf: {  	s0 =	sor.u32 s1, s0  }
0xc0: {  	s0 =	sadd.s32 $0x8F2B, s0  }
0xc1: {  	[sflag:s0] =	ssyncadd.remote.s32 $0x1  }
0xc2: {  	_ =	sfence.sel $0xFFFF  }
0xc3: {  	[dreg:$0x0] =	wrdreg $0xFFFFFFFF;
	(pc) =	sbr.abs _section_cstart, $3  }
0xc4: {  	[dreg:$0x1] =	wrdreg $0xFFFFFFFF  }
0xc5: {  	_ =	task.clear_ibuf [dreg:s9], $0x2FFFF;
	_ =	strace $0x9FFFFFFF  }
0xc6: {  	(tm) =	ssettm $0x7FFFFFFF  }
0xc7: {  	_ =	shalt  }
tec
execute0_lowered:
.L_overlay_start_1:
0x0: {  	(tag) =	ssettag $0x1  }
0x1: {  	s0 =	rddreg [dreg:$0x0]  }
0x2: {  	s2 =	rddreg [dreg:$0x1]  }
0x3: {  	s4 =	rddreg [dreg:$0x2]  }
0x4: {  	s5 =	rddreg [dreg:$0x3];
	s1 =	simm.s32 $0x0  }
0x5: {  	s3 =	srdreg.scid;
	s9 =	stileid.u32;
	s12 =	simm.s32 $0x400  }
0x6: {  	s13 =	simm.s32 $0x8400;
	s16 =	simm.s32 $0x4400;
	s6 =	sand.u32 $0x1, s3  }
0x7: {  	s9 =	sshll.u32 s9, $0x7;
	s7 =	ssub.s32 $0x2, s6;
	s6 =	sshll.u32 s6, $0x6  }
0x8: {  	s17 =	simm.s32 $0xC400;
	[smem:$0x7FF] =	sst s1;
	s6 =	sor.u32 s6, s9  }
0x9: {  	s3 =	sadd.s32 $0x186E00, s4;
	_ =	strace $0x80000047;
	s0 =	sadd.s32 s0, s6  }
0xa: {  	s8 =	sshrl.u32 s7, $0x1;
	s29 =	sadd.s32 s2, s6;
	[smem:$0x7FA] =	sst s0  }
0xb: {  	s7 =	ssub.s32 s7, s8;
	s30 =	sadd.s32 s5, s6;
	[smem:$0x7FB] =	sst s29  }
0xc: {  	v0 =	vlaneseq.u32;
	s4 =	sadd.s32 $0x400, s4;
	[smem:$0x7FC] =	sst s30;
	s31 =	smax.u32 s7, $0x1  }
0xd: {  	v0 =	vmul.u32 $0x80, v0;
	s5 =	simm.s32 $0x5;
	s2 =	simm.s32 $0x0;
	[smem:$0x7FD] =	sst s31  }
.LBB2_1:
0xe: {  	s0 =	sld [smem:$0x7FA];
	_ =	sdelay $0x1  }
0xf: {  	[smem:$0x7F9] =	sst s2  }
0x10: {  	[tilespmem:s1], [sflag:$0x5] =	stream.linear.gather [hbm4b:s0+s1], $0x200, $0x38;
	[tilespmem:$0x10600] =	vst v63  }
0x11: {  	_ =	swait.ge [sflag:s5], $0x200  }
0x12: {  	s23 =	sld [smem:$0x7FB]  }
0x13: {  	[sflag:s5] =	ssyncset.done $0x0  }
0x14: {  	s22 =	simm.s32 $0x200;
	[sflag:s5] =	ssyncadd.s32 $0xFFFFFE00  }
0x15: {  	[tilespmem:s22], [sflag:$0x5] =	stream.linear.gather [hbm4b:s23+s1], $0x200, $0x38;
	[tilespmem:$0x10600] =	vst v63  }
0x16: {  	_ =	swait.ge [sflag:s5], $0x200  }
0x17: {  	[sflag:s5] =	ssyncset.done $0x0  }
0x18: {  	[sflag:s5] =	ssyncadd.s32 $0xFFFFFE00  }
0x19: {  	v1 =	vld [tilespmem:s1+$0x0]  }
0x1a: {  	v2 =	vld [tilespmem:s22+$0x0];
	_ =	sdelay $0x3  }
0x1b: {  	v1 =	vshll.u32 v1, $0x4  }
0x1c: {  	v2 =	vshll.u32 v2, $0x4;
	(v2sf) =	vpush v1, $0x0  }
0x1d: {  	(v2sf) =	vpush v2, $0x0  }
0x1e: {  	(v2sf) =	vpush v1, $0x1;
	_ =	sdelay $0x1  }
0x1f: {  	(v2sf) =	vpush v2, $0x1;
	_ =	sdelay $0x1  }
0x20: {  	(v2sf) =	vpush v1, $0x2;
	_ =	sdelay $0x2  }
0x21: {  	(v2sf) =	vpush v2, $0x2  }
0x22: {  	s21 =	simm.s32 $0x2000;
	s20 =	simm.s32 $0x0  }
0x23: {  	s24 =	simm.s32 $0x8400;
	s6 =	simm.s32 $0x680;
	s2 =	simm.s32 $0x880;
	(v2sf) =	vpush v1, $0x3  }
0x24: {  	s7 =	simm.s32 $0x400;
	s8 =	simm.s32 $0x600;
	s10 =	simm.s32 $0x580  }
0x25: {  	s11 =	simm.s32 $0x8580;
	s18 =	simm.s32 $0x8A00;
	s15 =	simm.s32 $0x480  }
0x26: {  	s30 =	simm.s32 $0xA00;
	s28 =	simm.s32 $0x210;
	s31 =	simm.s32 $0xB00  }
0x27: {  	s0 =	simm.s32 $0x8900;
	s23 =	simm.s32 $0x8480;
	s9 =	spop (v2sf);
	(v2sf) =	vpush v2, $0x3  }
0x28: {  	s5 =	simm.s32 $0x8980;
	s9 =	sand.u32 $0x1FFFFFF0, s9;
	s14 =	spop (v2sf)  }
0x29: {  	(v2sf) =	vpush v1, $0x4;
	s9 =	sadd.s32 s3, s9;
	s25 =	sand.u32 $0x1FFFFFF0, s14;
	s26 =	spop (v2sf)  }
0x2a: {  	(v2sf) =	vpush v2, $0x4;
	[tilespmem:s7], [sflag:$0x1] =	stream.linear.gather [hbm4b:s9+s1], $0x80, $0x38;
	[tilespmem:$0x10600] =	vst v63  }
0x2b: {  	s14 =	simm.s32 $0xA80;
	s7 =	sadd.s32 s4, s25;
	s29 =	spop (v2sf)  }
0x2c: {  	(v2sf) =	vpush v1, $0x5;
	[tilespmem:s24], [sflag:$0x3] =	stream.linear.gather [hbm4b:s7+s1], $0x80, $0x38;
	[tilespmem:$0x10600] =	vst v63  }
0x2d: {  	s9 =	sand.u32 $0x1FFFFFF0, s26;
	s25 =	simm.s32 $0x500;
	s24 =	spop (v2sf)  }
0x2e: {  	s19 =	sadd.s32 s3, s9;
	s22 =	sand.u32 $0x1FFFFFF0, s29;
	(v2sf) =	vpush v2, $0x5;
	s7 =	sand.u32 $0x1FFFFFF0, s24  }
0x2f: {  	[tilespmem:s15], [sflag:$0x1] =	stream.linear.gather [hbm4b:s19+s1], $0x80, $0x38;
	[tilespmem:$0x10600] =	vst v63  }
0x30: {  	s9 =	sadd.s32 s4, s22;
	s26 =	spop (v2sf);
	s7 =	sadd.s32 s3, s7  }
0x31: {  	[tilespmem:s23], [sflag:$0x3] =	stream.linear.gather [hbm4b:s9+s1], $0x80, $0x38;
	[tilespmem:$0x10600] =	vst v63  }
0x32: {  	(v2sf) =	vpush v1, $0x6;
	s29 =	spop (v2sf);
	s19 =	simm.s32 $0x8600;
	s9 =	sand.u32 $0x1FFFFFF0, s26  }
0x33: {  	[tilespmem:s25], [sflag:$0x1] =	stream.linear.gather [hbm4b:s7+s1], $0x80, $0x38;
	[tilespmem:$0x10600] =	vst v63  }
0x34: {  	(v2sf) =	vpush v2, $0x6;
	s15 =	sand.u32 $0x1FFFFFF0, s29;
	s9 =	sadd.s32 s4, s9;
	s7 =	simm.s32 $0x8500  }
0x35: {  	[tilespmem:s7], [sflag:$0x3] =	stream.linear.gather [hbm4b:s9+s1], $0x80, $0x38;
	[tilespmem:$0x10600] =	vst v63  }
0x36: {  	s26 =	simm.s32 $0x700;
	s9 =	sadd.s32 s3, s15;
	s22 =	spop (v2sf)  }
0x37: {  	(v2sf) =	vpush v1, $0x7;
	[tilespmem:s10], [sflag:$0x1] =	stream.linear.gather [hbm4b:s9+s1], $0x80, $0x38;
	[tilespmem:$0x10600] =	vst v63  }
0x38: {  	s25 =	simm.s32 $0x8680;
	s7 =	sand.u32 $0x1FFFFFF0, s22;
	s23 =	spop (v2sf)  }
0x39: {  	(v2sf) =	vpush v2, $0x7;
	s7 =	sadd.s32 s4, s7;
	s9 =	sand.u32 $0x1FFFFFF0, s23;
	s24 =	spop (v2sf)  }
0x3a: {  	(v2sf) =	vpush v1, $0x8;
	[tilespmem:s11], [sflag:$0x3] =	stream.linear.gather [hbm4b:s7+s1], $0x80, $0x38;
	[tilespmem:$0x10600] =	vst v63  }
0x3b: {  	s9 =	sadd.s32 s3, s9;
	s10 =	sand.u32 $0x1FFFFFF0, s24;
	s29 =	spop (v2sf)  }
0x3c: {  	(v2sf) =	vpush v2, $0x8;
	[tilespmem:s8], [sflag:$0x1] =	stream.linear.gather [hbm4b:s9+s1], $0x80, $0x38;
	[tilespmem:$0x10600] =	vst v63  }
0x3d: {  	s10 =	sadd.s32 s4, s10;
	(v2sf) =	vpush v1, $0x9;
	s11 =	spop (v2sf);
	s8 =	sand.u32 $0x1FFFFFF0, s29  }
0x3e: {  	[tilespmem:s19], [sflag:$0x3] =	stream.linear.gather [hbm4b:s10+s1], $0x80, $0x38;
	[tilespmem:$0x10600] =	vst v63  }
0x3f: {  	s24 =	simm.s32 $0x8700;
	(v2sf) =	vpush v2, $0x9;
	s8 =	sadd.s32 s3, s8;
	s10 =	sand.u32 $0x1FFFFFF0, s11  }
0x40: {  	[tilespmem:s6], [sflag:$0x1] =	stream.linear.gather [hbm4b:s8+s1], $0x80, $0x38;
	[tilespmem:$0x10600] =	vst v63  }
0x41: {  	s15 =	spop (v2sf);
	s9 =	simm.s32 $0x8880;
	s22 =	sadd.s32 s4, s10  }
0x42: {  	[tilespmem:s25], [sflag:$0x3] =	stream.linear.gather [hbm4b:s22+s1], $0x80, $0x38;
	[tilespmem:$0x10600] =	vst v63  }
0x43: {  	s23 =	sand.u32 $0x1FFFFFF0, s15;
	(v2sf) =	vpush v1, $0xA;
	s19 =	simm.s32 $0x8A80;
	s25 =	spop (v2sf)  }
0x44: {  	s10 =	sadd.s32 s3, s23;
	s23 =	simm.s32 $0x8780;
	s7 =	sand.u32 $0x1FFFFFF0, s25  }
0x45: {  	(v2sf) =	vpush v2, $0xA;
	[tilespmem:s26], [sflag:$0x1] =	stream.linear.gather [hbm4b:s10+s1], $0x80, $0x38;
	[tilespmem:$0x10600] =	vst v63  }
0x46: {  	s8 =	simm.s32 $0x780;
	s7 =	sadd.s32 s4, s7;
	s26 =	spop (v2sf)  }
0x47: {  	(v2sf) =	vpush v1, $0xB;
	[tilespmem:s24], [sflag:$0x3] =	stream.linear.gather [hbm4b:s7+s1], $0x80, $0x38;
	[tilespmem:$0x10600] =	vst v63  }
0x48: {  	s25 =	simm.s32 $0x800;
	s10 =	sand.u32 $0x1FFFFFF0, s26;
	s29 =	spop (v2sf)  }
0x49: {  	(v2sf) =	vpush v2, $0xB;
	s15 =	sadd.s32 s3, s10;
	s22 =	sand.u32 $0x1FFFFFF0, s29;
	s24 =	spop (v2sf)  }
0x4a: {  	[tilespmem:s8], [sflag:$0x1] =	stream.linear.gather [hbm4b:s15+s1], $0x80, $0x38;
	[tilespmem:$0x10600] =	vst v63  }
0x4b: {  	s10 =	sadd.s32 s4, s22;
	s7 =	sand.u32 $0x1FFFFFF0, s24;
	s26 =	spop (v2sf)  }
0x4c: {  	s8 =	simm.s32 $0x8800;
	s15 =	simm.s32 $0x900;
	s29 =	spop (v2sf)  }
0x4d: {  	(v2sf) =	vpush v1, $0xC;
	[tilespmem:s23], [sflag:$0x3] =	stream.linear.gather [hbm4b:s10+s1], $0x80, $0x38;
	[tilespmem:$0x10600] =	vst v63  }
0x4e: {  	s7 =	sadd.s32 s3, s7;
	s10 =	sand.u32 $0x1FFFFFF0, s26;
	s22 =	spop (v2sf)  }
0x4f: {  	(v2sf) =	vpush v2, $0xC;
	[tilespmem:s25], [sflag:$0x1] =	stream.linear.gather [hbm4b:s7+s1], $0x80, $0x38;
	[tilespmem:$0x10600] =	vst v63  }
0x50: {  	s11 =	sand.u32 $0x1FFFFFF0, s29;
	s10 =	sadd.s32 s4, s10;
	s23 =	sand.u32 $0x1FFFFFF0, s22  }
0x51: {  	[tilespmem:s8], [sflag:$0x3] =	stream.linear.gather [hbm4b:s10+s1], $0x80, $0x38;
	[tilespmem:$0x10600] =	vst v63  }
0x52: {  	s24 =	spop (v2sf);
	s22 =	simm.s32 $0x980;
	s10 =	sadd.s32 s3, s11  }
0x53: {  	[tilespmem:s2], [sflag:$0x1] =	stream.linear.gather [hbm4b:s10+s1], $0x80, $0x38;
	[tilespmem:$0x10600] =	vst v63  }
0x54: {  	s7 =	sand.u32 $0x1FFFFFF0, s24;
	s2 =	sadd.s32 s4, s23;
	s25 =	spop (v2sf)  }
0x55: {  	[tilespmem:s9], [sflag:$0x3] =	stream.linear.gather [hbm4b:s2+s1], $0x80, $0x38;
	[tilespmem:$0x10600] =	vst v63  }
0x56: {  	s26 =	sadd.s32 s3, s7;
	s29 =	sand.u32 $0x1FFFFFF0, s25;
	s8 =	spop (v2sf)  }
0x57: {  	[tilespmem:s15], [sflag:$0x1] =	stream.linear.gather [hbm4b:s26+s1], $0x80, $0x38;
	[tilespmem:$0x10600] =	vst v63  }
0x58: {  	s10 =	sadd.s32 s4, s29;
	s11 =	sand.u32 $0x1FFFFFF0, s8;
	s15 =	spop (v2sf)  }
0x59: {  	(v2sf) =	vpush v1, $0xD;
	[tilespmem:s0], [sflag:$0x3] =	stream.linear.gather [hbm4b:s10+s1], $0x80, $0x38;
	[tilespmem:$0x10600] =	vst v63  }
0x5a: {  	s9 =	simm.s32 $0x8B00;
	(v2sf) =	vpush v2, $0xD;
	s23 =	sadd.s32 s3, s11;
	s24 =	sand.u32 $0x1FFFFFF0, s15  }
0x5b: {  	(v2sf) =	vpush v1, $0xE;
	[tilespmem:s22], [sflag:$0x1] =	stream.linear.gather [hbm4b:s23+s1], $0x80, $0x38;
	[tilespmem:$0x10600] =	vst v63  }
0x5c: {  	s26 =	simm.s32 $0x10;
	s25 =	sadd.s32 s4, s24;
	(v2sf) =	vpush v2, $0xE;
	s29 =	spop (v2sf)  }
0x5d: {  	(v2sf) =	vpush v1, $0xF;
	[tilespmem:s5], [sflag:$0x3] =	stream.linear.gather [hbm4b:s25+s1], $0x80, $0x38;
	[tilespmem:$0x10600] =	vst v63  }
0x5e: {  	s0 =	sand.u32 $0x1FFFFFF0, s29;
	s2 =	spop (v2sf);
	(v2sf) =	vpush v2, $0xF;
	s25 =	simm.s32 $0x0  }
.LBB2_2:
0x5f: {  	_ =	sdelay $0x4  }
0x60: {  	s0 =	sadd.s32 s3, s0;
	s2 =	sand.u32 $0x1FFFFFF0, s2  }
0x61: {  	[tilespmem:s30], [sflag:$0x1] =	stream.linear.gather [hbm4b:s0+s25], $0x80, $0x38;
	[tilespmem:$0x10600] =	vst v63  }
0x62: {  	s11 =	sadd.s32 s4, s2  }
0x63: {  	[tilespmem:s18], [sflag:$0x3] =	stream.linear.gather [hbm4b:s11+s25], $0x80, $0x38;
	[tilespmem:$0x10600] =	vst v63  }
0x64: {  	s5 =	spop (v2sf)  }
0x65: {  	s15 =	sand.u32 $0x1FFFFFF0, s5;
	s22 =	spop (v2sf)  }
0x66: {  	s23 =	sadd.s32 s3, s15;
	s24 =	sand.u32 $0x1FFFFFF0, s22;
	s29 =	spop (v2sf)  }
0x67: {  	[tilespmem:s14], [sflag:$0x1] =	stream.linear.gather [hbm4b:s23+s25], $0x80, $0x38;
	[tilespmem:$0x10600] =	vst v63  }
0x68: {  	s2 =	sadd.s32 s4, s24;
	s5 =	sand.u32 $0x1FFFFFF0, s29;
	s6 =	spop (v2sf)  }
0x69: {  	[tilespmem:s19], [sflag:$0x3] =	stream.linear.gather [hbm4b:s2+s25], $0x80, $0x38;
	[tilespmem:$0x10600] =	vst v63  }
0x6a: {  	s7 =	sadd.s32 s3, s5;
	s8 =	sand.u32 $0x1FFFFFF0, s6;
	s10 =	spop (v2sf)  }
0x6b: {  	[tilespmem:s31], [sflag:$0x1] =	stream.linear.gather [hbm4b:s7+s25], $0x80, $0x38;
	[tilespmem:$0x10600] =	vst v63  }
0x6c: {  	s11 =	sadd.s32 s4, s8;
	s14 =	sand.u32 $0x1FFFFFF0, s10;
	s15 =	spop (v2sf)  }
0x6d: {  	[tilespmem:s9], [sflag:$0x3] =	stream.linear.gather [hbm4b:s11+s25], $0x80, $0x38;
	[tilespmem:$0x10600] =	vst v63  }
0x6e: {  	s18 =	sadd.s32 $0xB80, s20;
	s2 =	sadd.s32 s3, s14;
	s5 =	sand.u32 $0x1FFFFFF0, s15  }
0x6f: {  	[tilespmem:s18], [sflag:$0x1] =	stream.linear.gather [hbm4b:s2+s25], $0x80, $0x38;
	[tilespmem:$0x10600] =	vst v63  }
0x70: {  	s19 =	sadd.s32 $0x8B80, s20;
	s20 =	sadd.s32 s4, s5  }
0x71: {  	[tilespmem:s19], [sflag:$0x3] =	stream.linear.gather [hbm4b:s20+s25], $0x80, $0x38;
	[tilespmem:$0x10600] =	vst v63  }
0x72: {  	v1 =	vld [tilespmem:s26+$0x0]  }
0x73: {  	v3 =	vld [tilespmem:s28+$0x0];
	_ =	sdelay $0x3  }
0x74: {  	s22 =	smov.u32 s21;
	v2 =	vshll.u32 v1, $0x4  }
0x75: {  	p0 =	sne.s32 s21, $0xE000;
	s21 =	sadd.s32 $0x2000, s21;
	s20 =	sshra.s32 s22, $0x2;
	v1 =	vshll.u32 v3, $0x4;
	(v2sf) =	vpush v2, $0x0  }
0x76: {  	s25 =	simm.s32 $0x0;
	s7 =	sadd.s32 $0x8400, s20;
	s0 =	sadd.s32 $0x680, s20;
	(v2sf) =	vpush v1, $0x0  }
0x77: {  	s23 =	sadd.s32 $0x880, s20;
	s8 =	sadd.s32 $0x400, s20;
	s22 =	sadd.s32 $0x600, s20;
	(v2sf) =	vpush v2, $0x1  }
0x78: {  	s24 =	sadd.s32 $0x8900, s20;
	s15 =	sadd.s32 $0x8580, s20;
	s18 =	sadd.s32 $0x8A00, s20  }
0x79: {  	s6 =	sadd.s32 $0x500, s20;
	s2 =	sadd.s32 $0x8600, s20;
	[smem:$0x7F1] =	sst s0  }
0x7a: {  	s10 =	sadd.s32 $0xA80, s20;
	s5 =	sadd.s32 $0x8500, s20;
	[dreg:$0xd] =	wrdreg s23;
	(v2sf) =	vpush v1, $0x1  }
0x7b: {  	s29 =	sadd.s32 $0x8680, s20;
	s9 =	sadd.s32 $0x700, s20;
	[dreg:$0x5] =	wrdreg s24  }
0x7c: {  	s11 =	sadd.s32 $0x8980, s20;
	s19 =	sadd.s32 $0x8A80, s20;
	[smem:$0x7F2] =	sst s29;
	(v2sf) =	vpush v2, $0x2  }
0x7d: {  	s14 =	sadd.s32 $0x8700, s20;
	s30 =	sadd.s32 $0xA00, s20;
	[smem:$0x7F3] =	sst s9  }
0x7e: {  	s26 =	sadd.s32 $0x10, s26;
	s28 =	sadd.s32 $0x10, s28;
	[dreg:$0x9] =	wrdreg s11;
	(v2sf) =	vpush v1, $0x2  }
0x7f: {  	s31 =	sadd.s32 $0xB00, s20;
	[smem:$0x7F4] =	sst s14;
	s29 =	sadd.s32 $0x8880, s20  }
0x80: {  	s23 =	sadd.s32 $0x580, s20;
	s11 =	sadd.s32 $0x780, s20;
	[dreg:$0x15] =	wrdreg s29;
	(v2sf) =	vpush v2, $0x3  }
0x81: {  	s24 =	sadd.s32 $0x8480, s20;
	s14 =	sadd.s32 $0x8800, s20;
	[smem:$0x7F5] =	sst s11  }
0x82: {  	s9 =	sadd.s32 $0x900, s20;
	[smem:$0x7F8] =	sst s14;
	s29 =	sadd.s32 $0x8780, s20;
	(v2sf) =	vpush v1, $0x3  }
0x83: {  	s0 =	sadd.s32 $0x480, s20;
	s11 =	sadd.s32 $0x800, s20;
	[smem:$0x7F6] =	sst s29  }
0x84: {  	[smem:$0x7F7] =	sst s11;
	s11 =	sadd.s32 $0x980, s20;
	(v2sf) =	vpush v2, $0x4;
	s29 =	spop (v2sf)  }
0x85: {  	[dreg:$0x19] =	wrdreg s11;
	s29 =	sand.u32 $0x1FFFFFF0, s29;
	s14 =	spop (v2sf)  }
0x86: {  	(v2sf) =	vpush v1, $0x4;
	s29 =	sadd.s32 s3, s29;
	s11 =	sand.u32 $0x1FFFFFF0, s14;
	s14 =	spop (v2sf)  }
0x87: {  	[tilespmem:s8], [sflag:$0x1] =	stream.linear.gather [hbm4b:s29+s25], $0x80, $0x38;
	[tilespmem:$0x10600] =	vst v63  }
0x88: {  	[dreg:$0x11] =	wrdreg s9;
	s9 =	sadd.s32 $0x8B00, s20;
	(v2sf) =	vpush v2, $0x5;
	s14 =	sand.u32 $0x1FFFFFF0, s14  }
0x89: {  	s11 =	sadd.s32 s4, s11;
	s29 =	spop (v2sf);
	(v2sf) =	vpush v1, $0x5;
	s8 =	sadd.s32 s3, s14  }
0x8a: {  	[tilespmem:s7], [sflag:$0x3] =	stream.linear.gather [hbm4b:s11+s25], $0x80, $0x38;
	[tilespmem:$0x10600] =	vst v63  }
0x8b: {  	s14 =	smov.u32 s10;
	s11 =	sand.u32 $0x1FFFFFF0, s29;
	s29 =	spop (v2sf);
	(v2sf) =	vpush v2, $0x6  }
0x8c: {  	[tilespmem:s0], [sflag:$0x1] =	stream.linear.gather [hbm4b:s8+s25], $0x80, $0x38;
	[tilespmem:$0x10600] =	vst v63  }
0x8d: {  	s10 =	sadd.s32 s4, s11;
	s11 =	sand.u32 $0x1FFFFFF0, s29;
	s29 =	spop (v2sf)  }
0x8e: {  	(v2sf) =	vpush v1, $0x6;
	[tilespmem:s24], [sflag:$0x3] =	stream.linear.gather [hbm4b:s10+s25], $0x80, $0x38;
	[tilespmem:$0x10600] =	vst v63  }
0x8f: {  	s7 =	sadd.s32 s3, s11;
	s8 =	sand.u32 $0x1FFFFFF0, s29;
	s10 =	spop (v2sf)  }
0x90: {  	(v2sf) =	vpush v2, $0x7;
	[tilespmem:s6], [sflag:$0x1] =	stream.linear.gather [hbm4b:s7+s25], $0x80, $0x38;
	[tilespmem:$0x10600] =	vst v63  }
0x91: {  	s11 =	sadd.s32 s4, s8;
	s24 =	sand.u32 $0x1FFFFFF0, s10;
	s29 =	spop (v2sf)  }
0x92: {  	[tilespmem:s5], [sflag:$0x3] =	stream.linear.gather [hbm4b:s11+s25], $0x80, $0x38;
	[tilespmem:$0x10600] =	vst v63  }
0x93: {  	s8 =	sadd.s32 s3, s24;
	s10 =	sand.u32 $0x1FFFFFF0, s29;
	s11 =	spop (v2sf)  }
0x94: {  	(v2sf) =	vpush v1, $0x7;
	[tilespmem:s23], [sflag:$0x1] =	stream.linear.gather [hbm4b:s8+s25], $0x80, $0x38;
	[tilespmem:$0x10600] =	vst v63  }
0x95: {  	s24 =	sand.u32 $0x1FFFFFF0, s11;
	s23 =	sadd.s32 s4, s10;
	s29 =	spop (v2sf)  }
0x96: {  	(v2sf) =	vpush v2, $0x8;
	[tilespmem:s15], [sflag:$0x3] =	stream.linear.gather [hbm4b:s23+s25], $0x80, $0x38;
	[tilespmem:$0x10600] =	vst v63  }
0x97: {  	s5 =	sadd.s32 s3, s24;
	s7 =	sand.u32 $0x1FFFFFF0, s29;
	s8 =	spop (v2sf)  }
0x98: {  	(v2sf) =	vpush v1, $0x8;
	s29 =	sld [smem:$0x7F1];
	s10 =	sadd.s32 s4, s7;
	s15 =	spop (v2sf)  }
0x99: {  	[tilespmem:s22], [sflag:$0x1] =	stream.linear.gather [hbm4b:s5+s25], $0x80, $0x38;
	[tilespmem:$0x10600] =	vst v63  }
0x9a: {  	s11 =	sand.u32 $0x1FFFFFF0, s8;
	s8 =	sld [smem:$0x7F2];
	s24 =	spop (v2sf)  }
0x9b: {  	(v2sf) =	vpush v2, $0x9;
	[tilespmem:s2], [sflag:$0x3] =	stream.linear.gather [hbm4b:s10+s25], $0x80, $0x38;
	[tilespmem:$0x10600] =	vst v63  }
0x9c: {  	(v2sf) =	vpush v1, $0x9;
	s22 =	sadd.s32 s3, s11;
	s23 =	sand.u32 $0x1FFFFFF0, s15;
	s5 =	sand.u32 $0x1FFFFFF0, s24  }
0x9d: {  	s2 =	sadd.s32 s4, s23;
	s7 =	spop (v2sf);
	s10 =	sadd.s32 s3, s5  }
0x9e: {  	(v2sf) =	vpush v2, $0xA;
	[tilespmem:s29], [sflag:$0x1] =	stream.linear.gather [hbm4b:s22+s25], $0x80, $0x38;
	[tilespmem:$0x10600] =	vst v63  }
0x9f: {  	s11 =	sand.u32 $0x1FFFFFF0, s7;
	s22 =	sld [smem:$0x7F3];
	s15 =	spop (v2sf)  }
0xa0: {  	[tilespmem:s8], [sflag:$0x3] =	stream.linear.gather [hbm4b:s2+s25], $0x80, $0x38;
	[tilespmem:$0x10600] =	vst v63  }
0xa1: {  	s7 =	sld [smem:$0x7F4];
	s23 =	sadd.s32 s4, s11;
	s24 =	sand.u32 $0x1FFFFFF0, s15  }
0xa2: {  	(v2sf) =	vpush v1, $0xA;
	[tilespmem:s22], [sflag:$0x1] =	stream.linear.gather [hbm4b:s10+s25], $0x80, $0x38;
	[tilespmem:$0x10600] =	vst v63  }
0xa3: {  	s29 =	spop (v2sf);
	s15 =	sld [smem:$0x7F5];
	s8 =	sadd.s32 s3, s24  }
0xa4: {  	(v2sf) =	vpush v2, $0xB;
	[tilespmem:s7], [sflag:$0x3] =	stream.linear.gather [hbm4b:s23+s25], $0x80, $0x38;
	[tilespmem:$0x10600] =	vst v63  }
0xa5: {  	s10 =	sand.u32 $0x1FFFFFF0, s29;
	s29 =	sld [smem:$0x7F6];
	s11 =	spop (v2sf)  }
0xa6: {  	(v2sf) =	vpush v1, $0xB;
	[tilespmem:s15], [sflag:$0x1] =	stream.linear.gather [hbm4b:s8+s25], $0x80, $0x38;
	[tilespmem:$0x10600] =	vst v63  }
0xa7: {  	s22 =	sadd.s32 s4, s10;
	s23 =	sand.u32 $0x1FFFFFF0, s11;
	s24 =	spop (v2sf)  }
0xa8: {  	s2 =	sadd.s32 s3, s23;
	s8 =	sld [smem:$0x7F7];
	s5 =	sand.u32 $0x1FFFFFF0, s24  }
0xa9: {  	(v2sf) =	vpush v2, $0xC;
	[tilespmem:s29], [sflag:$0x3] =	stream.linear.gather [hbm4b:s22+s25], $0x80, $0x38;
	[tilespmem:$0x10600] =	vst v63  }
0xaa: {  	s7 =	spop (v2sf);
	s10 =	sadd.s32 s4, s5;
	s22 =	sld [smem:$0x7F8]  }
0xab: {  	(v2sf) =	vpush v1, $0xC;
	s11 =	sand.u32 $0x1FFFFFF0, s7;
	s15 =	spop (v2sf);
	s7 =	rddreg [dreg:$0xd]  }
0xac: {  	[tilespmem:s8], [sflag:$0x1] =	stream.linear.gather [hbm4b:s2+s25], $0x80, $0x38;
	[tilespmem:$0x10600] =	vst v63  }
0xad: {  	s23 =	sadd.s32 s3, s11;
	s24 =	sand.u32 $0x1FFFFFF0, s15;
	s29 =	spop (v2sf)  }
0xae: {  	[tilespmem:s22], [sflag:$0x3] =	stream.linear.gather [hbm4b:s10+s25], $0x80, $0x38;
	[tilespmem:$0x10600] =	vst v63  }
0xaf: {  	s15 =	rddreg [dreg:$0x15];
	s8 =	sadd.s32 s4, s24;
	s10 =	sand.u32 $0x1FFFFFF0, s29  }
0xb0: {  	[tilespmem:s7], [sflag:$0x1] =	stream.linear.gather [hbm4b:s23+s25], $0x80, $0x38;
	[tilespmem:$0x10600] =	vst v63  }
0xb1: {  	s11 =	spop (v2sf);
	s29 =	rddreg [dreg:$0x11];
	s22 =	sadd.s32 s3, s10  }
0xb2: {  	[tilespmem:s15], [sflag:$0x3] =	stream.linear.gather [hbm4b:s8+s25], $0x80, $0x38;
	[tilespmem:$0x10600] =	vst v63  }
0xb3: {  	s10 =	rddreg [dreg:$0x5];
	s23 =	sand.u32 $0x1FFFFFF0, s11;
	s24 =	spop (v2sf)  }
0xb4: {  	[tilespmem:s29], [sflag:$0x1] =	stream.linear.gather [hbm4b:s22+s25], $0x80, $0x38;
	[tilespmem:$0x10600] =	vst v63  }
0xb5: {  	s6 =	sadd.s32 s4, s23;
	s7 =	sand.u32 $0x1FFFFFF0, s24;
	s8 =	spop (v2sf)  }
0xb6: {  	(v2sf) =	vpush v2, $0xD;
	[tilespmem:s10], [sflag:$0x3] =	stream.linear.gather [hbm4b:s6+s25], $0x80, $0x38;
	[tilespmem:$0x10600] =	vst v63  }
.Ltmp0:
0xb7: {  	(v2sf) =	vpush v1, $0xD;
	s23 =	rddreg [dreg:$0x19];
	s15 =	sand.u32 $0x1FFFFFF0, s8;
	(pc) =	sbr.rel @p0 .LBB2_2-.Ltmp0, $4  }
0xb8: {  	(v2sf) =	vpush v2, $0xE;
	s11 =	sadd.s32 s3, s7;
	s22 =	spop (v2sf);
	s24 =	sadd.s32 s4, s15  }
0xb9: {  	(v2sf) =	vpush v1, $0xE;
	[tilespmem:s23], [sflag:$0x1] =	stream.linear.gather [hbm4b:s11+s25], $0x80, $0x38;
	[tilespmem:$0x10600] =	vst v63  }
0xba: {  	(v2sf) =	vpush v2, $0xF;
	s29 =	rddreg [dreg:$0x9];
	s0 =	sand.u32 $0x1FFFFFF0, s22;
	s2 =	spop (v2sf)  }
0xbb: {  	(v2sf) =	vpush v1, $0xF;
	[tilespmem:s29], [sflag:$0x3] =	stream.linear.gather [hbm4b:s24+s25], $0x80, $0x38;
	[tilespmem:$0x10600] =	vst v63  }
0xbc: {  	_ =	sdelay $0x4  }
0xbd: {  	s0 =	sadd.s32 s3, s0;
	s2 =	sand.u32 $0x1FFFFFF0, s2  }
0xbe: {  	[tilespmem:s30], [sflag:$0x1] =	stream.linear.gather [hbm4b:s0+s25], $0x80, $0x38;
	[tilespmem:$0x10600] =	vst v63  }
0xbf: {  	s7 =	sadd.s32 s4, s2  }
0xc0: {  	[tilespmem:s18], [sflag:$0x3] =	stream.linear.gather [hbm4b:s7+s25], $0x80, $0x38;
	[tilespmem:$0x10600] =	vst v63  }
0xc1: {  	s5 =	spop (v2sf)  }
0xc2: {  	s8 =	sand.u32 $0x1FFFFFF0, s5;
	s10 =	spop (v2sf)  }
0xc3: {  	s11 =	sadd.s32 s3, s8;
	s15 =	sand.u32 $0x1FFFFFF0, s10;
	s18 =	spop (v2sf)  }
0xc4: {  	[tilespmem:s14], [sflag:$0x1] =	stream.linear.gather [hbm4b:s11+s25], $0x80, $0x38;
	[tilespmem:$0x10600] =	vst v63  }
0xc5: {  	s21 =	sadd.s32 s4, s15;
	s22 =	sand.u32 $0x1FFFFFF0, s18;
	s23 =	spop (v2sf)  }
0xc6: {  	[tilespmem:s19], [sflag:$0x3] =	stream.linear.gather [hbm4b:s21+s25], $0x80, $0x38;
	[tilespmem:$0x10600] =	vst v63  }
0xc7: {  	s24 =	sadd.s32 s3, s22;
	s26 =	sand.u32 $0x1FFFFFF0, s23;
	s28 =	spop (v2sf)  }
0xc8: {  	[tilespmem:s31], [sflag:$0x1] =	stream.linear.gather [hbm4b:s24+s25], $0x80, $0x38;
	[tilespmem:$0x10600] =	vst v63  }
0xc9: {  	s6 =	sadd.s32 s4, s26;
	s7 =	sand.u32 $0x1FFFFFF0, s28;
	s8 =	spop (v2sf)  }
0xca: {  	[tilespmem:s9], [sflag:$0x3] =	stream.linear.gather [hbm4b:s6+s25], $0x80, $0x38;
	[tilespmem:$0x10600] =	vst v63  }
0xcb: {  	s10 =	sadd.s32 $0xB80, s20;
	s2 =	sadd.s32 s3, s7;
	s5 =	sand.u32 $0x1FFFFFF0, s8  }
0xcc: {  	[tilespmem:s10], [sflag:$0x1] =	stream.linear.gather [hbm4b:s2+s25], $0x80, $0x38;
	[tilespmem:$0x10600] =	vst v63  }
0xcd: {  	s11 =	sadd.s32 $0x8B80, s20;
	s15 =	simm.s32 $0x80;
	s14 =	sadd.s32 s4, s5  }
0xce: {  	[tilespmem:s11], [sflag:$0x3] =	stream.linear.gather [hbm4b:s14+s25], $0x80, $0x38;
	[tilespmem:$0x10600] =	vst v63  }
0xcf: {  	s18 =	simm.s32 $0x280;
	v1 =	vld [tilespmem:s15+$0x0]  }
0xd0: {  	v3 =	vld [tilespmem:s18+$0x0];
	_ =	sdelay $0x3  }
0xd1: {  	v2 =	vshll.u32 v1, $0x4  }
0xd2: {  	v1 =	vshll.u32 v3, $0x4;
	(v2sf) =	vpush v2, $0x0  }
0xd3: {  	(v2sf) =	vpush v1, $0x0;
	_ =	sdelay $0x2  }
0xd4: {  	(v2sf) =	vpush v2, $0x1  }
0xd5: {  	(v2sf) =	vpush v1, $0x1;
	_ =	sdelay $0x1  }
0xd6: {  	(v2sf) =	vpush v2, $0x2;
	_ =	sdelay $0x1  }
0xd7: {  	(v2sf) =	vpush v1, $0x2;
	_ =	sdelay $0x1  }
0xd8: {  	s29 =	simm.s32 $0x4B00;
	(v2sf) =	vpush v2, $0x3  }
0xd9: {  	s0 =	simm.s32 $0xC900;
	s30 =	simm.s32 $0x4A00;
	s20 =	simm.s32 $0x0  }
0xda: {  	s21 =	simm.s32 $0x2000;
	s28 =	simm.s32 $0xC480;
	s7 =	simm.s32 $0x4400  }
0xdb: {  	s5 =	simm.s32 $0x4680;
	s24 =	simm.s32 $0x4480;
	s6 =	simm.s32 $0xC400  }
0xdc: {  	s9 =	simm.s32 $0x4600;
	s2 =	simm.s32 $0x4880;
	(v2sf) =	vpush v1, $0x3;
	s8 =	spop (v2sf)  }
0xdd: {  	s10 =	simm.s32 $0x4580;
	s8 =	sand.u32 $0x1FFFFFF0, s8;
	s11 =	spop (v2sf)  }
0xde: {  	s14 =	simm.s32 $0x4500;
	(v2sf) =	vpush v2, $0x4;
	s8 =	sadd.s32 s3, s8;
	s19 =	sand.u32 $0x1FFFFFF0, s11  }
0xdf: {  	(v2sf) =	vpush v1, $0x4;
	[tilespmem:s7], [sflag:$0x2] =	stream.linear.gather [hbm4b:s8+s1], $0x80, $0x38;
	[tilespmem:$0x10600] =	vst v63  }
0xe0: {  	s22 =	spop (v2sf);
	s7 =	simm.s32 $0xC580;
	s8 =	sadd.s32 s4, s19  }
0xe1: {  	s11 =	sand.u32 $0x1FFFFFF0, s22;
	s23 =	spop (v2sf);
	s19 =	simm.s32 $0xC500  }
0xe2: {  	(v2sf) =	vpush v2, $0x5;
	[tilespmem:s6], [sflag:$0x4] =	stream.linear.gather [hbm4b:s8+s1], $0x80, $0x38;
	[tilespmem:$0x10600] =	vst v63  }
0xe3: {  	s25 =	sadd.s32 s3, s11;
	s26 =	sand.u32 $0x1FFFFFF0, s23;
	s31 =	spop (v2sf)  }
0xe4: {  	(v2sf) =	vpush v1, $0x5;
	[tilespmem:s24], [sflag:$0x2] =	stream.linear.gather [hbm4b:s25+s1], $0x80, $0x38;
	[tilespmem:$0x10600] =	vst v63  }
0xe5: {  	s11 =	sadd.s32 s4, s26;
	s8 =	sand.u32 $0x1FFFFFF0, s31;
	s15 =	spop (v2sf)  }
0xe6: {  	[tilespmem:s28], [sflag:$0x4] =	stream.linear.gather [hbm4b:s11+s1], $0x80, $0x38;
	[tilespmem:$0x10600] =	vst v63  }
0xe7: {  	(v2sf) =	vpush v2, $0x6;
	s8 =	sadd.s32 s3, s8;
	s18 =	spop (v2sf);
	s11 =	sand.u32 $0x1FFFFFF0, s15  }
0xe8: {  	[tilespmem:s14], [sflag:$0x2] =	stream.linear.gather [hbm4b:s8+s1], $0x80, $0x38;
	[tilespmem:$0x10600] =	vst v63  }
0xe9: {  	s26 =	simm.s32 $0xC600;
	(v2sf) =	vpush v1, $0x6;
	s23 =	sand.u32 $0x1FFFFFF0, s18;
	s22 =	sadd.s32 s4, s11  }
0xea: {  	[tilespmem:s19], [sflag:$0x4] =	stream.linear.gather [hbm4b:s22+s1], $0x80, $0x38;
	[tilespmem:$0x10600] =	vst v63  }
0xeb: {  	s24 =	spop (v2sf);
	(v2sf) =	vpush v2, $0x7;
	s18 =	simm.s32 $0x4A80;
	s25 =	sadd.s32 s3, s23  }
0xec: {  	[tilespmem:s10], [sflag:$0x2] =	stream.linear.gather [hbm4b:s25+s1], $0x80, $0x38;
	[tilespmem:$0x10600] =	vst v63  }
0xed: {  	(v2sf) =	vpush v1, $0x7;
	s6 =	sand.u32 $0x1FFFFFF0, s24;
	s23 =	simm.s32 $0x4700;
	s28 =	spop (v2sf)  }
0xee: {  	s15 =	simm.s32 $0xCA00;
	s6 =	sadd.s32 s4, s6;
	s31 =	spop (v2sf)  }
0xef: {  	[tilespmem:s7], [sflag:$0x4] =	stream.linear.gather [hbm4b:s6+s1], $0x80, $0x38;
	[tilespmem:$0x10600] =	vst v63  }
0xf0: {  	s19 =	simm.s32 $0xC680;
	(v2sf) =	vpush v2, $0x8;
	s10 =	sand.u32 $0x1FFFFFF0, s28;
	s14 =	sand.u32 $0x1FFFFFF0, s31  }
0xf1: {  	s10 =	sadd.s32 s3, s10;
	s22 =	spop (v2sf);
	s7 =	sadd.s32 s4, s14  }
0xf2: {  	(v2sf) =	vpush v1, $0x8;
	[tilespmem:s9], [sflag:$0x2] =	stream.linear.gather [hbm4b:s10+s1], $0x80, $0x38;
	[tilespmem:$0x10600] =	vst v63  }
0xf3: {  	s24 =	sand.u32 $0x1FFFFFF0, s22;
	s25 =	spop (v2sf);
	s10 =	simm.s32 $0xCA80  }
0xf4: {  	(v2sf) =	vpush v2, $0x9;
	s8 =	sadd.s32 s3, s24;
	s9 =	sand.u32 $0x1FFFFFF0, s25;
	s24 =	simm.s32 $0x4780  }
0xf5: {  	(v2sf) =	vpush v1, $0x9;
	[tilespmem:s26], [sflag:$0x4] =	stream.linear.gather [hbm4b:s7+s1], $0x80, $0x38;
	[tilespmem:$0x10600] =	vst v63  }
0xf6: {  	s26 =	spop (v2sf);
	s28 =	sadd.s32 s4, s9;
	s9 =	simm.s32 $0x4800  }
0xf7: {  	(v2sf) =	vpush v2, $0xA;
	[tilespmem:s5], [sflag:$0x2] =	stream.linear.gather [hbm4b:s8+s1], $0x80, $0x38;
	[tilespmem:$0x10600] =	vst v63  }
0xf8: {  	s31 =	sand.u32 $0x1FFFFFF0, s26;
	s11 =	spop (v2sf);
	s5 =	simm.s32 $0xC980  }
0xf9: {  	(v2sf) =	vpush v1, $0xA;
	[tilespmem:s19], [sflag:$0x4] =	stream.linear.gather [hbm4b:s28+s1], $0x80, $0x38;
	[tilespmem:$0x10600] =	vst v63  }
0xfa: {  	s14 =	sadd.s32 s3, s31;
	s6 =	sand.u32 $0x1FFFFFF0, s11;
	s22 =	spop (v2sf)  }
0xfb: {  	(v2sf) =	vpush v2, $0xB;
	[tilespmem:s23], [sflag:$0x2] =	stream.linear.gather [hbm4b:s14+s1], $0x80, $0x38;
	[tilespmem:$0x10600] =	vst v63  }
0xfc: {  	s6 =	sadd.s32 s4, s6;
	s8 =	sand.u32 $0x1FFFFFF0, s22;
	s23 =	spop (v2sf)  }
0xfd: {  	s19 =	simm.s32 $0xC700;
	s25 =	sadd.s32 s3, s8;
	(v2sf) =	vpush v1, $0xB;
	s26 =	sand.u32 $0x1FFFFFF0, s23  }
0xfe: {  	[tilespmem:s19], [sflag:$0x4] =	stream.linear.gather [hbm4b:s6+s1], $0x80, $0x38;
	[tilespmem:$0x10600] =	vst v63  }
0xff: {  	s28 =	simm.s32 $0xC780;
	s8 =	sadd.s32 s4, s26;
	s31 =	spop (v2sf)  }
0x100: {  	[tilespmem:s24], [sflag:$0x2] =	stream.linear.gather [hbm4b:s25+s1], $0x80, $0x38;
	[tilespmem:$0x10600] =	vst v63  }
0x101: {  	s19 =	simm.s32 $0xC800;
	s26 =	simm.s32 $0x4900;
	s11 =	spop (v2sf)  }
0x102: {  	(v2sf) =	vpush v2, $0xC;
	[tilespmem:s28], [sflag:$0x4] =	stream.linear.gather [hbm4b:s8+s1], $0x80, $0x38;
	[tilespmem:$0x10600] =	vst v63  }
0x103: {  	s7 =	sand.u32 $0x1FFFFFF0, s31;
	s24 =	simm.s32 $0xC880;
	s14 =	spop (v2sf)  }
0x104: {  	s7 =	sadd.s32 s3, s7;
	s8 =	sand.u32 $0x1FFFFFF0, s11;
	(v2sf) =	vpush v1, $0xC;
	s25 =	spop (v2sf)  }
0x105: {  	[tilespmem:s9], [sflag:$0x2] =	stream.linear.gather [hbm4b:s7+s1], $0x80, $0x38;
	[tilespmem:$0x10600] =	vst v63  }
0x106: {  	s22 =	sadd.s32 s4, s8;
	s23 =	sand.u32 $0x1FFFFFF0, s14;
	s28 =	spop (v2sf)  }
0x107: {  	[tilespmem:s19], [sflag:$0x4] =	stream.linear.gather [hbm4b:s22+s1], $0x80, $0x38;
	[tilespmem:$0x10600] =	vst v63  }
0x108: {  	s8 =	sadd.s32 s3, s23;
	s7 =	sand.u32 $0x1FFFFFF0, s25;
	s31 =	spop (v2sf)  }
0x109: {  	[tilespmem:s2], [sflag:$0x2] =	stream.linear.gather [hbm4b:s8+s1], $0x80, $0x38;
	[tilespmem:$0x10600] =	vst v63  }
0x10a: {  	s7 =	sadd.s32 s4, s7;
	s14 =	spop (v2sf);
	s8 =	sand.u32 $0x1FFFFFF0, s28  }
0x10b: {  	[tilespmem:s24], [sflag:$0x4] =	stream.linear.gather [hbm4b:s7+s1], $0x80, $0x38;
	[tilespmem:$0x10600] =	vst v63  }
0x10c: {  	s11 =	sand.u32 $0x1FFFFFF0, s31;
	s8 =	sadd.s32 s3, s8;
	s23 =	spop (v2sf)  }
0x10d: {  	[tilespmem:s26], [sflag:$0x2] =	stream.linear.gather [hbm4b:s8+s1], $0x80, $0x38;
	[tilespmem:$0x10600] =	vst v63  }
0x10e: {  	s19 =	sadd.s32 s4, s11;
	s22 =	sand.u32 $0x1FFFFFF0, s14;
	s26 =	sand.u32 $0x1FFFFFF0, s23  }
0x10f: {  	(v2sf) =	vpush v2, $0xD;
	s25 =	sadd.s32 s3, s22;
	s24 =	simm.s32 $0x4980;
	s28 =	sadd.s32 s4, s26  }
0x110: {  	(v2sf) =	vpush v1, $0xD;
	[tilespmem:s0], [sflag:$0x4] =	stream.linear.gather [hbm4b:s19+s1], $0x80, $0x38;
	[tilespmem:$0x10600] =	vst v63  }
0x111: {  	(v2sf) =	vpush v2, $0xE;
	s26 =	simm.s32 $0x90;
	s19 =	simm.s32 $0xCB00;
	s31 =	spop (v2sf)  }
0x112: {  	(v2sf) =	vpush v1, $0xE;
	[tilespmem:s24], [sflag:$0x2] =	stream.linear.gather [hbm4b:s25+s1], $0x80, $0x38;
	[tilespmem:$0x10600] =	vst v63  }
0x113: {  	(v2sf) =	vpush v2, $0xF;
	s25 =	simm.s32 $0x290;
	s0 =	sand.u32 $0x1FFFFFF0, s31;
	s2 =	spop (v2sf)  }
0x114: {  	(v2sf) =	vpush v1, $0xF;
	[tilespmem:s5], [sflag:$0x4] =	stream.linear.gather [hbm4b:s28+s1], $0x80, $0x38;
	[tilespmem:$0x10600] =	vst v63  }
.LBB2_4:
0x115: {  	_ =	sdelay $0x4  }
0x116: {  	s0 =	sadd.s32 s3, s0;
	s2 =	sand.u32 $0x1FFFFFF0, s2  }
0x117: {  	[tilespmem:s30], [sflag:$0x2] =	stream.linear.gather [hbm4b:s0+s1], $0x80, $0x38;
	[tilespmem:$0x10600] =	vst v63  }
0x118: {  	s24 =	sadd.s32 s4, s2  }
0x119: {  	[tilespmem:s15], [sflag:$0x4] =	stream.linear.gather [hbm4b:s24+s1], $0x80, $0x38;
	[tilespmem:$0x10600] =	vst v63  }
0x11a: {  	s5 =	spop (v2sf)  }
0x11b: {  	s28 =	sand.u32 $0x1FFFFFF0, s5;
	s31 =	spop (v2sf)  }
0x11c: {  	s2 =	sadd.s32 s3, s28;
	s5 =	sand.u32 $0x1FFFFFF0, s31;
	s6 =	spop (v2sf)  }
0x11d: {  	[tilespmem:s18], [sflag:$0x2] =	stream.linear.gather [hbm4b:s2+s1], $0x80, $0x38;
	[tilespmem:$0x10600] =	vst v63  }
0x11e: {  	s7 =	sadd.s32 s4, s5;
	s8 =	sand.u32 $0x1FFFFFF0, s6;
	s9 =	spop (v2sf)  }
0x11f: {  	[tilespmem:s10], [sflag:$0x4] =	stream.linear.gather [hbm4b:s7+s1], $0x80, $0x38;
	[tilespmem:$0x10600] =	vst v63  }
0x120: {  	s11 =	sadd.s32 s3, s8;
	s14 =	sand.u32 $0x1FFFFFF0, s9;
	s15 =	spop (v2sf)  }
0x121: {  	[tilespmem:s29], [sflag:$0x2] =	stream.linear.gather [hbm4b:s11+s1], $0x80, $0x38;
	[tilespmem:$0x10600] =	vst v63  }
0x122: {  	s18 =	sadd.s32 s4, s14;
	s22 =	sand.u32 $0x1FFFFFF0, s15;
	s23 =	spop (v2sf)  }
0x123: {  	[tilespmem:s19], [sflag:$0x4] =	stream.linear.gather [hbm4b:s18+s1], $0x80, $0x38;
	[tilespmem:$0x10600] =	vst v63  }
0x124: {  	s24 =	sadd.s32 $0x4B80, s20;
	s2 =	sadd.s32 s3, s22;
	s5 =	sand.u32 $0x1FFFFFF0, s23  }
0x125: {  	[tilespmem:s24], [sflag:$0x2] =	stream.linear.gather [hbm4b:s2+s1], $0x80, $0x38;
	[tilespmem:$0x10600] =	vst v63  }
0x126: {  	s28 =	sadd.s32 $0xCB80, s20;
	s31 =	sadd.s32 s4, s5  }
0x127: {  	[tilespmem:s28], [sflag:$0x4] =	stream.linear.gather [hbm4b:s31+s1], $0x80, $0x38;
	[tilespmem:$0x10600] =	vst v63  }
0x128: {  	v1 =	vld [tilespmem:s26+$0x0]  }
0x129: {  	v3 =	vld [tilespmem:s25+$0x0];
	_ =	sdelay $0x3  }
0x12a: {  	v2 =	vshll.u32 v1, $0x4  }
0x12b: {  	s2 =	smov.u32 s21;
	v1 =	vshll.u32 v3, $0x4;
	(v2sf) =	vpush v2, $0x0  }
0x12c: {  	p0 =	sne.s32 s21, $0xE000;
	s21 =	sadd.s32 $0x2000, s21;
	s20 =	sshra.s32 s2, $0x2;
	(v2sf) =	vpush v1, $0x0  }
0x12d: {  	s7 =	sadd.s32 $0xC400, s20;
	s0 =	sadd.s32 $0x4680, s20;
	s5 =	sadd.s32 $0x4880, s20;
	(v2sf) =	vpush v2, $0x1  }
0x12e: {  	s24 =	sadd.s32 $0x4400, s20;
	s8 =	sadd.s32 $0x4600, s20;
	s6 =	sadd.s32 $0xC900, s20  }
0x12f: {  	s14 =	sadd.s32 $0x4580, s20;
	s2 =	sadd.s32 $0xC580, s20;
	s9 =	sadd.s32 $0xCA00, s20;
	(v2sf) =	vpush v1, $0x1  }
0x130: {  	s22 =	sadd.s32 $0xC600, s20;
	s18 =	sadd.s32 $0x4A80, s20;
	[smem:$0x7EB] =	sst s0;
	(v2sf) =	vpush v2, $0x2  }
0x131: {  	s23 =	sadd.s32 $0xC480, s20;
	s31 =	sadd.s32 $0xC680, s20;
	[dreg:$0xe] =	wrdreg s5  }
0x132: {  	s15 =	sadd.s32 $0x4700, s20;
	s10 =	sadd.s32 $0xC980, s20;
	[dreg:$0x6] =	wrdreg s6;
	(v2sf) =	vpush v1, $0x2  }
0x133: {  	s11 =	sadd.s32 $0xC700, s20;
	s19 =	sadd.s32 $0xC880, s20;
	[dreg:$0x1d] =	wrdreg s9  }
0x134: {  	s28 =	sadd.s32 $0x4900, s20;
	s30 =	sadd.s32 $0x4A00, s20;
	[dreg:$0xa] =	wrdreg s10;
	(v2sf) =	vpush v2, $0x3  }
0x135: {  	s29 =	sadd.s32 $0x4B00, s20;
	s6 =	sadd.s32 $0x4500, s20;
	[smem:$0x7EC] =	sst s11  }
0x136: {  	s5 =	sadd.s32 $0xC500, s20;
	s9 =	sadd.s32 $0xCA80, s20;
	[dreg:$0x16] =	wrdreg s19  }
0x137: {  	[dreg:$0x12] =	wrdreg s28;
	s10 =	sadd.s32 $0x4780, s20;
	s11 =	sadd.s32 $0xC800, s20  }
0x138: {  	s0 =	sadd.s32 $0x4480, s20;
	s19 =	sadd.s32 $0xC780, s20;
	[smem:$0x7ED] =	sst s10;
	(v2sf) =	vpush v1, $0x3  }
0x139: {  	s28 =	sadd.s32 $0x4800, s20;
	s25 =	sadd.s32 $0x10, s25;
	[smem:$0x7F0] =	sst s11  }
0x13a: {  	[smem:$0x7EF] =	sst s28;
	s11 =	sadd.s32 $0x4980, s20;
	(v2sf) =	vpush v2, $0x4;
	s28 =	spop (v2sf)  }
0x13b: {  	[dreg:$0x1a] =	wrdreg s11;
	s28 =	sand.u32 $0x1FFFFFF0, s28;
	s11 =	spop (v2sf)  }
0x13c: {  	(v2sf) =	vpush v1, $0x4;
	s28 =	sadd.s32 s3, s28;
	s10 =	sand.u32 $0x1FFFFFF0, s11;
	s11 =	spop (v2sf)  }
0x13d: {  	[tilespmem:s24], [sflag:$0x2] =	stream.linear.gather [hbm4b:s28+s1], $0x80, $0x38;
	[tilespmem:$0x10600] =	vst v63  }
0x13e: {  	(v2sf) =	vpush v2, $0x5;
	s10 =	sadd.s32 s4, s10;
	s11 =	sand.u32 $0x1FFFFFF0, s11;
	s28 =	spop (v2sf)  }
0x13f: {  	(v2sf) =	vpush v1, $0x5;
	s11 =	sadd.s32 s3, s11;
	s24 =	sand.u32 $0x1FFFFFF0, s28;
	s28 =	spop (v2sf)  }
0x140: {  	[tilespmem:s7], [sflag:$0x4] =	stream.linear.gather [hbm4b:s10+s1], $0x80, $0x38;
	[tilespmem:$0x10600] =	vst v63  }
0x141: {  	(v2sf) =	vpush v2, $0x6;
	s10 =	sadd.s32 s4, s24;
	s24 =	sand.u32 $0x1FFFFFF0, s28;
	s28 =	spop (v2sf)  }
0x142: {  	(v2sf) =	vpush v1, $0x6;
	[tilespmem:s0], [sflag:$0x2] =	stream.linear.gather [hbm4b:s11+s1], $0x80, $0x38;
	[tilespmem:$0x10600] =	vst v63  }
0x143: {  	s26 =	sadd.s32 $0x10, s26;
	[smem:$0x7EE] =	sst s19;
	s11 =	spop (v2sf)  }
0x144: {  	[tilespmem:s23], [sflag:$0x4] =	stream.linear.gather [hbm4b:s10+s1], $0x80, $0x38;
	[tilespmem:$0x10600] =	vst v63  }
0x145: {  	s7 =	sadd.s32 s3, s24;
	s24 =	sand.u32 $0x1FFFFFF0, s11;
	s10 =	sand.u32 $0x1FFFFFF0, s28  }
0x146: {  	(v2sf) =	vpush v2, $0x7;
	[tilespmem:s6], [sflag:$0x2] =	stream.linear.gather [hbm4b:s7+s1], $0x80, $0x38;
	[tilespmem:$0x10600] =	vst v63  }
0x147: {  	s28 =	spop (v2sf);
	s23 =	sadd.s32 s4, s10;
	s10 =	smov.u32 s9  }
0x148: {  	[tilespmem:s5], [sflag:$0x4] =	stream.linear.gather [hbm4b:s23+s1], $0x80, $0x38;
	[tilespmem:$0x10600] =	vst v63  }
0x149: {  	s9 =	sand.u32 $0x1FFFFFF0, s28;
	s11 =	spop (v2sf);
	s6 =	sadd.s32 s3, s24  }
0x14a: {  	(v2sf) =	vpush v1, $0x7;
	[tilespmem:s14], [sflag:$0x2] =	stream.linear.gather [hbm4b:s6+s1], $0x80, $0x38;
	[tilespmem:$0x10600] =	vst v63  }
0x14b: {  	s24 =	sand.u32 $0x1FFFFFF0, s11;
	s23 =	sadd.s32 s4, s9;
	s28 =	spop (v2sf)  }
0x14c: {  	(v2sf) =	vpush v2, $0x8;
	[tilespmem:s2], [sflag:$0x4] =	stream.linear.gather [hbm4b:s23+s1], $0x80, $0x38;
	[tilespmem:$0x10600] =	vst v63  }
0x14d: {  	s19 =	sadd.s32 $0xCB00, s20;
	s5 =	sadd.s32 s3, s24;
	s7 =	spop (v2sf)  }
0x14e: {  	(v2sf) =	vpush v1, $0x8;
	s6 =	sand.u32 $0x1FFFFFF0, s28;
	s28 =	sld [smem:$0x7EB];
	s14 =	spop (v2sf)  }
0x14f: {  	[tilespmem:s8], [sflag:$0x2] =	stream.linear.gather [hbm4b:s5+s1], $0x80, $0x38;
	[tilespmem:$0x10600] =	vst v63  }
0x150: {  	s9 =	sadd.s32 s4, s6;
	s23 =	sand.u32 $0x1FFFFFF0, s14;
	s24 =	spop (v2sf)  }
0x151: {  	(v2sf) =	vpush v2, $0x9;
	s11 =	sand.u32 $0x1FFFFFF0, s7;
	s2 =	sadd.s32 s4, s23;
	s6 =	spop (v2sf)  }
0x152: {  	(v2sf) =	vpush v1, $0x9;
	[tilespmem:s22], [sflag:$0x4] =	stream.linear.gather [hbm4b:s9+s1], $0x80, $0x38;
	[tilespmem:$0x10600] =	vst v63  }
0x153: {  	s5 =	sand.u32 $0x1FFFFFF0, s24;
	s22 =	sadd.s32 s3, s11;
	s8 =	sand.u32 $0x1FFFFFF0, s6  }
0x154: {  	(v2sf) =	vpush v2, $0xA;
	[tilespmem:s28], [sflag:$0x2] =	stream.linear.gather [hbm4b:s22+s1], $0x80, $0x38;
	[tilespmem:$0x10600] =	vst v63  }
0x155: {  	s9 =	spop (v2sf);
	s11 =	sadd.s32 s4, s8;
	s8 =	sld [smem:$0x7EE]  }
0x156: {  	(v2sf) =	vpush v1, $0xA;
	[tilespmem:s31], [sflag:$0x4] =	stream.linear.gather [hbm4b:s2+s1], $0x80, $0x38;
	[tilespmem:$0x10600] =	vst v63  }
0x157: {  	s7 =	sadd.s32 s3, s5;
	s14 =	sand.u32 $0x1FFFFFF0, s9;
	s22 =	sld [smem:$0x7EC]  }
0x158: {  	[tilespmem:s15], [sflag:$0x2] =	stream.linear.gather [hbm4b:s7+s1], $0x80, $0x38;
	[tilespmem:$0x10600] =	vst v63  }
0x159: {  	s23 =	sadd.s32 s3, s14;
	s31 =	sld [smem:$0x7ED];
	s15 =	spop (v2sf)  }
0x15a: {  	(v2sf) =	vpush v2, $0xB;
	[tilespmem:s22], [sflag:$0x4] =	stream.linear.gather [hbm4b:s11+s1], $0x80, $0x38;
	[tilespmem:$0x10600] =	vst v63  }
0x15b: {  	s24 =	sand.u32 $0x1FFFFFF0, s15;
	s28 =	spop (v2sf);
	s15 =	rddreg [dreg:$0x1d]  }
0x15c: {  	[tilespmem:s31], [sflag:$0x2] =	stream.linear.gather [hbm4b:s23+s1], $0x80, $0x38;
	[tilespmem:$0x10600] =	vst v63  }
0x15d: {  	s2 =	sadd.s32 s4, s24;
	s5 =	sand.u32 $0x1FFFFFF0, s28;
	s7 =	spop (v2sf)  }
0x15e: {  	(v2sf) =	vpush v1, $0xB;
	s22 =	sld [smem:$0x7EF];
	s9 =	sadd.s32 s3, s5;
	s11 =	sand.u32 $0x1FFFFFF0, s7  }
0x15f: {  	(v2sf) =	vpush v2, $0xC;
	[tilespmem:s8], [sflag:$0x4] =	stream.linear.gather [hbm4b:s2+s1], $0x80, $0x38;
	[tilespmem:$0x10600] =	vst v63  }
0x160: {  	s31 =	sld [smem:$0x7F0];
	s14 =	spop (v2sf);
	s23 =	sadd.s32 s4, s11  }
0x161: {  	(v2sf) =	vpush v1, $0xC;
	s24 =	sand.u32 $0x1FFFFFF0, s14;
	s28 =	spop (v2sf);
	s8 =	rddreg [dreg:$0xe]  }
0x162: {  	[tilespmem:s22], [sflag:$0x2] =	stream.linear.gather [hbm4b:s9+s1], $0x80, $0x38;
	[tilespmem:$0x10600] =	vst v63  }
0x163: {  	s2 =	sadd.s32 s3, s24;
	s5 =	sand.u32 $0x1FFFFFF0, s28;
	s7 =	spop (v2sf)  }
0x164: {  	[tilespmem:s31], [sflag:$0x4] =	stream.linear.gather [hbm4b:s23+s1], $0x80, $0x38;
	[tilespmem:$0x10600] =	vst v63  }
0x165: {  	s9 =	sadd.s32 s4, s5;
	s14 =	spop (v2sf);
	s22 =	rddreg [dreg:$0x16]  }
0x166: {  	[tilespmem:s8], [sflag:$0x2] =	stream.linear.gather [hbm4b:s2+s1], $0x80, $0x38;
	[tilespmem:$0x10600] =	vst v63  }
0x167: {  	s11 =	sand.u32 $0x1FFFFFF0, s7;
	s24 =	sand.u32 $0x1FFFFFF0, s14;
	s31 =	rddreg [dreg:$0x12]  }
0x168: {  	[tilespmem:s22], [sflag:$0x4] =	stream.linear.gather [hbm4b:s9+s1], $0x80, $0x38;
	[tilespmem:$0x10600] =	vst v63  }
0x169: {  	s23 =	sadd.s32 s3, s11;
	s28 =	spop (v2sf);
	s11 =	rddreg [dreg:$0x6]  }
0x16a: {  	[tilespmem:s31], [sflag:$0x2] =	stream.linear.gather [hbm4b:s23+s1], $0x80, $0x38;
	[tilespmem:$0x10600] =	vst v63  }
0x16b: {  	s7 =	sadd.s32 s4, s24;
	s24 =	rddreg [dreg:$0x1a];
	s8 =	sand.u32 $0x1FFFFFF0, s28  }
0x16c: {  	(v2sf) =	vpush v2, $0xD;
	[tilespmem:s11], [sflag:$0x4] =	stream.linear.gather [hbm4b:s7+s1], $0x80, $0x38;
	[tilespmem:$0x10600] =	vst v63  }
.Ltmp1:
0x16d: {  	(v2sf) =	vpush v1, $0xD;
	s14 =	sadd.s32 s3, s8;
	s9 =	spop (v2sf);
	(pc) =	sbr.rel @p0 .LBB2_4-.Ltmp1, $4  }
0x16e: {  	(v2sf) =	vpush v2, $0xE;
	s22 =	sand.u32 $0x1FFFFFF0, s9;
	s23 =	spop (v2sf);
	s31 =	rddreg [dreg:$0xa]  }
0x16f: {  	(v2sf) =	vpush v1, $0xE;
	[tilespmem:s24], [sflag:$0x2] =	stream.linear.gather [hbm4b:s14+s1], $0x80, $0x38;
	[tilespmem:$0x10600] =	vst v63  }
0x170: {  	(v2sf) =	vpush v2, $0xF;
	s28 =	sadd.s32 s4, s22;
	s0 =	sand.u32 $0x1FFFFFF0, s23;
	s2 =	spop (v2sf)  }
0x171: {  	(v2sf) =	vpush v1, $0xF;
	[tilespmem:s31], [sflag:$0x4] =	stream.linear.gather [hbm4b:s28+s1], $0x80, $0x38;
	[tilespmem:$0x10600] =	vst v63  }
0x172: {  	_ =	sdelay $0x4  }
0x173: {  	s0 =	sadd.s32 s3, s0;
	s2 =	sand.u32 $0x1FFFFFF0, s2  }
0x174: {  	[tilespmem:s30], [sflag:$0x2] =	stream.linear.gather [hbm4b:s0+s1], $0x80, $0x38;
	[tilespmem:$0x10600] =	vst v63  }
0x175: {  	s2 =	sadd.s32 s4, s2  }
0x176: {  	[tilespmem:s15], [sflag:$0x4] =	stream.linear.gather [hbm4b:s2+s1], $0x80, $0x38;
	[tilespmem:$0x10600] =	vst v63  }
0x177: {  	s5 =	spop (v2sf)  }
0x178: {  	s5 =	sand.u32 $0x1FFFFFF0, s5;
	s6 =	spop (v2sf)  }
0x179: {  	s7 =	sadd.s32 s3, s5;
	s8 =	sand.u32 $0x1FFFFFF0, s6;
	s9 =	spop (v2sf)  }
0x17a: {  	[tilespmem:s18], [sflag:$0x2] =	stream.linear.gather [hbm4b:s7+s1], $0x80, $0x38;
	[tilespmem:$0x10600] =	vst v63  }
0x17b: {  	s11 =	sadd.s32 s4, s8;
	s14 =	sand.u32 $0x1FFFFFF0, s9;
	s15 =	spop (v2sf)  }
0x17c: {  	[tilespmem:s10], [sflag:$0x4] =	stream.linear.gather [hbm4b:s11+s1], $0x80, $0x38;
	[tilespmem:$0x10600] =	vst v63  }
0x17d: {  	s18 =	sadd.s32 s3, s14;
	s21 =	sand.u32 $0x1FFFFFF0, s15;
	s22 =	spop (v2sf)  }
0x17e: {  	[tilespmem:s29], [sflag:$0x2] =	stream.linear.gather [hbm4b:s18+s1], $0x80, $0x38;
	[tilespmem:$0x10600] =	vst v63  }
0x17f: {  	s23 =	sadd.s32 s4, s21;
	s24 =	sand.u32 $0x1FFFFFF0, s22;
	s25 =	spop (v2sf)  }
0x180: {  	[tilespmem:s19], [sflag:$0x4] =	stream.linear.gather [hbm4b:s23+s1], $0x80, $0x38;
	[tilespmem:$0x10600] =	vst v63  }
0x181: {  	s26 =	sadd.s32 $0x4B80, s20;
	s2 =	sadd.s32 s3, s24;
	s5 =	sand.u32 $0x1FFFFFF0, s25  }
0x182: {  	[tilespmem:s26], [sflag:$0x2] =	stream.linear.gather [hbm4b:s2+s1], $0x80, $0x38;
	[tilespmem:$0x10600] =	vst v63  }
0x183: {  	s28 =	sadd.s32 $0xCB80, s20;
	s30 =	simm.s32 $0x1;
	s29 =	sadd.s32 s4, s5  }
0x184: {  	[tilespmem:s28], [sflag:$0x4] =	stream.linear.gather [hbm4b:s29+s1], $0x80, $0x38;
	[tilespmem:$0x10600] =	vst v63  }
0x185: {  	_ =	swait.ge [sflag:s30], $0x4000  }
0x186: {  	[sflag:s30] =	ssyncset.done $0x0  }
0x187: {  	s31 =	simm.s32 $0x3;
	[sflag:s30] =	ssyncadd.s32 $0xFFFFC000  }
0x188: {  	_ =	swait.ge [sflag:s31], $0x4000  }
0x189: {  	[sflag:s31] =	ssyncset.done $0x0  }
0x18a: {  	s20 =	simm.s32 $0x0;
	s21 =	simm.s32 $0x0;
	[sflag:s31] =	ssyncadd.s32 $0xFFFFC000  }
.LBB2_6:
0x18b: {  	s22 =	sshll.u32 s21, $0x4;
	v1 =	vmov s20  }
0x18c: {  	s0 =	simm.s32 $0x1;
	v2 =	vmov s22;
	v1 =	vand.u32 $0x78, v1  }
0x18d: {  	v3 =	vmov s0;
	v2 =	vshll.u32 v2, $0x7;
	v4 =	vbroadcast v1, $0x0  }
0x18e: {  	s24 =	simm.s32 $0x2;
	v1 =	vor.u32 v0, v2;
	v2 =	vand.u32 $0x79, v3  }
0x18f: {  	v3 =	vmov s24;
	v2 =	vbroadcast v2, $0x0;
	v4 =	vor.u32 v1, v4  }
0x190: {  	s25 =	simm.s32 $0x3;
	v3 =	vand.u32 $0x7A, v3  }
0x191: {  	v5 =	vmov s25;
	v3 =	vbroadcast v3, $0x0;
	v6 =	vor.u32 v1, v2  }
0x192: {  	s26 =	simm.s32 $0x4;
	v2 =	vand.u32 $0x7B, v5  }
0x193: {  	v5 =	vmov s26;
	v2 =	vbroadcast v2, $0x0;
	v7 =	vor.u32 v1, v3  }
0x194: {  	s28 =	simm.s32 $0x5;
	v3 =	vand.u32 $0x7C, v5;
	v9 =	vld.idx.msk [tilespmem:v4+s12+$0x0], $0xffff  }
0x195: {  	v3 =	vbroadcast v3, $0x0;
	v11 =	vld.idx.msk [tilespmem:v4+s13+$0x0], $0xffff;
	v14 =	vor.u32 v1, v2;
	v4 =	vmov s28  }
0x196: {  	s29 =	simm.s32 $0x6;
	v4 =	vand.u32 $0x7D, v4;
	v2 =	vld.idx.msk [tilespmem:v6+s12+$0x0], $0xffff  }
0x197: {  	s2 =	simm.s32 $0x7;
	v8 =	vmov s29;
	s0 =	simm.s32 $0x8;
	v5 =	vld.idx.msk [tilespmem:v6+s13+$0x0], $0xffff;
	v6 =	vor.u32 v1, v3;
	v4 =	vbroadcast v4, $0x0  }
0x198: {  	v10 =	vmov s2;
	v8 =	vand.u32 $0x7E, v8;
	v13 =	vmov s0;
	v3 =	vld.idx.msk [tilespmem:v7+s12+$0x0], $0xffff  }
0x199: {  	s30 =	simm.s32 $0x9;
	v16 =	vand.u32 $0x7F, v10;
	v15 =	vbroadcast v8, $0x0;
	v10 =	vld.idx.msk [tilespmem:v7+s13+$0x0], $0xffff;
	v8 =	vor.u32 v1, v4  }
0x19a: {  	v12 =	vimm.f32 $0.0e+00;
	v18 =	vmov s30;
	v7 =	vand.u32 $0x78, v13;
	v4 =	vld.idx.msk [tilespmem:v14+s12+$0x0], $0xffff  }
0x19b: {  	s31 =	simm.s32 $0xA;
	v13 =	vbroadcast v16, $0x0;
	v17 =	vmul.f32 v11, v9;
	v11 =	vld.idx.msk [tilespmem:v14+s13+$0x0], $0xffff;
	v9 =	vor.u32 v1, v15  }
0x19c: {  	s2 =	simm.s32 $0x10;
	v16 =	vand.u32 $0x79, v18;
	v14 =	vbroadcast v7, $0x0;
	v15 =	vmov s31;
	v7 =	vld.idx.msk [tilespmem:v6+s12+$0x0], $0xffff  }
.LBB2_7:
0x19d: {  	p0 =	slt.u32 s2, $0x38;
	s5 =	sadd.s32 $0x3, s0;
	v12 =	vadd.f32 v17, v12;
	v2 =	vmul.f32 v5, v2;
	v5 =	vld.idx.msk [tilespmem:v6+s13+$0x0], $0xffff;
	v6 =	vor.u32 v1, v13  }
0x19e: {  	v13 =	vbroadcast v16, $0x0;
	v15 =	vand.u32 $0x7A, v15;
	v16 =	vmov s5;
	v17 =	vld.idx.msk [tilespmem:v8+s12+$0x0], $0xffff  }
0x19f: {  	v14 =	vor.u32 v1, v14;
	s5 =	sadd.s32 $0x4, s0;
	v3 =	vmul.f32 v10, v3;
	v2 =	vadd.f32 v2, v12;
	v8 =	vld.idx.msk [tilespmem:v8+s13+$0x0], $0xffff  }
0x1a0: {  	v10 =	vbroadcast v15, $0x0;
	v12 =	vand.u32 $0x7B, v16;
	v15 =	vmov s5;
	v16 =	vld.idx.msk [tilespmem:v9+s12+$0x0], $0xffff  }
0x1a1: {  	v13 =	vor.u32 v1, v13;
	s5 =	sadd.s32 $0x5, s0;
	v2 =	vadd.f32 v3, v2;
	v3 =	vmul.f32 v11, v4;
	v4 =	vld.idx.msk [tilespmem:v9+s13+$0x0], $0xffff  }
0x1a2: {  	v9 =	vbroadcast v12, $0x0;
	v11 =	vand.u32 $0x7C, v15;
	v12 =	vmov s5;
	v15 =	vld.idx.msk [tilespmem:v6+s12+$0x0], $0xffff  }
0x1a3: {  	v10 =	vor.u32 v1, v10;
	s5 =	sadd.s32 $0x6, s0;
	v2 =	vadd.f32 v3, v2;
	v3 =	vmul.f32 v5, v7;
	v7 =	vld.idx.msk [tilespmem:v6+s13+$0x0], $0xffff  }
0x1a4: {  	v6 =	vbroadcast v11, $0x0;
	v5 =	vand.u32 $0x7D, v12;
	v11 =	vmov s5;
	v18 =	vld.idx.msk [tilespmem:v14+s12+$0x0], $0xffff  }
0x1a5: {  	v9 =	vor.u32 v1, v9;
	s5 =	sadd.s32 $0x7, s0;
	s0 =	smov.u32 s2;
	v8 =	vmul.f32 v8, v17;
	v12 =	vld.idx.msk [tilespmem:v14+s13+$0x0], $0xffff;
	v3 =	vadd.f32 v3, v2  }
0x1a6: {  	v11 =	vand.u32 $0x7E, v11;
	v17 =	vmov s5;
	v14 =	vbroadcast v5, $0x0;
	v2 =	vld.idx.msk [tilespmem:v13+s12+$0x0], $0xffff  }
0x1a7: {  	v6 =	vor.u32 v1, v6;
	v4 =	vmul.f32 v4, v16;
	v5 =	vld.idx.msk [tilespmem:v13+s13+$0x0], $0xffff;
	v13 =	vadd.f32 v8, v3  }
.Ltmp2:
0x1a8: {  	v19 =	vbroadcast v11, $0x0;
	v11 =	vand.u32 $0x7F, v17;
	v16 =	vmov s2;
	v3 =	vld.idx.msk [tilespmem:v10+s12+$0x0], $0xffff;
	(pc) =	sbr.rel @p0 .LBB2_7-.Ltmp2, $4  }
0x1a9: {  	s5 =	sadd.s32 $0x1, s2;
	v8 =	vor.u32 v1, v14;
	v7 =	vmul.f32 v7, v15;
	v10 =	vld.idx.msk [tilespmem:v10+s13+$0x0], $0xffff;
	v14 =	vadd.f32 v4, v13  }
0x1aa: {  	v15 =	vand.u32 $0x78, v16;
	v16 =	vmov s5;
	v13 =	vbroadcast v11, $0x0;
	v4 =	vld.idx.msk [tilespmem:v9+s12+$0x0], $0xffff  }
0x1ab: {  	s5 =	sadd.s32 $0x2, s2;
	v17 =	vmul.f32 v12, v18;
	v11 =	vld.idx.msk [tilespmem:v9+s13+$0x0], $0xffff;
	v9 =	vor.u32 v1, v19;
	v12 =	vadd.f32 v7, v14  }
0x1ac: {  	s2 =	sadd.s32 $0x8, s2;
	v16 =	vand.u32 $0x79, v16;
	v14 =	vbroadcast v15, $0x0;
	v15 =	vmov s5;
	v7 =	vld.idx.msk [tilespmem:v6+s12+$0x0], $0xffff  }
0x1ad: {  	_ =	sdelay $0x2  }
0x1ae: {  	v12 =	vadd.f32 v17, v12;
	v2 =	vmul.f32 v5, v2  }
0x1af: {  	v38 =	vld.idx.msk [tilespmem:v6+s13+$0x0], $0xffff;
	v39 =	vor.u32 v1, v13  }
0x1b0: {  	v40 =	vld.idx.msk [tilespmem:v8+s12+$0x0], $0xffff;
	v3 =	vmul.f32 v10, v3;
	v2 =	vadd.f32 v2, v12  }
0x1b1: {  	v41 =	vbroadcast v16, $0x0;
	v43 =	vld.idx.msk [tilespmem:v8+s13+$0x0], $0xffff;
	v42 =	vor.u32 v1, v14  }
0x1b2: {  	s2 =	sadd.s32 $0x3, s0;
	v44 =	vand.u32 $0x7A, v15;
	v45 =	vld.idx.msk [tilespmem:v9+s12+$0x0], $0xffff;
	v2 =	vadd.f32 v3, v2;
	v3 =	vmul.f32 v11, v4  }
0x1b3: {  	v48 =	vld.idx.msk [tilespmem:v9+s13+$0x0], $0xffff;
	v46 =	vmov s2;
	v47 =	vbroadcast v44, $0x0;
	v10 =	vor.u32 v1, v41  }
0x1b4: {  	s28 =	sadd.s32 $0x4, s0;
	v4 =	vand.u32 $0x7B, v46;
	v49 =	vld.idx.msk [tilespmem:v39+s12+$0x0], $0xffff;
	v2 =	vadd.f32 v3, v2;
	v3 =	vmul.f32 v38, v7  }
0x1b5: {  	v50 =	vmov s28;
	v51 =	vor.u32 v1, v47;
	v4 =	vbroadcast v4, $0x0;
	v6 =	vld.idx.msk [tilespmem:v39+s13+$0x0], $0xffff  }
0x1b6: {  	s29 =	sadd.s32 $0x5, s0;
	v5 =	vand.u32 $0x7C, v50;
	v52 =	vld.idx.msk [tilespmem:v42+s12+$0x0], $0xffff;
	v2 =	vadd.f32 v3, v2;
	v3 =	vmul.f32 v43, v40  }
0x1b7: {  	v53 =	vmov s29;
	v5 =	vbroadcast v5, $0x0;
	v12 =	vld.idx.msk [tilespmem:v42+s13+$0x0], $0xffff;
	v4 =	vor.u32 v1, v4  }
0x1b8: {  	s30 =	sadd.s32 $0x6, s0;
	v8 =	vand.u32 $0x7D, v53;
	v54 =	vld.idx.msk [tilespmem:v10+s12+$0x0], $0xffff;
	v2 =	vadd.f32 v3, v2;
	v3 =	vmul.f32 v48, v45  }
0x1b9: {  	v55 =	vmov s30;
	v8 =	vbroadcast v8, $0x0;
	v5 =	vor.u32 v1, v5;
	v10 =	vld.idx.msk [tilespmem:v10+s13+$0x0], $0xffff  }
0x1ba: {  	s31 =	sadd.s32 $0x7, s0;
	v9 =	vand.u32 $0x7E, v55;
	v56 =	vld.idx.msk [tilespmem:v51+s12+$0x0], $0xffff;
	v2 =	vadd.f32 v3, v2;
	v3 =	vmul.f32 v6, v49  }
0x1bb: {  	v57 =	vmov s31;
	v9 =	vbroadcast v9, $0x0;
	v8 =	vor.u32 v1, v8;
	v7 =	vld.idx.msk [tilespmem:v51+s13+$0x0], $0xffff  }
0x1bc: {  	v11 =	vmul.f32 v12, v52;
	v6 =	vand.u32 $0x7F, v57;
	v58 =	vld.idx.msk [tilespmem:v4+s12+$0x0], $0xffff;
	v2 =	vadd.f32 v3, v2  }
0x1bd: {  	v59 =	vor.u32 v1, v9;
	v4 =	vld.idx.msk [tilespmem:v4+s13+$0x0], $0xffff;
	v3 =	vbroadcast v6, $0x0  }
0x1be: {  	v60 =	vld.idx.msk [tilespmem:v5+s12+$0x0], $0xffff;
	v10 =	vmul.f32 v10, v54;
	v2 =	vadd.f32 v11, v2  }
0x1bf: {  	v5 =	vld.idx.msk [tilespmem:v5+s13+$0x0], $0xffff;
	v1 =	vor.u32 v1, v3  }
0x1c0: {  	v7 =	vmul.f32 v7, v56;
	v3 =	vld.idx.msk [tilespmem:v8+s12+$0x0], $0xffff;
	v2 =	vadd.f32 v10, v2  }
0x1c1: {  	v8 =	vld.idx.msk [tilespmem:v8+s13+$0x0], $0xffff  }
0x1c2: {  	v61 =	vld.idx.msk [tilespmem:v59+s12+$0x0], $0xffff;
	v4 =	vmul.f32 v4, v58;
	v2 =	vadd.f32 v7, v2  }
0x1c3: {  	v6 =	vld.idx.msk [tilespmem:v59+s13+$0x0], $0xffff  }
0x1c4: {  	v63 =	vmul.f32 v5, v60;
	v62 =	vld.idx.msk [tilespmem:v1+s12+$0x0], $0xffff;
	v2 =	vadd.f32 v4, v2  }
0x1c5: {  	v1 =	vld.idx.msk [tilespmem:v1+s13+$0x0], $0xffff  }
0x1c6: {  	v3 =	vmul.f32 v8, v3;
	v2 =	vadd.f32 v63, v2;
	_ =	sdelay $0x1  }
0x1c7: {  	s21 =	sadd.s32 $0x1, s21;
	v2 =	vadd.f32 v3, v2;
	v3 =	vmul.f32 v6, v61  }
0x1c8: {  	p0 =	sne.s32 s21, $0x8  }
.Ltmp3:
0x1c9: {  	v1 =	vmul.f32 v1, v62;
	v2 =	vadd.f32 v3, v2;
	(pc) =	sbr.rel @p0 .LBB2_6-.Ltmp3, $3  }
0x1ca: {  	_ = 	snop  }
0x1cb: {  	v1 =	vadd.f32 v1, v2;
	_ =	sdelay $0x1  }
0x1cc: {  	[tilespmem:s22+$0x10400] =	vst v1  }
0x1cd: {  	s0 =	simm.s32 $0x100  }
0x1ce: {  	s21 =	simm.s32 $0x300;
	v1 =	vld [tilespmem:s0+$0x0]  }
0x1cf: {  	v3 =	vld [tilespmem:s21+$0x0];
	_ =	sdelay $0x3  }
0x1d0: {  	v2 =	vshll.u32 v1, $0x4  }
0x1d1: {  	v1 =	vshll.u32 v3, $0x4;
	(v2sf) =	vpush v2, $0x0  }
0x1d2: {  	(v2sf) =	vpush v1, $0x0  }
0x1d3: {  	(v2sf) =	vpush v2, $0x1;
	_ =	sdelay $0x2  }
0x1d4: {  	(v2sf) =	vpush v1, $0x1;
	_ =	sdelay $0x1  }
0x1d5: {  	(v2sf) =	vpush v2, $0x2;
	_ =	sdelay $0x1  }
0x1d6: {  	(v2sf) =	vpush v1, $0x2;
	_ =	sdelay $0x1  }
0x1d7: {  	s20 =	simm.s32 $0x0;
	(v2sf) =	vpush v2, $0x3  }
0x1d8: {  	s6 =	simm.s32 $0x8400;
	s5 =	simm.s32 $0x680;
	s2 =	simm.s32 $0x880  }
0x1d9: {  	s7 =	simm.s32 $0x400;
	s9 =	simm.s32 $0x600;
	s10 =	simm.s32 $0x580  }
0x1da: {  	s24 =	simm.s32 $0x480;
	s28 =	simm.s32 $0x8480;
	s19 =	simm.s32 $0x8500  }
0x1db: {  	s30 =	simm.s32 $0xA00;
	s29 =	simm.s32 $0xB00;
	s8 =	spop (v2sf);
	(v2sf) =	vpush v1, $0x3  }
0x1dc: {  	s21 =	simm.s32 $0x2000;
	s8 =	sand.u32 $0x1FFFFFF0, s8;
	s11 =	spop (v2sf)  }
0x1dd: {  	s0 =	simm.s32 $0x8900;
	(v2sf) =	vpush v2, $0x4;
	s8 =	sadd.s32 s3, s8;
	s23 =	spop (v2sf)  }
0x1de: {  	(v2sf) =	vpush v1, $0x4;
	[tilespmem:s7], [sflag:$0x1] =	stream.linear.gather [hbm4b:s8+s1], $0x80, $0x38;
	[tilespmem:$0x10600] =	vst v63  }
0x1df: {  	s22 =	sand.u32 $0x1FFFFFF0, s11;
	s7 =	simm.s32 $0x8580;
	s11 =	sand.u32 $0x1FFFFFF0, s23  }
0x1e0: {  	s8 =	sadd.s32 s4, s22;
	s14 =	spop (v2sf);
	(v2sf) =	vpush v2, $0x5;
	s25 =	sadd.s32 s3, s11  }
0x1e1: {  	[tilespmem:s6], [sflag:$0x3] =	stream.linear.gather [hbm4b:s8+s1], $0x80, $0x38;
	[tilespmem:$0x10600] =	vst v63  }
0x1e2: {  	s26 =	sand.u32 $0x1FFFFFF0, s14;
	s31 =	spop (v2sf);
	s14 =	simm.s32 $0x500  }
0x1e3: {  	(v2sf) =	vpush v1, $0x5;
	[tilespmem:s24], [sflag:$0x1] =	stream.linear.gather [hbm4b:s25+s1], $0x80, $0x38;
	[tilespmem:$0x10600] =	vst v63  }
0x1e4: {  	s11 =	sadd.s32 s4, s26;
	s8 =	sand.u32 $0x1FFFFFF0, s31;
	s15 =	spop (v2sf)  }
0x1e5: {  	(v2sf) =	vpush v2, $0x6;
	[tilespmem:s28], [sflag:$0x3] =	stream.linear.gather [hbm4b:s11+s1], $0x80, $0x38;
	[tilespmem:$0x10600] =	vst v63  }
0x1e6: {  	s8 =	sadd.s32 s3, s8;
	s18 =	spop (v2sf);
	(v2sf) =	vpush v1, $0x6;
	s11 =	sand.u32 $0x1FFFFFF0, s15  }
0x1e7: {  	[tilespmem:s14], [sflag:$0x1] =	stream.linear.gather [hbm4b:s8+s1], $0x80, $0x38;
	[tilespmem:$0x10600] =	vst v63  }
0x1e8: {  	s26 =	simm.s32 $0x8600;
	s23 =	sand.u32 $0x1FFFFFF0, s18;
	s22 =	sadd.s32 s4, s11  }
0x1e9: {  	[tilespmem:s19], [sflag:$0x3] =	stream.linear.gather [hbm4b:s22+s1], $0x80, $0x38;
	[tilespmem:$0x10600] =	vst v63  }
0x1ea: {  	s18 =	simm.s32 $0xA80;
	s25 =	sadd.s32 s3, s23;
	s24 =	spop (v2sf)  }
0x1eb: {  	[tilespmem:s10], [sflag:$0x1] =	stream.linear.gather [hbm4b:s25+s1], $0x80, $0x38;
	[tilespmem:$0x10600] =	vst v63  }
0x1ec: {  	s23 =	simm.s32 $0x700;
	(v2sf) =	vpush v2, $0x7;
	s6 =	sand.u32 $0x1FFFFFF0, s24;
	s28 =	spop (v2sf)  }
0x1ed: {  	s15 =	simm.s32 $0x8A00;
	s6 =	sadd.s32 s4, s6;
	s31 =	spop (v2sf)  }
0x1ee: {  	(v2sf) =	vpush v1, $0x7;
	[tilespmem:s7], [sflag:$0x3] =	stream.linear.gather [hbm4b:s6+s1], $0x80, $0x38;
	[tilespmem:$0x10600] =	vst v63  }
0x1ef: {  	s19 =	simm.s32 $0x8680;
	s10 =	sand.u32 $0x1FFFFFF0, s28;
	(v2sf) =	vpush v2, $0x8;
	s22 =	spop (v2sf)  }
0x1f0: {  	s10 =	sadd.s32 s3, s10;
	s14 =	sand.u32 $0x1FFFFFF0, s31;
	s24 =	sand.u32 $0x1FFFFFF0, s22  }
0x1f1: {  	(v2sf) =	vpush v1, $0x8;
	[tilespmem:s9], [sflag:$0x1] =	stream.linear.gather [hbm4b:s10+s1], $0x80, $0x38;
	[tilespmem:$0x10600] =	vst v63  }
0x1f2: {  	s7 =	sadd.s32 s4, s14;
	(v2sf) =	vpush v2, $0x9;
	s25 =	spop (v2sf);
	s8 =	sadd.s32 s3, s24  }
0x1f3: {  	[tilespmem:s26], [sflag:$0x3] =	stream.linear.gather [hbm4b:s7+s1], $0x80, $0x38;
	[tilespmem:$0x10600] =	vst v63  }
0x1f4: {  	s9 =	sand.u32 $0x1FFFFFF0, s25;
	(v2sf) =	vpush v1, $0x9;
	s10 =	simm.s32 $0x8A80;
	s26 =	spop (v2sf)  }
0x1f5: {  	s24 =	simm.s32 $0x780;
	s28 =	sadd.s32 s4, s9;
	s11 =	spop (v2sf)  }
0x1f6: {  	(v2sf) =	vpush v2, $0xA;
	[tilespmem:s5], [sflag:$0x1] =	stream.linear.gather [hbm4b:s8+s1], $0x80, $0x38;
	[tilespmem:$0x10600] =	vst v63  }
0x1f7: {  	s9 =	simm.s32 $0x800;
	s31 =	sand.u32 $0x1FFFFFF0, s26;
	s6 =	sand.u32 $0x1FFFFFF0, s11  }
0x1f8: {  	(v2sf) =	vpush v1, $0xA;
	[tilespmem:s19], [sflag:$0x3] =	stream.linear.gather [hbm4b:s28+s1], $0x80, $0x38;
	[tilespmem:$0x10600] =	vst v63  }
0x1f9: {  	s5 =	simm.s32 $0x8980;
	s14 =	sadd.s32 s3, s31;
	s6 =	sadd.s32 s4, s6  }
0x1fa: {  	[tilespmem:s23], [sflag:$0x1] =	stream.linear.gather [hbm4b:s14+s1], $0x80, $0x38;
	[tilespmem:$0x10600] =	vst v63  }
0x1fb: {  	s19 =	simm.s32 $0x8700;
	s28 =	simm.s32 $0x8780;
	s22 =	spop (v2sf)  }
0x1fc: {  	(v2sf) =	vpush v2, $0xB;
	[tilespmem:s19], [sflag:$0x3] =	stream.linear.gather [hbm4b:s6+s1], $0x80, $0x38;
	[tilespmem:$0x10600] =	vst v63  }
0x1fd: {  	s19 =	simm.s32 $0x8800;
	s8 =	sand.u32 $0x1FFFFFF0, s22;
	s23 =	spop (v2sf)  }
0x1fe: {  	(v2sf) =	vpush v1, $0xB;
	s25 =	sadd.s32 s3, s8;
	s26 =	sand.u32 $0x1FFFFFF0, s23;
	s31 =	spop (v2sf)  }
0x1ff: {  	[tilespmem:s24], [sflag:$0x1] =	stream.linear.gather [hbm4b:s25+s1], $0x80, $0x38;
	[tilespmem:$0x10600] =	vst v63  }
0x200: {  	s8 =	sadd.s32 s4, s26;
	s7 =	sand.u32 $0x1FFFFFF0, s31;
	s11 =	spop (v2sf)  }
0x201: {  	(v2sf) =	vpush v2, $0xC;
	s24 =	simm.s32 $0x8880;
	s26 =	simm.s32 $0x900;
	s14 =	spop (v2sf)  }
0x202: {  	[tilespmem:s28], [sflag:$0x3] =	stream.linear.gather [hbm4b:s8+s1], $0x80, $0x38;
	[tilespmem:$0x10600] =	vst v63  }
0x203: {  	s7 =	sadd.s32 s3, s7;
	(v2sf) =	vpush v1, $0xC;
	s8 =	sand.u32 $0x1FFFFFF0, s11;
	s25 =	spop (v2sf)  }
0x204: {  	[tilespmem:s9], [sflag:$0x1] =	stream.linear.gather [hbm4b:s7+s1], $0x80, $0x38;
	[tilespmem:$0x10600] =	vst v63  }
0x205: {  	s23 =	sand.u32 $0x1FFFFFF0, s14;
	s22 =	sadd.s32 s4, s8;
	s28 =	spop (v2sf)  }
0x206: {  	[tilespmem:s19], [sflag:$0x3] =	stream.linear.gather [hbm4b:s22+s1], $0x80, $0x38;
	[tilespmem:$0x10600] =	vst v63  }
0x207: {  	s8 =	sadd.s32 s3, s23;
	s7 =	sand.u32 $0x1FFFFFF0, s25;
	s31 =	spop (v2sf)  }
0x208: {  	[tilespmem:s2], [sflag:$0x1] =	stream.linear.gather [hbm4b:s8+s1], $0x80, $0x38;
	[tilespmem:$0x10600] =	vst v63  }
0x209: {  	s7 =	sadd.s32 s4, s7;
	s11 =	sand.u32 $0x1FFFFFF0, s31;
	s8 =	sand.u32 $0x1FFFFFF0, s28  }
0x20a: {  	[tilespmem:s24], [sflag:$0x3] =	stream.linear.gather [hbm4b:s7+s1], $0x80, $0x38;
	[tilespmem:$0x10600] =	vst v63  }
0x20b: {  	s19 =	sadd.s32 s4, s11;
	s8 =	sadd.s32 s3, s8;
	s14 =	spop (v2sf)  }
0x20c: {  	[tilespmem:s26], [sflag:$0x1] =	stream.linear.gather [hbm4b:s8+s1], $0x80, $0x38;
	[tilespmem:$0x10600] =	vst v63  }
0x20d: {  	s24 =	simm.s32 $0x980;
	s22 =	sand.u32 $0x1FFFFFF0, s14;
	s23 =	spop (v2sf)  }
0x20e: {  	(v2sf) =	vpush v2, $0xD;
	[tilespmem:s0], [sflag:$0x3] =	stream.linear.gather [hbm4b:s19+s1], $0x80, $0x38;
	[tilespmem:$0x10600] =	vst v63  }
0x20f: {  	(v2sf) =	vpush v1, $0xD;
	s25 =	sadd.s32 s3, s22;
	s26 =	sand.u32 $0x1FFFFFF0, s23;
	s19 =	simm.s32 $0x8B00  }
0x210: {  	(v2sf) =	vpush v2, $0xE;
	s28 =	sadd.s32 s4, s26;
	s26 =	simm.s32 $0x110;
	s31 =	spop (v2sf)  }
0x211: {  	(v2sf) =	vpush v1, $0xE;
	[tilespmem:s24], [sflag:$0x1] =	stream.linear.gather [hbm4b:s25+s1], $0x80, $0x38;
	[tilespmem:$0x10600] =	vst v63  }
0x212: {  	s25 =	simm.s32 $0x310;
	(v2sf) =	vpush v2, $0xF;
	s0 =	sand.u32 $0x1FFFFFF0, s31;
	s2 =	spop (v2sf)  }
0x213: {  	(v2sf) =	vpush v1, $0xF;
	[tilespmem:s5], [sflag:$0x3] =	stream.linear.gather [hbm4b:s28+s1], $0x80, $0x38;
	[tilespmem:$0x10600] =	vst v63  }
.LBB2_10:
0x214: {  	_ =	sdelay $0x4  }
0x215: {  	s0 =	sadd.s32 s3, s0;
	s2 =	sand.u32 $0x1FFFFFF0, s2  }
0x216: {  	[tilespmem:s30], [sflag:$0x1] =	stream.linear.gather [hbm4b:s0+s1], $0x80, $0x38;
	[tilespmem:$0x10600] =	vst v63  }
0x217: {  	s24 =	sadd.s32 s4, s2  }
0x218: {  	[tilespmem:s15], [sflag:$0x3] =	stream.linear.gather [hbm4b:s24+s1], $0x80, $0x38;
	[tilespmem:$0x10600] =	vst v63  }
0x219: {  	s5 =	spop (v2sf)  }
0x21a: {  	s28 =	sand.u32 $0x1FFFFFF0, s5;
	s31 =	spop (v2sf)  }
0x21b: {  	s2 =	sadd.s32 s3, s28;
	s5 =	sand.u32 $0x1FFFFFF0, s31;
	s6 =	spop (v2sf)  }
0x21c: {  	[tilespmem:s18], [sflag:$0x1] =	stream.linear.gather [hbm4b:s2+s1], $0x80, $0x38;
	[tilespmem:$0x10600] =	vst v63  }
0x21d: {  	s7 =	sadd.s32 s4, s5;
	s8 =	sand.u32 $0x1FFFFFF0, s6;
	s9 =	spop (v2sf)  }
0x21e: {  	[tilespmem:s10], [sflag:$0x3] =	stream.linear.gather [hbm4b:s7+s1], $0x80, $0x38;
	[tilespmem:$0x10600] =	vst v63  }
0x21f: {  	s11 =	sadd.s32 s3, s8;
	s14 =	sand.u32 $0x1FFFFFF0, s9;
	s15 =	spop (v2sf)  }
0x220: {  	[tilespmem:s29], [sflag:$0x1] =	stream.linear.gather [hbm4b:s11+s1], $0x80, $0x38;
	[tilespmem:$0x10600] =	vst v63  }
0x221: {  	s18 =	sadd.s32 s4, s14;
	s22 =	sand.u32 $0x1FFFFFF0, s15;
	s23 =	spop (v2sf)  }
0x222: {  	[tilespmem:s19], [sflag:$0x3] =	stream.linear.gather [hbm4b:s18+s1], $0x80, $0x38;
	[tilespmem:$0x10600] =	vst v63  }
0x223: {  	s24 =	sadd.s32 $0xB80, s20;
	s2 =	sadd.s32 s3, s22;
	s5 =	sand.u32 $0x1FFFFFF0, s23  }
0x224: {  	[tilespmem:s24], [sflag:$0x1] =	stream.linear.gather [hbm4b:s2+s1], $0x80, $0x38;
	[tilespmem:$0x10600] =	vst v63  }
0x225: {  	s28 =	sadd.s32 $0x8B80, s20;
	s31 =	sadd.s32 s4, s5  }
0x226: {  	[tilespmem:s28], [sflag:$0x3] =	stream.linear.gather [hbm4b:s31+s1], $0x80, $0x38;
	[tilespmem:$0x10600] =	vst v63  }
0x227: {  	v1 =	vld [tilespmem:s26+$0x0]  }
0x228: {  	v3 =	vld [tilespmem:s25+$0x0];
	_ =	sdelay $0x3  }
0x229: {  	v2 =	vshll.u32 v1, $0x4  }
0x22a: {  	s2 =	smov.u32 s21;
	v1 =	vshll.u32 v3, $0x4;
	(v2sf) =	vpush v2, $0x0  }
0x22b: {  	p0 =	sne.s32 s21, $0xE000;
	s21 =	sadd.s32 $0x2000, s21;
	s20 =	sshra.s32 s2, $0x2;
	(v2sf) =	vpush v1, $0x0  }
0x22c: {  	s7 =	sadd.s32 $0x8400, s20;
	s0 =	sadd.s32 $0x680, s20;
	s5 =	sadd.s32 $0x880, s20;
	(v2sf) =	vpush v2, $0x1  }
0x22d: {  	s24 =	sadd.s32 $0x400, s20;
	s8 =	sadd.s32 $0x600, s20;
	s6 =	sadd.s32 $0x8900, s20  }
0x22e: {  	s14 =	sadd.s32 $0x580, s20;
	s2 =	sadd.s32 $0x8580, s20;
	s9 =	sadd.s32 $0x8A00, s20;
	(v2sf) =	vpush v1, $0x1  }
0x22f: {  	s22 =	sadd.s32 $0x8600, s20;
	s18 =	sadd.s32 $0xA80, s20;
	[smem:$0x7E5] =	sst s0;
	(v2sf) =	vpush v2, $0x2  }
0x230: {  	s23 =	sadd.s32 $0x8480, s20;
	s31 =	sadd.s32 $0x8680, s20;
	[dreg:$0xf] =	wrdreg s5  }
0x231: {  	s15 =	sadd.s32 $0x700, s20;
	s10 =	sadd.s32 $0x8980, s20;
	[dreg:$0x7] =	wrdreg s6;
	(v2sf) =	vpush v1, $0x2  }
0x232: {  	s11 =	sadd.s32 $0x8700, s20;
	s19 =	sadd.s32 $0x8880, s20;
	[dreg:$0x1e] =	wrdreg s9  }
0x233: {  	s28 =	sadd.s32 $0x900, s20;
	s30 =	sadd.s32 $0xA00, s20;
	[dreg:$0xb] =	wrdreg s10;
	(v2sf) =	vpush v2, $0x3  }
0x234: {  	s29 =	sadd.s32 $0xB00, s20;
	s6 =	sadd.s32 $0x500, s20;
	[smem:$0x7E6] =	sst s11  }
0x235: {  	s5 =	sadd.s32 $0x8500, s20;
	s9 =	sadd.s32 $0x8A80, s20;
	[dreg:$0x17] =	wrdreg s19  }
0x236: {  	[dreg:$0x13] =	wrdreg s28;
	s10 =	sadd.s32 $0x780, s20;
	s11 =	sadd.s32 $0x8800, s20  }
0x237: {  	s0 =	sadd.s32 $0x480, s20;
	s19 =	sadd.s32 $0x8780, s20;
	[smem:$0x7E7] =	sst s10;
	(v2sf) =	vpush v1, $0x3  }
0x238: {  	s28 =	sadd.s32 $0x800, s20;
	s25 =	sadd.s32 $0x10, s25;
	[smem:$0x7EA] =	sst s11  }
0x239: {  	[smem:$0x7E9] =	sst s28;
	s11 =	sadd.s32 $0x980, s20;
	(v2sf) =	vpush v2, $0x4;
	s28 =	spop (v2sf)  }
0x23a: {  	[dreg:$0x1b] =	wrdreg s11;
	s28 =	sand.u32 $0x1FFFFFF0, s28;
	s11 =	spop (v2sf)  }
0x23b: {  	(v2sf) =	vpush v1, $0x4;
	s28 =	sadd.s32 s3, s28;
	s10 =	sand.u32 $0x1FFFFFF0, s11;
	s11 =	spop (v2sf)  }
0x23c: {  	[tilespmem:s24], [sflag:$0x1] =	stream.linear.gather [hbm4b:s28+s1], $0x80, $0x38;
	[tilespmem:$0x10600] =	vst v63  }
0x23d: {  	(v2sf) =	vpush v2, $0x5;
	s10 =	sadd.s32 s4, s10;
	s11 =	sand.u32 $0x1FFFFFF0, s11;
	s28 =	spop (v2sf)  }
0x23e: {  	(v2sf) =	vpush v1, $0x5;
	s11 =	sadd.s32 s3, s11;
	s24 =	sand.u32 $0x1FFFFFF0, s28;
	s28 =	spop (v2sf)  }
0x23f: {  	[tilespmem:s7], [sflag:$0x3] =	stream.linear.gather [hbm4b:s10+s1], $0x80, $0x38;
	[tilespmem:$0x10600] =	vst v63  }
0x240: {  	(v2sf) =	vpush v2, $0x6;
	s10 =	sadd.s32 s4, s24;
	s24 =	sand.u32 $0x1FFFFFF0, s28;
	s28 =	spop (v2sf)  }
0x241: {  	(v2sf) =	vpush v1, $0x6;
	[tilespmem:s0], [sflag:$0x1] =	stream.linear.gather [hbm4b:s11+s1], $0x80, $0x38;
	[tilespmem:$0x10600] =	vst v63  }
0x242: {  	s26 =	sadd.s32 $0x10, s26;
	[smem:$0x7E8] =	sst s19;
	s11 =	spop (v2sf)  }
0x243: {  	[tilespmem:s23], [sflag:$0x3] =	stream.linear.gather [hbm4b:s10+s1], $0x80, $0x38;
	[tilespmem:$0x10600] =	vst v63  }
0x244: {  	s7 =	sadd.s32 s3, s24;
	s24 =	sand.u32 $0x1FFFFFF0, s11;
	s10 =	sand.u32 $0x1FFFFFF0, s28  }
0x245: {  	(v2sf) =	vpush v2, $0x7;
	[tilespmem:s6], [sflag:$0x1] =	stream.linear.gather [hbm4b:s7+s1], $0x80, $0x38;
	[tilespmem:$0x10600] =	vst v63  }
0x246: {  	s28 =	spop (v2sf);
	s23 =	sadd.s32 s4, s10;
	s10 =	smov.u32 s9  }
0x247: {  	[tilespmem:s5], [sflag:$0x3] =	stream.linear.gather [hbm4b:s23+s1], $0x80, $0x38;
	[tilespmem:$0x10600] =	vst v63  }
0x248: {  	s9 =	sand.u32 $0x1FFFFFF0, s28;
	s11 =	spop (v2sf);
	s6 =	sadd.s32 s3, s24  }
0x249: {  	(v2sf) =	vpush v1, $0x7;
	[tilespmem:s14], [sflag:$0x1] =	stream.linear.gather [hbm4b:s6+s1], $0x80, $0x38;
	[tilespmem:$0x10600] =	vst v63  }
0x24a: {  	s24 =	sand.u32 $0x1FFFFFF0, s11;
	s23 =	sadd.s32 s4, s9;
	s28 =	spop (v2sf)  }
0x24b: {  	(v2sf) =	vpush v2, $0x8;
	[tilespmem:s2], [sflag:$0x3] =	stream.linear.gather [hbm4b:s23+s1], $0x80, $0x38;
	[tilespmem:$0x10600] =	vst v63  }
0x24c: {  	s19 =	sadd.s32 $0x8B00, s20;
	s5 =	sadd.s32 s3, s24;
	s7 =	spop (v2sf)  }
0x24d: {  	(v2sf) =	vpush v1, $0x8;
	s6 =	sand.u32 $0x1FFFFFF0, s28;
	s28 =	sld [smem:$0x7E5];
	s14 =	spop (v2sf)  }
0x24e: {  	[tilespmem:s8], [sflag:$0x1] =	stream.linear.gather [hbm4b:s5+s1], $0x80, $0x38;
	[tilespmem:$0x10600] =	vst v63  }
0x24f: {  	s9 =	sadd.s32 s4, s6;
	s23 =	sand.u32 $0x1FFFFFF0, s14;
	s24 =	spop (v2sf)  }
0x250: {  	(v2sf) =	vpush v2, $0x9;
	s11 =	sand.u32 $0x1FFFFFF0, s7;
	s2 =	sadd.s32 s4, s23;
	s6 =	spop (v2sf)  }
0x251: {  	(v2sf) =	vpush v1, $0x9;
	[tilespmem:s22], [sflag:$0x3] =	stream.linear.gather [hbm4b:s9+s1], $0x80, $0x38;
	[tilespmem:$0x10600] =	vst v63  }
0x252: {  	s5 =	sand.u32 $0x1FFFFFF0, s24;
	s22 =	sadd.s32 s3, s11;
	s8 =	sand.u32 $0x1FFFFFF0, s6  }
0x253: {  	(v2sf) =	vpush v2, $0xA;
	[tilespmem:s28], [sflag:$0x1] =	stream.linear.gather [hbm4b:s22+s1], $0x80, $0x38;
	[tilespmem:$0x10600] =	vst v63  }
0x254: {  	s9 =	spop (v2sf);
	s11 =	sadd.s32 s4, s8;
	s8 =	sld [smem:$0x7E8]  }
0x255: {  	(v2sf) =	vpush v1, $0xA;
	[tilespmem:s31], [sflag:$0x3] =	stream.linear.gather [hbm4b:s2+s1], $0x80, $0x38;
	[tilespmem:$0x10600] =	vst v63  }
0x256: {  	s7 =	sadd.s32 s3, s5;
	s14 =	sand.u32 $0x1FFFFFF0, s9;
	s22 =	sld [smem:$0x7E6]  }
0x257: {  	[tilespmem:s15], [sflag:$0x1] =	stream.linear.gather [hbm4b:s7+s1], $0x80, $0x38;
	[tilespmem:$0x10600] =	vst v63  }
0x258: {  	s23 =	sadd.s32 s3, s14;
	s31 =	sld [smem:$0x7E7];
	s15 =	spop (v2sf)  }
0x259: {  	(v2sf) =	vpush v2, $0xB;
	[tilespmem:s22], [sflag:$0x3] =	stream.linear.gather [hbm4b:s11+s1], $0x80, $0x38;
	[tilespmem:$0x10600] =	vst v63  }
0x25a: {  	s24 =	sand.u32 $0x1FFFFFF0, s15;
	s28 =	spop (v2sf);
	s15 =	rddreg [dreg:$0x1e]  }
0x25b: {  	[tilespmem:s31], [sflag:$0x1] =	stream.linear.gather [hbm4b:s23+s1], $0x80, $0x38;
	[tilespmem:$0x10600] =	vst v63  }
0x25c: {  	s2 =	sadd.s32 s4, s24;
	s5 =	sand.u32 $0x1FFFFFF0, s28;
	s7 =	spop (v2sf)  }
0x25d: {  	(v2sf) =	vpush v1, $0xB;
	s22 =	sld [smem:$0x7E9];
	s9 =	sadd.s32 s3, s5;
	s11 =	sand.u32 $0x1FFFFFF0, s7  }
0x25e: {  	(v2sf) =	vpush v2, $0xC;
	[tilespmem:s8], [sflag:$0x3] =	stream.linear.gather [hbm4b:s2+s1], $0x80, $0x38;
	[tilespmem:$0x10600] =	vst v63  }
0x25f: {  	s31 =	sld [smem:$0x7EA];
	s14 =	spop (v2sf);
	s23 =	sadd.s32 s4, s11  }
0x260: {  	(v2sf) =	vpush v1, $0xC;
	s24 =	sand.u32 $0x1FFFFFF0, s14;
	s28 =	spop (v2sf);
	s8 =	rddreg [dreg:$0xf]  }
0x261: {  	[tilespmem:s22], [sflag:$0x1] =	stream.linear.gather [hbm4b:s9+s1], $0x80, $0x38;
	[tilespmem:$0x10600] =	vst v63  }
0x262: {  	s2 =	sadd.s32 s3, s24;
	s5 =	sand.u32 $0x1FFFFFF0, s28;
	s7 =	spop (v2sf)  }
0x263: {  	[tilespmem:s31], [sflag:$0x3] =	stream.linear.gather [hbm4b:s23+s1], $0x80, $0x38;
	[tilespmem:$0x10600] =	vst v63  }
0x264: {  	s9 =	sadd.s32 s4, s5;
	s14 =	spop (v2sf);
	s22 =	rddreg [dreg:$0x17]  }
0x265: {  	[tilespmem:s8], [sflag:$0x1] =	stream.linear.gather [hbm4b:s2+s1], $0x80, $0x38;
	[tilespmem:$0x10600] =	vst v63  }
0x266: {  	s11 =	sand.u32 $0x1FFFFFF0, s7;
	s24 =	sand.u32 $0x1FFFFFF0, s14;
	s31 =	rddreg [dreg:$0x13]  }
0x267: {  	[tilespmem:s22], [sflag:$0x3] =	stream.linear.gather [hbm4b:s9+s1], $0x80, $0x38;
	[tilespmem:$0x10600] =	vst v63  }
0x268: {  	s23 =	sadd.s32 s3, s11;
	s28 =	spop (v2sf);
	s11 =	rddreg [dreg:$0x7]  }
0x269: {  	[tilespmem:s31], [sflag:$0x1] =	stream.linear.gather [hbm4b:s23+s1], $0x80, $0x38;
	[tilespmem:$0x10600] =	vst v63  }
0x26a: {  	s7 =	sadd.s32 s4, s24;
	s24 =	rddreg [dreg:$0x1b];
	s8 =	sand.u32 $0x1FFFFFF0, s28  }
0x26b: {  	(v2sf) =	vpush v2, $0xD;
	[tilespmem:s11], [sflag:$0x3] =	stream.linear.gather [hbm4b:s7+s1], $0x80, $0x38;
	[tilespmem:$0x10600] =	vst v63  }
.Ltmp4:
0x26c: {  	(v2sf) =	vpush v1, $0xD;
	s14 =	sadd.s32 s3, s8;
	s9 =	spop (v2sf);
	(pc) =	sbr.rel @p0 .LBB2_10-.Ltmp4, $4  }
0x26d: {  	(v2sf) =	vpush v2, $0xE;
	s22 =	sand.u32 $0x1FFFFFF0, s9;
	s23 =	spop (v2sf);
	s31 =	rddreg [dreg:$0xb]  }
0x26e: {  	(v2sf) =	vpush v1, $0xE;
	[tilespmem:s24], [sflag:$0x1] =	stream.linear.gather [hbm4b:s14+s1], $0x80, $0x38;
	[tilespmem:$0x10600] =	vst v63  }
0x26f: {  	(v2sf) =	vpush v2, $0xF;
	s28 =	sadd.s32 s4, s22;
	s0 =	sand.u32 $0x1FFFFFF0, s23;
	s2 =	spop (v2sf)  }
0x270: {  	(v2sf) =	vpush v1, $0xF;
	[tilespmem:s31], [sflag:$0x3] =	stream.linear.gather [hbm4b:s28+s1], $0x80, $0x38;
	[tilespmem:$0x10600] =	vst v63  }
0x271: {  	_ =	sdelay $0x4  }
0x272: {  	s0 =	sadd.s32 s3, s0;
	s2 =	sand.u32 $0x1FFFFFF0, s2  }
0x273: {  	[tilespmem:s30], [sflag:$0x1] =	stream.linear.gather [hbm4b:s0+s1], $0x80, $0x38;
	[tilespmem:$0x10600] =	vst v63  }
0x274: {  	s2 =	sadd.s32 s4, s2  }
0x275: {  	[tilespmem:s15], [sflag:$0x3] =	stream.linear.gather [hbm4b:s2+s1], $0x80, $0x38;
	[tilespmem:$0x10600] =	vst v63  }
0x276: {  	s5 =	spop (v2sf)  }
0x277: {  	s5 =	sand.u32 $0x1FFFFFF0, s5;
	s6 =	spop (v2sf)  }
0x278: {  	s7 =	sadd.s32 s3, s5;
	s8 =	sand.u32 $0x1FFFFFF0, s6;
	s9 =	spop (v2sf)  }
0x279: {  	[tilespmem:s18], [sflag:$0x1] =	stream.linear.gather [hbm4b:s7+s1], $0x80, $0x38;
	[tilespmem:$0x10600] =	vst v63  }
0x27a: {  	s11 =	sadd.s32 s4, s8;
	s14 =	sand.u32 $0x1FFFFFF0, s9;
	s15 =	spop (v2sf)  }
0x27b: {  	[tilespmem:s10], [sflag:$0x3] =	stream.linear.gather [hbm4b:s11+s1], $0x80, $0x38;
	[tilespmem:$0x10600] =	vst v63  }
0x27c: {  	s18 =	sadd.s32 s3, s14;
	s21 =	sand.u32 $0x1FFFFFF0, s15;
	s22 =	spop (v2sf)  }
0x27d: {  	[tilespmem:s29], [sflag:$0x1] =	stream.linear.gather [hbm4b:s18+s1], $0x80, $0x38;
	[tilespmem:$0x10600] =	vst v63  }
0x27e: {  	s23 =	sadd.s32 s4, s21;
	s24 =	sand.u32 $0x1FFFFFF0, s22;
	s25 =	spop (v2sf)  }
0x27f: {  	[tilespmem:s19], [sflag:$0x3] =	stream.linear.gather [hbm4b:s23+s1], $0x80, $0x38;
	[tilespmem:$0x10600] =	vst v63  }
0x280: {  	s26 =	sadd.s32 $0xB80, s20;
	s2 =	sadd.s32 s3, s24;
	s5 =	sand.u32 $0x1FFFFFF0, s25  }
0x281: {  	[tilespmem:s26], [sflag:$0x1] =	stream.linear.gather [hbm4b:s2+s1], $0x80, $0x38;
	[tilespmem:$0x10600] =	vst v63  }
0x282: {  	s28 =	sadd.s32 $0x8B80, s20;
	s30 =	simm.s32 $0x2;
	s29 =	sadd.s32 s4, s5  }
0x283: {  	[tilespmem:s28], [sflag:$0x3] =	stream.linear.gather [hbm4b:s29+s1], $0x80, $0x38;
	[tilespmem:$0x10600] =	vst v63  }
0x284: {  	_ =	swait.ge [sflag:s30], $0x4000  }
0x285: {  	[sflag:s30] =	ssyncset.done $0x0  }
0x286: {  	s31 =	simm.s32 $0x4;
	[sflag:s30] =	ssyncadd.s32 $0xFFFFC000  }
0x287: {  	_ =	swait.ge [sflag:s31], $0x4000  }
0x288: {  	[sflag:s31] =	ssyncset.done $0x0  }
0x289: {  	s20 =	simm.s32 $0x0;
	s21 =	simm.s32 $0x0;
	[sflag:s31] =	ssyncadd.s32 $0xFFFFC000  }
.LBB2_12:
0x28a: {  	s22 =	sshll.u32 s21, $0x4;
	v1 =	vmov s20  }
0x28b: {  	s0 =	simm.s32 $0x1;
	v2 =	vmov s22;
	v1 =	vand.u32 $0x78, v1  }
0x28c: {  	v3 =	vmov s0;
	v2 =	vshll.u32 v2, $0x7;
	v4 =	vbroadcast v1, $0x0  }
0x28d: {  	s24 =	simm.s32 $0x2;
	v1 =	vor.u32 v0, v2;
	v2 =	vand.u32 $0x79, v3  }
0x28e: {  	v3 =	vmov s24;
	v2 =	vbroadcast v2, $0x0;
	v4 =	vor.u32 v1, v4  }
0x28f: {  	s25 =	simm.s32 $0x3;
	v3 =	vand.u32 $0x7A, v3  }
0x290: {  	v5 =	vmov s25;
	v3 =	vbroadcast v3, $0x0;
	v6 =	vor.u32 v1, v2  }
0x291: {  	s26 =	simm.s32 $0x4;
	v2 =	vand.u32 $0x7B, v5  }
0x292: {  	v5 =	vmov s26;
	v2 =	vbroadcast v2, $0x0;
	v7 =	vor.u32 v1, v3  }
0x293: {  	s28 =	simm.s32 $0x5;
	v3 =	vand.u32 $0x7C, v5;
	v9 =	vld.idx.msk [tilespmem:v4+s16+$0x0], $0xffff  }
0x294: {  	v3 =	vbroadcast v3, $0x0;
	v11 =	vld.idx.msk [tilespmem:v4+s17+$0x0], $0xffff;
	v14 =	vor.u32 v1, v2;
	v4 =	vmov s28  }
0x295: {  	s29 =	simm.s32 $0x6;
	v4 =	vand.u32 $0x7D, v4;
	v2 =	vld.idx.msk [tilespmem:v6+s16+$0x0], $0xffff  }
0x296: {  	s2 =	simm.s32 $0x7;
	v8 =	vmov s29;
	s0 =	simm.s32 $0x8;
	v5 =	vld.idx.msk [tilespmem:v6+s17+$0x0], $0xffff;
	v6 =	vor.u32 v1, v3;
	v4 =	vbroadcast v4, $0x0  }
0x297: {  	v10 =	vmov s2;
	v8 =	vand.u32 $0x7E, v8;
	v13 =	vmov s0;
	v3 =	vld.idx.msk [tilespmem:v7+s16+$0x0], $0xffff  }
0x298: {  	s30 =	simm.s32 $0x9;
	v16 =	vand.u32 $0x7F, v10;
	v15 =	vbroadcast v8, $0x0;
	v10 =	vld.idx.msk [tilespmem:v7+s17+$0x0], $0xffff;
	v8 =	vor.u32 v1, v4  }
0x299: {  	v12 =	vimm.f32 $0.0e+00;
	v18 =	vmov s30;
	v7 =	vand.u32 $0x78, v13;
	v4 =	vld.idx.msk [tilespmem:v14+s16+$0x0], $0xffff  }
0x29a: {  	s31 =	simm.s32 $0xA;
	v13 =	vbroadcast v16, $0x0;
	v17 =	vmul.f32 v11, v9;
	v11 =	vld.idx.msk [tilespmem:v14+s17+$0x0], $0xffff;
	v9 =	vor.u32 v1, v15  }
0x29b: {  	s2 =	simm.s32 $0x10;
	v16 =	vand.u32 $0x79, v18;
	v14 =	vbroadcast v7, $0x0;
	v15 =	vmov s31;
	v7 =	vld.idx.msk [tilespmem:v6+s16+$0x0], $0xffff  }
.LBB2_13:
0x29c: {  	p0 =	slt.u32 s2, $0x38;
	s5 =	sadd.s32 $0x3, s0;
	v12 =	vadd.f32 v17, v12;
	v2 =	vmul.f32 v5, v2;
	v5 =	vld.idx.msk [tilespmem:v6+s17+$0x0], $0xffff;
	v6 =	vor.u32 v1, v13  }
0x29d: {  	v13 =	vbroadcast v16, $0x0;
	v15 =	vand.u32 $0x7A, v15;
	v16 =	vmov s5;
	v17 =	vld.idx.msk [tilespmem:v8+s16+$0x0], $0xffff  }
0x29e: {  	v14 =	vor.u32 v1, v14;
	s5 =	sadd.s32 $0x4, s0;
	v3 =	vmul.f32 v10, v3;
	v2 =	vadd.f32 v2, v12;
	v8 =	vld.idx.msk [tilespmem:v8+s17+$0x0], $0xffff  }
0x29f: {  	v10 =	vbroadcast v15, $0x0;
	v12 =	vand.u32 $0x7B, v16;
	v15 =	vmov s5;
	v16 =	vld.idx.msk [tilespmem:v9+s16+$0x0], $0xffff  }
0x2a0: {  	v13 =	vor.u32 v1, v13;
	s5 =	sadd.s32 $0x5, s0;
	v2 =	vadd.f32 v3, v2;
	v3 =	vmul.f32 v11, v4;
	v4 =	vld.idx.msk [tilespmem:v9+s17+$0x0], $0xffff  }
0x2a1: {  	v9 =	vbroadcast v12, $0x0;
	v11 =	vand.u32 $0x7C, v15;
	v12 =	vmov s5;
	v15 =	vld.idx.msk [tilespmem:v6+s16+$0x0], $0xffff  }
0x2a2: {  	v10 =	vor.u32 v1, v10;
	s5 =	sadd.s32 $0x6, s0;
	v2 =	vadd.f32 v3, v2;
	v3 =	vmul.f32 v5, v7;
	v7 =	vld.idx.msk [tilespmem:v6+s17+$0x0], $0xffff  }
0x2a3: {  	v6 =	vbroadcast v11, $0x0;
	v5 =	vand.u32 $0x7D, v12;
	v11 =	vmov s5;
	v18 =	vld.idx.msk [tilespmem:v14+s16+$0x0], $0xffff  }
0x2a4: {  	v9 =	vor.u32 v1, v9;
	s5 =	sadd.s32 $0x7, s0;
	s0 =	smov.u32 s2;
	v8 =	vmul.f32 v8, v17;
	v12 =	vld.idx.msk [tilespmem:v14+s17+$0x0], $0xffff;
	v3 =	vadd.f32 v3, v2  }
0x2a5: {  	v11 =	vand.u32 $0x7E, v11;
	v17 =	vmov s5;
	v14 =	vbroadcast v5, $0x0;
	v2 =	vld.idx.msk [tilespmem:v13+s16+$0x0], $0xffff  }
0x2a6: {  	v6 =	vor.u32 v1, v6;
	v4 =	vmul.f32 v4, v16;
	v5 =	vld.idx.msk [tilespmem:v13+s17+$0x0], $0xffff;
	v13 =	vadd.f32 v8, v3  }
.Ltmp5:
0x2a7: {  	v19 =	vbroadcast v11, $0x0;
	v11 =	vand.u32 $0x7F, v17;
	v16 =	vmov s2;
	v3 =	vld.idx.msk [tilespmem:v10+s16+$0x0], $0xffff;
	(pc) =	sbr.rel @p0 .LBB2_13-.Ltmp5, $4  }
0x2a8: {  	s5 =	sadd.s32 $0x1, s2;
	v8 =	vor.u32 v1, v14;
	v7 =	vmul.f32 v7, v15;
	v10 =	vld.idx.msk [tilespmem:v10+s17+$0x0], $0xffff;
	v14 =	vadd.f32 v4, v13  }
0x2a9: {  	v15 =	vand.u32 $0x78, v16;
	v16 =	vmov s5;
	v13 =	vbroadcast v11, $0x0;
	v4 =	vld.idx.msk [tilespmem:v9+s16+$0x0], $0xffff  }
0x2aa: {  	s5 =	sadd.s32 $0x2, s2;
	v17 =	vmul.f32 v12, v18;
	v11 =	vld.idx.msk [tilespmem:v9+s17+$0x0], $0xffff;
	v9 =	vor.u32 v1, v19;
	v12 =	vadd.f32 v7, v14  }
0x2ab: {  	s2 =	sadd.s32 $0x8, s2;
	v16 =	vand.u32 $0x79, v16;
	v14 =	vbroadcast v15, $0x0;
	v15 =	vmov s5;
	v7 =	vld.idx.msk [tilespmem:v6+s16+$0x0], $0xffff  }
0x2ac: {  	_ =	sdelay $0x2  }
0x2ad: {  	v12 =	vadd.f32 v17, v12;
	v2 =	vmul.f32 v5, v2  }
0x2ae: {  	v38 =	vld.idx.msk [tilespmem:v6+s17+$0x0], $0xffff;
	v39 =	vor.u32 v1, v13  }
0x2af: {  	v40 =	vld.idx.msk [tilespmem:v8+s16+$0x0], $0xffff;
	v3 =	vmul.f32 v10, v3;
	v2 =	vadd.f32 v2, v12  }
0x2b0: {  	v41 =	vbroadcast v16, $0x0;
	v43 =	vld.idx.msk [tilespmem:v8+s17+$0x0], $0xffff;
	v42 =	vor.u32 v1, v14  }
0x2b1: {  	s2 =	sadd.s32 $0x3, s0;
	v44 =	vand.u32 $0x7A, v15;
	v45 =	vld.idx.msk [tilespmem:v9+s16+$0x0], $0xffff;
	v2 =	vadd.f32 v3, v2;
	v3 =	vmul.f32 v11, v4  }
0x2b2: {  	v48 =	vld.idx.msk [tilespmem:v9+s17+$0x0], $0xffff;
	v46 =	vmov s2;
	v47 =	vbroadcast v44, $0x0;
	v10 =	vor.u32 v1, v41  }
0x2b3: {  	s28 =	sadd.s32 $0x4, s0;
	v4 =	vand.u32 $0x7B, v46;
	v49 =	vld.idx.msk [tilespmem:v39+s16+$0x0], $0xffff;
	v2 =	vadd.f32 v3, v2;
	v3 =	vmul.f32 v38, v7  }
0x2b4: {  	v50 =	vmov s28;
	v51 =	vor.u32 v1, v47;
	v4 =	vbroadcast v4, $0x0;
	v6 =	vld.idx.msk [tilespmem:v39+s17+$0x0], $0xffff  }
0x2b5: {  	s29 =	sadd.s32 $0x5, s0;
	v5 =	vand.u32 $0x7C, v50;
	v52 =	vld.idx.msk [tilespmem:v42+s16+$0x0], $0xffff;
	v2 =	vadd.f32 v3, v2;
	v3 =	vmul.f32 v43, v40  }
0x2b6: {  	v53 =	vmov s29;
	v5 =	vbroadcast v5, $0x0;
	v12 =	vld.idx.msk [tilespmem:v42+s17+$0x0], $0xffff;
	v4 =	vor.u32 v1, v4  }
0x2b7: {  	s30 =	sadd.s32 $0x6, s0;
	v8 =	vand.u32 $0x7D, v53;
	v54 =	vld.idx.msk [tilespmem:v10+s16+$0x0], $0xffff;
	v2 =	vadd.f32 v3, v2;
	v3 =	vmul.f32 v48, v45  }
0x2b8: {  	v55 =	vmov s30;
	v8 =	vbroadcast v8, $0x0;
	v5 =	vor.u32 v1, v5;
	v10 =	vld.idx.msk [tilespmem:v10+s17+$0x0], $0xffff  }
0x2b9: {  	s31 =	sadd.s32 $0x7, s0;
	v9 =	vand.u32 $0x7E, v55;
	v56 =	vld.idx.msk [tilespmem:v51+s16+$0x0], $0xffff;
	v2 =	vadd.f32 v3, v2;
	v3 =	vmul.f32 v6, v49  }
0x2ba: {  	v57 =	vmov s31;
	v9 =	vbroadcast v9, $0x0;
	v8 =	vor.u32 v1, v8;
	v7 =	vld.idx.msk [tilespmem:v51+s17+$0x0], $0xffff  }
0x2bb: {  	v11 =	vmul.f32 v12, v52;
	v6 =	vand.u32 $0x7F, v57;
	v58 =	vld.idx.msk [tilespmem:v4+s16+$0x0], $0xffff;
	v2 =	vadd.f32 v3, v2  }
0x2bc: {  	v59 =	vor.u32 v1, v9;
	v4 =	vld.idx.msk [tilespmem:v4+s17+$0x0], $0xffff;
	v3 =	vbroadcast v6, $0x0  }
0x2bd: {  	v60 =	vld.idx.msk [tilespmem:v5+s16+$0x0], $0xffff;
	v10 =	vmul.f32 v10, v54;
	v2 =	vadd.f32 v11, v2  }
0x2be: {  	v5 =	vld.idx.msk [tilespmem:v5+s17+$0x0], $0xffff;
	v1 =	vor.u32 v1, v3  }
0x2bf: {  	v7 =	vmul.f32 v7, v56;
	v3 =	vld.idx.msk [tilespmem:v8+s16+$0x0], $0xffff;
	v2 =	vadd.f32 v10, v2  }
0x2c0: {  	v8 =	vld.idx.msk [tilespmem:v8+s17+$0x0], $0xffff  }
0x2c1: {  	v61 =	vld.idx.msk [tilespmem:v59+s16+$0x0], $0xffff;
	v4 =	vmul.f32 v4, v58;
	v2 =	vadd.f32 v7, v2  }
0x2c2: {  	v6 =	vld.idx.msk [tilespmem:v59+s17+$0x0], $0xffff  }
0x2c3: {  	v63 =	vmul.f32 v5, v60;
	v62 =	vld.idx.msk [tilespmem:v1+s16+$0x0], $0xffff;
	v2 =	vadd.f32 v4, v2  }
0x2c4: {  	v1 =	vld.idx.msk [tilespmem:v1+s17+$0x0], $0xffff  }
0x2c5: {  	v3 =	vmul.f32 v8, v3;
	v2 =	vadd.f32 v63, v2;
	_ =	sdelay $0x1  }
0x2c6: {  	s21 =	sadd.s32 $0x1, s21;
	v2 =	vadd.f32 v3, v2;
	v3 =	vmul.f32 v6, v61  }
0x2c7: {  	p0 =	sne.s32 s21, $0x8  }
.Ltmp6:
0x2c8: {  	v1 =	vmul.f32 v1, v62;
	v2 =	vadd.f32 v3, v2;
	(pc) =	sbr.rel @p0 .LBB2_12-.Ltmp6, $3  }
0x2c9: {  	_ = 	snop  }
0x2ca: {  	v1 =	vadd.f32 v1, v2;
	_ =	sdelay $0x1  }
0x2cb: {  	[tilespmem:s22+$0x10480] =	vst v1  }
0x2cc: {  	s0 =	simm.s32 $0x180  }
0x2cd: {  	s21 =	simm.s32 $0x380;
	v1 =	vld [tilespmem:s0+$0x0]  }
0x2ce: {  	v3 =	vld [tilespmem:s21+$0x0];
	_ =	sdelay $0x3  }
0x2cf: {  	v2 =	vshll.u32 v1, $0x4  }
0x2d0: {  	v1 =	vshll.u32 v3, $0x4;
	(v2sf) =	vpush v2, $0x0  }
0x2d1: {  	(v2sf) =	vpush v1, $0x0  }
0x2d2: {  	(v2sf) =	vpush v2, $0x1;
	_ =	sdelay $0x2  }
0x2d3: {  	(v2sf) =	vpush v1, $0x1;
	_ =	sdelay $0x1  }
0x2d4: {  	(v2sf) =	vpush v2, $0x2;
	_ =	sdelay $0x1  }
0x2d5: {  	(v2sf) =	vpush v1, $0x2;
	_ =	sdelay $0x1  }
0x2d6: {  	s20 =	simm.s32 $0x0;
	(v2sf) =	vpush v2, $0x3  }
0x2d7: {  	s6 =	simm.s32 $0xC400;
	s5 =	simm.s32 $0x4680;
	s2 =	simm.s32 $0x4880  }
0x2d8: {  	s7 =	simm.s32 $0x4400;
	s9 =	simm.s32 $0x4600;
	s10 =	simm.s32 $0x4580  }
0x2d9: {  	s24 =	simm.s32 $0x4480;
	s28 =	simm.s32 $0xC480;
	s19 =	simm.s32 $0xC500  }
0x2da: {  	s30 =	simm.s32 $0x4A00;
	s29 =	simm.s32 $0x4B00;
	s8 =	spop (v2sf);
	(v2sf) =	vpush v1, $0x3  }
0x2db: {  	s21 =	simm.s32 $0x2000;
	s8 =	sand.u32 $0x1FFFFFF0, s8;
	s11 =	spop (v2sf)  }
0x2dc: {  	s0 =	simm.s32 $0xC900;
	(v2sf) =	vpush v2, $0x4;
	s8 =	sadd.s32 s3, s8;
	s23 =	spop (v2sf)  }
0x2dd: {  	(v2sf) =	vpush v1, $0x4;
	[tilespmem:s7], [sflag:$0x2] =	stream.linear.gather [hbm4b:s8+s1], $0x80, $0x38;
	[tilespmem:$0x10600] =	vst v63  }
0x2de: {  	s22 =	sand.u32 $0x1FFFFFF0, s11;
	s7 =	simm.s32 $0xC580;
	s11 =	sand.u32 $0x1FFFFFF0, s23  }
0x2df: {  	s8 =	sadd.s32 s4, s22;
	s14 =	spop (v2sf);
	(v2sf) =	vpush v2, $0x5;
	s25 =	sadd.s32 s3, s11  }
0x2e0: {  	[tilespmem:s6], [sflag:$0x4] =	stream.linear.gather [hbm4b:s8+s1], $0x80, $0x38;
	[tilespmem:$0x10600] =	vst v63  }
0x2e1: {  	s26 =	sand.u32 $0x1FFFFFF0, s14;
	s31 =	spop (v2sf);
	s14 =	simm.s32 $0x4500  }
0x2e2: {  	(v2sf) =	vpush v1, $0x5;
	[tilespmem:s24], [sflag:$0x2] =	stream.linear.gather [hbm4b:s25+s1], $0x80, $0x38;
	[tilespmem:$0x10600] =	vst v63  }
0x2e3: {  	s11 =	sadd.s32 s4, s26;
	s8 =	sand.u32 $0x1FFFFFF0, s31;
	s15 =	spop (v2sf)  }
0x2e4: {  	(v2sf) =	vpush v2, $0x6;
	[tilespmem:s28], [sflag:$0x4] =	stream.linear.gather [hbm4b:s11+s1], $0x80, $0x38;
	[tilespmem:$0x10600] =	vst v63  }
0x2e5: {  	s8 =	sadd.s32 s3, s8;
	s18 =	spop (v2sf);
	(v2sf) =	vpush v1, $0x6;
	s11 =	sand.u32 $0x1FFFFFF0, s15  }
0x2e6: {  	[tilespmem:s14], [sflag:$0x2] =	stream.linear.gather [hbm4b:s8+s1], $0x80, $0x38;
	[tilespmem:$0x10600] =	vst v63  }
0x2e7: {  	s26 =	simm.s32 $0xC600;
	s23 =	sand.u32 $0x1FFFFFF0, s18;
	s22 =	sadd.s32 s4, s11  }
0x2e8: {  	[tilespmem:s19], [sflag:$0x4] =	stream.linear.gather [hbm4b:s22+s1], $0x80, $0x38;
	[tilespmem:$0x10600] =	vst v63  }
0x2e9: {  	s18 =	simm.s32 $0x4A80;
	s25 =	sadd.s32 s3, s23;
	s24 =	spop (v2sf)  }
0x2ea: {  	[tilespmem:s10], [sflag:$0x2] =	stream.linear.gather [hbm4b:s25+s1], $0x80, $0x38;
	[tilespmem:$0x10600] =	vst v63  }
0x2eb: {  	s23 =	simm.s32 $0x4700;
	(v2sf) =	vpush v2, $0x7;
	s6 =	sand.u32 $0x1FFFFFF0, s24;
	s28 =	spop (v2sf)  }
0x2ec: {  	s15 =	simm.s32 $0xCA00;
	s6 =	sadd.s32 s4, s6;
	s31 =	spop (v2sf)  }
0x2ed: {  	(v2sf) =	vpush v1, $0x7;
	[tilespmem:s7], [sflag:$0x4] =	stream.linear.gather [hbm4b:s6+s1], $0x80, $0x38;
	[tilespmem:$0x10600] =	vst v63  }
0x2ee: {  	s19 =	simm.s32 $0xC680;
	s10 =	sand.u32 $0x1FFFFFF0, s28;
	(v2sf) =	vpush v2, $0x8;
	s22 =	spop (v2sf)  }
0x2ef: {  	s10 =	sadd.s32 s3, s10;
	s14 =	sand.u32 $0x1FFFFFF0, s31;
	s24 =	sand.u32 $0x1FFFFFF0, s22  }
0x2f0: {  	(v2sf) =	vpush v1, $0x8;
	[tilespmem:s9], [sflag:$0x2] =	stream.linear.gather [hbm4b:s10+s1], $0x80, $0x38;
	[tilespmem:$0x10600] =	vst v63  }
0x2f1: {  	s7 =	sadd.s32 s4, s14;
	(v2sf) =	vpush v2, $0x9;
	s25 =	spop (v2sf);
	s8 =	sadd.s32 s3, s24  }
0x2f2: {  	[tilespmem:s26], [sflag:$0x4] =	stream.linear.gather [hbm4b:s7+s1], $0x80, $0x38;
	[tilespmem:$0x10600] =	vst v63  }
0x2f3: {  	s9 =	sand.u32 $0x1FFFFFF0, s25;
	(v2sf) =	vpush v1, $0x9;
	s10 =	simm.s32 $0xCA80;
	s26 =	spop (v2sf)  }
0x2f4: {  	s24 =	simm.s32 $0x4780;
	s28 =	sadd.s32 s4, s9;
	s11 =	spop (v2sf)  }
0x2f5: {  	(v2sf) =	vpush v2, $0xA;
	[tilespmem:s5], [sflag:$0x2] =	stream.linear.gather [hbm4b:s8+s1], $0x80, $0x38;
	[tilespmem:$0x10600] =	vst v63  }
0x2f6: {  	s9 =	simm.s32 $0x4800;
	s31 =	sand.u32 $0x1FFFFFF0, s26;
	s6 =	sand.u32 $0x1FFFFFF0, s11  }
0x2f7: {  	(v2sf) =	vpush v1, $0xA;
	[tilespmem:s19], [sflag:$0x4] =	stream.linear.gather [hbm4b:s28+s1], $0x80, $0x38;
	[tilespmem:$0x10600] =	vst v63  }
0x2f8: {  	s5 =	simm.s32 $0xC980;
	s14 =	sadd.s32 s3, s31;
	s6 =	sadd.s32 s4, s6  }
0x2f9: {  	[tilespmem:s23], [sflag:$0x2] =	stream.linear.gather [hbm4b:s14+s1], $0x80, $0x38;
	[tilespmem:$0x10600] =	vst v63  }
0x2fa: {  	s19 =	simm.s32 $0xC700;
	s28 =	simm.s32 $0xC780;
	s22 =	spop (v2sf)  }
0x2fb: {  	(v2sf) =	vpush v2, $0xB;
	[tilespmem:s19], [sflag:$0x4] =	stream.linear.gather [hbm4b:s6+s1], $0x80, $0x38;
	[tilespmem:$0x10600] =	vst v63  }
0x2fc: {  	s19 =	simm.s32 $0xC800;
	s8 =	sand.u32 $0x1FFFFFF0, s22;
	s23 =	spop (v2sf)  }
0x2fd: {  	(v2sf) =	vpush v1, $0xB;
	s25 =	sadd.s32 s3, s8;
	s26 =	sand.u32 $0x1FFFFFF0, s23;
	s31 =	spop (v2sf)  }
0x2fe: {  	[tilespmem:s24], [sflag:$0x2] =	stream.linear.gather [hbm4b:s25+s1], $0x80, $0x38;
	[tilespmem:$0x10600] =	vst v63  }
0x2ff: {  	s8 =	sadd.s32 s4, s26;
	s7 =	sand.u32 $0x1FFFFFF0, s31;
	s11 =	spop (v2sf)  }
0x300: {  	(v2sf) =	vpush v2, $0xC;
	s24 =	simm.s32 $0xC880;
	s26 =	simm.s32 $0x4900;
	s14 =	spop (v2sf)  }
0x301: {  	[tilespmem:s28], [sflag:$0x4] =	stream.linear.gather [hbm4b:s8+s1], $0x80, $0x38;
	[tilespmem:$0x10600] =	vst v63  }
0x302: {  	s7 =	sadd.s32 s3, s7;
	(v2sf) =	vpush v1, $0xC;
	s8 =	sand.u32 $0x1FFFFFF0, s11;
	s25 =	spop (v2sf)  }
0x303: {  	[tilespmem:s9], [sflag:$0x2] =	stream.linear.gather [hbm4b:s7+s1], $0x80, $0x38;
	[tilespmem:$0x10600] =	vst v63  }
0x304: {  	s23 =	sand.u32 $0x1FFFFFF0, s14;
	s22 =	sadd.s32 s4, s8;
	s28 =	spop (v2sf)  }
0x305: {  	[tilespmem:s19], [sflag:$0x4] =	stream.linear.gather [hbm4b:s22+s1], $0x80, $0x38;
	[tilespmem:$0x10600] =	vst v63  }
0x306: {  	s8 =	sadd.s32 s3, s23;
	s7 =	sand.u32 $0x1FFFFFF0, s25;
	s31 =	spop (v2sf)  }
0x307: {  	[tilespmem:s2], [sflag:$0x2] =	stream.linear.gather [hbm4b:s8+s1], $0x80, $0x38;
	[tilespmem:$0x10600] =	vst v63  }
0x308: {  	s7 =	sadd.s32 s4, s7;
	s11 =	sand.u32 $0x1FFFFFF0, s31;
	s8 =	sand.u32 $0x1FFFFFF0, s28  }
0x309: {  	[tilespmem:s24], [sflag:$0x4] =	stream.linear.gather [hbm4b:s7+s1], $0x80, $0x38;
	[tilespmem:$0x10600] =	vst v63  }
0x30a: {  	s19 =	sadd.s32 s4, s11;
	s8 =	sadd.s32 s3, s8;
	s14 =	spop (v2sf)  }
0x30b: {  	[tilespmem:s26], [sflag:$0x2] =	stream.linear.gather [hbm4b:s8+s1], $0x80, $0x38;
	[tilespmem:$0x10600] =	vst v63  }
0x30c: {  	s24 =	simm.s32 $0x4980;
	s22 =	sand.u32 $0x1FFFFFF0, s14;
	s23 =	spop (v2sf)  }
0x30d: {  	(v2sf) =	vpush v2, $0xD;
	[tilespmem:s0], [sflag:$0x4] =	stream.linear.gather [hbm4b:s19+s1], $0x80, $0x38;
	[tilespmem:$0x10600] =	vst v63  }
0x30e: {  	(v2sf) =	vpush v1, $0xD;
	s25 =	sadd.s32 s3, s22;
	s26 =	sand.u32 $0x1FFFFFF0, s23;
	s19 =	simm.s32 $0xCB00  }
0x30f: {  	(v2sf) =	vpush v2, $0xE;
	s28 =	sadd.s32 s4, s26;
	s26 =	simm.s32 $0x190;
	s31 =	spop (v2sf)  }
0x310: {  	(v2sf) =	vpush v1, $0xE;
	[tilespmem:s24], [sflag:$0x2] =	stream.linear.gather [hbm4b:s25+s1], $0x80, $0x38;
	[tilespmem:$0x10600] =	vst v63  }
0x311: {  	s25 =	simm.s32 $0x390;
	(v2sf) =	vpush v2, $0xF;
	s0 =	sand.u32 $0x1FFFFFF0, s31;
	s2 =	spop (v2sf)  }
0x312: {  	(v2sf) =	vpush v1, $0xF;
	[tilespmem:s5], [sflag:$0x4] =	stream.linear.gather [hbm4b:s28+s1], $0x80, $0x38;
	[tilespmem:$0x10600] =	vst v63  }
.LBB2_16:
0x313: {  	_ =	sdelay $0x4  }
0x314: {  	s0 =	sadd.s32 s3, s0;
	s2 =	sand.u32 $0x1FFFFFF0, s2  }
0x315: {  	[tilespmem:s30], [sflag:$0x2] =	stream.linear.gather [hbm4b:s0+s1], $0x80, $0x38;
	[tilespmem:$0x10600] =	vst v63  }
0x316: {  	s24 =	sadd.s32 s4, s2  }
0x317: {  	[tilespmem:s15], [sflag:$0x4] =	stream.linear.gather [hbm4b:s24+s1], $0x80, $0x38;
	[tilespmem:$0x10600] =	vst v63  }
0x318: {  	s5 =	spop (v2sf)  }
0x319: {  	s28 =	sand.u32 $0x1FFFFFF0, s5;
	s31 =	spop (v2sf)  }
0x31a: {  	s2 =	sadd.s32 s3, s28;
	s5 =	sand.u32 $0x1FFFFFF0, s31;
	s6 =	spop (v2sf)  }
0x31b: {  	[tilespmem:s18], [sflag:$0x2] =	stream.linear.gather [hbm4b:s2+s1], $0x80, $0x38;
	[tilespmem:$0x10600] =	vst v63  }
0x31c: {  	s7 =	sadd.s32 s4, s5;
	s8 =	sand.u32 $0x1FFFFFF0, s6;
	s9 =	spop (v2sf)  }
0x31d: {  	[tilespmem:s10], [sflag:$0x4] =	stream.linear.gather [hbm4b:s7+s1], $0x80, $0x38;
	[tilespmem:$0x10600] =	vst v63  }
0x31e: {  	s11 =	sadd.s32 s3, s8;
	s14 =	sand.u32 $0x1FFFFFF0, s9;
	s15 =	spop (v2sf)  }
0x31f: {  	[tilespmem:s29], [sflag:$0x2] =	stream.linear.gather [hbm4b:s11+s1], $0x80, $0x38;
	[tilespmem:$0x10600] =	vst v63  }
0x320: {  	s18 =	sadd.s32 s4, s14;
	s22 =	sand.u32 $0x1FFFFFF0, s15;
	s23 =	spop (v2sf)  }
0x321: {  	[tilespmem:s19], [sflag:$0x4] =	stream.linear.gather [hbm4b:s18+s1], $0x80, $0x38;
	[tilespmem:$0x10600] =	vst v63  }
0x322: {  	s24 =	sadd.s32 $0x4B80, s20;
	s2 =	sadd.s32 s3, s22;
	s5 =	sand.u32 $0x1FFFFFF0, s23  }
0x323: {  	[tilespmem:s24], [sflag:$0x2] =	stream.linear.gather [hbm4b:s2+s1], $0x80, $0x38;
	[tilespmem:$0x10600] =	vst v63  }
0x324: {  	s28 =	sadd.s32 $0xCB80, s20;
	s31 =	sadd.s32 s4, s5  }
0x325: {  	[tilespmem:s28], [sflag:$0x4] =	stream.linear.gather [hbm4b:s31+s1], $0x80, $0x38;
	[tilespmem:$0x10600] =	vst v63  }
0x326: {  	v1 =	vld [tilespmem:s26+$0x0]  }
0x327: {  	v3 =	vld [tilespmem:s25+$0x0];
	_ =	sdelay $0x3  }
0x328: {  	v2 =	vshll.u32 v1, $0x4  }
0x329: {  	s2 =	smov.u32 s21;
	v1 =	vshll.u32 v3, $0x4;
	(v2sf) =	vpush v2, $0x0  }
0x32a: {  	p0 =	sne.s32 s21, $0xE000;
	s21 =	sadd.s32 $0x2000, s21;
	s20 =	sshra.s32 s2, $0x2;
	(v2sf) =	vpush v1, $0x0  }
0x32b: {  	s7 =	sadd.s32 $0xC400, s20;
	s0 =	sadd.s32 $0x4680, s20;
	s5 =	sadd.s32 $0x4880, s20;
	(v2sf) =	vpush v2, $0x1  }
0x32c: {  	s24 =	sadd.s32 $0x4400, s20;
	s8 =	sadd.s32 $0x4600, s20;
	s6 =	sadd.s32 $0xC900, s20  }
0x32d: {  	s14 =	sadd.s32 $0x4580, s20;
	s2 =	sadd.s32 $0xC580, s20;
	s9 =	sadd.s32 $0xCA00, s20;
	(v2sf) =	vpush v1, $0x1  }
0x32e: {  	s22 =	sadd.s32 $0xC600, s20;
	s18 =	sadd.s32 $0x4A80, s20;
	[smem:$0x7DF] =	sst s0;
	(v2sf) =	vpush v2, $0x2  }
0x32f: {  	s23 =	sadd.s32 $0xC480, s20;
	s31 =	sadd.s32 $0xC680, s20;
	[dreg:$0x10] =	wrdreg s5  }
0x330: {  	s15 =	sadd.s32 $0x4700, s20;
	s10 =	sadd.s32 $0xC980, s20;
	[dreg:$0x8] =	wrdreg s6;
	(v2sf) =	vpush v1, $0x2  }
0x331: {  	s11 =	sadd.s32 $0xC700, s20;
	s19 =	sadd.s32 $0xC880, s20;
	[dreg:$0x1f] =	wrdreg s9  }
0x332: {  	s28 =	sadd.s32 $0x4900, s20;
	s30 =	sadd.s32 $0x4A00, s20;
	[dreg:$0xc] =	wrdreg s10;
	(v2sf) =	vpush v2, $0x3  }
0x333: {  	s29 =	sadd.s32 $0x4B00, s20;
	s6 =	sadd.s32 $0x4500, s20;
	[smem:$0x7E0] =	sst s11  }
0x334: {  	s5 =	sadd.s32 $0xC500, s20;
	s9 =	sadd.s32 $0xCA80, s20;
	[dreg:$0x18] =	wrdreg s19  }
0x335: {  	[dreg:$0x14] =	wrdreg s28;
	s10 =	sadd.s32 $0x4780, s20;
	s11 =	sadd.s32 $0xC800, s20  }
0x336: {  	s0 =	sadd.s32 $0x4480, s20;
	s19 =	sadd.s32 $0xC780, s20;
	[smem:$0x7E1] =	sst s10;
	(v2sf) =	vpush v1, $0x3  }
0x337: {  	s28 =	sadd.s32 $0x4800, s20;
	s25 =	sadd.s32 $0x10, s25;
	[smem:$0x7E4] =	sst s11  }
0x338: {  	[smem:$0x7E3] =	sst s28;
	s11 =	sadd.s32 $0x4980, s20;
	(v2sf) =	vpush v2, $0x4;
	s28 =	spop (v2sf)  }
0x339: {  	[dreg:$0x1c] =	wrdreg s11;
	s28 =	sand.u32 $0x1FFFFFF0, s28;
	s11 =	spop (v2sf)  }
0x33a: {  	(v2sf) =	vpush v1, $0x4;
	s28 =	sadd.s32 s3, s28;
	s10 =	sand.u32 $0x1FFFFFF0, s11;
	s11 =	spop (v2sf)  }
0x33b: {  	[tilespmem:s24], [sflag:$0x2] =	stream.linear.gather [hbm4b:s28+s1], $0x80, $0x38;
	[tilespmem:$0x10600] =	vst v63  }
0x33c: {  	(v2sf) =	vpush v2, $0x5;
	s10 =	sadd.s32 s4, s10;
	s11 =	sand.u32 $0x1FFFFFF0, s11;
	s28 =	spop (v2sf)  }
0x33d: {  	(v2sf) =	vpush v1, $0x5;
	s11 =	sadd.s32 s3, s11;
	s24 =	sand.u32 $0x1FFFFFF0, s28;
	s28 =	spop (v2sf)  }
0x33e: {  	[tilespmem:s7], [sflag:$0x4] =	stream.linear.gather [hbm4b:s10+s1], $0x80, $0x38;
	[tilespmem:$0x10600] =	vst v63  }
0x33f: {  	(v2sf) =	vpush v2, $0x6;
	s10 =	sadd.s32 s4, s24;
	s24 =	sand.u32 $0x1FFFFFF0, s28;
	s28 =	spop (v2sf)  }
0x340: {  	(v2sf) =	vpush v1, $0x6;
	[tilespmem:s0], [sflag:$0x2] =	stream.linear.gather [hbm4b:s11+s1], $0x80, $0x38;
	[tilespmem:$0x10600] =	vst v63  }
0x341: {  	s26 =	sadd.s32 $0x10, s26;
	[smem:$0x7E2] =	sst s19;
	s11 =	spop (v2sf)  }
0x342: {  	[tilespmem:s23], [sflag:$0x4] =	stream.linear.gather [hbm4b:s10+s1], $0x80, $0x38;
	[tilespmem:$0x10600] =	vst v63  }
0x343: {  	s7 =	sadd.s32 s3, s24;
	s24 =	sand.u32 $0x1FFFFFF0, s11;
	s10 =	sand.u32 $0x1FFFFFF0, s28  }
0x344: {  	(v2sf) =	vpush v2, $0x7;
	[tilespmem:s6], [sflag:$0x2] =	stream.linear.gather [hbm4b:s7+s1], $0x80, $0x38;
	[tilespmem:$0x10600] =	vst v63  }
0x345: {  	s28 =	spop (v2sf);
	s23 =	sadd.s32 s4, s10;
	s10 =	smov.u32 s9  }
0x346: {  	[tilespmem:s5], [sflag:$0x4] =	stream.linear.gather [hbm4b:s23+s1], $0x80, $0x38;
	[tilespmem:$0x10600] =	vst v63  }
0x347: {  	s9 =	sand.u32 $0x1FFFFFF0, s28;
	s11 =	spop (v2sf);
	s6 =	sadd.s32 s3, s24  }
0x348: {  	(v2sf) =	vpush v1, $0x7;
	[tilespmem:s14], [sflag:$0x2] =	stream.linear.gather [hbm4b:s6+s1], $0x80, $0x38;
	[tilespmem:$0x10600] =	vst v63  }
0x349: {  	s24 =	sand.u32 $0x1FFFFFF0, s11;
	s23 =	sadd.s32 s4, s9;
	s28 =	spop (v2sf)  }
0x34a: {  	(v2sf) =	vpush v2, $0x8;
	[tilespmem:s2], [sflag:$0x4] =	stream.linear.gather [hbm4b:s23+s1], $0x80, $0x38;
	[tilespmem:$0x10600] =	vst v63  }
0x34b: {  	s19 =	sadd.s32 $0xCB00, s20;
	s5 =	sadd.s32 s3, s24;
	s7 =	spop (v2sf)  }
0x34c: {  	(v2sf) =	vpush v1, $0x8;
	s6 =	sand.u32 $0x1FFFFFF0, s28;
	s28 =	sld [smem:$0x7DF];
	s14 =	spop (v2sf)  }
0x34d: {  	[tilespmem:s8], [sflag:$0x2] =	stream.linear.gather [hbm4b:s5+s1], $0x80, $0x38;
	[tilespmem:$0x10600] =	vst v63  }
0x34e: {  	s9 =	sadd.s32 s4, s6;
	s23 =	sand.u32 $0x1FFFFFF0, s14;
	s24 =	spop (v2sf)  }
0x34f: {  	(v2sf) =	vpush v2, $0x9;
	s11 =	sand.u32 $0x1FFFFFF0, s7;
	s2 =	sadd.s32 s4, s23;
	s6 =	spop (v2sf)  }
0x350: {  	(v2sf) =	vpush v1, $0x9;
	[tilespmem:s22], [sflag:$0x4] =	stream.linear.gather [hbm4b:s9+s1], $0x80, $0x38;
	[tilespmem:$0x10600] =	vst v63  }
0x351: {  	s5 =	sand.u32 $0x1FFFFFF0, s24;
	s22 =	sadd.s32 s3, s11;
	s8 =	sand.u32 $0x1FFFFFF0, s6  }
0x352: {  	(v2sf) =	vpush v2, $0xA;
	[tilespmem:s28], [sflag:$0x2] =	stream.linear.gather [hbm4b:s22+s1], $0x80, $0x38;
	[tilespmem:$0x10600] =	vst v63  }
0x353: {  	s9 =	spop (v2sf);
	s11 =	sadd.s32 s4, s8;
	s8 =	sld [smem:$0x7E2]  }
0x354: {  	(v2sf) =	vpush v1, $0xA;
	[tilespmem:s31], [sflag:$0x4] =	stream.linear.gather [hbm4b:s2+s1], $0x80, $0x38;
	[tilespmem:$0x10600] =	vst v63  }
0x355: {  	s7 =	sadd.s32 s3, s5;
	s14 =	sand.u32 $0x1FFFFFF0, s9;
	s22 =	sld [smem:$0x7E0]  }
0x356: {  	[tilespmem:s15], [sflag:$0x2] =	stream.linear.gather [hbm4b:s7+s1], $0x80, $0x38;
	[tilespmem:$0x10600] =	vst v63  }
0x357: {  	s23 =	sadd.s32 s3, s14;
	s31 =	sld [smem:$0x7E1];
	s15 =	spop (v2sf)  }
0x358: {  	(v2sf) =	vpush v2, $0xB;
	[tilespmem:s22], [sflag:$0x4] =	stream.linear.gather [hbm4b:s11+s1], $0x80, $0x38;
	[tilespmem:$0x10600] =	vst v63  }
0x359: {  	s24 =	sand.u32 $0x1FFFFFF0, s15;
	s28 =	spop (v2sf);
	s15 =	rddreg [dreg:$0x1f]  }
0x35a: {  	[tilespmem:s31], [sflag:$0x2] =	stream.linear.gather [hbm4b:s23+s1], $0x80, $0x38;
	[tilespmem:$0x10600] =	vst v63  }
0x35b: {  	s2 =	sadd.s32 s4, s24;
	s5 =	sand.u32 $0x1FFFFFF0, s28;
	s7 =	spop (v2sf)  }
0x35c: {  	(v2sf) =	vpush v1, $0xB;
	s22 =	sld [smem:$0x7E3];
	s9 =	sadd.s32 s3, s5;
	s11 =	sand.u32 $0x1FFFFFF0, s7  }
0x35d: {  	(v2sf) =	vpush v2, $0xC;
	[tilespmem:s8], [sflag:$0x4] =	stream.linear.gather [hbm4b:s2+s1], $0x80, $0x38;
	[tilespmem:$0x10600] =	vst v63  }
0x35e: {  	s31 =	sld [smem:$0x7E4];
	s14 =	spop (v2sf);
	s23 =	sadd.s32 s4, s11  }
0x35f: {  	(v2sf) =	vpush v1, $0xC;
	s24 =	sand.u32 $0x1FFFFFF0, s14;
	s28 =	spop (v2sf);
	s8 =	rddreg [dreg:$0x10]  }
0x360: {  	[tilespmem:s22], [sflag:$0x2] =	stream.linear.gather [hbm4b:s9+s1], $0x80, $0x38;
	[tilespmem:$0x10600] =	vst v63  }
0x361: {  	s2 =	sadd.s32 s3, s24;
	s5 =	sand.u32 $0x1FFFFFF0, s28;
	s7 =	spop (v2sf)  }
0x362: {  	[tilespmem:s31], [sflag:$0x4] =	stream.linear.gather [hbm4b:s23+s1], $0x80, $0x38;
	[tilespmem:$0x10600] =	vst v63  }
0x363: {  	s9 =	sadd.s32 s4, s5;
	s14 =	spop (v2sf);
	s22 =	rddreg [dreg:$0x18]  }
0x364: {  	[tilespmem:s8], [sflag:$0x2] =	stream.linear.gather [hbm4b:s2+s1], $0x80, $0x38;
	[tilespmem:$0x10600] =	vst v63  }
0x365: {  	s11 =	sand.u32 $0x1FFFFFF0, s7;
	s24 =	sand.u32 $0x1FFFFFF0, s14;
	s31 =	rddreg [dreg:$0x14]  }
0x366: {  	[tilespmem:s22], [sflag:$0x4] =	stream.linear.gather [hbm4b:s9+s1], $0x80, $0x38;
	[tilespmem:$0x10600] =	vst v63  }
0x367: {  	s23 =	sadd.s32 s3, s11;
	s28 =	spop (v2sf);
	s11 =	rddreg [dreg:$0x8]  }
0x368: {  	[tilespmem:s31], [sflag:$0x2] =	stream.linear.gather [hbm4b:s23+s1], $0x80, $0x38;
	[tilespmem:$0x10600] =	vst v63  }
0x369: {  	s7 =	sadd.s32 s4, s24;
	s24 =	rddreg [dreg:$0x1c];
	s8 =	sand.u32 $0x1FFFFFF0, s28  }
0x36a: {  	(v2sf) =	vpush v2, $0xD;
	[tilespmem:s11], [sflag:$0x4] =	stream.linear.gather [hbm4b:s7+s1], $0x80, $0x38;
	[tilespmem:$0x10600] =	vst v63  }
.Ltmp7:
0x36b: {  	(v2sf) =	vpush v1, $0xD;
	s14 =	sadd.s32 s3, s8;
	s9 =	spop (v2sf);
	(pc) =	sbr.rel @p0 .LBB2_16-.Ltmp7, $4  }
0x36c: {  	(v2sf) =	vpush v2, $0xE;
	s22 =	sand.u32 $0x1FFFFFF0, s9;
	s23 =	spop (v2sf);
	s31 =	rddreg [dreg:$0xc]  }
0x36d: {  	(v2sf) =	vpush v1, $0xE;
	[tilespmem:s24], [sflag:$0x2] =	stream.linear.gather [hbm4b:s14+s1], $0x80, $0x38;
	[tilespmem:$0x10600] =	vst v63  }
0x36e: {  	(v2sf) =	vpush v2, $0xF;
	s28 =	sadd.s32 s4, s22;
	s0 =	sand.u32 $0x1FFFFFF0, s23;
	s2 =	spop (v2sf)  }
0x36f: {  	(v2sf) =	vpush v1, $0xF;
	[tilespmem:s31], [sflag:$0x4] =	stream.linear.gather [hbm4b:s28+s1], $0x80, $0x38;
	[tilespmem:$0x10600] =	vst v63  }
0x370: {  	_ =	sdelay $0x4  }
0x371: {  	s0 =	sadd.s32 s3, s0;
	s2 =	sand.u32 $0x1FFFFFF0, s2  }
0x372: {  	[tilespmem:s30], [sflag:$0x2] =	stream.linear.gather [hbm4b:s0+s1], $0x80, $0x38;
	[tilespmem:$0x10600] =	vst v63  }
0x373: {  	s2 =	sadd.s32 s4, s2  }
0x374: {  	[tilespmem:s15], [sflag:$0x4] =	stream.linear.gather [hbm4b:s2+s1], $0x80, $0x38;
	[tilespmem:$0x10600] =	vst v63  }
0x375: {  	s5 =	spop (v2sf)  }
0x376: {  	s5 =	sand.u32 $0x1FFFFFF0, s5;
	s6 =	spop (v2sf)  }
0x377: {  	s7 =	sadd.s32 s3, s5;
	s8 =	sand.u32 $0x1FFFFFF0, s6;
	s9 =	spop (v2sf)  }
0x378: {  	[tilespmem:s18], [sflag:$0x2] =	stream.linear.gather [hbm4b:s7+s1], $0x80, $0x38;
	[tilespmem:$0x10600] =	vst v63  }
0x379: {  	s11 =	sadd.s32 s4, s8;
	s14 =	sand.u32 $0x1FFFFFF0, s9;
	s15 =	spop (v2sf)  }
0x37a: {  	[tilespmem:s10], [sflag:$0x4] =	stream.linear.gather [hbm4b:s11+s1], $0x80, $0x38;
	[tilespmem:$0x10600] =	vst v63  }
0x37b: {  	s18 =	sadd.s32 s3, s14;
	s21 =	sand.u32 $0x1FFFFFF0, s15;
	s22 =	spop (v2sf)  }
0x37c: {  	[tilespmem:s29], [sflag:$0x2] =	stream.linear.gather [hbm4b:s18+s1], $0x80, $0x38;
	[tilespmem:$0x10600] =	vst v63  }
0x37d: {  	s23 =	sadd.s32 s4, s21;
	s24 =	sand.u32 $0x1FFFFFF0, s22;
	s25 =	spop (v2sf)  }
0x37e: {  	[tilespmem:s19], [sflag:$0x4] =	stream.linear.gather [hbm4b:s23+s1], $0x80, $0x38;
	[tilespmem:$0x10600] =	vst v63  }
0x37f: {  	s26 =	sadd.s32 $0x4B80, s20;
	s2 =	sadd.s32 s3, s24;
	s5 =	sand.u32 $0x1FFFFFF0, s25  }
0x380: {  	[tilespmem:s26], [sflag:$0x2] =	stream.linear.gather [hbm4b:s2+s1], $0x80, $0x38;
	[tilespmem:$0x10600] =	vst v63  }
0x381: {  	s28 =	sadd.s32 $0xCB80, s20;
	s30 =	simm.s32 $0x1;
	s29 =	sadd.s32 s4, s5  }
0x382: {  	[tilespmem:s28], [sflag:$0x4] =	stream.linear.gather [hbm4b:s29+s1], $0x80, $0x38;
	[tilespmem:$0x10600] =	vst v63  }
0x383: {  	_ =	swait.ge [sflag:s30], $0x4000  }
0x384: {  	[sflag:s30] =	ssyncset.done $0x0  }
0x385: {  	s31 =	simm.s32 $0x3;
	[sflag:s30] =	ssyncadd.s32 $0xFFFFC000  }
0x386: {  	_ =	swait.ge [sflag:s31], $0x4000  }
0x387: {  	[sflag:s31] =	ssyncset.done $0x0  }
0x388: {  	s20 =	simm.s32 $0x0;
	s21 =	simm.s32 $0x0;
	[sflag:s31] =	ssyncadd.s32 $0xFFFFC000  }
.LBB2_18:
0x389: {  	s22 =	sshll.u32 s21, $0x4;
	v1 =	vmov s20  }
0x38a: {  	s0 =	simm.s32 $0x1;
	v2 =	vmov s22;
	v1 =	vand.u32 $0x78, v1  }
0x38b: {  	v3 =	vmov s0;
	v2 =	vshll.u32 v2, $0x7;
	v4 =	vbroadcast v1, $0x0  }
0x38c: {  	s24 =	simm.s32 $0x2;
	v1 =	vor.u32 v0, v2;
	v2 =	vand.u32 $0x79, v3  }
0x38d: {  	v3 =	vmov s24;
	v2 =	vbroadcast v2, $0x0;
	v4 =	vor.u32 v1, v4  }
0x38e: {  	s25 =	simm.s32 $0x3;
	v3 =	vand.u32 $0x7A, v3  }
0x38f: {  	v5 =	vmov s25;
	v3 =	vbroadcast v3, $0x0;
	v6 =	vor.u32 v1, v2  }
0x390: {  	s26 =	simm.s32 $0x4;
	v2 =	vand.u32 $0x7B, v5  }
0x391: {  	v5 =	vmov s26;
	v2 =	vbroadcast v2, $0x0;
	v7 =	vor.u32 v1, v3  }
0x392: {  	s28 =	simm.s32 $0x5;
	v3 =	vand.u32 $0x7C, v5;
	v9 =	vld.idx.msk [tilespmem:v4+s12+$0x0], $0xffff  }
0x393: {  	v3 =	vbroadcast v3, $0x0;
	v11 =	vld.idx.msk [tilespmem:v4+s13+$0x0], $0xffff;
	v14 =	vor.u32 v1, v2;
	v4 =	vmov s28  }
0x394: {  	s29 =	simm.s32 $0x6;
	v4 =	vand.u32 $0x7D, v4;
	v2 =	vld.idx.msk [tilespmem:v6+s12+$0x0], $0xffff  }
0x395: {  	s2 =	simm.s32 $0x7;
	v8 =	vmov s29;
	s0 =	simm.s32 $0x8;
	v5 =	vld.idx.msk [tilespmem:v6+s13+$0x0], $0xffff;
	v6 =	vor.u32 v1, v3;
	v4 =	vbroadcast v4, $0x0  }
0x396: {  	v10 =	vmov s2;
	v8 =	vand.u32 $0x7E, v8;
	v13 =	vmov s0;
	v3 =	vld.idx.msk [tilespmem:v7+s12+$0x0], $0xffff  }
0x397: {  	s30 =	simm.s32 $0x9;
	v16 =	vand.u32 $0x7F, v10;
	v15 =	vbroadcast v8, $0x0;
	v10 =	vld.idx.msk [tilespmem:v7+s13+$0x0], $0xffff;
	v8 =	vor.u32 v1, v4  }
0x398: {  	v12 =	vimm.f32 $0.0e+00;
	v18 =	vmov s30;
	v7 =	vand.u32 $0x78, v13;
	v4 =	vld.idx.msk [tilespmem:v14+s12+$0x0], $0xffff  }
0x399: {  	s31 =	simm.s32 $0xA;
	v13 =	vbroadcast v16, $0x0;
	v17 =	vmul.f32 v11, v9;
	v11 =	vld.idx.msk [tilespmem:v14+s13+$0x0], $0xffff;
	v9 =	vor.u32 v1, v15  }
0x39a: {  	s2 =	simm.s32 $0x10;
	v16 =	vand.u32 $0x79, v18;
	v14 =	vbroadcast v7, $0x0;
	v15 =	vmov s31;
	v7 =	vld.idx.msk [tilespmem:v6+s12+$0x0], $0xffff  }
.LBB2_19:
0x39b: {  	p0 =	slt.u32 s2, $0x38;
	s5 =	sadd.s32 $0x3, s0;
	v12 =	vadd.f32 v17, v12;
	v2 =	vmul.f32 v5, v2;
	v5 =	vld.idx.msk [tilespmem:v6+s13+$0x0], $0xffff;
	v6 =	vor.u32 v1, v13  }
0x39c: {  	v13 =	vbroadcast v16, $0x0;
	v15 =	vand.u32 $0x7A, v15;
	v16 =	vmov s5;
	v17 =	vld.idx.msk [tilespmem:v8+s12+$0x0], $0xffff  }
0x39d: {  	v14 =	vor.u32 v1, v14;
	s5 =	sadd.s32 $0x4, s0;
	v3 =	vmul.f32 v10, v3;
	v2 =	vadd.f32 v2, v12;
	v8 =	vld.idx.msk [tilespmem:v8+s13+$0x0], $0xffff  }
0x39e: {  	v10 =	vbroadcast v15, $0x0;
	v12 =	vand.u32 $0x7B, v16;
	v15 =	vmov s5;
	v16 =	vld.idx.msk [tilespmem:v9+s12+$0x0], $0xffff  }
0x39f: {  	v13 =	vor.u32 v1, v13;
	s5 =	sadd.s32 $0x5, s0;
	v2 =	vadd.f32 v3, v2;
	v3 =	vmul.f32 v11, v4;
	v4 =	vld.idx.msk [tilespmem:v9+s13+$0x0], $0xffff  }
0x3a0: {  	v9 =	vbroadcast v12, $0x0;
	v11 =	vand.u32 $0x7C, v15;
	v12 =	vmov s5;
	v15 =	vld.idx.msk [tilespmem:v6+s12+$0x0], $0xffff  }
0x3a1: {  	v10 =	vor.u32 v1, v10;
	s5 =	sadd.s32 $0x6, s0;
	v2 =	vadd.f32 v3, v2;
	v3 =	vmul.f32 v5, v7;
	v7 =	vld.idx.msk [tilespmem:v6+s13+$0x0], $0xffff  }
0x3a2: {  	v6 =	vbroadcast v11, $0x0;
	v5 =	vand.u32 $0x7D, v12;
	v11 =	vmov s5;
	v18 =	vld.idx.msk [tilespmem:v14+s12+$0x0], $0xffff  }
0x3a3: {  	v9 =	vor.u32 v1, v9;
	s5 =	sadd.s32 $0x7, s0;
	s0 =	smov.u32 s2;
	v8 =	vmul.f32 v8, v17;
	v12 =	vld.idx.msk [tilespmem:v14+s13+$0x0], $0xffff;
	v3 =	vadd.f32 v3, v2  }
0x3a4: {  	v11 =	vand.u32 $0x7E, v11;
	v17 =	vmov s5;
	v14 =	vbroadcast v5, $0x0;
	v2 =	vld.idx.msk [tilespmem:v13+s12+$0x0], $0xffff  }
0x3a5: {  	v6 =	vor.u32 v1, v6;
	v4 =	vmul.f32 v4, v16;
	v5 =	vld.idx.msk [tilespmem:v13+s13+$0x0], $0xffff;
	v13 =	vadd.f32 v8, v3  }
.Ltmp8:
0x3a6: {  	v19 =	vbroadcast v11, $0x0;
	v11 =	vand.u32 $0x7F, v17;
	v16 =	vmov s2;
	v3 =	vld.idx.msk [tilespmem:v10+s12+$0x0], $0xffff;
	(pc) =	sbr.rel @p0 .LBB2_19-.Ltmp8, $4  }
0x3a7: {  	s5 =	sadd.s32 $0x1, s2;
	v8 =	vor.u32 v1, v14;
	v7 =	vmul.f32 v7, v15;
	v10 =	vld.idx.msk [tilespmem:v10+s13+$0x0], $0xffff;
	v14 =	vadd.f32 v4, v13  }
0x3a8: {  	v15 =	vand.u32 $0x78, v16;
	v16 =	vmov s5;
	v13 =	vbroadcast v11, $0x0;
	v4 =	vld.idx.msk [tilespmem:v9+s12+$0x0], $0xffff  }
0x3a9: {  	s5 =	sadd.s32 $0x2, s2;
	v17 =	vmul.f32 v12, v18;
	v11 =	vld.idx.msk [tilespmem:v9+s13+$0x0], $0xffff;
	v9 =	vor.u32 v1, v19;
	v12 =	vadd.f32 v7, v14  }
0x3aa: {  	s2 =	sadd.s32 $0x8, s2;
	v16 =	vand.u32 $0x79, v16;
	v14 =	vbroadcast v15, $0x0;
	v15 =	vmov s5;
	v7 =	vld.idx.msk [tilespmem:v6+s12+$0x0], $0xffff  }
0x3ab: {  	_ =	sdelay $0x2  }
0x3ac: {  	v12 =	vadd.f32 v17, v12;
	v2 =	vmul.f32 v5, v2  }
0x3ad: {  	v38 =	vld.idx.msk [tilespmem:v6+s13+$0x0], $0xffff;
	v39 =	vor.u32 v1, v13  }
0x3ae: {  	v40 =	vld.idx.msk [tilespmem:v8+s12+$0x0], $0xffff;
	v3 =	vmul.f32 v10, v3;
	v2 =	vadd.f32 v2, v12  }
0x3af: {  	v41 =	vbroadcast v16, $0x0;
	v43 =	vld.idx.msk [tilespmem:v8+s13+$0x0], $0xffff;
	v42 =	vor.u32 v1, v14  }
0x3b0: {  	s2 =	sadd.s32 $0x3, s0;
	v44 =	vand.u32 $0x7A, v15;
	v45 =	vld.idx.msk [tilespmem:v9+s12+$0x0], $0xffff;
	v2 =	vadd.f32 v3, v2;
	v3 =	vmul.f32 v11, v4  }
0x3b1: {  	v48 =	vld.idx.msk [tilespmem:v9+s13+$0x0], $0xffff;
	v46 =	vmov s2;
	v47 =	vbroadcast v44, $0x0;
	v10 =	vor.u32 v1, v41  }
0x3b2: {  	s28 =	sadd.s32 $0x4, s0;
	v4 =	vand.u32 $0x7B, v46;
	v49 =	vld.idx.msk [tilespmem:v39+s12+$0x0], $0xffff;
	v2 =	vadd.f32 v3, v2;
	v3 =	vmul.f32 v38, v7  }
0x3b3: {  	v50 =	vmov s28;
	v51 =	vor.u32 v1, v47;
	v4 =	vbroadcast v4, $0x0;
	v6 =	vld.idx.msk [tilespmem:v39+s13+$0x0], $0xffff  }
0x3b4: {  	s29 =	sadd.s32 $0x5, s0;
	v5 =	vand.u32 $0x7C, v50;
	v52 =	vld.idx.msk [tilespmem:v42+s12+$0x0], $0xffff;
	v2 =	vadd.f32 v3, v2;
	v3 =	vmul.f32 v43, v40  }
0x3b5: {  	v53 =	vmov s29;
	v5 =	vbroadcast v5, $0x0;
	v12 =	vld.idx.msk [tilespmem:v42+s13+$0x0], $0xffff;
	v4 =	vor.u32 v1, v4  }
0x3b6: {  	s30 =	sadd.s32 $0x6, s0;
	v8 =	vand.u32 $0x7D, v53;
	v54 =	vld.idx.msk [tilespmem:v10+s12+$0x0], $0xffff;
	v2 =	vadd.f32 v3, v2;
	v3 =	vmul.f32 v48, v45  }
0x3b7: {  	v55 =	vmov s30;
	v8 =	vbroadcast v8, $0x0;
	v5 =	vor.u32 v1, v5;
	v10 =	vld.idx.msk [tilespmem:v10+s13+$0x0], $0xffff  }
0x3b8: {  	s31 =	sadd.s32 $0x7, s0;
	v9 =	vand.u32 $0x7E, v55;
	v56 =	vld.idx.msk [tilespmem:v51+s12+$0x0], $0xffff;
	v2 =	vadd.f32 v3, v2;
	v3 =	vmul.f32 v6, v49  }
0x3b9: {  	v57 =	vmov s31;
	v9 =	vbroadcast v9, $0x0;
	v8 =	vor.u32 v1, v8;
	v7 =	vld.idx.msk [tilespmem:v51+s13+$0x0], $0xffff  }
0x3ba: {  	v11 =	vmul.f32 v12, v52;
	v6 =	vand.u32 $0x7F, v57;
	v58 =	vld.idx.msk [tilespmem:v4+s12+$0x0], $0xffff;
	v2 =	vadd.f32 v3, v2  }
0x3bb: {  	v59 =	vor.u32 v1, v9;
	v4 =	vld.idx.msk [tilespmem:v4+s13+$0x0], $0xffff;
	v3 =	vbroadcast v6, $0x0  }
0x3bc: {  	v60 =	vld.idx.msk [tilespmem:v5+s12+$0x0], $0xffff;
	v10 =	vmul.f32 v10, v54;
	v2 =	vadd.f32 v11, v2  }
0x3bd: {  	v5 =	vld.idx.msk [tilespmem:v5+s13+$0x0], $0xffff;
	v1 =	vor.u32 v1, v3  }
0x3be: {  	v7 =	vmul.f32 v7, v56;
	v3 =	vld.idx.msk [tilespmem:v8+s12+$0x0], $0xffff;
	v2 =	vadd.f32 v10, v2  }
0x3bf: {  	v8 =	vld.idx.msk [tilespmem:v8+s13+$0x0], $0xffff  }
0x3c0: {  	v61 =	vld.idx.msk [tilespmem:v59+s12+$0x0], $0xffff;
	v4 =	vmul.f32 v4, v58;
	v2 =	vadd.f32 v7, v2  }
0x3c1: {  	v6 =	vld.idx.msk [tilespmem:v59+s13+$0x0], $0xffff  }
0x3c2: {  	v63 =	vmul.f32 v5, v60;
	v62 =	vld.idx.msk [tilespmem:v1+s12+$0x0], $0xffff;
	v2 =	vadd.f32 v4, v2  }
0x3c3: {  	v1 =	vld.idx.msk [tilespmem:v1+s13+$0x0], $0xffff  }
0x3c4: {  	v3 =	vmul.f32 v8, v3;
	v2 =	vadd.f32 v63, v2;
	_ =	sdelay $0x1  }
0x3c5: {  	s21 =	sadd.s32 $0x1, s21;
	v2 =	vadd.f32 v3, v2;
	v3 =	vmul.f32 v6, v61  }
0x3c6: {  	p0 =	sne.s32 s21, $0x8  }
.Ltmp9:
0x3c7: {  	v1 =	vmul.f32 v1, v62;
	v2 =	vadd.f32 v3, v2;
	(pc) =	sbr.rel @p0 .LBB2_18-.Ltmp9, $3  }
0x3c8: {  	_ = 	snop  }
0x3c9: {  	v1 =	vadd.f32 v1, v2;
	_ =	sdelay $0x1  }
0x3ca: {  	[tilespmem:s22+$0x10500] =	vst v1  }
0x3cb: {  	s0 =	simm.s32 $0x2  }
0x3cc: {  	_ =	swait.ge [sflag:s0], $0x4000  }
0x3cd: {  	[sflag:s0] =	ssyncset.done $0x0  }
0x3ce: {  	s31 =	simm.s32 $0x4;
	[sflag:s0] =	ssyncadd.s32 $0xFFFFC000  }
0x3cf: {  	_ =	swait.ge [sflag:s31], $0x4000  }
0x3d0: {  	[sflag:s31] =	ssyncset.done $0x0  }
0x3d1: {  	s20 =	simm.s32 $0x0;
	s21 =	simm.s32 $0x0;
	[sflag:s31] =	ssyncadd.s32 $0xFFFFC000  }
.LBB2_22:
0x3d2: {  	s22 =	sshll.u32 s21, $0x4;
	v1 =	vmov s20  }
0x3d3: {  	s0 =	simm.s32 $0x1;
	v2 =	vmov s22;
	v1 =	vand.u32 $0x78, v1  }
0x3d4: {  	v3 =	vmov s0;
	v2 =	vshll.u32 v2, $0x7;
	v4 =	vbroadcast v1, $0x0  }
0x3d5: {  	s24 =	simm.s32 $0x2;
	v1 =	vor.u32 v0, v2;
	v2 =	vand.u32 $0x79, v3  }
0x3d6: {  	v3 =	vmov s24;
	v2 =	vbroadcast v2, $0x0;
	v4 =	vor.u32 v1, v4  }
0x3d7: {  	s25 =	simm.s32 $0x3;
	v3 =	vand.u32 $0x7A, v3  }
0x3d8: {  	v5 =	vmov s25;
	v3 =	vbroadcast v3, $0x0;
	v6 =	vor.u32 v1, v2  }
0x3d9: {  	s26 =	simm.s32 $0x4;
	v2 =	vand.u32 $0x7B, v5  }
0x3da: {  	v5 =	vmov s26;
	v2 =	vbroadcast v2, $0x0;
	v7 =	vor.u32 v1, v3  }
0x3db: {  	s28 =	simm.s32 $0x5;
	v3 =	vand.u32 $0x7C, v5;
	v9 =	vld.idx.msk [tilespmem:v4+s16+$0x0], $0xffff  }
0x3dc: {  	v3 =	vbroadcast v3, $0x0;
	v11 =	vld.idx.msk [tilespmem:v4+s17+$0x0], $0xffff;
	v14 =	vor.u32 v1, v2;
	v4 =	vmov s28  }
0x3dd: {  	s29 =	simm.s32 $0x6;
	v4 =	vand.u32 $0x7D, v4;
	v2 =	vld.idx.msk [tilespmem:v6+s16+$0x0], $0xffff  }
0x3de: {  	s2 =	simm.s32 $0x7;
	v8 =	vmov s29;
	s0 =	simm.s32 $0x8;
	v5 =	vld.idx.msk [tilespmem:v6+s17+$0x0], $0xffff;
	v6 =	vor.u32 v1, v3;
	v4 =	vbroadcast v4, $0x0  }
0x3df: {  	v10 =	vmov s2;
	v8 =	vand.u32 $0x7E, v8;
	v13 =	vmov s0;
	v3 =	vld.idx.msk [tilespmem:v7+s16+$0x0], $0xffff  }
0x3e0: {  	s30 =	simm.s32 $0x9;
	v16 =	vand.u32 $0x7F, v10;
	v15 =	vbroadcast v8, $0x0;
	v10 =	vld.idx.msk [tilespmem:v7+s17+$0x0], $0xffff;
	v8 =	vor.u32 v1, v4  }
0x3e1: {  	v12 =	vimm.f32 $0.0e+00;
	v18 =	vmov s30;
	v7 =	vand.u32 $0x78, v13;
	v4 =	vld.idx.msk [tilespmem:v14+s16+$0x0], $0xffff  }
0x3e2: {  	s31 =	simm.s32 $0xA;
	v13 =	vbroadcast v16, $0x0;
	v17 =	vmul.f32 v11, v9;
	v11 =	vld.idx.msk [tilespmem:v14+s17+$0x0], $0xffff;
	v9 =	vor.u32 v1, v15  }
0x3e3: {  	s2 =	simm.s32 $0x10;
	v16 =	vand.u32 $0x79, v18;
	v14 =	vbroadcast v7, $0x0;
	v15 =	vmov s31;
	v7 =	vld.idx.msk [tilespmem:v6+s16+$0x0], $0xffff  }
.LBB2_23:
0x3e4: {  	p0 =	slt.u32 s2, $0x38;
	s5 =	sadd.s32 $0x3, s0;
	v12 =	vadd.f32 v17, v12;
	v2 =	vmul.f32 v5, v2;
	v5 =	vld.idx.msk [tilespmem:v6+s17+$0x0], $0xffff;
	v6 =	vor.u32 v1, v13  }
0x3e5: {  	v13 =	vbroadcast v16, $0x0;
	v15 =	vand.u32 $0x7A, v15;
	v16 =	vmov s5;
	v17 =	vld.idx.msk [tilespmem:v8+s16+$0x0], $0xffff  }
0x3e6: {  	v14 =	vor.u32 v1, v14;
	s5 =	sadd.s32 $0x4, s0;
	v3 =	vmul.f32 v10, v3;
	v2 =	vadd.f32 v2, v12;
	v8 =	vld.idx.msk [tilespmem:v8+s17+$0x0], $0xffff  }
0x3e7: {  	v10 =	vbroadcast v15, $0x0;
	v12 =	vand.u32 $0x7B, v16;
	v15 =	vmov s5;
	v16 =	vld.idx.msk [tilespmem:v9+s16+$0x0], $0xffff  }
0x3e8: {  	v13 =	vor.u32 v1, v13;
	s5 =	sadd.s32 $0x5, s0;
	v2 =	vadd.f32 v3, v2;
	v3 =	vmul.f32 v11, v4;
	v4 =	vld.idx.msk [tilespmem:v9+s17+$0x0], $0xffff  }
0x3e9: {  	v9 =	vbroadcast v12, $0x0;
	v11 =	vand.u32 $0x7C, v15;
	v12 =	vmov s5;
	v15 =	vld.idx.msk [tilespmem:v6+s16+$0x0], $0xffff  }
0x3ea: {  	v10 =	vor.u32 v1, v10;
	s5 =	sadd.s32 $0x6, s0;
	v2 =	vadd.f32 v3, v2;
	v3 =	vmul.f32 v5, v7;
	v7 =	vld.idx.msk [tilespmem:v6+s17+$0x0], $0xffff  }
0x3eb: {  	v6 =	vbroadcast v11, $0x0;
	v5 =	vand.u32 $0x7D, v12;
	v11 =	vmov s5;
	v18 =	vld.idx.msk [tilespmem:v14+s16+$0x0], $0xffff  }
0x3ec: {  	v9 =	vor.u32 v1, v9;
	s5 =	sadd.s32 $0x7, s0;
	s0 =	smov.u32 s2;
	v8 =	vmul.f32 v8, v17;
	v12 =	vld.idx.msk [tilespmem:v14+s17+$0x0], $0xffff;
	v3 =	vadd.f32 v3, v2  }
0x3ed: {  	v11 =	vand.u32 $0x7E, v11;
	v17 =	vmov s5;
	v14 =	vbroadcast v5, $0x0;
	v2 =	vld.idx.msk [tilespmem:v13+s16+$0x0], $0xffff  }
0x3ee: {  	v6 =	vor.u32 v1, v6;
	v4 =	vmul.f32 v4, v16;
	v5 =	vld.idx.msk [tilespmem:v13+s17+$0x0], $0xffff;
	v13 =	vadd.f32 v8, v3  }
.Ltmp10:
0x3ef: {  	v19 =	vbroadcast v11, $0x0;
	v11 =	vand.u32 $0x7F, v17;
	v16 =	vmov s2;
	v3 =	vld.idx.msk [tilespmem:v10+s16+$0x0], $0xffff;
	(pc) =	sbr.rel @p0 .LBB2_23-.Ltmp10, $4  }
0x3f0: {  	s5 =	sadd.s32 $0x1, s2;
	v8 =	vor.u32 v1, v14;
	v7 =	vmul.f32 v7, v15;
	v10 =	vld.idx.msk [tilespmem:v10+s17+$0x0], $0xffff;
	v14 =	vadd.f32 v4, v13  }
0x3f1: {  	v15 =	vand.u32 $0x78, v16;
	v16 =	vmov s5;
	v13 =	vbroadcast v11, $0x0;
	v4 =	vld.idx.msk [tilespmem:v9+s16+$0x0], $0xffff  }
0x3f2: {  	s5 =	sadd.s32 $0x2, s2;
	v17 =	vmul.f32 v12, v18;
	v11 =	vld.idx.msk [tilespmem:v9+s17+$0x0], $0xffff;
	v9 =	vor.u32 v1, v19;
	v12 =	vadd.f32 v7, v14  }
0x3f3: {  	s2 =	sadd.s32 $0x8, s2;
	v16 =	vand.u32 $0x79, v16;
	v14 =	vbroadcast v15, $0x0;
	v15 =	vmov s5;
	v7 =	vld.idx.msk [tilespmem:v6+s16+$0x0], $0xffff  }
0x3f4: {  	_ =	sdelay $0x2  }
0x3f5: {  	v12 =	vadd.f32 v17, v12;
	v2 =	vmul.f32 v5, v2  }
0x3f6: {  	v38 =	vld.idx.msk [tilespmem:v6+s17+$0x0], $0xffff;
	v39 =	vor.u32 v1, v13  }
0x3f7: {  	v40 =	vld.idx.msk [tilespmem:v8+s16+$0x0], $0xffff;
	v3 =	vmul.f32 v10, v3;
	v2 =	vadd.f32 v2, v12  }
0x3f8: {  	v41 =	vbroadcast v16, $0x0;
	v43 =	vld.idx.msk [tilespmem:v8+s17+$0x0], $0xffff;
	v42 =	vor.u32 v1, v14  }
0x3f9: {  	s2 =	sadd.s32 $0x3, s0;
	v44 =	vand.u32 $0x7A, v15;
	v45 =	vld.idx.msk [tilespmem:v9+s16+$0x0], $0xffff;
	v2 =	vadd.f32 v3, v2;
	v3 =	vmul.f32 v11, v4  }
0x3fa: {  	v48 =	vld.idx.msk [tilespmem:v9+s17+$0x0], $0xffff;
	v46 =	vmov s2;
	v47 =	vbroadcast v44, $0x0;
	v10 =	vor.u32 v1, v41  }
0x3fb: {  	s28 =	sadd.s32 $0x4, s0;
	v4 =	vand.u32 $0x7B, v46;
	v49 =	vld.idx.msk [tilespmem:v39+s16+$0x0], $0xffff;
	v2 =	vadd.f32 v3, v2;
	v3 =	vmul.f32 v38, v7  }
0x3fc: {  	v50 =	vmov s28;
	v51 =	vor.u32 v1, v47;
	v4 =	vbroadcast v4, $0x0;
	v6 =	vld.idx.msk [tilespmem:v39+s17+$0x0], $0xffff  }
0x3fd: {  	s29 =	sadd.s32 $0x5, s0;
	v5 =	vand.u32 $0x7C, v50;
	v52 =	vld.idx.msk [tilespmem:v42+s16+$0x0], $0xffff;
	v2 =	vadd.f32 v3, v2;
	v3 =	vmul.f32 v43, v40  }
0x3fe: {  	v53 =	vmov s29;
	v5 =	vbroadcast v5, $0x0;
	v12 =	vld.idx.msk [tilespmem:v42+s17+$0x0], $0xffff;
	v4 =	vor.u32 v1, v4  }
0x3ff: {  	s30 =	sadd.s32 $0x6, s0;
	v8 =	vand.u32 $0x7D, v53;
	v54 =	vld.idx.msk [tilespmem:v10+s16+$0x0], $0xffff;
	v2 =	vadd.f32 v3, v2;
	v3 =	vmul.f32 v48, v45  }
0x400: {  	v55 =	vmov s30;
	v8 =	vbroadcast v8, $0x0;
	v5 =	vor.u32 v1, v5;
	v10 =	vld.idx.msk [tilespmem:v10+s17+$0x0], $0xffff  }
0x401: {  	s31 =	sadd.s32 $0x7, s0;
	v9 =	vand.u32 $0x7E, v55;
	v56 =	vld.idx.msk [tilespmem:v51+s16+$0x0], $0xffff;
	v2 =	vadd.f32 v3, v2;
	v3 =	vmul.f32 v6, v49  }
0x402: {  	v57 =	vmov s31;
	v9 =	vbroadcast v9, $0x0;
	v8 =	vor.u32 v1, v8;
	v7 =	vld.idx.msk [tilespmem:v51+s17+$0x0], $0xffff  }
0x403: {  	v11 =	vmul.f32 v12, v52;
	v6 =	vand.u32 $0x7F, v57;
	v58 =	vld.idx.msk [tilespmem:v4+s16+$0x0], $0xffff;
	v2 =	vadd.f32 v3, v2  }
0x404: {  	v59 =	vor.u32 v1, v9;
	v4 =	vld.idx.msk [tilespmem:v4+s17+$0x0], $0xffff;
	v3 =	vbroadcast v6, $0x0  }
0x405: {  	v60 =	vld.idx.msk [tilespmem:v5+s16+$0x0], $0xffff;
	v10 =	vmul.f32 v10, v54;
	v2 =	vadd.f32 v11, v2  }
0x406: {  	v5 =	vld.idx.msk [tilespmem:v5+s17+$0x0], $0xffff;
	v1 =	vor.u32 v1, v3  }
0x407: {  	v7 =	vmul.f32 v7, v56;
	v3 =	vld.idx.msk [tilespmem:v8+s16+$0x0], $0xffff;
	v2 =	vadd.f32 v10, v2  }
0x408: {  	v8 =	vld.idx.msk [tilespmem:v8+s17+$0x0], $0xffff  }
0x409: {  	v61 =	vld.idx.msk [tilespmem:v59+s16+$0x0], $0xffff;
	v4 =	vmul.f32 v4, v58;
	v2 =	vadd.f32 v7, v2  }
0x40a: {  	v6 =	vld.idx.msk [tilespmem:v59+s17+$0x0], $0xffff  }
0x40b: {  	v63 =	vmul.f32 v5, v60;
	v62 =	vld.idx.msk [tilespmem:v1+s16+$0x0], $0xffff;
	v2 =	vadd.f32 v4, v2  }
0x40c: {  	v1 =	vld.idx.msk [tilespmem:v1+s17+$0x0], $0xffff  }
0x40d: {  	v3 =	vmul.f32 v8, v3;
	v2 =	vadd.f32 v63, v2;
	_ =	sdelay $0x1  }
0x40e: {  	s21 =	sadd.s32 $0x1, s21;
	v2 =	vadd.f32 v3, v2;
	v3 =	vmul.f32 v6, v61  }
0x40f: {  	p0 =	sne.s32 s21, $0x8  }
.Ltmp11:
0x410: {  	v1 =	vmul.f32 v1, v62;
	v2 =	vadd.f32 v3, v2;
	(pc) =	sbr.rel @p0 .LBB2_22-.Ltmp11, $3  }
0x411: {  	_ = 	snop  }
0x412: {  	v1 =	vadd.f32 v1, v2;
	_ =	sdelay $0x1  }
0x413: {  	[tilespmem:s22+$0x10580] =	vst v1  }
0x414: {  	s0 =	sld [smem:$0x7FC];
	_ =	sdelay $0x1  }
0x415: {  	s2 =	simm.s32 $0x10400;
	s5 =	simm.s32 $0x5  }
0x416: {  	[hbm4b:s0+s1] =	stream.linear.scatter [tilespmem:s2], [sflag:$0x5], $0x200, $0x38;
	[tilespmem:$0x10600] =	vst v63  }
0x417: {  	_ =	swait.ge [sflag:s5], $0x200  }
0x418: {  	s30 =	sld [smem:$0x7F9]  }
0x419: {  	s31 =	sld [smem:$0x7FD];
	_ =	sdelay $0x1  }
0x41a: {  	s2 =	sadd.s32 $0x1, s30  }
0x41b: {  	p0 =	sne.s32 s2, s31  }
.Ltmp12:
0x41c: {  	_ = 	snop;
	(pc) =	sbr.rel @p0 .LBB2_1-.Ltmp12, $3  }
0x41d: {  	_ =	sdelay $0x1  }
0x41e: {  	[sflag:s5] =	ssyncset.done $0x0  }
0x41f: {  	[sflag:s5] =	ssyncadd.s32 $0xFFFFFE00  }
0x420: {  	_ =	sfence.sel $0x180000  }
0x421: {  	[bflag:$0x0] =	sbarrier.arrive $0xFFFF  }
0x422: {  	_ =	strace $0x90000047  }
0x423: {  	s0 =	stileid.u32;
	[bflag:$0x2] =	sbarrier.arrive $0xFFFF  }
0x424: {  	p0 =	sne.s32 s0, $0x0;
	s0 =	rddreg [dreg:$0x4]  }
0x425: {  	s0 =	sadd.s32 @!p0 $0x100000, s0  }
0x426: {  	[sflag:s0] =	ssyncadd.tile.s32 @!p0 $0x1;
	_ =	shalt  }
.Lfunc_end2:
_tile_overlayer_lowered:
.L_overlay_start_2:
0x427: {  	(tag) =	ssettag $0x2  }
0x428: {  	s0 =	rddreg [dreg:$0x0];
	s2 =	stileid.u32  }
0x429: {  	s1 =	rddreg [dreg:$0x1];
	p0 =	sne.s32 s2, $0x0  }
0x42a: {  	s3 =	rddreg [dreg:$0x2];
	[bflag:$0x3] =	sbarrier.arrive $0xFFFF;
	s2 =	simm.s32 @!p0 $0x1C05  }
0x42b: {  	[timem:s3], [sflag:s2] =	dma.local @!p0 [hbm:s0], s1  }
0x42c: {  	s0 =	simm.s32 @!p0 $0x5  }
0x42d: {  	_ =	swait.ge @!p0 [sflag:s0], s1  }
0x42e: {  	s1 =	ssub.s32 @!p0 $0x0, s1;
	[sflag:s0] =	ssyncset.done @!p0 $0x0  }
0x42f: {  	[sflag:s0] =	ssyncadd.s32 @!p0 s1  }
0x430: {  	[bflag:$0x3] =	sbarrier.arrive $0xFFFF  }
0x431: {  	_ =	shalt  }

</sc_bundles>
